<compile_context>
chip_gen: v7x
topology: tpu7x:2x2x1
jax: 0.10.2.dev20260603
libtpu: 0.0.44.dev20260713+nightly
codegen_flags: <defaults>
</compile_context>

<pallas_src>
import functools

import jax
import jax.numpy as jnp
from jax import lax
from jax.experimental import pallas as pl
from jax.experimental.pallas import tpu as pltpu
from jax.experimental.pallas import tpu_sc as plsc

N = 10000
E = 320000
E2 = 327680
NSLICE = 4
ES = E2 // NSLICE
H = 128
NC = 2
NS = 16
NW = NC * NS
GCH = 128
F32 = jnp.float32

_mesh = plsc.VectorSubcoreMesh(core_axis_name="c", subcore_axis_name="s")
_sc_params = pltpu.CompilerParams(needs_layout_passes=False)


def _worker_id():
    return lax.axis_index("s") * NC + lax.axis_index("c")


def _precompute_body(h_ref, w1r_ref, w1c_ref, b1_ref, a_ref, b_ref):
    a_ref[...] = jnp.dot(h_ref[...], w1r_ref[...], preferred_element_type=F32)
    b_ref[...] = (jnp.dot(h_ref[...], w1c_ref[...], preferred_element_type=F32)
                  + b1_ref[...])


def _precompute(h, w1r, w1c, b1):
    return pl.pallas_call(
        _precompute_body,
        out_shape=[jax.ShapeDtypeStruct((N, H), F32),
                   jax.ShapeDtypeStruct((N, H), F32)],
    )(h, w1r, w1c, b1)


def _make_gather(ne):
    epw = ne // NW

    def _gather_body(ap_hbm, bp_hbm, row_hbm, col_hbm, x0_hbm, x1_hbm, x2_hbm,
                     ga_hbm, rad_hbm,
                     idxr, idxc, ba0, ba1, bb0, bb1, x0v, x1v, x2v,
                     radv, sga0, sgb0, sga1, sgb1, swr):
        wid = _worker_id()
        base0 = wid * epw
        pltpu.sync_copy(x0_hbm, x0v)
        pltpu.sync_copy(x1_hbm, x1v)
        pltpu.sync_copy(x2_hbm, x2v)
        pltpu.sync_copy(row_hbm.at[pl.ds(base0, epw)], idxr)
        pltpu.sync_copy(col_hbm.at[pl.ds(base0, epw)], idxc)

        def coords(j, _):
            sl = pl.ds(j * 16, 16)
            r = idxr[sl]
            c = idxc[sl]
            d0 = plsc.load_gather(x0v, [r]) - plsc.load_gather(x0v, [c])
            d1 = plsc.load_gather(x1v, [r]) - plsc.load_gather(x1v, [c])
            d2 = plsc.load_gather(x2v, [r]) - plsc.load_gather(x2v, [c])
            radv[sl] = d0 * d0 + d1 * d1 + d2 * d2
            return 0

        lax.fori_loop(0, epw // 16, coords, 0)
        pltpu.sync_copy(radv, rad_hbm.at[pl.ds(base0, epw)])

        def _accum(dst, src):
            def addrow(i, _):
                for k in range(H // 16):
                    sl = pl.ds(k * 16, 16)
                    dst[i, sl] = dst[i, sl] + src[i, sl]
                return 0

            lax.fori_loop(0, GCH, addrow, 0)

        def gpair(p, _):
            off0 = p * 2 * GCH
            off1 = off0 + GCH
            ca0 = pltpu.async_copy(ap_hbm.at[idxr.at[pl.ds(off0, GCH)]], ba0, sga0)
            cb0 = pltpu.async_copy(bp_hbm.at[idxc.at[pl.ds(off0, GCH)]], bb0, sgb0)
            ca1 = pltpu.async_copy(ap_hbm.at[idxr.at[pl.ds(off1, GCH)]], ba1, sga1)
            cb1 = pltpu.async_copy(bp_hbm.at[idxc.at[pl.ds(off1, GCH)]], bb1, sgb1)
            ca0.wait()
            cb0.wait()
            _accum(ba0, bb0)
            w0 = pltpu.async_copy(ba0, ga_hbm.at[pl.ds(base0 + off0, GCH)], swr)
            ca1.wait()
            cb1.wait()
            _accum(ba1, bb1)
            w1 = pltpu.async_copy(ba1, ga_hbm.at[pl.ds(base0 + off1, GCH)], swr)
            w0.wait()
            w1.wait()
            return 0

        lax.fori_loop(0, epw // (2 * GCH), gpair, 0)

    return functools.partial(
        pl.kernel,
        out_type=[jax.ShapeDtypeStruct((ne, H), F32),
                  jax.ShapeDtypeStruct((ne,), F32)],
        mesh=_mesh,
        scratch_types=[
            pltpu.VMEM((epw,), jnp.int32),
            pltpu.VMEM((epw,), jnp.int32),
            pltpu.VMEM((GCH, H), F32),
            pltpu.VMEM((GCH, H), F32),
            pltpu.VMEM((GCH, H), F32),
            pltpu.VMEM((GCH, H), F32),
            pltpu.VMEM((N,), F32),
            pltpu.VMEM((N,), F32),
            pltpu.VMEM((N,), F32),
            pltpu.VMEM((epw,), F32),
            pltpu.SemaphoreType.DMA,
            pltpu.SemaphoreType.DMA,
            pltpu.SemaphoreType.DMA,
            pltpu.SemaphoreType.DMA,
            pltpu.SemaphoreType.DMA,
        ],
        compiler_params=_sc_params,
    )(_gather_body)


_gather_slice = _make_gather(ES)


EB = 2048


def _mlp_body(g_ref, eat_ref, rad_ref,
              w1rad_ref, w2_ref, b2_ref, w3_ref, f_ref):
    rad1 = rad_ref[...]
    radial = rad1.reshape(EB, 1)
    ea_term = lax.dot_general(eat_ref[...], w1rad_ref[...],
                              (((0,), (0,)), ((), ())),
                              preferred_element_type=F32)
    u = (g_ref[...] + ea_term
         + radial * w1rad_ref[7:8, :])
    t = u * jax.nn.sigmoid(u)
    v = jnp.dot(t, w2_ref[...], preferred_element_type=F32) + b2_ref[...]
    t = v * jax.nn.sigmoid(v)
    s = lax.dot_general(w3_ref[...], t, (((1,), (1,)), ((), ())),
                        preferred_element_type=F32).reshape(EB)
    f_ref[...] = s / (jnp.sqrt(rad1 + 1e-8) + 1.0)


def _mlp(g, eat, rad, w1tail, w2, b2, w3):
    ne = g.shape[0]
    grid = (ne // EB,)
    vec_spec = pl.BlockSpec((EB,), lambda i: (i,))
    return pl.pallas_call(
        _mlp_body,
        grid=grid,
        in_specs=[
            pl.BlockSpec((EB, H), lambda i: (i, 0)),
            pl.BlockSpec((8, EB), lambda i: (0, i)),
            vec_spec,
            pl.BlockSpec((8, H), lambda i: (0, 0)),
            pl.BlockSpec((H, H), lambda i: (0, 0)),
            pl.BlockSpec((1, H), lambda i: (0, 0)),
            pl.BlockSpec((1, H), lambda i: (0, 0)),
        ],
        out_specs=vec_spec,
        out_shape=jax.ShapeDtypeStruct((ne,), F32),
    )(g, eat, rad, w1tail, w2, b2, w3)


def _scatter_body(row_hbm, col_hbm, f_hbm, x0_hbm, x1_hbm, x2_hbm, parts_hbm,
                  rowv, colv, fv, x0v, x1v, x2v, acc0, acc1, acc2):
    wid = _worker_id()
    epw = E2 // NW
    base0 = wid * epw
    pltpu.sync_copy(x0_hbm, x0v)
    pltpu.sync_copy(x1_hbm, x1v)
    pltpu.sync_copy(x2_hbm, x2v)

    def zero(i, _):
        sl = pl.ds(i * 16, 16)
        z = jnp.zeros((16,), F32)
        acc0[sl] = z
        acc1[sl] = z
        acc2[sl] = z
        return 0

    lax.fori_loop(0, N // 16, zero, 0)

    pltpu.sync_copy(row_hbm.at[pl.ds(base0, epw)], rowv)
    pltpu.sync_copy(col_hbm.at[pl.ds(base0, epw)], colv)
    pltpu.sync_copy(f_hbm.at[pl.ds(base0, epw)], fv)

    def inner(j, _):
        sl = pl.ds(j * 16, 16)
        r = rowv[sl]
        c = colv[sl]
        f = fv[sl]
        d0 = plsc.load_gather(x0v, [r]) - plsc.load_gather(x0v, [c])
        d1 = plsc.load_gather(x1v, [r]) - plsc.load_gather(x1v, [c])
        d2 = plsc.load_gather(x2v, [r]) - plsc.load_gather(x2v, [c])
        plsc.addupdate_scatter(acc0, [r], d0 * f)
        plsc.addupdate_scatter(acc1, [r], d1 * f)
        plsc.addupdate_scatter(acc2, [r], d2 * f)
        return 0

    lax.fori_loop(0, epw // 16, inner, 0)

    pbase = wid * (3 * N)
    pltpu.sync_copy(acc0, parts_hbm.at[pl.ds(pbase, N)])
    pltpu.sync_copy(acc1, parts_hbm.at[pl.ds(pbase + N, N)])
    pltpu.sync_copy(acc2, parts_hbm.at[pl.ds(pbase + 2 * N, N)])


_scatter = functools.partial(
    pl.kernel,
    out_type=jax.ShapeDtypeStruct((NW * 3 * N,), F32),
    mesh=_mesh,
    scratch_types=[
        pltpu.VMEM((E2 // NW,), jnp.int32),
        pltpu.VMEM((E2 // NW,), jnp.int32),
        pltpu.VMEM((E2 // NW,), F32),
        pltpu.VMEM((N,), F32),
        pltpu.VMEM((N,), F32),
        pltpu.VMEM((N,), F32),
        pltpu.VMEM((N,), F32),
        pltpu.VMEM((N,), F32),
        pltpu.VMEM((N,), F32),
    ],
    compiler_params=_sc_params,
)(_scatter_body)


def _combine_body(parts_ref, xt_ref, out_ref):
    s = jnp.sum(parts_ref[...], axis=0)
    out_ref[...] = xt_ref[...] + s * 0.01


def _combine(parts, xt):
    return pl.pallas_call(
        _combine_body,
        out_shape=jax.ShapeDtypeStruct((3, N), F32),
    )(parts, xt)


def kernel(h, x, edge_index, edge_attr, W1, b1, W2, b2, W3):
    pad = E2 - E
    padidx = jnp.arange(pad, dtype=jnp.int32) % N
    row = jnp.concatenate([edge_index[0].astype(jnp.int32), padidx])
    col = jnp.concatenate([edge_index[1].astype(jnp.int32), padidx])
    eat = jnp.pad(edge_attr.T, ((0, 1), (0, pad)))
    xt = x.T
    w1r = W1[:H]
    w1c = W1[H:2 * H]
    w1tail = W1[2 * H:]
    b2r = b2.reshape(1, H)
    w3r = W3.reshape(1, H)
    ap, bp = _precompute(h, w1r, w1c, b1.reshape(1, H))
    fs = []
    for s in range(NSLICE):
        lo = s * ES
        g, rad = _gather_slice(
            ap, bp, row[lo:lo + ES], col[lo:lo + ES], xt[0], xt[1], xt[2])
        fs.append(_mlp(g, eat[:, lo:lo + ES], rad, w1tail, W2, b2r, w3r))
    parts = _scatter(row, col, jnp.concatenate(fs), xt[0], xt[1], xt[2])
    xnt = _combine(parts.reshape(NW, 3, N), xt)
    return (h, xnt.T)

# --- scband reference (transcript-rebuilt; emitter-appended) ---
"""Pipeline reference for scband-equivariant-block-19748259627797 (READ-ONLY COPY).

The authoritative reference and input builder live on the scoring server;
editing this copy changes nothing except your own understanding.
"""

import jax, jax.numpy as jnp
import numpy as np

N = 10000
E = 320000
H = 128
EDGE_NF = 7
NORM_CONSTANT = 1.0
NORMALIZATION_FACTOR = 100.0


def _xavier_uniform(key, shape, gain=1.0):
    fan_in, fan_out = shape[0], shape[1]
    limit = gain * np.sqrt(6.0 / (fan_in + fan_out))
    return jax.random.uniform(key, shape, jnp.float32, -limit, limit)


def setup_inputs(seed: int = 0) -> dict:
    key = jax.random.key(seed)
    ks = jax.random.split(key, 12)
    h = jax.random.normal(ks[0], (N, H), jnp.float32)
    x = jax.random.normal(ks[1], (N, 3), jnp.float32)
    edge_index = jax.random.randint(ks[2], (2, E), 0, N, jnp.int64)
    edge_attr = jax.random.normal(ks[3], (E, EDGE_NF), jnp.float32)
    # EquivariantUpdate coord_mlp params. edges_in_d = edge_feat_nf + 1 = 8
    input_edge = 2 * H + EDGE_NF + 1
    W1 = _xavier_uniform(ks[4], (input_edge, H))
    b1 = jnp.zeros((H,), jnp.float32)
    W2 = _xavier_uniform(ks[5], (H, H))
    b2 = jnp.zeros((H,), jnp.float32)
    W3 = _xavier_uniform(ks[6], (H, 1), gain=0.001)  # final layer, no bias, gain=0.001
    return {"h": h, "x": x, "edge_index": edge_index, "edge_attr": edge_attr,
            "W1": W1, "b1": b1, "W2": W2, "b2": b2, "W3": W3}


def reference(h, x, edge_index, edge_attr, W1, b1, W2, b2, W3):
    row = edge_index[0]
    col = edge_index[1]
    # coord2diff
    coord_diff = x[row] - x[col]
    radial = jnp.sum(coord_diff ** 2, axis=1, keepdims=True)
    norm = jnp.sqrt(radial + 1e-08)
    coord_diff = coord_diff / (norm + NORM_CONSTANT)
    # n_layers = 0 -> no GAT blocks; h passes through unchanged
    # EquivariantUpdate.coord_model
    ea = jnp.concatenate([edge_attr, radial], axis=-1)  # [E, 8]
    input_tensor = jnp.concatenate([h[row], h[col], ea], axis=1)  # [E, 2H+8]
    t = jax.nn.silu(input_tensor @ W1 + b1)
    t = jax.nn.silu(t @ W2 + b2)
    t = t @ W3  # [E, 1]
    trans = coord_diff * t  # tanh=False
    agg = jax.ops.segment_sum(trans, row, num_segments=N)
    agg = agg / NORMALIZATION_FACTOR  # aggregation_method == 'sum'
    x_new = x + agg
    return (h, x_new)

if __name__ == "__main__":
    import jax
    _d = setup_inputs()
    print(jax.jit(kernel)(*tuple(_d.values())))

</pallas_src>

<mosaic_0001>
#map = affine_map<(d0, d1) -> (0, 0)>
#map1 = affine_map<(d0, d1) -> (0)>
module attributes {stable_mosaic.version = 14 : i64} {
  func.func @_gather_body(%arg0: i32, %arg1: i32, %arg2: memref<10000x128xf32, #tpu.memory_space<hbm>>, %arg3: memref<10000x128xf32, #tpu.memory_space<hbm>>, %arg4: memref<81920xi32, #tpu.memory_space<hbm>>, %arg5: memref<81920xi32, #tpu.memory_space<hbm>>, %arg6: memref<10000xf32, #tpu.memory_space<hbm>>, %arg7: memref<10000xf32, #tpu.memory_space<hbm>>, %arg8: memref<10000xf32, #tpu.memory_space<hbm>>, %arg9: memref<81920x128xf32, #tpu.memory_space<hbm>>, %arg10: memref<81920xf32, #tpu.memory_space<hbm>>, %arg11: memref<2560xi32, #tpu.memory_space<vmem>>, %arg12: memref<2560xi32, #tpu.memory_space<vmem>>, %arg13: memref<128x128xf32, #tpu.memory_space<vmem>>, %arg14: memref<128x128xf32, #tpu.memory_space<vmem>>, %arg15: memref<128x128xf32, #tpu.memory_space<vmem>>, %arg16: memref<128x128xf32, #tpu.memory_space<vmem>>, %arg17: memref<10000xf32, #tpu.memory_space<vmem>>, %arg18: memref<10000xf32, #tpu.memory_space<vmem>>, %arg19: memref<10000xf32, #tpu.memory_space<vmem>>, %arg20: memref<2560xf32, #tpu.memory_space<vmem>>, %arg21: memref<!tpu.dma_semaphore, #tpu.memory_space<semaphore_mem>>, %arg22: memref<!tpu.dma_semaphore, #tpu.memory_space<semaphore_mem>>, %arg23: memref<!tpu.dma_semaphore, #tpu.memory_space<semaphore_mem>>, %arg24: memref<!tpu.dma_semaphore, #tpu.memory_space<semaphore_mem>>, %arg25: memref<!tpu.dma_semaphore, #tpu.memory_space<semaphore_mem>>) attributes {dimension_semantics = [#tpu.dimension_semantics<core_parallel>, #tpu.dimension_semantics<subcore_parallel>], iteration_bounds = array<i64: 2, 16>, scalar_prefetch = 0 : i64, scratch_operands = 15 : i64, tpu.core_type = #tpu.core_type<sc_vector_subcore>, window_params = [{transform_indices = #map}, {transform_indices = #map}, {transform_indices = #map1}, {transform_indices = #map1}, {transform_indices = #map1}, {transform_indices = #map1}, {transform_indices = #map1}, {transform_indices = #map}, {transform_indices = #map1}]} {
    %mul3A = arith.constant 2 : i32
    %mul3A_0 = arith.muli %arg1, %mul3A : i32
    %add3A = arith.addi %mul3A_0, %arg0 : i32
    %mul3A_1 = arith.constant 2560 : i32
    %mul3A_2 = arith.muli %add3A, %mul3A_1 : i32
    "tpu.region"() ({
      %run_scoped3A = tpu.sem_alloc : memref<!tpu.dma_semaphore, #tpu.memory_space<semaphore_mem>>
      tpu.enqueue_dma source(%arg6 : memref<10000xf32, #tpu.memory_space<hbm>>) target(%arg17 : memref<10000xf32, #tpu.memory_space<vmem>>) target_semaphore(%run_scoped3A : memref<!tpu.dma_semaphore, #tpu.memory_space<semaphore_mem>>)
      tpu.wait_dma2 semaphore(%run_scoped3A : memref<!tpu.dma_semaphore, #tpu.memory_space<semaphore_mem>>) src(%arg6 : memref<10000xf32, #tpu.memory_space<hbm>>) dst(%arg17 : memref<10000xf32, #tpu.memory_space<vmem>>)
      tpu.yield
    }) : () -> ()
    "tpu.region"() ({
      %run_scoped3A = tpu.sem_alloc : memref<!tpu.dma_semaphore, #tpu.memory_space<semaphore_mem>>
      tpu.enqueue_dma source(%arg7 : memref<10000xf32, #tpu.memory_space<hbm>>) target(%arg18 : memref<10000xf32, #tpu.memory_space<vmem>>) target_semaphore(%run_scoped3A : memref<!tpu.dma_semaphore, #tpu.memory_space<semaphore_mem>>)
      tpu.wait_dma2 semaphore(%run_scoped3A : memref<!tpu.dma_semaphore, #tpu.memory_space<semaphore_mem>>) src(%arg7 : memref<10000xf32, #tpu.memory_space<hbm>>) dst(%arg18 : memref<10000xf32, #tpu.memory_space<vmem>>)
      tpu.yield
    }) : () -> ()
    "tpu.region"() ({
      %run_scoped3A = tpu.sem_alloc : memref<!tpu.dma_semaphore, #tpu.memory_space<semaphore_mem>>
      tpu.enqueue_dma source(%arg8 : memref<10000xf32, #tpu.memory_space<hbm>>) target(%arg19 : memref<10000xf32, #tpu.memory_space<vmem>>) target_semaphore(%run_scoped3A : memref<!tpu.dma_semaphore, #tpu.memory_space<semaphore_mem>>)
      tpu.wait_dma2 semaphore(%run_scoped3A : memref<!tpu.dma_semaphore, #tpu.memory_space<semaphore_mem>>) src(%arg8 : memref<10000xf32, #tpu.memory_space<hbm>>) dst(%arg19 : memref<10000xf32, #tpu.memory_space<vmem>>)
      tpu.yield
    }) : () -> ()
    "tpu.region"() ({
      %run_scoped3A = tpu.sem_alloc : memref<!tpu.dma_semaphore, #tpu.memory_space<semaphore_mem>>
      %dma_start3A = tpu.memref_slice %arg4[%mul3A_2] : memref<81920xi32, #tpu.memory_space<hbm>> -> memref<2560xi32, #tpu.memory_space<hbm>>
      %dma_start3A_16 = tpu.memref_slice %arg4[%mul3A_2] : memref<81920xi32, #tpu.memory_space<hbm>> -> memref<2560xi32, #tpu.memory_space<hbm>>
      tpu.enqueue_dma source(%dma_start3A_16 : memref<2560xi32, #tpu.memory_space<hbm>>) target(%arg11 : memref<2560xi32, #tpu.memory_space<vmem>>) target_semaphore(%run_scoped3A : memref<!tpu.dma_semaphore, #tpu.memory_space<semaphore_mem>>)
      %dma_wait3A = tpu.memref_slice %arg4[%mul3A_2] : memref<81920xi32, #tpu.memory_space<hbm>> -> memref<2560xi32, #tpu.memory_space<hbm>>
      %dma_wait3A_17 = tpu.memref_slice %arg4[%mul3A_2] : memref<81920xi32, #tpu.memory_space<hbm>> -> memref<2560xi32, #tpu.memory_space<hbm>>
      tpu.wait_dma2 semaphore(%run_scoped3A : memref<!tpu.dma_semaphore, #tpu.memory_space<semaphore_mem>>) src(%dma_wait3A_17 : memref<2560xi32, #tpu.memory_space<hbm>>) dst(%arg11 : memref<2560xi32, #tpu.memory_space<vmem>>)
      tpu.yield
    }) : () -> ()
    "tpu.region"() ({
      %run_scoped3A = tpu.sem_alloc : memref<!tpu.dma_semaphore, #tpu.memory_space<semaphore_mem>>
      %dma_start3A = tpu.memref_slice %arg5[%mul3A_2] : memref<81920xi32, #tpu.memory_space<hbm>> -> memref<2560xi32, #tpu.memory_space<hbm>>
      %dma_start3A_16 = tpu.memref_slice %arg5[%mul3A_2] : memref<81920xi32, #tpu.memory_space<hbm>> -> memref<2560xi32, #tpu.memory_space<hbm>>
      tpu.enqueue_dma source(%dma_start3A_16 : memref<2560xi32, #tpu.memory_space<hbm>>) target(%arg12 : memref<2560xi32, #tpu.memory_space<vmem>>) target_semaphore(%run_scoped3A : memref<!tpu.dma_semaphore, #tpu.memory_space<semaphore_mem>>)
      %dma_wait3A = tpu.memref_slice %arg5[%mul3A_2] : memref<81920xi32, #tpu.memory_space<hbm>> -> memref<2560xi32, #tpu.memory_space<hbm>>
      %dma_wait3A_17 = tpu.memref_slice %arg5[%mul3A_2] : memref<81920xi32, #tpu.memory_space<hbm>> -> memref<2560xi32, #tpu.memory_space<hbm>>
      tpu.wait_dma2 semaphore(%run_scoped3A : memref<!tpu.dma_semaphore, #tpu.memory_space<semaphore_mem>>) src(%dma_wait3A_17 : memref<2560xi32, #tpu.memory_space<hbm>>) dst(%arg12 : memref<2560xi32, #tpu.memory_space<vmem>>)
      tpu.yield
    }) : () -> ()
    %scan3A = arith.constant 0 : i32
    %scan3A_3 = arith.constant 0 : i32
    %scan3A_4 = arith.constant 160 : i32
    %scan3A_5 = arith.addi %scan3A_3, %scan3A_4 : i32
    %scan3A_6 = arith.constant 1 : i32
    %scan3A_7 = scf.for %scan3A_16 = %scan3A_3 to %scan3A_5 step %scan3A_6 iter_args(%scan3A_17 = %scan3A) -> (i32)  : i32 {
      %mul3A_18 = arith.constant 16 : i32
      %mul3A_19 = arith.muli %scan3A_16, %mul3A_18 : i32
      %get3A = arith.index_cast %mul3A_19 : i32 to index
      %get3A_20 = tpu.vector_load %arg11[%get3A] {strides = array<i32>} : memref<2560xi32, #tpu.memory_space<vmem>>, vector<16xi32>,
      %get3A_21 = arith.index_cast %mul3A_19 : i32 to index
      %get3A_22 = tpu.vector_load %arg12[%get3A_21] {strides = array<i32>} : memref<2560xi32, #tpu.memory_space<vmem>>, vector<16xi32>,
      %gather3A = tpu.vector_load_idx %arg17[%get3A_20] : memref<10000xf32, #tpu.memory_space<vmem>>[vector<16xi32>], vector<16xf32>,
      %gather3A_23 = tpu.vector_load_idx %arg17[%get3A_22] : memref<10000xf32, #tpu.memory_space<vmem>>[vector<16xi32>], vector<16xf32>,
      %sub3A = arith.subf %gather3A, %gather3A_23 : vector<16xf32>
      %gather3A_24 = tpu.vector_load_idx %arg18[%get3A_20] : memref<10000xf32, #tpu.memory_space<vmem>>[vector<16xi32>], vector<16xf32>,
      %gather3A_25 = tpu.vector_load_idx %arg18[%get3A_22] : memref<10000xf32, #tpu.memory_space<vmem>>[vector<16xi32>], vector<16xf32>,
      %sub3A_26 = arith.subf %gather3A_24, %gather3A_25 : vector<16xf32>
      %gather3A_27 = tpu.vector_load_idx %arg19[%get3A_20] : memref<10000xf32, #tpu.memory_space<vmem>>[vector<16xi32>], vector<16xf32>,
      %gather3A_28 = tpu.vector_load_idx %arg19[%get3A_22] : memref<10000xf32, #tpu.memory_space<vmem>>[vector<16xi32>], vector<16xf32>,
      %sub3A_29 = arith.subf %gather3A_27, %gather3A_28 : vector<16xf32>
      %mul3A_30 = arith.mulf %sub3A, %sub3A : vector<16xf32>
      %mul3A_31 = arith.mulf %sub3A_26, %sub3A_26 : vector<16xf32>
      %add3A_32 = arith.addf %mul3A_30, %mul3A_31 : vector<16xf32>
      %mul3A_33 = arith.mulf %sub3A_29, %sub3A_29 : vector<16xf32>
      %add3A_34 = arith.addf %add3A_32, %mul3A_33 : vector<16xf32>
      %swap3A = arith.index_cast %mul3A_19 : i32 to index
      %swap3A_35 = tpu.vector_load %arg20[%swap3A] {strides = array<i32>} : memref<2560xf32, #tpu.memory_space<vmem>>, vector<16xf32>,
      tpu.vector_store %arg20[%swap3A], %add3A_34 {strides = array<i32>} : memref<2560xf32, #tpu.memory_space<vmem>>, vector<16xf32>,
      %scan3A_36 = arith.constant 0 : i32
      scf.yield %scan3A_36 : i32
    }
    %scan3A_8 = arith.constant 160 : i32
    "tpu.region"() ({
      %run_scoped3A = tpu.sem_alloc : memref<!tpu.dma_semaphore, #tpu.memory_space<semaphore_mem>>
      %dma_start3A = tpu.memref_slice %arg10[%mul3A_2] : memref<81920xf32, #tpu.memory_space<hbm>> -> memref<2560xf32, #tpu.memory_space<hbm>>
      %dma_start3A_16 = tpu.memref_slice %arg10[%mul3A_2] : memref<81920xf32, #tpu.memory_space<hbm>> -> memref<2560xf32, #tpu.memory_space<hbm>>
      tpu.enqueue_dma source(%arg20 : memref<2560xf32, #tpu.memory_space<vmem>>) target(%dma_start3A_16 : memref<2560xf32, #tpu.memory_space<hbm>>) target_semaphore(%run_scoped3A : memref<!tpu.dma_semaphore, #tpu.memory_space<semaphore_mem>>)
      %dma_wait3A = tpu.memref_slice %arg10[%mul3A_2] : memref<81920xf32, #tpu.memory_space<hbm>> -> memref<2560xf32, #tpu.memory_space<hbm>>
      %dma_wait3A_17 = tpu.memref_slice %arg10[%mul3A_2] : memref<81920xf32, #tpu.memory_space<hbm>> -> memref<2560xf32, #tpu.memory_space<hbm>>
      tpu.wait_dma2 semaphore(%run_scoped3A : memref<!tpu.dma_semaphore, #tpu.memory_space<semaphore_mem>>) src(%arg20 : memref<2560xf32, #tpu.memory_space<vmem>>) dst(%dma_wait3A_17 : memref<2560xf32, #tpu.memory_space<hbm>>)
      tpu.yield
    }) : () -> ()
    %scan3A_9 = arith.constant 0 : i32
    %scan3A_10 = arith.constant 0 : i32
    %scan3A_11 = arith.constant 10 : i32
    %scan3A_12 = arith.addi %scan3A_10, %scan3A_11 : i32
    %scan3A_13 = arith.constant 1 : i32
    %scan3A_14 = scf.for %scan3A_16 = %scan3A_10 to %scan3A_12 step %scan3A_13 iter_args(%scan3A_17 = %scan3A_9) -> (i32)  : i32 {
      %mul3A_18 = arith.constant 2 : i32
      %mul3A_19 = arith.muli %scan3A_16, %mul3A_18 : i32
      %mul3A_20 = arith.constant 128 : i32
      %mul3A_21 = arith.muli %mul3A_19, %mul3A_20 : i32
      %add3A_22 = arith.constant 128 : i32
      %add3A_23 = arith.addi %mul3A_21, %add3A_22 : i32
      %dma_start3A = tpu.memref_slice %arg11[%mul3A_21] : memref<2560xi32, #tpu.memory_space<vmem>> -> memref<128xi32, #tpu.memory_space<vmem>>
      %dma_start3A_24 = arith.constant 0 : i32
      %dma_start3A_25 = arith.constant 0 : i32
      %dma_start3A_26 = tpu.memref_slice %arg2[%dma_start3A_24, %dma_start3A_25] : memref<10000x128xf32, #tpu.memory_space<hbm>> -> memref<10000x128xf32, #tpu.memory_space<hbm>>
      tpu.enqueue_indirect_dma source(%dma_start3A_26 : memref<10000x128xf32, #tpu.memory_space<hbm>>) target(%arg13 : memref<128x128xf32, #tpu.memory_space<vmem>>) offsets(%dma_start3A : memref<128xi32, #tpu.memory_space<vmem>>) semaphore(%arg21 : memref<!tpu.dma_semaphore, #tpu.memory_space<semaphore_mem>>)
      %dma_start3A_27 = tpu.memref_slice %arg12[%mul3A_21] : memref<2560xi32, #tpu.memory_space<vmem>> -> memref<128xi32, #tpu.memory_space<vmem>>
      %dma_start3A_28 = arith.constant 0 : i32
      %dma_start3A_29 = arith.constant 0 : i32
      %dma_start3A_30 = tpu.memref_slice %arg3[%dma_start3A_28, %dma_start3A_29] : memref<10000x128xf32, #tpu.memory_space<hbm>> -> memref<10000x128xf32, #tpu.memory_space<hbm>>
      tpu.enqueue_indirect_dma source(%dma_start3A_30 : memref<10000x128xf32, #tpu.memory_space<hbm>>) target(%arg15 : memref<128x128xf32, #tpu.memory_space<vmem>>) offsets(%dma_start3A_27 : memref<128xi32, #tpu.memory_space<vmem>>) semaphore(%arg22 : memref<!tpu.dma_semaphore, #tpu.memory_space<semaphore_mem>>)
      %dma_start3A_31 = tpu.memref_slice %arg11[%add3A_23] : memref<2560xi32, #tpu.memory_space<vmem>> -> memref<128xi32, #tpu.memory_space<vmem>>
      %dma_start3A_32 = arith.constant 0 : i32
      %dma_start3A_33 = arith.constant 0 : i32
      %dma_start3A_34 = tpu.memref_slice %arg2[%dma_start3A_32, %dma_start3A_33] : memref<10000x128xf32, #tpu.memory_space<hbm>> -> memref<10000x128xf32, #tpu.memory_space<hbm>>
      tpu.enqueue_indirect_dma source(%dma_start3A_34 : memref<10000x128xf32, #tpu.memory_space<hbm>>) target(%arg14 : memref<128x128xf32, #tpu.memory_space<vmem>>) offsets(%dma_start3A_31 : memref<128xi32, #tpu.memory_space<vmem>>) semaphore(%arg23 : memref<!tpu.dma_semaphore, #tpu.memory_space<semaphore_mem>>)
      %dma_start3A_35 = tpu.memref_slice %arg12[%add3A_23] : memref<2560xi32, #tpu.memory_space<vmem>> -> memref<128xi32, #tpu.memory_space<vmem>>
      %dma_start3A_36 = arith.constant 0 : i32
      %dma_start3A_37 = arith.constant 0 : i32
      %dma_start3A_38 = tpu.memref_slice %arg3[%dma_start3A_36, %dma_start3A_37] : memref<10000x128xf32, #tpu.memory_space<hbm>> -> memref<10000x128xf32, #tpu.memory_space<hbm>>
      tpu.enqueue_indirect_dma source(%dma_start3A_38 : memref<10000x128xf32, #tpu.memory_space<hbm>>) target(%arg16 : memref<128x128xf32, #tpu.memory_space<vmem>>) offsets(%dma_start3A_35 : memref<128xi32, #tpu.memory_space<vmem>>) semaphore(%arg24 : memref<!tpu.dma_semaphore, #tpu.memory_space<semaphore_mem>>)
      %dma_wait3A = tpu.memref_slice %arg11[%mul3A_21] : memref<2560xi32, #tpu.memory_space<vmem>> -> memref<128xi32, #tpu.memory_space<vmem>>
      %dma_wait3A_39 = arith.constant 0 : i32
      %dma_wait3A_40 = arith.constant 0 : i32
      %dma_wait3A_41 = tpu.memref_slice %arg2[%dma_wait3A_39, %dma_wait3A_40] : memref<10000x128xf32, #tpu.memory_space<hbm>> -> memref<10000x128xf32, #tpu.memory_space<hbm>>
      tpu.wait_indirect_dma semaphore(%arg21 : memref<!tpu.dma_semaphore, #tpu.memory_space<semaphore_mem>>) src(%dma_wait3A_41 : memref<10000x128xf32, #tpu.memory_space<hbm>>) dst(%arg13 : memref<128x128xf32, #tpu.memory_space<vmem>>)
      %dma_wait3A_42 = tpu.memref_slice %arg12[%mul3A_21] : memref<2560xi32, #tpu.memory_space<vmem>> -> memref<128xi32, #tpu.memory_space<vmem>>
      %dma_wait3A_43 = arith.constant 0 : i32
      %dma_wait3A_44 = arith.constant 0 : i32
      %dma_wait3A_45 = tpu.memref_slice %arg3[%dma_wait3A_43, %dma_wait3A_44] : memref<10000x128xf32, #tpu.memory_space<hbm>> -> memref<10000x128xf32, #tpu.memory_space<hbm>>
      tpu.wait_indirect_dma semaphore(%arg22 : memref<!tpu.dma_semaphore, #tpu.memory_space<semaphore_mem>>) src(%dma_wait3A_45 : memref<10000x128xf32, #tpu.memory_space<hbm>>) dst(%arg15 : memref<128x128xf32, #tpu.memory_space<vmem>>)
      %scan3A_46 = arith.constant 0 : i32
      %scan3A_47 = arith.constant 0 : i32
      %scan3A_48 = arith.constant 128 : i32
      %scan3A_49 = arith.addi %scan3A_47, %scan3A_48 : i32
      %scan3A_50 = arith.constant 1 : i32
      %scan3A_51 = scf.for %scan3A_87 = %scan3A_47 to %scan3A_49 step %scan3A_50 iter_args(%scan3A_88 = %scan3A_46) -> (i32)  : i32 {
        %get3A = arith.index_cast %scan3A_87 : i32 to index
        %get3A_89 = arith.constant 0 : index
        %get3A_90 = tpu.vector_load %arg13[%get3A, %get3A_89] {strides = array<i32>} : memref<128x128xf32, #tpu.memory_space<vmem>>, vector<16xf32>,
        %get3A_91 = arith.index_cast %scan3A_87 : i32 to index
        %get3A_92 = arith.constant 0 : index
        %get3A_93 = tpu.vector_load %arg15[%get3A_91, %get3A_92] {strides = array<i32>} : memref<128x128xf32, #tpu.memory_space<vmem>>, vector<16xf32>,
        %add3A_94 = arith.addf %get3A_90, %get3A_93 : vector<16xf32>
        %swap3A = arith.index_cast %scan3A_87 : i32 to index
        %swap3A_95 = arith.constant 0 : index
        %swap3A_96 = tpu.vector_load %arg13[%swap3A, %swap3A_95] {strides = array<i32>} : memref<128x128xf32, #tpu.memory_space<vmem>>, vector<16xf32>,
        tpu.vector_store %arg13[%swap3A, %swap3A_95], %add3A_94 {strides = array<i32>} : memref<128x128xf32, #tpu.memory_space<vmem>>, vector<16xf32>,
        %get3A_97 = arith.index_cast %scan3A_87 : i32 to index
        %get3A_98 = arith.constant 16 : index
        %get3A_99 = tpu.vector_load %arg13[%get3A_97, %get3A_98] {strides = array<i32>} : memref<128x128xf32, #tpu.memory_space<vmem>>, vector<16xf32>,
        %get3A_100 = arith.index_cast %scan3A_87 : i32 to index
        %get3A_101 = arith.constant 16 : index
        %get3A_102 = tpu.vector_load %arg15[%get3A_100, %get3A_101] {strides = array<i32>} : memref<128x128xf32, #tpu.memory_space<vmem>>, vector<16xf32>,
        %add3A_103 = arith.addf %get3A_99, %get3A_102 : vector<16xf32>
        %swap3A_104 = arith.index_cast %scan3A_87 : i32 to index
        %swap3A_105 = arith.constant 16 : index
        %swap3A_106 = tpu.vector_load %arg13[%swap3A_104, %swap3A_105] {strides = array<i32>} : memref<128x128xf32, #tpu.memory_space<vmem>>, vector<16xf32>,
        tpu.vector_store %arg13[%swap3A_104, %swap3A_105], %add3A_103 {strides = array<i32>} : memref<128x128xf32, #tpu.memory_space<vmem>>, vector<16xf32>,
        %get3A_107 = arith.index_cast %scan3A_87 : i32 to index
        %get3A_108 = arith.constant 32 : index
        %get3A_109 = tpu.vector_load %arg13[%get3A_107, %get3A_108] {strides = array<i32>} : memref<128x128xf32, #tpu.memory_space<vmem>>, vector<16xf32>,
        %get3A_110 = arith.index_cast %scan3A_87 : i32 to index
        %get3A_111 = arith.constant 32 : index
        %get3A_112 = tpu.vector_load %arg15[%get3A_110, %get3A_111] {strides = array<i32>} : memref<128x128xf32, #tpu.memory_space<vmem>>, vector<16xf32>,
        %add3A_113 = arith.addf %get3A_109, %get3A_112 : vector<16xf32>
        %swap3A_114 = arith.index_cast %scan3A_87 : i32 to index
        %swap3A_115 = arith.constant 32 : index
        %swap3A_116 = tpu.vector_load %arg13[%swap3A_114, %swap3A_115] {strides = array<i32>} : memref<128x128xf32, #tpu.memory_space<vmem>>, vector<16xf32>,
        tpu.vector_store %arg13[%swap3A_114, %swap3A_115], %add3A_113 {strides = array<i32>} : memref<128x128xf32, #tpu.memory_space<vmem>>, vector<16xf32>,
        %get3A_117 = arith.index_cast %scan3A_87 : i32 to index
        %get3A_118 = arith.constant 48 : index
        %get3A_119 = tpu.vector_load %arg13[%get3A_117, %get3A_118] {strides = array<i32>} : memref<128x128xf32, #tpu.memory_space<vmem>>, vector<16xf32>,
        %get3A_120 = arith.index_cast %scan3A_87 : i32 to index
        %get3A_121 = arith.constant 48 : index
        %get3A_122 = tpu.vector_load %arg15[%get3A_120, %get3A_121] {strides = array<i32>} : memref<128x128xf32, #tpu.memory_space<vmem>>, vector<16xf32>,
        %add3A_123 = arith.addf %get3A_119, %get3A_122 : vector<16xf32>
        %swap3A_124 = arith.index_cast %scan3A_87 : i32 to index
        %swap3A_125 = arith.constant 48 : index
        %swap3A_126 = tpu.vector_load %arg13[%swap3A_124, %swap3A_125] {strides = array<i32>} : memref<128x128xf32, #tpu.memory_space<vmem>>, vector<16xf32>,
        tpu.vector_store %arg13[%swap3A_124, %swap3A_125], %add3A_123 {strides = array<i32>} : memref<128x128xf32, #tpu.memory_space<vmem>>, vector<16xf32>,
        %get3A_127 = arith.index_cast %scan3A_87 : i32 to index
        %get3A_128 = arith.constant 64 : index
        %get3A_129 = tpu.vector_load %arg13[%get3A_127, %get3A_128] {strides = array<i32>} : memref<128x128xf32, #tpu.memory_space<vmem>>, vector<16xf32>,
        %get3A_130 = arith.index_cast %scan3A_87 : i32 to index
        %get3A_131 = arith.constant 64 : index
        %get3A_132 = tpu.vector_load %arg15[%get3A_130, %get3A_131] {strides = array<i32>} : memref<128x128xf32, #tpu.memory_space<vmem>>, vector<16xf32>,
        %add3A_133 = arith.addf %get3A_129, %get3A_132 : vector<16xf32>
        %swap3A_134 = arith.index_cast %scan3A_87 : i32 to index
        %swap3A_135 = arith.constant 64 : index
        %swap3A_136 = tpu.vector_load %arg13[%swap3A_134, %swap3A_135] {strides = array<i32>} : memref<128x128xf32, #tpu.memory_space<vmem>>, vector<16xf32>,
        tpu.vector_store %arg13[%swap3A_134, %swap3A_135], %add3A_133 {strides = array<i32>} : memref<128x128xf32, #tpu.memory_space<vmem>>, vector<16xf32>,
        %get3A_137 = arith.index_cast %scan3A_87 : i32 to index
        %get3A_138 = arith.constant 80 : index
        %get3A_139 = tpu.vector_load %arg13[%get3A_137, %get3A_138] {strides = array<i32>} : memref<128x128xf32, #tpu.memory_space<vmem>>, vector<16xf32>,
        %get3A_140 = arith.index_cast %scan3A_87 : i32 to index
        %get3A_141 = arith.constant 80 : index
        %get3A_142 = tpu.vector_load %arg15[%get3A_140, %get3A_141] {strides = array<i32>} : memref<128x128xf32, #tpu.memory_space<vmem>>, vector<16xf32>,
        %add3A_143 = arith.addf %get3A_139, %get3A_142 : vector<16xf32>
        %swap3A_144 = arith.index_cast %scan3A_87 : i32 to index
        %swap3A_145 = arith.constant 80 : index
        %swap3A_146 = tpu.vector_load %arg13[%swap3A_144, %swap3A_145] {strides = array<i32>} : memref<128x128xf32, #tpu.memory_space<vmem>>, vector<16xf32>,
        tpu.vector_store %arg13[%swap3A_144, %swap3A_145], %add3A_143 {strides = array<i32>} : memref<128x128xf32, #tpu.memory_space<vmem>>, vector<16xf32>,
        %get3A_147 = arith.index_cast %scan3A_87 : i32 to index
        %get3A_148 = arith.constant 96 : index
        %get3A_149 = tpu.vector_load %arg13[%get3A_147, %get3A_148] {strides = array<i32>} : memref<128x128xf32, #tpu.memory_space<vmem>>, vector<16xf32>,
        %get3A_150 = arith.index_cast %scan3A_87 : i32 to index
        %get3A_151 = arith.constant 96 : index
        %get3A_152 = tpu.vector_load %arg15[%get3A_150, %get3A_151] {strides = array<i32>} : memref<128x128xf32, #tpu.memory_space<vmem>>, vector<16xf32>,
        %add3A_153 = arith.addf %get3A_149, %get3A_152 : vector<16xf32>
        %swap3A_154 = arith.index_cast %scan3A_87 : i32 to index
        %swap3A_155 = arith.constant 96 : index
        %swap3A_156 = tpu.vector_load %arg13[%swap3A_154, %swap3A_155] {strides = array<i32>} : memref<128x128xf32, #tpu.memory_space<vmem>>, vector<16xf32>,
        tpu.vector_store %arg13[%swap3A_154, %swap3A_155], %add3A_153 {strides = array<i32>} : memref<128x128xf32, #tpu.memory_space<vmem>>, vector<16xf32>,
        %get3A_157 = arith.index_cast %scan3A_87 : i32 to index
        %get3A_158 = arith.constant 112 : index
        %get3A_159 = tpu.vector_load %arg13[%get3A_157, %get3A_158] {strides = array<i32>} : memref<128x128xf32, #tpu.memory_space<vmem>>, vector<16xf32>,
        %get3A_160 = arith.index_cast %scan3A_87 : i32 to index
        %get3A_161 = arith.constant 112 : index
        %get3A_162 = tpu.vector_load %arg15[%get3A_160, %get3A_161] {strides = array<i32>} : memref<128x128xf32, #tpu.memory_space<vmem>>, vector<16xf32>,
        %add3A_163 = arith.addf %get3A_159, %get3A_162 : vector<16xf32>
        %swap3A_164 = arith.index_cast %scan3A_87 : i32 to index
        %swap3A_165 = arith.constant 112 : index
        %swap3A_166 = tpu.vector_load %arg13[%swap3A_164, %swap3A_165] {strides = array<i32>} : memref<128x128xf32, #tpu.memory_space<vmem>>, vector<16xf32>,
        tpu.vector_store %arg13[%swap3A_164, %swap3A_165], %add3A_163 {strides = array<i32>} : memref<128x128xf32, #tpu.memory_space<vmem>>, vector<16xf32>,
        %scan3A_167 = arith.constant 0 : i32
        scf.yield %scan3A_167 : i32
      }
      %scan3A_52 = arith.constant 128 : i32
      %add3A_53 = arith.addi %mul3A_2, %mul3A_21 : i32
      %dma_start3A_54 = arith.constant 0 : i32
      %dma_start3A_55 = tpu.memref_slice %arg9[%add3A_53, %dma_start3A_54] : memref<81920x128xf32, #tpu.memory_space<hbm>> -> memref<128x128xf32, #tpu.memory_space<hbm>>
      %dma_start3A_56 = arith.constant 0 : i32
      %dma_start3A_57 = tpu.memref_slice %arg9[%add3A_53, %dma_start3A_56] : memref<81920x128xf32, #tpu.memory_space<hbm>> -> memref<128x128xf32, #tpu.memory_space<hbm>>
      tpu.enqueue_dma source(%arg13 : memref<128x128xf32, #tpu.memory_space<vmem>>) target(%dma_start3A_57 : memref<128x128xf32, #tpu.memory_space<hbm>>) target_semaphore(%arg25 : memref<!tpu.dma_semaphore, #tpu.memory_space<semaphore_mem>>)
      %dma_wait3A_58 = tpu.memref_slice %arg11[%add3A_23] : memref<2560xi32, #tpu.memory_space<vmem>> -> memref<128xi32, #tpu.memory_space<vmem>>
      %dma_wait3A_59 = arith.constant 0 : i32
      %dma_wait3A_60 = arith.constant 0 : i32
      %dma_wait3A_61 = tpu.memref_slice %arg2[%dma_wait3A_59, %dma_wait3A_60] : memref<10000x128xf32, #tpu.memory_space<hbm>> -> memref<10000x128xf32, #tpu.memory_space<hbm>>
      tpu.wait_indirect_dma semaphore(%arg23 : memref<!tpu.dma_semaphore, #tpu.memory_space<semaphore_mem>>) src(%dma_wait3A_61 : memref<10000x128xf32, #tpu.memory_space<hbm>>) dst(%arg14 : memref<128x128xf32, #tpu.memory_space<vmem>>)
      %dma_wait3A_62 = tpu.memref_slice %arg12[%add3A_23] : memref<2560xi32, #tpu.memory_space<vmem>> -> memref<128xi32, #tpu.memory_space<vmem>>
      %dma_wait3A_63 = arith.constant 0 : i32
      %dma_wait3A_64 = arith.constant 0 : i32
      %dma_wait3A_65 = tpu.memref_slice %arg3[%dma_wait3A_63, %dma_wait3A_64] : memref<10000x128xf32, #tpu.memory_space<hbm>> -> memref<10000x128xf32, #tpu.memory_space<hbm>>
      tpu.wait_indirect_dma semaphore(%arg24 : memref<!tpu.dma_semaphore, #tpu.memory_space<semaphore_mem>>) src(%dma_wait3A_65 : memref<10000x128xf32, #tpu.memory_space<hbm>>) dst(%arg16 : memref<128x128xf32, #tpu.memory_space<vmem>>)
      %scan3A_66 = arith.constant 0 : i32
      %scan3A_67 = arith.constant 0 : i32
      %scan3A_68 = arith.constant 128 : i32
      %scan3A_69 = arith.addi %scan3A_67, %scan3A_68 : i32
      %scan3A_70 = arith.constant 1 : i32
      %scan3A_71 = scf.for %scan3A_87 = %scan3A_67 to %scan3A_69 step %scan3A_70 iter_args(%scan3A_88 = %scan3A_66) -> (i32)  : i32 {
        %get3A = arith.index_cast %scan3A_87 : i32 to index
        %get3A_89 = arith.constant 0 : index
        %get3A_90 = tpu.vector_load %arg14[%get3A, %get3A_89] {strides = array<i32>} : memref<128x128xf32, #tpu.memory_space<vmem>>, vector<16xf32>,
        %get3A_91 = arith.index_cast %scan3A_87 : i32 to index
        %get3A_92 = arith.constant 0 : index
        %get3A_93 = tpu.vector_load %arg16[%get3A_91, %get3A_92] {strides = array<i32>} : memref<128x128xf32, #tpu.memory_space<vmem>>, vector<16xf32>,
        %add3A_94 = arith.addf %get3A_90, %get3A_93 : vector<16xf32>
        %swap3A = arith.index_cast %scan3A_87 : i32 to index
        %swap3A_95 = arith.constant 0 : index
        %swap3A_96 = tpu.vector_load %arg14[%swap3A, %swap3A_95] {strides = array<i32>} : memref<128x128xf32, #tpu.memory_space<vmem>>, vector<16xf32>,
        tpu.vector_store %arg14[%swap3A, %swap3A_95], %add3A_94 {strides = array<i32>} : memref<128x128xf32, #tpu.memory_space<vmem>>, vector<16xf32>,
        %get3A_97 = arith.index_cast %scan3A_87 : i32 to index
        %get3A_98 = arith.constant 16 : index
        %get3A_99 = tpu.vector_load %arg14[%get3A_97, %get3A_98] {strides = array<i32>} : memref<128x128xf32, #tpu.memory_space<vmem>>, vector<16xf32>,
        %get3A_100 = arith.index_cast %scan3A_87 : i32 to index
        %get3A_101 = arith.constant 16 : index
        %get3A_102 = tpu.vector_load %arg16[%get3A_100, %get3A_101] {strides = array<i32>} : memref<128x128xf32, #tpu.memory_space<vmem>>, vector<16xf32>,
        %add3A_103 = arith.addf %get3A_99, %get3A_102 : vector<16xf32>
        %swap3A_104 = arith.index_cast %scan3A_87 : i32 to index
        %swap3A_105 = arith.constant 16 : index
        %swap3A_106 = tpu.vector_load %arg14[%swap3A_104, %swap3A_105] {strides = array<i32>} : memref<128x128xf32, #tpu.memory_space<vmem>>, vector<16xf32>,
        tpu.vector_store %arg14[%swap3A_104, %swap3A_105], %add3A_103 {strides = array<i32>} : memref<128x128xf32, #tpu.memory_space<vmem>>, vector<16xf32>,
        %get3A_107 = arith.index_cast %scan3A_87 : i32 to index
        %get3A_108 = arith.constant 32 : index
        %get3A_109 = tpu.vector_load %arg14[%get3A_107, %get3A_108] {strides = array<i32>} : memref<128x128xf32, #tpu.memory_space<vmem>>, vector<16xf32>,
        %get3A_110 = arith.index_cast %scan3A_87 : i32 to index
        %get3A_111 = arith.constant 32 : index
        %get3A_112 = tpu.vector_load %arg16[%get3A_110, %get3A_111] {strides = array<i32>} : memref<128x128xf32, #tpu.memory_space<vmem>>, vector<16xf32>,
        %add3A_113 = arith.addf %get3A_109, %get3A_112 : vector<16xf32>
        %swap3A_114 = arith.index_cast %scan3A_87 : i32 to index
        %swap3A_115 = arith.constant 32 : index
        %swap3A_116 = tpu.vector_load %arg14[%swap3A_114, %swap3A_115] {strides = array<i32>} : memref<128x128xf32, #tpu.memory_space<vmem>>, vector<16xf32>,
        tpu.vector_store %arg14[%swap3A_114, %swap3A_115], %add3A_113 {strides = array<i32>} : memref<128x128xf32, #tpu.memory_space<vmem>>, vector<16xf32>,
        %get3A_117 = arith.index_cast %scan3A_87 : i32 to index
        %get3A_118 = arith.constant 48 : index
        %get3A_119 = tpu.vector_load %arg14[%get3A_117, %get3A_118] {strides = array<i32>} : memref<128x128xf32, #tpu.memory_space<vmem>>, vector<16xf32>,
        %get3A_120 = arith.index_cast %scan3A_87 : i32 to index
        %get3A_121 = arith.constant 48 : index
        %get3A_122 = tpu.vector_load %arg16[%get3A_120, %get3A_121] {strides = array<i32>} : memref<128x128xf32, #tpu.memory_space<vmem>>, vector<16xf32>,
        %add3A_123 = arith.addf %get3A_119, %get3A_122 : vector<16xf32>
        %swap3A_124 = arith.index_cast %scan3A_87 : i32 to index
        %swap3A_125 = arith.constant 48 : index
        %swap3A_126 = tpu.vector_load %arg14[%swap3A_124, %swap3A_125] {strides = array<i32>} : memref<128x128xf32, #tpu.memory_space<vmem>>, vector<16xf32>,
        tpu.vector_store %arg14[%swap3A_124, %swap3A_125], %add3A_123 {strides = array<i32>} : memref<128x128xf32, #tpu.memory_space<vmem>>, vector<16xf32>,
        %get3A_127 = arith.index_cast %scan3A_87 : i32 to index
        %get3A_128 = arith.constant 64 : index
        %get3A_129 = tpu.vector_load %arg14[%get3A_127, %get3A_128] {strides = array<i32>} : memref<128x128xf32, #tpu.memory_space<vmem>>, vector<16xf32>,
        %get3A_130 = arith.index_cast %scan3A_87 : i32 to index
        %get3A_131 = arith.constant 64 : index
        %get3A_132 = tpu.vector_load %arg16[%get3A_130, %get3A_131] {strides = array<i32>} : memref<128x128xf32, #tpu.memory_space<vmem>>, vector<16xf32>,
        %add3A_133 = arith.addf %get3A_129, %get3A_132 : vector<16xf32>
        %swap3A_134 = arith.index_cast %scan3A_87 : i32 to index
        %swap3A_135 = arith.constant 64 : index
        %swap3A_136 = tpu.vector_load %arg14[%swap3A_134, %swap3A_135] {strides = array<i32>} : memref<128x128xf32, #tpu.memory_space<vmem>>, vector<16xf32>,
        tpu.vector_store %arg14[%swap3A_134, %swap3A_135], %add3A_133 {strides = array<i32>} : memref<128x128xf32, #tpu.memory_space<vmem>>, vector<16xf32>,
        %get3A_137 = arith.index_cast %scan3A_87 : i32 to index
        %get3A_138 = arith.constant 80 : index
        %get3A_139 = tpu.vector_load %arg14[%get3A_137, %get3A_138] {strides = array<i32>} : memref<128x128xf32, #tpu.memory_space<vmem>>, vector<16xf32>,
        %get3A_140 = arith.index_cast %scan3A_87 : i32 to index
        %get3A_141 = arith.constant 80 : index
        %get3A_142 = tpu.vector_load %arg16[%get3A_140, %get3A_141] {strides = array<i32>} : memref<128x128xf32, #tpu.memory_space<vmem>>, vector<16xf32>,
        %add3A_143 = arith.addf %get3A_139, %get3A_142 : vector<16xf32>
        %swap3A_144 = arith.index_cast %scan3A_87 : i32 to index
        %swap3A_145 = arith.constant 80 : index
        %swap3A_146 = tpu.vector_load %arg14[%swap3A_144, %swap3A_145] {strides = array<i32>} : memref<128x128xf32, #tpu.memory_space<vmem>>, vector<16xf32>,
        tpu.vector_store %arg14[%swap3A_144, %swap3A_145], %add3A_143 {strides = array<i32>} : memref<128x128xf32, #tpu.memory_space<vmem>>, vector<16xf32>,
        %get3A_147 = arith.index_cast %scan3A_87 : i32 to index
        %get3A_148 = arith.constant 96 : index
        %get3A_149 = tpu.vector_load %arg14[%get3A_147, %get3A_148] {strides = array<i32>} : memref<128x128xf32, #tpu.memory_space<vmem>>, vector<16xf32>,
        %get3A_150 = arith.index_cast %scan3A_87 : i32 to index
        %get3A_151 = arith.constant 96 : index
        %get3A_152 = tpu.vector_load %arg16[%get3A_150, %get3A_151] {strides = array<i32>} : memref<128x128xf32, #tpu.memory_space<vmem>>, vector<16xf32>,
        %add3A_153 = arith.addf %get3A_149, %get3A_152 : vector<16xf32>
        %swap3A_154 = arith.index_cast %scan3A_87 : i32 to index
        %swap3A_155 = arith.constant 96 : index
        %swap3A_156 = tpu.vector_load %arg14[%swap3A_154, %swap3A_155] {strides = array<i32>} : memref<128x128xf32, #tpu.memory_space<vmem>>, vector<16xf32>,
        tpu.vector_store %arg14[%swap3A_154, %swap3A_155], %add3A_153 {strides = array<i32>} : memref<128x128xf32, #tpu.memory_space<vmem>>, vector<16xf32>,
        %get3A_157 = arith.index_cast %scan3A_87 : i32 to index
        %get3A_158 = arith.constant 112 : index
        %get3A_159 = tpu.vector_load %arg14[%get3A_157, %get3A_158] {strides = array<i32>} : memref<128x128xf32, #tpu.memory_space<vmem>>, vector<16xf32>,
        %get3A_160 = arith.index_cast %scan3A_87 : i32 to index
        %get3A_161 = arith.constant 112 : index
        %get3A_162 = tpu.vector_load %arg16[%get3A_160, %get3A_161] {strides = array<i32>} : memref<128x128xf32, #tpu.memory_space<vmem>>, vector<16xf32>,
        %add3A_163 = arith.addf %get3A_159, %get3A_162 : vector<16xf32>
        %swap3A_164 = arith.index_cast %scan3A_87 : i32 to index
        %swap3A_165 = arith.constant 112 : index
        %swap3A_166 = tpu.vector_load %arg14[%swap3A_164, %swap3A_165] {strides = array<i32>} : memref<128x128xf32, #tpu.memory_space<vmem>>, vector<16xf32>,
        tpu.vector_store %arg14[%swap3A_164, %swap3A_165], %add3A_163 {strides = array<i32>} : memref<128x128xf32, #tpu.memory_space<vmem>>, vector<16xf32>,
        %scan3A_167 = arith.constant 0 : i32
        scf.yield %scan3A_167 : i32
      }
      %scan3A_72 = arith.constant 128 : i32
      %add3A_73 = arith.addi %mul3A_2, %add3A_23 : i32
      %dma_start3A_74 = arith.constant 0 : i32
      %dma_start3A_75 = tpu.memref_slice %arg9[%add3A_73, %dma_start3A_74] : memref<81920x128xf32, #tpu.memory_space<hbm>> -> memref<128x128xf32, #tpu.memory_space<hbm>>
      %dma_start3A_76 = arith.constant 0 : i32
      %dma_start3A_77 = tpu.memref_slice %arg9[%add3A_73, %dma_start3A_76] : memref<81920x128xf32, #tpu.memory_space<hbm>> -> memref<128x128xf32, #tpu.memory_space<hbm>>
      tpu.enqueue_dma source(%arg14 : memref<128x128xf32, #tpu.memory_space<vmem>>) target(%dma_start3A_77 : memref<128x128xf32, #tpu.memory_space<hbm>>) target_semaphore(%arg25 : memref<!tpu.dma_semaphore, #tpu.memory_space<semaphore_mem>>)
      %dma_wait3A_78 = arith.constant 0 : i32
      %dma_wait3A_79 = tpu.memref_slice %arg9[%add3A_53, %dma_wait3A_78] : memref<81920x128xf32, #tpu.memory_space<hbm>> -> memref<128x128xf32, #tpu.memory_space<hbm>>
      %dma_wait3A_80 = arith.constant 0 : i32
      %dma_wait3A_81 = tpu.memref_slice %arg9[%add3A_53, %dma_wait3A_80] : memref<81920x128xf32, #tpu.memory_space<hbm>> -> memref<128x128xf32, #tpu.memory_space<hbm>>
      tpu.wait_dma2 semaphore(%arg25 : memref<!tpu.dma_semaphore, #tpu.memory_space<semaphore_mem>>) src(%arg13 : memref<128x128xf32, #tpu.memory_space<vmem>>) dst(%dma_wait3A_81 : memref<128x128xf32, #tpu.memory_space<hbm>>)
      %dma_wait3A_82 = arith.constant 0 : i32
      %dma_wait3A_83 = tpu.memref_slice %arg9[%add3A_73, %dma_wait3A_82] : memref<81920x128xf32, #tpu.memory_space<hbm>> -> memref<128x128xf32, #tpu.memory_space<hbm>>
      %dma_wait3A_84 = arith.constant 0 : i32
      %dma_wait3A_85 = tpu.memref_slice %arg9[%add3A_73, %dma_wait3A_84] : memref<81920x128xf32, #tpu.memory_space<hbm>> -> memref<128x128xf32, #tpu.memory_space<hbm>>
      tpu.wait_dma2 semaphore(%arg25 : memref<!tpu.dma_semaphore, #tpu.memory_space<semaphore_mem>>) src(%arg14 : memref<128x128xf32, #tpu.memory_space<vmem>>) dst(%dma_wait3A_85 : memref<128x128xf32, #tpu.memory_space<hbm>>)
      %scan3A_86 = arith.constant 0 : i32
      scf.yield %scan3A_86 : i32
    }
    %scan3A_15 = arith.constant 10 : i32
    return
  }
}

#map = affine_map<(d0, d1) -> (0, 0)>
#map1 = affine_map<(d0, d1) -> (0)>
module attributes {stable_mosaic.version = 14 : i64} {
  func.func @_gather_body(%arg0: i32, %arg1: i32, %arg2: memref<10000x128xf32, #tpu.memory_space<hbm>>, %arg3: memref<10000x128xf32, #tpu.memory_space<hbm>>, %arg4: memref<81920xi32, #tpu.memory_space<hbm>>, %arg5: memref<81920xi32, #tpu.memory_space<hbm>>, %arg6: memref<10000xf32, #tpu.memory_space<hbm>>, %arg7: memref<10000xf32, #tpu.memory_space<hbm>>, %arg8: memref<10000xf32, #tpu.memory_space<hbm>>, %arg9: memref<81920x128xf32, #tpu.memory_space<hbm>>, %arg10: memref<81920xf32, #tpu.memory_space<hbm>>, %arg11: memref<2560xi32, #tpu.memory_space<vmem>>, %arg12: memref<2560xi32, #tpu.memory_space<vmem>>, %arg13: memref<128x128xf32, #tpu.memory_space<vmem>>, %arg14: memref<128x128xf32, #tpu.memory_space<vmem>>, %arg15: memref<128x128xf32, #tpu.memory_space<vmem>>, %arg16: memref<128x128xf32, #tpu.memory_space<vmem>>, %arg17: memref<10000xf32, #tpu.memory_space<vmem>>, %arg18: memref<10000xf32, #tpu.memory_space<vmem>>, %arg19: memref<10000xf32, #tpu.memory_space<vmem>>, %arg20: memref<2560xf32, #tpu.memory_space<vmem>>, %arg21: memref<!tpu.dma_semaphore, #tpu.memory_space<semaphore_mem>>, %arg22: memref<!tpu.dma_semaphore, #tpu.memory_space<semaphore_mem>>, %arg23: memref<!tpu.dma_semaphore, #tpu.memory_space<semaphore_mem>>, %arg24: memref<!tpu.dma_semaphore, #tpu.memory_space<semaphore_mem>>, %arg25: memref<!tpu.dma_semaphore, #tpu.memory_space<semaphore_mem>>) attributes {dimension_semantics = [#tpu.dimension_semantics<core_parallel>, #tpu.dimension_semantics<subcore_parallel>], iteration_bounds = array<i64: 2, 16>, scalar_prefetch = 0 : i64, scratch_operands = 15 : i64, tpu.core_type = #tpu.core_type<sc_vector_subcore>, window_params = [{transform_indices = #map}, {transform_indices = #map}, {transform_indices = #map1}, {transform_indices = #map1}, {transform_indices = #map1}, {transform_indices = #map1}, {transform_indices = #map1}, {transform_indices = #map}, {transform_indices = #map1}]} {
    %mul3A = arith.constant 2 : i32
    %mul3A_0 = arith.muli %arg1, %mul3A : i32
    %add3A = arith.addi %mul3A_0, %arg0 : i32
    %mul3A_1 = arith.constant 2560 : i32
    %mul3A_2 = arith.muli %add3A, %mul3A_1 : i32
    "tpu.region"() ({
      %run_scoped3A = tpu.sem_alloc : memref<!tpu.dma_semaphore, #tpu.memory_space<semaphore_mem>>
      tpu.enqueue_dma source(%arg6 : memref<10000xf32, #tpu.memory_space<hbm>>) target(%arg17 : memref<10000xf32, #tpu.memory_space<vmem>>) target_semaphore(%run_scoped3A : memref<!tpu.dma_semaphore, #tpu.memory_space<semaphore_mem>>)
      tpu.wait_dma2 semaphore(%run_scoped3A : memref<!tpu.dma_semaphore, #tpu.memory_space<semaphore_mem>>) src(%arg6 : memref<10000xf32, #tpu.memory_space<hbm>>) dst(%arg17 : memref<10000xf32, #tpu.memory_space<vmem>>)
      tpu.yield
    }) : () -> ()
    "tpu.region"() ({
      %run_scoped3A = tpu.sem_alloc : memref<!tpu.dma_semaphore, #tpu.memory_space<semaphore_mem>>
      tpu.enqueue_dma source(%arg7 : memref<10000xf32, #tpu.memory_space<hbm>>) target(%arg18 : memref<10000xf32, #tpu.memory_space<vmem>>) target_semaphore(%run_scoped3A : memref<!tpu.dma_semaphore, #tpu.memory_space<semaphore_mem>>)
      tpu.wait_dma2 semaphore(%run_scoped3A : memref<!tpu.dma_semaphore, #tpu.memory_space<semaphore_mem>>) src(%arg7 : memref<10000xf32, #tpu.memory_space<hbm>>) dst(%arg18 : memref<10000xf32, #tpu.memory_space<vmem>>)
      tpu.yield
    }) : () -> ()
    "tpu.region"() ({
      %run_scoped3A = tpu.sem_alloc : memref<!tpu.dma_semaphore, #tpu.memory_space<semaphore_mem>>
      tpu.enqueue_dma source(%arg8 : memref<10000xf32, #tpu.memory_space<hbm>>) target(%arg19 : memref<10000xf32, #tpu.memory_space<vmem>>) target_semaphore(%run_scoped3A : memref<!tpu.dma_semaphore, #tpu.memory_space<semaphore_mem>>)
      tpu.wait_dma2 semaphore(%run_scoped3A : memref<!tpu.dma_semaphore, #tpu.memory_space<semaphore_mem>>) src(%arg8 : memref<10000xf32, #tpu.memory_space<hbm>>) dst(%arg19 : memref<10000xf32, #tpu.memory_space<vmem>>)
      tpu.yield
    }) : () -> ()
    "tpu.region"() ({
      %run_scoped3A = tpu.sem_alloc : memref<!tpu.dma_semaphore, #tpu.memory_space<semaphore_mem>>
      %dma_start3A = tpu.memref_slice %arg4[%mul3A_2] : memref<81920xi32, #tpu.memory_space<hbm>> -> memref<2560xi32, #tpu.memory_space<hbm>>
      %dma_start3A_16 = tpu.memref_slice %arg4[%mul3A_2] : memref<81920xi32, #tpu.memory_space<hbm>> -> memref<2560xi32, #tpu.memory_space<hbm>>
      tpu.enqueue_dma source(%dma_start3A_16 : memref<2560xi32, #tpu.memory_space<hbm>>) target(%arg11 : memref<2560xi32, #tpu.memory_space<vmem>>) target_semaphore(%run_scoped3A : memref<!tpu.dma_semaphore, #tpu.memory_space<semaphore_mem>>)
      %dma_wait3A = tpu.memref_slice %arg4[%mul3A_2] : memref<81920xi32, #tpu.memory_space<hbm>> -> memref<2560xi32, #tpu.memory_space<hbm>>
      %dma_wait3A_17 = tpu.memref_slice %arg4[%mul3A_2] : memref<81920xi32, #tpu.memory_space<hbm>> -> memref<2560xi32, #tpu.memory_space<hbm>>
      tpu.wait_dma2 semaphore(%run_scoped3A : memref<!tpu.dma_semaphore, #tpu.memory_space<semaphore_mem>>) src(%dma_wait3A_17 : memref<2560xi32, #tpu.memory_space<hbm>>) dst(%arg11 : memref<2560xi32, #tpu.memory_space<vmem>>)
      tpu.yield
    }) : () -> ()
    "tpu.region"() ({
      %run_scoped3A = tpu.sem_alloc : memref<!tpu.dma_semaphore, #tpu.memory_space<semaphore_mem>>
      %dma_start3A = tpu.memref_slice %arg5[%mul3A_2] : memref<81920xi32, #tpu.memory_space<hbm>> -> memref<2560xi32, #tpu.memory_space<hbm>>
      %dma_start3A_16 = tpu.memref_slice %arg5[%mul3A_2] : memref<81920xi32, #tpu.memory_space<hbm>> -> memref<2560xi32, #tpu.memory_space<hbm>>
      tpu.enqueue_dma source(%dma_start3A_16 : memref<2560xi32, #tpu.memory_space<hbm>>) target(%arg12 : memref<2560xi32, #tpu.memory_space<vmem>>) target_semaphore(%run_scoped3A : memref<!tpu.dma_semaphore, #tpu.memory_space<semaphore_mem>>)
      %dma_wait3A = tpu.memref_slice %arg5[%mul3A_2] : memref<81920xi32, #tpu.memory_space<hbm>> -> memref<2560xi32, #tpu.memory_space<hbm>>
      %dma_wait3A_17 = tpu.memref_slice %arg5[%mul3A_2] : memref<81920xi32, #tpu.memory_space<hbm>> -> memref<2560xi32, #tpu.memory_space<hbm>>
      tpu.wait_dma2 semaphore(%run_scoped3A : memref<!tpu.dma_semaphore, #tpu.memory_space<semaphore_mem>>) src(%dma_wait3A_17 : memref<2560xi32, #tpu.memory_space<hbm>>) dst(%arg12 : memref<2560xi32, #tpu.memory_space<vmem>>)
      tpu.yield
    }) : () -> ()
    %scan3A = arith.constant 0 : i32
    %scan3A_3 = arith.constant 0 : i32
    %scan3A_4 = arith.constant 160 : i32
    %scan3A_5 = arith.addi %scan3A_3, %scan3A_4 : i32
    %scan3A_6 = arith.constant 1 : i32
    %scan3A_7 = scf.for %scan3A_16 = %scan3A_3 to %scan3A_5 step %scan3A_6 iter_args(%scan3A_17 = %scan3A) -> (i32)  : i32 {
      %mul3A_18 = arith.constant 16 : i32
      %mul3A_19 = arith.muli %scan3A_16, %mul3A_18 : i32
      %get3A = arith.index_cast %mul3A_19 : i32 to index
      %get3A_20 = tpu.vector_load %arg11[%get3A] {strides = array<i32>} : memref<2560xi32, #tpu.memory_space<vmem>>, vector<16xi32>,
      %get3A_21 = arith.index_cast %mul3A_19 : i32 to index
      %get3A_22 = tpu.vector_load %arg12[%get3A_21] {strides = array<i32>} : memref<2560xi32, #tpu.memory_space<vmem>>, vector<16xi32>,
      %gather3A = tpu.vector_load_idx %arg17[%get3A_20] : memref<10000xf32, #tpu.memory_space<vmem>>[vector<16xi32>], vector<16xf32>,
      %gather3A_23 = tpu.vector_load_idx %arg17[%get3A_22] : memref<10000xf32, #tpu.memory_space<vmem>>[vector<16xi32>], vector<16xf32>,
      %sub3A = arith.subf %gather3A, %gather3A_23 : vector<16xf32>
      %gather3A_24 = tpu.vector_load_idx %arg18[%get3A_20] : memref<10000xf32, #tpu.memory_space<vmem>>[vector<16xi32>], vector<16xf32>,
      %gather3A_25 = tpu.vector_load_idx %arg18[%get3A_22] : memref<10000xf32, #tpu.memory_space<vmem>>[vector<16xi32>], vector<16xf32>,
      %sub3A_26 = arith.subf %gather3A_24, %gather3A_25 : vector<16xf32>
      %gather3A_27 = tpu.vector_load_idx %arg19[%get3A_20] : memref<10000xf32, #tpu.memory_space<vmem>>[vector<16xi32>], vector<16xf32>,
      %gather3A_28 = tpu.vector_load_idx %arg19[%get3A_22] : memref<10000xf32, #tpu.memory_space<vmem>>[vector<16xi32>], vector<16xf32>,
      %sub3A_29 = arith.subf %gather3A_27, %gather3A_28 : vector<16xf32>
      %mul3A_30 = arith.mulf %sub3A, %sub3A : vector<16xf32>
      %mul3A_31 = arith.mulf %sub3A_26, %sub3A_26 : vector<16xf32>
      %add3A_32 = arith.addf %mul3A_30, %mul3A_31 : vector<16xf32>
      %mul3A_33 = arith.mulf %sub3A_29, %sub3A_29 : vector<16xf32>
      %add3A_34 = arith.addf %add3A_32, %mul3A_33 : vector<16xf32>
      %swap3A = arith.index_cast %mul3A_19 : i32 to index
      %swap3A_35 = tpu.vector_load %arg20[%swap3A] {strides = array<i32>} : memref<2560xf32, #tpu.memory_space<vmem>>, vector<16xf32>,
      tpu.vector_store %arg20[%swap3A], %add3A_34 {strides = array<i32>} : memref<2560xf32, #tpu.memory_space<vmem>>, vector<16xf32>,
      %scan3A_36 = arith.constant 0 : i32
      scf.yield %scan3A_36 : i32
    }
    %scan3A_8 = arith.constant 160 : i32
    "tpu.region"() ({
      %run_scoped3A = tpu.sem_alloc : memref<!tpu.dma_semaphore, #tpu.memory_space<semaphore_mem>>
      %dma_start3A = tpu.memref_slice %arg10[%mul3A_2] : memref<81920xf32, #tpu.memory_space<hbm>> -> memref<2560xf32, #tpu.memory_space<hbm>>
      %dma_start3A_16 = tpu.memref_slice %arg10[%mul3A_2] : memref<81920xf32, #tpu.memory_space<hbm>> -> memref<2560xf32, #tpu.memory_space<hbm>>
      tpu.enqueue_dma source(%arg20 : memref<2560xf32, #tpu.memory_space<vmem>>) target(%dma_start3A_16 : memref<2560xf32, #tpu.memory_space<hbm>>) target_semaphore(%run_scoped3A : memref<!tpu.dma_semaphore, #tpu.memory_space<semaphore_mem>>)
      %dma_wait3A = tpu.memref_slice %arg10[%mul3A_2] : memref<81920xf32, #tpu.memory_space<hbm>> -> memref<2560xf32, #tpu.memory_space<hbm>>
      %dma_wait3A_17 = tpu.memref_slice %arg10[%mul3A_2] : memref<81920xf32, #tpu.memory_space<hbm>> -> memref<2560xf32, #tpu.memory_space<hbm>>
      tpu.wait_dma2 semaphore(%run_scoped3A : memref<!tpu.dma_semaphore, #tpu.memory_space<semaphore_mem>>) src(%arg20 : memref<2560xf32, #tpu.memory_space<vmem>>) dst(%dma_wait3A_17 : memref<2560xf32, #tpu.memory_space<hbm>>)
      tpu.yield
    }) : () -> ()
    %scan3A_9 = arith.constant 0 : i32
    %scan3A_10 = arith.constant 0 : i32
    %scan3A_11 = arith.constant 10 : i32
    %scan3A_12 = arith.addi %scan3A_10, %scan3A_11 : i32
    %scan3A_13 = arith.constant 1 : i32
    %scan3A_14 = scf.for %scan3A_16 = %scan3A_10 to %scan3A_12 step %scan3A_13 iter_args(%scan3A_17 = %scan3A_9) -> (i32)  : i32 {
      %mul3A_18 = arith.constant 2 : i32
      %mul3A_19 = arith.muli %scan3A_16, %mul3A_18 : i32
      %mul3A_20 = arith.constant 128 : i32
      %mul3A_21 = arith.muli %mul3A_19, %mul3A_20 : i32
      %add3A_22 = arith.constant 128 : i32
      %add3A_23 = arith.addi %mul3A_21, %add3A_22 : i32
      %dma_start3A = tpu.memref_slice %arg11[%mul3A_21] : memref<2560xi32, #tpu.memory_space<vmem>> -> memref<128xi32, #tpu.memory_space<vmem>>
      %dma_start3A_24 = arith.constant 0 : i32
      %dma_start3A_25 = arith.constant 0 : i32
      %dma_start3A_26 = tpu.memref_slice %arg2[%dma_start3A_24, %dma_start3A_25] : memref<10000x128xf32, #tpu.memory_space<hbm>> -> memref<10000x128xf32, #tpu.memory_space<hbm>>
      tpu.enqueue_indirect_dma source(%dma_start3A_26 : memref<10000x128xf32, #tpu.memory_space<hbm>>) target(%arg13 : memref<128x128xf32, #tpu.memory_space<vmem>>) offsets(%dma_start3A : memref<128xi32, #tpu.memory_space<vmem>>) semaphore(%arg21 : memref<!tpu.dma_semaphore, #tpu.memory_space<semaphore_mem>>)
      %dma_start3A_27 = tpu.memref_slice %arg12[%mul3A_21] : memref<2560xi32, #tpu.memory_space<vmem>> -> memref<128xi32, #tpu.memory_space<vmem>>
      %dma_start3A_28 = arith.constant 0 : i32
      %dma_start3A_29 = arith.constant 0 : i32
      %dma_start3A_30 = tpu.memref_slice %arg3[%dma_start3A_28, %dma_start3A_29] : memref<10000x128xf32, #tpu.memory_space<hbm>> -> memref<10000x128xf32, #tpu.memory_space<hbm>>
      tpu.enqueue_indirect_dma source(%dma_start3A_30 : memref<10000x128xf32, #tpu.memory_space<hbm>>) target(%arg15 : memref<128x128xf32, #tpu.memory_space<vmem>>) offsets(%dma_start3A_27 : memref<128xi32, #tpu.memory_space<vmem>>) semaphore(%arg22 : memref<!tpu.dma_semaphore, #tpu.memory_space<semaphore_mem>>)
      %dma_start3A_31 = tpu.memref_slice %arg11[%add3A_23] : memref<2560xi32, #tpu.memory_space<vmem>> -> memref<128xi32, #tpu.memory_space<vmem>>
      %dma_start3A_32 = arith.constant 0 : i32
      %dma_start3A_33 = arith.constant 0 : i32
      %dma_start3A_34 = tpu.memref_slice %arg2[%dma_start3A_32, %dma_start3A_33] : memref<10000x128xf32, #tpu.memory_space<hbm>> -> memref<10000x128xf32, #tpu.memory_space<hbm>>
      tpu.enqueue_indirect_dma source(%dma_start3A_34 : memref<10000x128xf32, #tpu.memory_space<hbm>>) target(%arg14 : memref<128x128xf32, #tpu.memory_space<vmem>>) offsets(%dma_start3A_31 : memref<128xi32, #tpu.memory_space<vmem>>) semaphore(%arg23 : memref<!tpu.dma_semaphore, #tpu.memory_space<semaphore_mem>>)
      %dma_start3A_35 = tpu.memref_slice %arg12[%add3A_23] : memref<2560xi32, #tpu.memory_space<vmem>> -> memref<128xi32, #tpu.memory_space<vmem>>
      %dma_start3A_36 = arith.constant 0 : i32
      %dma_start3A_37 = arith.constant 0 : i32
      %dma_start3A_38 = tpu.memref_slice %arg3[%dma_start3A_36, %dma_start3A_37] : memref<10000x128xf32, #tpu.memory_space<hbm>> -> memref<10000x128xf32, #tpu.memory_space<hbm>>
      tpu.enqueue_indirect_dma source(%dma_start3A_38 : memref<10000x128xf32, #tpu.memory_space<hbm>>) target(%arg16 : memref<128x128xf32, #tpu.memory_space<vmem>>) offsets(%dma_start3A_35 : memref<128xi32, #tpu.memory_space<vmem>>) semaphore(%arg24 : memref<!tpu.dma_semaphore, #tpu.memory_space<semaphore_mem>>)
      %dma_wait3A = tpu.memref_slice %arg11[%mul3A_21] : memref<2560xi32, #tpu.memory_space<vmem>> -> memref<128xi32, #tpu.memory_space<vmem>>
      %dma_wait3A_39 = arith.constant 0 : i32
      %dma_wait3A_40 = arith.constant 0 : i32
      %dma_wait3A_41 = tpu.memref_slice %arg2[%dma_wait3A_39, %dma_wait3A_40] : memref<10000x128xf32, #tpu.memory_space<hbm>> -> memref<10000x128xf32, #tpu.memory_space<hbm>>
      tpu.wait_indirect_dma semaphore(%arg21 : memref<!tpu.dma_semaphore, #tpu.memory_space<semaphore_mem>>) src(%dma_wait3A_41 : memref<10000x128xf32, #tpu.memory_space<hbm>>) dst(%arg13 : memref<128x128xf32, #tpu.memory_space<vmem>>)
      %dma_wait3A_42 = tpu.memref_slice %arg12[%mul3A_21] : memref<2560xi32, #tpu.memory_space<vmem>> -> memref<128xi32, #tpu.memory_space<vmem>>
      %dma_wait3A_43 = arith.constant 0 : i32
      %dma_wait3A_44 = arith.constant 0 : i32
      %dma_wait3A_45 = tpu.memref_slice %arg3[%dma_wait3A_43, %dma_wait3A_44] : memref<10000x128xf32, #tpu.memory_space<hbm>> -> memref<10000x128xf32, #tpu.memory_space<hbm>>
      tpu.wait_indirect_dma semaphore(%arg22 : memref<!tpu.dma_semaphore, #tpu.memory_space<semaphore_mem>>) src(%dma_wait3A_45 : memref<10000x128xf32, #tpu.memory_space<hbm>>) dst(%arg15 : memref<128x128xf32, #tpu.memory_space<vmem>>)
      %scan3A_46 = arith.constant 0 : i32
      %scan3A_47 = arith.constant 0 : i32
      %scan3A_48 = arith.constant 128 : i32
      %scan3A_49 = arith.addi %scan3A_47, %scan3A_48 : i32
      %scan3A_50 = arith.constant 1 : i32
      %scan3A_51 = scf.for %scan3A_87 = %scan3A_47 to %scan3A_49 step %scan3A_50 iter_args(%scan3A_88 = %scan3A_46) -> (i32)  : i32 {
        %get3A = arith.index_cast %scan3A_87 : i32 to index
        %get3A_89 = arith.constant 0 : index
        %get3A_90 = tpu.vector_load %arg13[%get3A, %get3A_89] {strides = array<i32>} : memref<128x128xf32, #tpu.memory_space<vmem>>, vector<16xf32>,
        %get3A_91 = arith.index_cast %scan3A_87 : i32 to index
        %get3A_92 = arith.constant 0 : index
        %get3A_93 = tpu.vector_load %arg15[%get3A_91, %get3A_92] {strides = array<i32>} : memref<128x128xf32, #tpu.memory_space<vmem>>, vector<16xf32>,
        %add3A_94 = arith.addf %get3A_90, %get3A_93 : vector<16xf32>
        %swap3A = arith.index_cast %scan3A_87 : i32 to index
        %swap3A_95 = arith.constant 0 : index
        %swap3A_96 = tpu.vector_load %arg13[%swap3A, %swap3A_95] {strides = array<i32>} : memref<128x128xf32, #tpu.memory_space<vmem>>, vector<16xf32>,
        tpu.vector_store %arg13[%swap3A, %swap3A_95], %add3A_94 {strides = array<i32>} : memref<128x128xf32, #tpu.memory_space<vmem>>, vector<16xf32>,
        %get3A_97 = arith.index_cast %scan3A_87 : i32 to index
        %get3A_98 = arith.constant 16 : index
        %get3A_99 = tpu.vector_load %arg13[%get3A_97, %get3A_98] {strides = array<i32>} : memref<128x128xf32, #tpu.memory_space<vmem>>, vector<16xf32>,
        %get3A_100 = arith.index_cast %scan3A_87 : i32 to index
        %get3A_101 = arith.constant 16 : index
        %get3A_102 = tpu.vector_load %arg15[%get3A_100, %get3A_101] {strides = array<i32>} : memref<128x128xf32, #tpu.memory_space<vmem>>, vector<16xf32>,
        %add3A_103 = arith.addf %get3A_99, %get3A_102 : vector<16xf32>
        %swap3A_104 = arith.index_cast %scan3A_87 : i32 to index
        %swap3A_105 = arith.constant 16 : index
        %swap3A_106 = tpu.vector_load %arg13[%swap3A_104, %swap3A_105] {strides = array<i32>} : memref<128x128xf32, #tpu.memory_space<vmem>>, vector<16xf32>,
        tpu.vector_store %arg13[%swap3A_104, %swap3A_105], %add3A_103 {strides = array<i32>} : memref<128x128xf32, #tpu.memory_space<vmem>>, vector<16xf32>,
        %get3A_107 = arith.index_cast %scan3A_87 : i32 to index
        %get3A_108 = arith.constant 32 : index
        %get3A_109 = tpu.vector_load %arg13[%get3A_107, %get3A_108] {strides = array<i32>} : memref<128x128xf32, #tpu.memory_space<vmem>>, vector<16xf32>,
        %get3A_110 = arith.index_cast %scan3A_87 : i32 to index
        %get3A_111 = arith.constant 32 : index
        %get3A_112 = tpu.vector_load %arg15[%get3A_110, %get3A_111] {strides = array<i32>} : memref<128x128xf32, #tpu.memory_space<vmem>>, vector<16xf32>,
        %add3A_113 = arith.addf %get3A_109, %get3A_112 : vector<16xf32>
        %swap3A_114 = arith.index_cast %scan3A_87 : i32 to index
        %swap3A_115 = arith.constant 32 : index
        %swap3A_116 = tpu.vector_load %arg13[%swap3A_114, %swap3A_115] {strides = array<i32>} : memref<128x128xf32, #tpu.memory_space<vmem>>, vector<16xf32>,
        tpu.vector_store %arg13[%swap3A_114, %swap3A_115], %add3A_113 {strides = array<i32>} : memref<128x128xf32, #tpu.memory_space<vmem>>, vector<16xf32>,
        %get3A_117 = arith.index_cast %scan3A_87 : i32 to index
        %get3A_118 = arith.constant 48 : index
        %get3A_119 = tpu.vector_load %arg13[%get3A_117, %get3A_118] {strides = array<i32>} : memref<128x128xf32, #tpu.memory_space<vmem>>, vector<16xf32>,
        %get3A_120 = arith.index_cast %scan3A_87 : i32 to index
        %get3A_121 = arith.constant 48 : index
        %get3A_122 = tpu.vector_load %arg15[%get3A_120, %get3A_121] {strides = array<i32>} : memref<128x128xf32, #tpu.memory_space<vmem>>, vector<16xf32>,
        %add3A_123 = arith.addf %get3A_119, %get3A_122 : vector<16xf32>
        %swap3A_124 = arith.index_cast %scan3A_87 : i32 to index
        %swap3A_125 = arith.constant 48 : index
        %swap3A_126 = tpu.vector_load %arg13[%swap3A_124, %swap3A_125] {strides = array<i32>} : memref<128x128xf32, #tpu.memory_space<vmem>>, vector<16xf32>,
        tpu.vector_store %arg13[%swap3A_124, %swap3A_125], %add3A_123 {strides = array<i32>} : memref<128x128xf32, #tpu.memory_space<vmem>>, vector<16xf32>,
        %get3A_127 = arith.index_cast %scan3A_87 : i32 to index
        %get3A_128 = arith.constant 64 : index
        %get3A_129 = tpu.vector_load %arg13[%get3A_127, %get3A_128] {strides = array<i32>} : memref<128x128xf32, #tpu.memory_space<vmem>>, vector<16xf32>,
        %get3A_130 = arith.index_cast %scan3A_87 : i32 to index
        %get3A_131 = arith.constant 64 : index
        %get3A_132 = tpu.vector_load %arg15[%get3A_130, %get3A_131] {strides = array<i32>} : memref<128x128xf32, #tpu.memory_space<vmem>>, vector<16xf32>,
        %add3A_133 = arith.addf %get3A_129, %get3A_132 : vector<16xf32>
        %swap3A_134 = arith.index_cast %scan3A_87 : i32 to index
        %swap3A_135 = arith.constant 64 : index
        %swap3A_136 = tpu.vector_load %arg13[%swap3A_134, %swap3A_135] {strides = array<i32>} : memref<128x128xf32, #tpu.memory_space<vmem>>, vector<16xf32>,
        tpu.vector_store %arg13[%swap3A_134, %swap3A_135], %add3A_133 {strides = array<i32>} : memref<128x128xf32, #tpu.memory_space<vmem>>, vector<16xf32>,
        %get3A_137 = arith.index_cast %scan3A_87 : i32 to index
        %get3A_138 = arith.constant 80 : index
        %get3A_139 = tpu.vector_load %arg13[%get3A_137, %get3A_138] {strides = array<i32>} : memref<128x128xf32, #tpu.memory_space<vmem>>, vector<16xf32>,
        %get3A_140 = arith.index_cast %scan3A_87 : i32 to index
        %get3A_141 = arith.constant 80 : index
        %get3A_142 = tpu.vector_load %arg15[%get3A_140, %get3A_141] {strides = array<i32>} : memref<128x128xf32, #tpu.memory_space<vmem>>, vector<16xf32>,
        %add3A_143 = arith.addf %get3A_139, %get3A_142 : vector<16xf32>
        %swap3A_144 = arith.index_cast %scan3A_87 : i32 to index
        %swap3A_145 = arith.constant 80 : index
        %swap3A_146 = tpu.vector_load %arg13[%swap3A_144, %swap3A_145] {strides = array<i32>} : memref<128x128xf32, #tpu.memory_space<vmem>>, vector<16xf32>,
        tpu.vector_store %arg13[%swap3A_144, %swap3A_145], %add3A_143 {strides = array<i32>} : memref<128x128xf32, #tpu.memory_space<vmem>>, vector<16xf32>,
        %get3A_147 = arith.index_cast %scan3A_87 : i32 to index
        %get3A_148 = arith.constant 96 : index
        %get3A_149 = tpu.vector_load %arg13[%get3A_147, %get3A_148] {strides = array<i32>} : memref<128x128xf32, #tpu.memory_space<vmem>>, vector<16xf32>,
        %get3A_150 = arith.index_cast %scan3A_87 : i32 to index
        %get3A_151 = arith.constant 96 : index
        %get3A_152 = tpu.vector_load %arg15[%get3A_150, %get3A_151] {strides = array<i32>} : memref<128x128xf32, #tpu.memory_space<vmem>>, vector<16xf32>,
        %add3A_153 = arith.addf %get3A_149, %get3A_152 : vector<16xf32>
        %swap3A_154 = arith.index_cast %scan3A_87 : i32 to index
        %swap3A_155 = arith.constant 96 : index
        %swap3A_156 = tpu.vector_load %arg13[%swap3A_154, %swap3A_155] {strides = array<i32>} : memref<128x128xf32, #tpu.memory_space<vmem>>, vector<16xf32>,
        tpu.vector_store %arg13[%swap3A_154, %swap3A_155], %add3A_153 {strides = array<i32>} : memref<128x128xf32, #tpu.memory_space<vmem>>, vector<16xf32>,
        %get3A_157 = arith.index_cast %scan3A_87 : i32 to index
        %get3A_158 = arith.constant 112 : index
        %get3A_159 = tpu.vector_load %arg13[%get3A_157, %get3A_158] {strides = array<i32>} : memref<128x128xf32, #tpu.memory_space<vmem>>, vector<16xf32>,
        %get3A_160 = arith.index_cast %scan3A_87 : i32 to index
        %get3A_161 = arith.constant 112 : index
        %get3A_162 = tpu.vector_load %arg15[%get3A_160, %get3A_161] {strides = array<i32>} : memref<128x128xf32, #tpu.memory_space<vmem>>, vector<16xf32>,
        %add3A_163 = arith.addf %get3A_159, %get3A_162 : vector<16xf32>
        %swap3A_164 = arith.index_cast %scan3A_87 : i32 to index
        %swap3A_165 = arith.constant 112 : index
        %swap3A_166 = tpu.vector_load %arg13[%swap3A_164, %swap3A_165] {strides = array<i32>} : memref<128x128xf32, #tpu.memory_space<vmem>>, vector<16xf32>,
        tpu.vector_store %arg13[%swap3A_164, %swap3A_165], %add3A_163 {strides = array<i32>} : memref<128x128xf32, #tpu.memory_space<vmem>>, vector<16xf32>,
        %scan3A_167 = arith.constant 0 : i32
        scf.yield %scan3A_167 : i32
      }
      %scan3A_52 = arith.constant 128 : i32
      %add3A_53 = arith.addi %mul3A_2, %mul3A_21 : i32
      %dma_start3A_54 = arith.constant 0 : i32
      %dma_start3A_55 = tpu.memref_slice %arg9[%add3A_53, %dma_start3A_54] : memref<81920x128xf32, #tpu.memory_space<hbm>> -> memref<128x128xf32, #tpu.memory_space<hbm>>
      %dma_start3A_56 = arith.constant 0 : i32
      %dma_start3A_57 = tpu.memref_slice %arg9[%add3A_53, %dma_start3A_56] : memref<81920x128xf32, #tpu.memory_space<hbm>> -> memref<128x128xf32, #tpu.memory_space<hbm>>
      tpu.enqueue_dma source(%arg13 : memref<128x128xf32, #tpu.memory_space<vmem>>) target(%dma_start3A_57 : memref<128x128xf32, #tpu.memory_space<hbm>>) target_semaphore(%arg25 : memref<!tpu.dma_semaphore, #tpu.memory_space<semaphore_mem>>)
      %dma_wait3A_58 = tpu.memref_slice %arg11[%add3A_23] : memref<2560xi32, #tpu.memory_space<vmem>> -> memref<128xi32, #tpu.memory_space<vmem>>
      %dma_wait3A_59 = arith.constant 0 : i32
      %dma_wait3A_60 = arith.constant 0 : i32
      %dma_wait3A_61 = tpu.memref_slice %arg2[%dma_wait3A_59, %dma_wait3A_60] : memref<10000x128xf32, #tpu.memory_space<hbm>> -> memref<10000x128xf32, #tpu.memory_space<hbm>>
      tpu.wait_indirect_dma semaphore(%arg23 : memref<!tpu.dma_semaphore, #tpu.memory_space<semaphore_mem>>) src(%dma_wait3A_61 : memref<10000x128xf32, #tpu.memory_space<hbm>>) dst(%arg14 : memref<128x128xf32, #tpu.memory_space<vmem>>)
      %dma_wait3A_62 = tpu.memref_slice %arg12[%add3A_23] : memref<2560xi32, #tpu.memory_space<vmem>> -> memref<128xi32, #tpu.memory_space<vmem>>
      %dma_wait3A_63 = arith.constant 0 : i32
      %dma_wait3A_64 = arith.constant 0 : i32
      %dma_wait3A_65 = tpu.memref_slice %arg3[%dma_wait3A_63, %dma_wait3A_64] : memref<10000x128xf32, #tpu.memory_space<hbm>> -> memref<10000x128xf32, #tpu.memory_space<hbm>>
      tpu.wait_indirect_dma semaphore(%arg24 : memref<!tpu.dma_semaphore, #tpu.memory_space<semaphore_mem>>) src(%dma_wait3A_65 : memref<10000x128xf32, #tpu.memory_space<hbm>>) dst(%arg16 : memref<128x128xf32, #tpu.memory_space<vmem>>)
      %scan3A_66 = arith.constant 0 : i32
      %scan3A_67 = arith.constant 0 : i32
      %scan3A_68 = arith.constant 128 : i32
      %scan3A_69 = arith.addi %scan3A_67, %scan3A_68 : i32
      %scan3A_70 = arith.constant 1 : i32
      %scan3A_71 = scf.for %scan3A_87 = %scan3A_67 to %scan3A_69 step %scan3A_70 iter_args(%scan3A_88 = %scan3A_66) -> (i32)  : i32 {
        %get3A = arith.index_cast %scan3A_87 : i32 to index
        %get3A_89 = arith.constant 0 : index
        %get3A_90 = tpu.vector_load %arg14[%get3A, %get3A_89] {strides = array<i32>} : memref<128x128xf32, #tpu.memory_space<vmem>>, vector<16xf32>,
        %get3A_91 = arith.index_cast %scan3A_87 : i32 to index
        %get3A_92 = arith.constant 0 : index
        %get3A_93 = tpu.vector_load %arg16[%get3A_91, %get3A_92] {strides = array<i32>} : memref<128x128xf32, #tpu.memory_space<vmem>>, vector<16xf32>,
        %add3A_94 = arith.addf %get3A_90, %get3A_93 : vector<16xf32>
        %swap3A = arith.index_cast %scan3A_87 : i32 to index
        %swap3A_95 = arith.constant 0 : index
        %swap3A_96 = tpu.vector_load %arg14[%swap3A, %swap3A_95] {strides = array<i32>} : memref<128x128xf32, #tpu.memory_space<vmem>>, vector<16xf32>,
        tpu.vector_store %arg14[%swap3A, %swap3A_95], %add3A_94 {strides = array<i32>} : memref<128x128xf32, #tpu.memory_space<vmem>>, vector<16xf32>,
        %get3A_97 = arith.index_cast %scan3A_87 : i32 to index
        %get3A_98 = arith.constant 16 : index
        %get3A_99 = tpu.vector_load %arg14[%get3A_97, %get3A_98] {strides = array<i32>} : memref<128x128xf32, #tpu.memory_space<vmem>>, vector<16xf32>,
        %get3A_100 = arith.index_cast %scan3A_87 : i32 to index
        %get3A_101 = arith.constant 16 : index
        %get3A_102 = tpu.vector_load %arg16[%get3A_100, %get3A_101] {strides = array<i32>} : memref<128x128xf32, #tpu.memory_space<vmem>>, vector<16xf32>,
        %add3A_103 = arith.addf %get3A_99, %get3A_102 : vector<16xf32>
        %swap3A_104 = arith.index_cast %scan3A_87 : i32 to index
        %swap3A_105 = arith.constant 16 : index
        %swap3A_106 = tpu.vector_load %arg14[%swap3A_104, %swap3A_105] {strides = array<i32>} : memref<128x128xf32, #tpu.memory_space<vmem>>, vector<16xf32>,
        tpu.vector_store %arg14[%swap3A_104, %swap3A_105], %add3A_103 {strides = array<i32>} : memref<128x128xf32, #tpu.memory_space<vmem>>, vector<16xf32>,
        %get3A_107 = arith.index_cast %scan3A_87 : i32 to index
        %get3A_108 = arith.constant 32 : index
        %get3A_109 = tpu.vector_load %arg14[%get3A_107, %get3A_108] {strides = array<i32>} : memref<128x128xf32, #tpu.memory_space<vmem>>, vector<16xf32>,
        %get3A_110 = arith.index_cast %scan3A_87 : i32 to index
        %get3A_111 = arith.constant 32 : index
        %get3A_112 = tpu.vector_load %arg16[%get3A_110, %get3A_111] {strides = array<i32>} : memref<128x128xf32, #tpu.memory_space<vmem>>, vector<16xf32>,
        %add3A_113 = arith.addf %get3A_109, %get3A_112 : vector<16xf32>
        %swap3A_114 = arith.index_cast %scan3A_87 : i32 to index
        %swap3A_115 = arith.constant 32 : index
        %swap3A_116 = tpu.vector_load %arg14[%swap3A_114, %swap3A_115] {strides = array<i32>} : memref<128x128xf32, #tpu.memory_space<vmem>>, vector<16xf32>,
        tpu.vector_store %arg14[%swap3A_114, %swap3A_115], %add3A_113 {strides = array<i32>} : memref<128x128xf32, #tpu.memory_space<vmem>>, vector<16xf32>,
        %get3A_117 = arith.index_cast %scan3A_87 : i32 to index
        %get3A_118 = arith.constant 48 : index
        %get3A_119 = tpu.vector_load %arg14[%get3A_117, %get3A_118] {strides = array<i32>} : memref<128x128xf32, #tpu.memory_space<vmem>>, vector<16xf32>,
        %get3A_120 = arith.index_cast %scan3A_87 : i32 to index
        %get3A_121 = arith.constant 48 : index
        %get3A_122 = tpu.vector_load %arg16[%get3A_120, %get3A_121] {strides = array<i32>} : memref<128x128xf32, #tpu.memory_space<vmem>>, vector<16xf32>,
        %add3A_123 = arith.addf %get3A_119, %get3A_122 : vector<16xf32>
        %swap3A_124 = arith.index_cast %scan3A_87 : i32 to index
        %swap3A_125 = arith.constant 48 : index
        %swap3A_126 = tpu.vector_load %arg14[%swap3A_124, %swap3A_125] {strides = array<i32>} : memref<128x128xf32, #tpu.memory_space<vmem>>, vector<16xf32>,
        tpu.vector_store %arg14[%swap3A_124, %swap3A_125], %add3A_123 {strides = array<i32>} : memref<128x128xf32, #tpu.memory_space<vmem>>, vector<16xf32>,
        %get3A_127 = arith.index_cast %scan3A_87 : i32 to index
        %get3A_128 = arith.constant 64 : index
        %get3A_129 = tpu.vector_load %arg14[%get3A_127, %get3A_128] {strides = array<i32>} : memref<128x128xf32, #tpu.memory_space<vmem>>, vector<16xf32>,
        %get3A_130 = arith.index_cast %scan3A_87 : i32 to index
        %get3A_131 = arith.constant 64 : index
        %get3A_132 = tpu.vector_load %arg16[%get3A_130, %get3A_131] {strides = array<i32>} : memref<128x128xf32, #tpu.memory_space<vmem>>, vector<16xf32>,
        %add3A_133 = arith.addf %get3A_129, %get3A_132 : vector<16xf32>
        %swap3A_134 = arith.index_cast %scan3A_87 : i32 to index
        %swap3A_135 = arith.constant 64 : index
        %swap3A_136 = tpu.vector_load %arg14[%swap3A_134, %swap3A_135] {strides = array<i32>} : memref<128x128xf32, #tpu.memory_space<vmem>>, vector<16xf32>,
        tpu.vector_store %arg14[%swap3A_134, %swap3A_135], %add3A_133 {strides = array<i32>} : memref<128x128xf32, #tpu.memory_space<vmem>>, vector<16xf32>,
        %get3A_137 = arith.index_cast %scan3A_87 : i32 to index
        %get3A_138 = arith.constant 80 : index
        %get3A_139 = tpu.vector_load %arg14[%get3A_137, %get3A_138] {strides = array<i32>} : memref<128x128xf32, #tpu.memory_space<vmem>>, vector<16xf32>,
        %get3A_140 = arith.index_cast %scan3A_87 : i32 to index
        %get3A_141 = arith.constant 80 : index
        %get3A_142 = tpu.vector_load %arg16[%get3A_140, %get3A_141] {strides = array<i32>} : memref<128x128xf32, #tpu.memory_space<vmem>>, vector<16xf32>,
        %add3A_143 = arith.addf %get3A_139, %get3A_142 : vector<16xf32>
        %swap3A_144 = arith.index_cast %scan3A_87 : i32 to index
        %swap3A_145 = arith.constant 80 : index
        %swap3A_146 = tpu.vector_load %arg14[%swap3A_144, %swap3A_145] {strides = array<i32>} : memref<128x128xf32, #tpu.memory_space<vmem>>, vector<16xf32>,
        tpu.vector_store %arg14[%swap3A_144, %swap3A_145], %add3A_143 {strides = array<i32>} : memref<128x128xf32, #tpu.memory_space<vmem>>, vector<16xf32>,
        %get3A_147 = arith.index_cast %scan3A_87 : i32 to index
        %get3A_148 = arith.constant 96 : index
        %get3A_149 = tpu.vector_load %arg14[%get3A_147, %get3A_148] {strides = array<i32>} : memref<128x128xf32, #tpu.memory_space<vmem>>, vector<16xf32>,
        %get3A_150 = arith.index_cast %scan3A_87 : i32 to index
        %get3A_151 = arith.constant 96 : index
        %get3A_152 = tpu.vector_load %arg16[%get3A_150, %get3A_151] {strides = array<i32>} : memref<128x128xf32, #tpu.memory_space<vmem>>, vector<16xf32>,
        %add3A_153 = arith.addf %get3A_149, %get3A_152 : vector<16xf32>
        %swap3A_154 = arith.index_cast %scan3A_87 : i32 to index
        %swap3A_155 = arith.constant 96 : index
        %swap3A_156 = tpu.vector_load %arg14[%swap3A_154, %swap3A_155] {strides = array<i32>} : memref<128x128xf32, #tpu.memory_space<vmem>>, vector<16xf32>,
        tpu.vector_store %arg14[%swap3A_154, %swap3A_155], %add3A_153 {strides = array<i32>} : memref<128x128xf32, #tpu.memory_space<vmem>>, vector<16xf32>,
        %get3A_157 = arith.index_cast %scan3A_87 : i32 to index
        %get3A_158 = arith.constant 112 : index
        %get3A_159 = tpu.vector_load %arg14[%get3A_157, %get3A_158] {strides = array<i32>} : memref<128x128xf32, #tpu.memory_space<vmem>>, vector<16xf32>,
        %get3A_160 = arith.index_cast %scan3A_87 : i32 to index
        %get3A_161 = arith.constant 112 : index
        %get3A_162 = tpu.vector_load %arg16[%get3A_160, %get3A_161] {strides = array<i32>} : memref<128x128xf32, #tpu.memory_space<vmem>>, vector<16xf32>,
        %add3A_163 = arith.addf %get3A_159, %get3A_162 : vector<16xf32>
        %swap3A_164 = arith.index_cast %scan3A_87 : i32 to index
        %swap3A_165 = arith.constant 112 : index
        %swap3A_166 = tpu.vector_load %arg14[%swap3A_164, %swap3A_165] {strides = array<i32>} : memref<128x128xf32, #tpu.memory_space<vmem>>, vector<16xf32>,
        tpu.vector_store %arg14[%swap3A_164, %swap3A_165], %add3A_163 {strides = array<i32>} : memref<128x128xf32, #tpu.memory_space<vmem>>, vector<16xf32>,
        %scan3A_167 = arith.constant 0 : i32
        scf.yield %scan3A_167 : i32
      }
      %scan3A_72 = arith.constant 128 : i32
      %add3A_73 = arith.addi %mul3A_2, %add3A_23 : i32
      %dma_start3A_74 = arith.constant 0 : i32
      %dma_start3A_75 = tpu.memref_slice %arg9[%add3A_73, %dma_start3A_74] : memref<81920x128xf32, #tpu.memory_space<hbm>> -> memref<128x128xf32, #tpu.memory_space<hbm>>
      %dma_start3A_76 = arith.constant 0 : i32
      %dma_start3A_77 = tpu.memref_slice %arg9[%add3A_73, %dma_start3A_76] : memref<81920x128xf32, #tpu.memory_space<hbm>> -> memref<128x128xf32, #tpu.memory_space<hbm>>
      tpu.enqueue_dma source(%arg14 : memref<128x128xf32, #tpu.memory_space<vmem>>) target(%dma_start3A_77 : memref<128x128xf32, #tpu.memory_space<hbm>>) target_semaphore(%arg25 : memref<!tpu.dma_semaphore, #tpu.memory_space<semaphore_mem>>)
      %dma_wait3A_78 = arith.constant 0 : i32
      %dma_wait3A_79 = tpu.memref_slice %arg9[%add3A_53, %dma_wait3A_78] : memref<81920x128xf32, #tpu.memory_space<hbm>> -> memref<128x128xf32, #tpu.memory_space<hbm>>
      %dma_wait3A_80 = arith.constant 0 : i32
      %dma_wait3A_81 = tpu.memref_slice %arg9[%add3A_53, %dma_wait3A_80] : memref<81920x128xf32, #tpu.memory_space<hbm>> -> memref<128x128xf32, #tpu.memory_space<hbm>>
      tpu.wait_dma2 semaphore(%arg25 : memref<!tpu.dma_semaphore, #tpu.memory_space<semaphore_mem>>) src(%arg13 : memref<128x128xf32, #tpu.memory_space<vmem>>) dst(%dma_wait3A_81 : memref<128x128xf32, #tpu.memory_space<hbm>>)
      %dma_wait3A_82 = arith.constant 0 : i32
      %dma_wait3A_83 = tpu.memref_slice %arg9[%add3A_73, %dma_wait3A_82] : memref<81920x128xf32, #tpu.memory_space<hbm>> -> memref<128x128xf32, #tpu.memory_space<hbm>>
      %dma_wait3A_84 = arith.constant 0 : i32
      %dma_wait3A_85 = tpu.memref_slice %arg9[%add3A_73, %dma_wait3A_84] : memref<81920x128xf32, #tpu.memory_space<hbm>> -> memref<128x128xf32, #tpu.memory_space<hbm>>
      tpu.wait_dma2 semaphore(%arg25 : memref<!tpu.dma_semaphore, #tpu.memory_space<semaphore_mem>>) src(%arg14 : memref<128x128xf32, #tpu.memory_space<vmem>>) dst(%dma_wait3A_85 : memref<128x128xf32, #tpu.memory_space<hbm>>)
      %scan3A_86 = arith.constant 0 : i32
      scf.yield %scan3A_86 : i32
    }
    %scan3A_15 = arith.constant 10 : i32
    return
  }
}

#map = affine_map<(d0, d1) -> (0, 0)>
#map1 = affine_map<(d0, d1) -> (0)>
module attributes {stable_mosaic.version = 14 : i64} {
  func.func @_gather_body(%arg0: i32, %arg1: i32, %arg2: memref<10000x128xf32, #tpu.memory_space<hbm>>, %arg3: memref<10000x128xf32, #tpu.memory_space<hbm>>, %arg4: memref<81920xi32, #tpu.memory_space<hbm>>, %arg5: memref<81920xi32, #tpu.memory_space<hbm>>, %arg6: memref<10000xf32, #tpu.memory_space<hbm>>, %arg7: memref<10000xf32, #tpu.memory_space<hbm>>, %arg8: memref<10000xf32, #tpu.memory_space<hbm>>, %arg9: memref<81920x128xf32, #tpu.memory_space<hbm>>, %arg10: memref<81920xf32, #tpu.memory_space<hbm>>, %arg11: memref<2560xi32, #tpu.memory_space<vmem>>, %arg12: memref<2560xi32, #tpu.memory_space<vmem>>, %arg13: memref<128x128xf32, #tpu.memory_space<vmem>>, %arg14: memref<128x128xf32, #tpu.memory_space<vmem>>, %arg15: memref<128x128xf32, #tpu.memory_space<vmem>>, %arg16: memref<128x128xf32, #tpu.memory_space<vmem>>, %arg17: memref<10000xf32, #tpu.memory_space<vmem>>, %arg18: memref<10000xf32, #tpu.memory_space<vmem>>, %arg19: memref<10000xf32, #tpu.memory_space<vmem>>, %arg20: memref<2560xf32, #tpu.memory_space<vmem>>, %arg21: memref<!tpu.dma_semaphore, #tpu.memory_space<semaphore_mem>>, %arg22: memref<!tpu.dma_semaphore, #tpu.memory_space<semaphore_mem>>, %arg23: memref<!tpu.dma_semaphore, #tpu.memory_space<semaphore_mem>>, %arg24: memref<!tpu.dma_semaphore, #tpu.memory_space<semaphore_mem>>, %arg25: memref<!tpu.dma_semaphore, #tpu.memory_space<semaphore_mem>>) attributes {dimension_semantics = [#tpu.dimension_semantics<core_parallel>, #tpu.dimension_semantics<subcore_parallel>], iteration_bounds = array<i64: 2, 16>, scalar_prefetch = 0 : i64, scratch_operands = 15 : i64, tpu.core_type = #tpu.core_type<sc_vector_subcore>, window_params = [{transform_indices = #map}, {transform_indices = #map}, {transform_indices = #map1}, {transform_indices = #map1}, {transform_indices = #map1}, {transform_indices = #map1}, {transform_indices = #map1}, {transform_indices = #map}, {transform_indices = #map1}]} {
    %mul3A = arith.constant 2 : i32
    %mul3A_0 = arith.muli %arg1, %mul3A : i32
    %add3A = arith.addi %mul3A_0, %arg0 : i32
    %mul3A_1 = arith.constant 2560 : i32
    %mul3A_2 = arith.muli %add3A, %mul3A_1 : i32
    "tpu.region"() ({
      %run_scoped3A = tpu.sem_alloc : memref<!tpu.dma_semaphore, #tpu.memory_space<semaphore_mem>>
      tpu.enqueue_dma source(%arg6 : memref<10000xf32, #tpu.memory_space<hbm>>) target(%arg17 : memref<10000xf32, #tpu.memory_space<vmem>>) target_semaphore(%run_scoped3A : memref<!tpu.dma_semaphore, #tpu.memory_space<semaphore_mem>>)
      tpu.wait_dma2 semaphore(%run_scoped3A : memref<!tpu.dma_semaphore, #tpu.memory_space<semaphore_mem>>) src(%arg6 : memref<10000xf32, #tpu.memory_space<hbm>>) dst(%arg17 : memref<10000xf32, #tpu.memory_space<vmem>>)
      tpu.yield
    }) : () -> ()
    "tpu.region"() ({
      %run_scoped3A = tpu.sem_alloc : memref<!tpu.dma_semaphore, #tpu.memory_space<semaphore_mem>>
      tpu.enqueue_dma source(%arg7 : memref<10000xf32, #tpu.memory_space<hbm>>) target(%arg18 : memref<10000xf32, #tpu.memory_space<vmem>>) target_semaphore(%run_scoped3A : memref<!tpu.dma_semaphore, #tpu.memory_space<semaphore_mem>>)
      tpu.wait_dma2 semaphore(%run_scoped3A : memref<!tpu.dma_semaphore, #tpu.memory_space<semaphore_mem>>) src(%arg7 : memref<10000xf32, #tpu.memory_space<hbm>>) dst(%arg18 : memref<10000xf32, #tpu.memory_space<vmem>>)
      tpu.yield
    }) : () -> ()
    "tpu.region"() ({
      %run_scoped3A = tpu.sem_alloc : memref<!tpu.dma_semaphore, #tpu.memory_space<semaphore_mem>>
      tpu.enqueue_dma source(%arg8 : memref<10000xf32, #tpu.memory_space<hbm>>) target(%arg19 : memref<10000xf32, #tpu.memory_space<vmem>>) target_semaphore(%run_scoped3A : memref<!tpu.dma_semaphore, #tpu.memory_space<semaphore_mem>>)
      tpu.wait_dma2 semaphore(%run_scoped3A : memref<!tpu.dma_semaphore, #tpu.memory_space<semaphore_mem>>) src(%arg8 : memref<10000xf32, #tpu.memory_space<hbm>>) dst(%arg19 : memref<10000xf32, #tpu.memory_space<vmem>>)
      tpu.yield
    }) : () -> ()
    "tpu.region"() ({
      %run_scoped3A = tpu.sem_alloc : memref<!tpu.dma_semaphore, #tpu.memory_space<semaphore_mem>>
      %dma_start3A = tpu.memref_slice %arg4[%mul3A_2] : memref<81920xi32, #tpu.memory_space<hbm>> -> memref<2560xi32, #tpu.memory_space<hbm>>
      %dma_start3A_16 = tpu.memref_slice %arg4[%mul3A_2] : memref<81920xi32, #tpu.memory_space<hbm>> -> memref<2560xi32, #tpu.memory_space<hbm>>
      tpu.enqueue_dma source(%dma_start3A_16 : memref<2560xi32, #tpu.memory_space<hbm>>) target(%arg11 : memref<2560xi32, #tpu.memory_space<vmem>>) target_semaphore(%run_scoped3A : memref<!tpu.dma_semaphore, #tpu.memory_space<semaphore_mem>>)
      %dma_wait3A = tpu.memref_slice %arg4[%mul3A_2] : memref<81920xi32, #tpu.memory_space<hbm>> -> memref<2560xi32, #tpu.memory_space<hbm>>
      %dma_wait3A_17 = tpu.memref_slice %arg4[%mul3A_2] : memref<81920xi32, #tpu.memory_space<hbm>> -> memref<2560xi32, #tpu.memory_space<hbm>>
      tpu.wait_dma2 semaphore(%run_scoped3A : memref<!tpu.dma_semaphore, #tpu.memory_space<semaphore_mem>>) src(%dma_wait3A_17 : memref<2560xi32, #tpu.memory_space<hbm>>) dst(%arg11 : memref<2560xi32, #tpu.memory_space<vmem>>)
      tpu.yield
    }) : () -> ()
    "tpu.region"() ({
      %run_scoped3A = tpu.sem_alloc : memref<!tpu.dma_semaphore, #tpu.memory_space<semaphore_mem>>
      %dma_start3A = tpu.memref_slice %arg5[%mul3A_2] : memref<81920xi32, #tpu.memory_space<hbm>> -> memref<2560xi32, #tpu.memory_space<hbm>>
      %dma_start3A_16 = tpu.memref_slice %arg5[%mul3A_2] : memref<81920xi32, #tpu.memory_space<hbm>> -> memref<2560xi32, #tpu.memory_space<hbm>>
      tpu.enqueue_dma source(%dma_start3A_16 : memref<2560xi32, #tpu.memory_space<hbm>>) target(%arg12 : memref<2560xi32, #tpu.memory_space<vmem>>) target_semaphore(%run_scoped3A : memref<!tpu.dma_semaphore, #tpu.memory_space<semaphore_mem>>)
      %dma_wait3A = tpu.memref_slice %arg5[%mul3A_2] : memref<81920xi32, #tpu.memory_space<hbm>> -> memref<2560xi32, #tpu.memory_space<hbm>>
      %dma_wait3A_17 = tpu.memref_slice %arg5[%mul3A_2] : memref<81920xi32, #tpu.memory_space<hbm>> -> memref<2560xi32, #tpu.memory_space<hbm>>
      tpu.wait_dma2 semaphore(%run_scoped3A : memref<!tpu.dma_semaphore, #tpu.memory_space<semaphore_mem>>) src(%dma_wait3A_17 : memref<2560xi32, #tpu.memory_space<hbm>>) dst(%arg12 : memref<2560xi32, #tpu.memory_space<vmem>>)
      tpu.yield
    }) : () -> ()
    %scan3A = arith.constant 0 : i32
    %scan3A_3 = arith.constant 0 : i32
    %scan3A_4 = arith.constant 160 : i32
    %scan3A_5 = arith.addi %scan3A_3, %scan3A_4 : i32
    %scan3A_6 = arith.constant 1 : i32
    %scan3A_7 = scf.for %scan3A_16 = %scan3A_3 to %scan3A_5 step %scan3A_6 iter_args(%scan3A_17 = %scan3A) -> (i32)  : i32 {
      %mul3A_18 = arith.constant 16 : i32
      %mul3A_19 = arith.muli %scan3A_16, %mul3A_18 : i32
      %get3A = arith.index_cast %mul3A_19 : i32 to index
      %get3A_20 = tpu.vector_load %arg11[%get3A] {strides = array<i32>} : memref<2560xi32, #tpu.memory_space<vmem>>, vector<16xi32>,
      %get3A_21 = arith.index_cast %mul3A_19 : i32 to index
      %get3A_22 = tpu.vector_load %arg12[%get3A_21] {strides = array<i32>} : memref<2560xi32, #tpu.memory_space<vmem>>, vector<16xi32>,
      %gather3A = tpu.vector_load_idx %arg17[%get3A_20] : memref<10000xf32, #tpu.memory_space<vmem>>[vector<16xi32>], vector<16xf32>,
      %gather3A_23 = tpu.vector_load_idx %arg17[%get3A_22] : memref<10000xf32, #tpu.memory_space<vmem>>[vector<16xi32>], vector<16xf32>,
      %sub3A = arith.subf %gather3A, %gather3A_23 : vector<16xf32>
      %gather3A_24 = tpu.vector_load_idx %arg18[%get3A_20] : memref<10000xf32, #tpu.memory_space<vmem>>[vector<16xi32>], vector<16xf32>,
      %gather3A_25 = tpu.vector_load_idx %arg18[%get3A_22] : memref<10000xf32, #tpu.memory_space<vmem>>[vector<16xi32>], vector<16xf32>,
      %sub3A_26 = arith.subf %gather3A_24, %gather3A_25 : vector<16xf32>
      %gather3A_27 = tpu.vector_load_idx %arg19[%get3A_20] : memref<10000xf32, #tpu.memory_space<vmem>>[vector<16xi32>], vector<16xf32>,
      %gather3A_28 = tpu.vector_load_idx %arg19[%get3A_22] : memref<10000xf32, #tpu.memory_space<vmem>>[vector<16xi32>], vector<16xf32>,
      %sub3A_29 = arith.subf %gather3A_27, %gather3A_28 : vector<16xf32>
      %mul3A_30 = arith.mulf %sub3A, %sub3A : vector<16xf32>
      %mul3A_31 = arith.mulf %sub3A_26, %sub3A_26 : vector<16xf32>
      %add3A_32 = arith.addf %mul3A_30, %mul3A_31 : vector<16xf32>
      %mul3A_33 = arith.mulf %sub3A_29, %sub3A_29 : vector<16xf32>
      %add3A_34 = arith.addf %add3A_32, %mul3A_33 : vector<16xf32>
      %swap3A = arith.index_cast %mul3A_19 : i32 to index
      %swap3A_35 = tpu.vector_load %arg20[%swap3A] {strides = array<i32>} : memref<2560xf32, #tpu.memory_space<vmem>>, vector<16xf32>,
      tpu.vector_store %arg20[%swap3A], %add3A_34 {strides = array<i32>} : memref<2560xf32, #tpu.memory_space<vmem>>, vector<16xf32>,
      %scan3A_36 = arith.constant 0 : i32
      scf.yield %scan3A_36 : i32
    }
    %scan3A_8 = arith.constant 160 : i32
    "tpu.region"() ({
      %run_scoped3A = tpu.sem_alloc : memref<!tpu.dma_semaphore, #tpu.memory_space<semaphore_mem>>
      %dma_start3A = tpu.memref_slice %arg10[%mul3A_2] : memref<81920xf32, #tpu.memory_space<hbm>> -> memref<2560xf32, #tpu.memory_space<hbm>>
      %dma_start3A_16 = tpu.memref_slice %arg10[%mul3A_2] : memref<81920xf32, #tpu.memory_space<hbm>> -> memref<2560xf32, #tpu.memory_space<hbm>>
      tpu.enqueue_dma source(%arg20 : memref<2560xf32, #tpu.memory_space<vmem>>) target(%dma_start3A_16 : memref<2560xf32, #tpu.memory_space<hbm>>) target_semaphore(%run_scoped3A : memref<!tpu.dma_semaphore, #tpu.memory_space<semaphore_mem>>)
      %dma_wait3A = tpu.memref_slice %arg10[%mul3A_2] : memref<81920xf32, #tpu.memory_space<hbm>> -> memref<2560xf32, #tpu.memory_space<hbm>>
      %dma_wait3A_17 = tpu.memref_slice %arg10[%mul3A_2] : memref<81920xf32, #tpu.memory_space<hbm>> -> memref<2560xf32, #tpu.memory_space<hbm>>
      tpu.wait_dma2 semaphore(%run_scoped3A : memref<!tpu.dma_semaphore, #tpu.memory_space<semaphore_mem>>) src(%arg20 : memref<2560xf32, #tpu.memory_space<vmem>>) dst(%dma_wait3A_17 : memref<2560xf32, #tpu.memory_space<hbm>>)
      tpu.yield
    }) : () -> ()
    %scan3A_9 = arith.constant 0 : i32
    %scan3A_10 = arith.constant 0 : i32
    %scan3A_11 = arith.constant 10 : i32
    %scan3A_12 = arith.addi %scan3A_10, %scan3A_11 : i32
    %scan3A_13 = arith.constant 1 : i32
    %scan3A_14 = scf.for %scan3A_16 = %scan3A_10 to %scan3A_12 step %scan3A_13 iter_args(%scan3A_17 = %scan3A_9) -> (i32)  : i32 {
      %mul3A_18 = arith.constant 2 : i32
      %mul3A_19 = arith.muli %scan3A_16, %mul3A_18 : i32
      %mul3A_20 = arith.constant 128 : i32
      %mul3A_21 = arith.muli %mul3A_19, %mul3A_20 : i32
      %add3A_22 = arith.constant 128 : i32
      %add3A_23 = arith.addi %mul3A_21, %add3A_22 : i32
      %dma_start3A = tpu.memref_slice %arg11[%mul3A_21] : memref<2560xi32, #tpu.memory_space<vmem>> -> memref<128xi32, #tpu.memory_space<vmem>>
      %dma_start3A_24 = arith.constant 0 : i32
      %dma_start3A_25 = arith.constant 0 : i32
      %dma_start3A_26 = tpu.memref_slice %arg2[%dma_start3A_24, %dma_start3A_25] : memref<10000x128xf32, #tpu.memory_space<hbm>> -> memref<10000x128xf32, #tpu.memory_space<hbm>>
      tpu.enqueue_indirect_dma source(%dma_start3A_26 : memref<10000x128xf32, #tpu.memory_space<hbm>>) target(%arg13 : memref<128x128xf32, #tpu.memory_space<vmem>>) offsets(%dma_start3A : memref<128xi32, #tpu.memory_space<vmem>>) semaphore(%arg21 : memref<!tpu.dma_semaphore, #tpu.memory_space<semaphore_mem>>)
      %dma_start3A_27 = tpu.memref_slice %arg12[%mul3A_21] : memref<2560xi32, #tpu.memory_space<vmem>> -> memref<128xi32, #tpu.memory_space<vmem>>
      %dma_start3A_28 = arith.constant 0 : i32
      %dma_start3A_29 = arith.constant 0 : i32
      %dma_start3A_30 = tpu.memref_slice %arg3[%dma_start3A_28, %dma_start3A_29] : memref<10000x128xf32, #tpu.memory_space<hbm>> -> memref<10000x128xf32, #tpu.memory_space<hbm>>
      tpu.enqueue_indirect_dma source(%dma_start3A_30 : memref<10000x128xf32, #tpu.memory_space<hbm>>) target(%arg15 : memref<128x128xf32, #tpu.memory_space<vmem>>) offsets(%dma_start3A_27 : memref<128xi32, #tpu.memory_space<vmem>>) semaphore(%arg22 : memref<!tpu.dma_semaphore, #tpu.memory_space<semaphore_mem>>)
      %dma_start3A_31 = tpu.memref_slice %arg11[%add3A_23] : memref<2560xi32, #tpu.memory_space<vmem>> -> memref<128xi32, #tpu.memory_space<vmem>>
      %dma_start3A_32 = arith.constant 0 : i32
      %dma_start3A_33 = arith.constant 0 : i32
      %dma_start3A_34 = tpu.memref_slice %arg2[%dma_start3A_32, %dma_start3A_33] : memref<10000x128xf32, #tpu.memory_space<hbm>> -> memref<10000x128xf32, #tpu.memory_space<hbm>>
      tpu.enqueue_indirect_dma source(%dma_start3A_34 : memref<10000x128xf32, #tpu.memory_space<hbm>>) target(%arg14 : memref<128x128xf32, #tpu.memory_space<vmem>>) offsets(%dma_start3A_31 : memref<128xi32, #tpu.memory_space<vmem>>) semaphore(%arg23 : memref<!tpu.dma_semaphore, #tpu.memory_space<semaphore_mem>>)
      %dma_start3A_35 = tpu.memref_slice %arg12[%add3A_23] : memref<2560xi32, #tpu.memory_space<vmem>> -> memref<128xi32, #tpu.memory_space<vmem>>
      %dma_start3A_36 = arith.constant 0 : i32
      %dma_start3A_37 = arith.constant 0 : i32
      %dma_start3A_38 = tpu.memref_slice %arg3[%dma_start3A_36, %dma_start3A_37] : memref<10000x128xf32, #tpu.memory_space<hbm>> -> memref<10000x128xf32, #tpu.memory_space<hbm>>
      tpu.enqueue_indirect_dma source(%dma_start3A_38 : memref<10000x128xf32, #tpu.memory_space<hbm>>) target(%arg16 : memref<128x128xf32, #tpu.memory_space<vmem>>) offsets(%dma_start3A_35 : memref<128xi32, #tpu.memory_space<vmem>>) semaphore(%arg24 : memref<!tpu.dma_semaphore, #tpu.memory_space<semaphore_mem>>)
      %dma_wait3A = tpu.memref_slice %arg11[%mul3A_21] : memref<2560xi32, #tpu.memory_space<vmem>> -> memref<128xi32, #tpu.memory_space<vmem>>
      %dma_wait3A_39 = arith.constant 0 : i32
      %dma_wait3A_40 = arith.constant 0 : i32
      %dma_wait3A_41 = tpu.memref_slice %arg2[%dma_wait3A_39, %dma_wait3A_40] : memref<10000x128xf32, #tpu.memory_space<hbm>> -> memref<10000x128xf32, #tpu.memory_space<hbm>>
      tpu.wait_indirect_dma semaphore(%arg21 : memref<!tpu.dma_semaphore, #tpu.memory_space<semaphore_mem>>) src(%dma_wait3A_41 : memref<10000x128xf32, #tpu.memory_space<hbm>>) dst(%arg13 : memref<128x128xf32, #tpu.memory_space<vmem>>)
      %dma_wait3A_42 = tpu.memref_slice %arg12[%mul3A_21] : memref<2560xi32, #tpu.memory_space<vmem>> -> memref<128xi32, #tpu.memory_space<vmem>>
      %dma_wait3A_43 = arith.constant 0 : i32
      %dma_wait3A_44 = arith.constant 0 : i32
      %dma_wait3A_45 = tpu.memref_slice %arg3[%dma_wait3A_43, %dma_wait3A_44] : memref<10000x128xf32, #tpu.memory_space<hbm>> -> memref<10000x128xf32, #tpu.memory_space<hbm>>
      tpu.wait_indirect_dma semaphore(%arg22 : memref<!tpu.dma_semaphore, #tpu.memory_space<semaphore_mem>>) src(%dma_wait3A_45 : memref<10000x128xf32, #tpu.memory_space<hbm>>) dst(%arg15 : memref<128x128xf32, #tpu.memory_space<vmem>>)
      %scan3A_46 = arith.constant 0 : i32
      %scan3A_47 = arith.constant 0 : i32
      %scan3A_48 = arith.constant 128 : i32
      %scan3A_49 = arith.addi %scan3A_47, %scan3A_48 : i32
      %scan3A_50 = arith.constant 1 : i32
      %scan3A_51 = scf.for %scan3A_87 = %scan3A_47 to %scan3A_49 step %scan3A_50 iter_args(%scan3A_88 = %scan3A_46) -> (i32)  : i32 {
        %get3A = arith.index_cast %scan3A_87 : i32 to index
        %get3A_89 = arith.constant 0 : index
        %get3A_90 = tpu.vector_load %arg13[%get3A, %get3A_89] {strides = array<i32>} : memref<128x128xf32, #tpu.memory_space<vmem>>, vector<16xf32>,
        %get3A_91 = arith.index_cast %scan3A_87 : i32 to index
        %get3A_92 = arith.constant 0 : index
        %get3A_93 = tpu.vector_load %arg15[%get3A_91, %get3A_92] {strides = array<i32>} : memref<128x128xf32, #tpu.memory_space<vmem>>, vector<16xf32>,
        %add3A_94 = arith.addf %get3A_90, %get3A_93 : vector<16xf32>
        %swap3A = arith.index_cast %scan3A_87 : i32 to index
        %swap3A_95 = arith.constant 0 : index
        %swap3A_96 = tpu.vector_load %arg13[%swap3A, %swap3A_95] {strides = array<i32>} : memref<128x128xf32, #tpu.memory_space<vmem>>, vector<16xf32>,
        tpu.vector_store %arg13[%swap3A, %swap3A_95], %add3A_94 {strides = array<i32>} : memref<128x128xf32, #tpu.memory_space<vmem>>, vector<16xf32>,
        %get3A_97 = arith.index_cast %scan3A_87 : i32 to index
        %get3A_98 = arith.constant 16 : index
        %get3A_99 = tpu.vector_load %arg13[%get3A_97, %get3A_98] {strides = array<i32>} : memref<128x128xf32, #tpu.memory_space<vmem>>, vector<16xf32>,
        %get3A_100 = arith.index_cast %scan3A_87 : i32 to index
        %get3A_101 = arith.constant 16 : index
        %get3A_102 = tpu.vector_load %arg15[%get3A_100, %get3A_101] {strides = array<i32>} : memref<128x128xf32, #tpu.memory_space<vmem>>, vector<16xf32>,
        %add3A_103 = arith.addf %get3A_99, %get3A_102 : vector<16xf32>
        %swap3A_104 = arith.index_cast %scan3A_87 : i32 to index
        %swap3A_105 = arith.constant 16 : index
        %swap3A_106 = tpu.vector_load %arg13[%swap3A_104, %swap3A_105] {strides = array<i32>} : memref<128x128xf32, #tpu.memory_space<vmem>>, vector<16xf32>,
        tpu.vector_store %arg13[%swap3A_104, %swap3A_105], %add3A_103 {strides = array<i32>} : memref<128x128xf32, #tpu.memory_space<vmem>>, vector<16xf32>,
        %get3A_107 = arith.index_cast %scan3A_87 : i32 to index
        %get3A_108 = arith.constant 32 : index
        %get3A_109 = tpu.vector_load %arg13[%get3A_107, %get3A_108] {strides = array<i32>} : memref<128x128xf32, #tpu.memory_space<vmem>>, vector<16xf32>,
        %get3A_110 = arith.index_cast %scan3A_87 : i32 to index
        %get3A_111 = arith.constant 32 : index
        %get3A_112 = tpu.vector_load %arg15[%get3A_110, %get3A_111] {strides = array<i32>} : memref<128x128xf32, #tpu.memory_space<vmem>>, vector<16xf32>,
        %add3A_113 = arith.addf %get3A_109, %get3A_112 : vector<16xf32>
        %swap3A_114 = arith.index_cast %scan3A_87 : i32 to index
        %swap3A_115 = arith.constant 32 : index
        %swap3A_116 = tpu.vector_load %arg13[%swap3A_114, %swap3A_115] {strides = array<i32>} : memref<128x128xf32, #tpu.memory_space<vmem>>, vector<16xf32>,
        tpu.vector_store %arg13[%swap3A_114, %swap3A_115], %add3A_113 {strides = array<i32>} : memref<128x128xf32, #tpu.memory_space<vmem>>, vector<16xf32>,
        %get3A_117 = arith.index_cast %scan3A_87 : i32 to index
        %get3A_118 = arith.constant 48 : index
        %get3A_119 = tpu.vector_load %arg13[%get3A_117, %get3A_118] {strides = array<i32>} : memref<128x128xf32, #tpu.memory_space<vmem>>, vector<16xf32>,
        %get3A_120 = arith.index_cast %scan3A_87 : i32 to index
        %get3A_121 = arith.constant 48 : index
        %get3A_122 = tpu.vector_load %arg15[%get3A_120, %get3A_121] {strides = array<i32>} : memref<128x128xf32, #tpu.memory_space<vmem>>, vector<16xf32>,
        %add3A_123 = arith.addf %get3A_119, %get3A_122 : vector<16xf32>
        %swap3A_124 = arith.index_cast %scan3A_87 : i32 to index
        %swap3A_125 = arith.constant 48 : index
        %swap3A_126 = tpu.vector_load %arg13[%swap3A_124, %swap3A_125] {strides = array<i32>} : memref<128x128xf32, #tpu.memory_space<vmem>>, vector<16xf32>,
        tpu.vector_store %arg13[%swap3A_124, %swap3A_125], %add3A_123 {strides = array<i32>} : memref<128x128xf32, #tpu.memory_space<vmem>>, vector<16xf32>,
        %get3A_127 = arith.index_cast %scan3A_87 : i32 to index
        %get3A_128 = arith.constant 64 : index
        %get3A_129 = tpu.vector_load %arg13[%get3A_127, %get3A_128] {strides = array<i32>} : memref<128x128xf32, #tpu.memory_space<vmem>>, vector<16xf32>,
        %get3A_130 = arith.index_cast %scan3A_87 : i32 to index
        %get3A_131 = arith.constant 64 : index
        %get3A_132 = tpu.vector_load %arg15[%get3A_130, %get3A_131] {strides = array<i32>} : memref<128x128xf32, #tpu.memory_space<vmem>>, vector<16xf32>,
        %add3A_133 = arith.addf %get3A_129, %get3A_132 : vector<16xf32>
        %swap3A_134 = arith.index_cast %scan3A_87 : i32 to index
        %swap3A_135 = arith.constant 64 : index
        %swap3A_136 = tpu.vector_load %arg13[%swap3A_134, %swap3A_135] {strides = array<i32>} : memref<128x128xf32, #tpu.memory_space<vmem>>, vector<16xf32>,
        tpu.vector_store %arg13[%swap3A_134, %swap3A_135], %add3A_133 {strides = array<i32>} : memref<128x128xf32, #tpu.memory_space<vmem>>, vector<16xf32>,
        %get3A_137 = arith.index_cast %scan3A_87 : i32 to index
        %get3A_138 = arith.constant 80 : index
        %get3A_139 = tpu.vector_load %arg13[%get3A_137, %get3A_138] {strides = array<i32>} : memref<128x128xf32, #tpu.memory_space<vmem>>, vector<16xf32>,
        %get3A_140 = arith.index_cast %scan3A_87 : i32 to index
        %get3A_141 = arith.constant 80 : index
        %get3A_142 = tpu.vector_load %arg15[%get3A_140, %get3A_141] {strides = array<i32>} : memref<128x128xf32, #tpu.memory_space<vmem>>, vector<16xf32>,
        %add3A_143 = arith.addf %get3A_139, %get3A_142 : vector<16xf32>
        %swap3A_144 = arith.index_cast %scan3A_87 : i32 to index
        %swap3A_145 = arith.constant 80 : index
        %swap3A_146 = tpu.vector_load %arg13[%swap3A_144, %swap3A_145] {strides = array<i32>} : memref<128x128xf32, #tpu.memory_space<vmem>>, vector<16xf32>,
        tpu.vector_store %arg13[%swap3A_144, %swap3A_145], %add3A_143 {strides = array<i32>} : memref<128x128xf32, #tpu.memory_space<vmem>>, vector<16xf32>,
        %get3A_147 = arith.index_cast %scan3A_87 : i32 to index
        %get3A_148 = arith.constant 96 : index
        %get3A_149 = tpu.vector_load %arg13[%get3A_147, %get3A_148] {strides = array<i32>} : memref<128x128xf32, #tpu.memory_space<vmem>>, vector<16xf32>,
        %get3A_150 = arith.index_cast %scan3A_87 : i32 to index
        %get3A_151 = arith.constant 96 : index
        %get3A_152 = tpu.vector_load %arg15[%get3A_150, %get3A_151] {strides = array<i32>} : memref<128x128xf32, #tpu.memory_space<vmem>>, vector<16xf32>,
        %add3A_153 = arith.addf %get3A_149, %get3A_152 : vector<16xf32>
        %swap3A_154 = arith.index_cast %scan3A_87 : i32 to index
        %swap3A_155 = arith.constant 96 : index
        %swap3A_156 = tpu.vector_load %arg13[%swap3A_154, %swap3A_155] {strides = array<i32>} : memref<128x128xf32, #tpu.memory_space<vmem>>, vector<16xf32>,
        tpu.vector_store %arg13[%swap3A_154, %swap3A_155], %add3A_153 {strides = array<i32>} : memref<128x128xf32, #tpu.memory_space<vmem>>, vector<16xf32>,
        %get3A_157 = arith.index_cast %scan3A_87 : i32 to index
        %get3A_158 = arith.constant 112 : index
        %get3A_159 = tpu.vector_load %arg13[%get3A_157, %get3A_158] {strides = array<i32>} : memref<128x128xf32, #tpu.memory_space<vmem>>, vector<16xf32>,
        %get3A_160 = arith.index_cast %scan3A_87 : i32 to index
        %get3A_161 = arith.constant 112 : index
        %get3A_162 = tpu.vector_load %arg15[%get3A_160, %get3A_161] {strides = array<i32>} : memref<128x128xf32, #tpu.memory_space<vmem>>, vector<16xf32>,
        %add3A_163 = arith.addf %get3A_159, %get3A_162 : vector<16xf32>
        %swap3A_164 = arith.index_cast %scan3A_87 : i32 to index
        %swap3A_165 = arith.constant 112 : index
        %swap3A_166 = tpu.vector_load %arg13[%swap3A_164, %swap3A_165] {strides = array<i32>} : memref<128x128xf32, #tpu.memory_space<vmem>>, vector<16xf32>,
        tpu.vector_store %arg13[%swap3A_164, %swap3A_165], %add3A_163 {strides = array<i32>} : memref<128x128xf32, #tpu.memory_space<vmem>>, vector<16xf32>,
        %scan3A_167 = arith.constant 0 : i32
        scf.yield %scan3A_167 : i32
      }
      %scan3A_52 = arith.constant 128 : i32
      %add3A_53 = arith.addi %mul3A_2, %mul3A_21 : i32
      %dma_start3A_54 = arith.constant 0 : i32
      %dma_start3A_55 = tpu.memref_slice %arg9[%add3A_53, %dma_start3A_54] : memref<81920x128xf32, #tpu.memory_space<hbm>> -> memref<128x128xf32, #tpu.memory_space<hbm>>
      %dma_start3A_56 = arith.constant 0 : i32
      %dma_start3A_57 = tpu.memref_slice %arg9[%add3A_53, %dma_start3A_56] : memref<81920x128xf32, #tpu.memory_space<hbm>> -> memref<128x128xf32, #tpu.memory_space<hbm>>
      tpu.enqueue_dma source(%arg13 : memref<128x128xf32, #tpu.memory_space<vmem>>) target(%dma_start3A_57 : memref<128x128xf32, #tpu.memory_space<hbm>>) target_semaphore(%arg25 : memref<!tpu.dma_semaphore, #tpu.memory_space<semaphore_mem>>)
      %dma_wait3A_58 = tpu.memref_slice %arg11[%add3A_23] : memref<2560xi32, #tpu.memory_space<vmem>> -> memref<128xi32, #tpu.memory_space<vmem>>
      %dma_wait3A_59 = arith.constant 0 : i32
      %dma_wait3A_60 = arith.constant 0 : i32
      %dma_wait3A_61 = tpu.memref_slice %arg2[%dma_wait3A_59, %dma_wait3A_60] : memref<10000x128xf32, #tpu.memory_space<hbm>> -> memref<10000x128xf32, #tpu.memory_space<hbm>>
      tpu.wait_indirect_dma semaphore(%arg23 : memref<!tpu.dma_semaphore, #tpu.memory_space<semaphore_mem>>) src(%dma_wait3A_61 : memref<10000x128xf32, #tpu.memory_space<hbm>>) dst(%arg14 : memref<128x128xf32, #tpu.memory_space<vmem>>)
      %dma_wait3A_62 = tpu.memref_slice %arg12[%add3A_23] : memref<2560xi32, #tpu.memory_space<vmem>> -> memref<128xi32, #tpu.memory_space<vmem>>
      %dma_wait3A_63 = arith.constant 0 : i32
      %dma_wait3A_64 = arith.constant 0 : i32
      %dma_wait3A_65 = tpu.memref_slice %arg3[%dma_wait3A_63, %dma_wait3A_64] : memref<10000x128xf32, #tpu.memory_space<hbm>> -> memref<10000x128xf32, #tpu.memory_space<hbm>>
      tpu.wait_indirect_dma semaphore(%arg24 : memref<!tpu.dma_semaphore, #tpu.memory_space<semaphore_mem>>) src(%dma_wait3A_65 : memref<10000x128xf32, #tpu.memory_space<hbm>>) dst(%arg16 : memref<128x128xf32, #tpu.memory_space<vmem>>)
      %scan3A_66 = arith.constant 0 : i32
      %scan3A_67 = arith.constant 0 : i32
      %scan3A_68 = arith.constant 128 : i32
      %scan3A_69 = arith.addi %scan3A_67, %scan3A_68 : i32
      %scan3A_70 = arith.constant 1 : i32
      %scan3A_71 = scf.for %scan3A_87 = %scan3A_67 to %scan3A_69 step %scan3A_70 iter_args(%scan3A_88 = %scan3A_66) -> (i32)  : i32 {
        %get3A = arith.index_cast %scan3A_87 : i32 to index
        %get3A_89 = arith.constant 0 : index
        %get3A_90 = tpu.vector_load %arg14[%get3A, %get3A_89] {strides = array<i32>} : memref<128x128xf32, #tpu.memory_space<vmem>>, vector<16xf32>,
        %get3A_91 = arith.index_cast %scan3A_87 : i32 to index
        %get3A_92 = arith.constant 0 : index
        %get3A_93 = tpu.vector_load %arg16[%get3A_91, %get3A_92] {strides = array<i32>} : memref<128x128xf32, #tpu.memory_space<vmem>>, vector<16xf32>,
        %add3A_94 = arith.addf %get3A_90, %get3A_93 : vector<16xf32>
        %swap3A = arith.index_cast %scan3A_87 : i32 to index
        %swap3A_95 = arith.constant 0 : index
        %swap3A_96 = tpu.vector_load %arg14[%swap3A, %swap3A_95] {strides = array<i32>} : memref<128x128xf32, #tpu.memory_space<vmem>>, vector<16xf32>,
        tpu.vector_store %arg14[%swap3A, %swap3A_95], %add3A_94 {strides = array<i32>} : memref<128x128xf32, #tpu.memory_space<vmem>>, vector<16xf32>,
        %get3A_97 = arith.index_cast %scan3A_87 : i32 to index
        %get3A_98 = arith.constant 16 : index
        %get3A_99 = tpu.vector_load %arg14[%get3A_97, %get3A_98] {strides = array<i32>} : memref<128x128xf32, #tpu.memory_space<vmem>>, vector<16xf32>,
        %get3A_100 = arith.index_cast %scan3A_87 : i32 to index
        %get3A_101 = arith.constant 16 : index
        %get3A_102 = tpu.vector_load %arg16[%get3A_100, %get3A_101] {strides = array<i32>} : memref<128x128xf32, #tpu.memory_space<vmem>>, vector<16xf32>,
        %add3A_103 = arith.addf %get3A_99, %get3A_102 : vector<16xf32>
        %swap3A_104 = arith.index_cast %scan3A_87 : i32 to index
        %swap3A_105 = arith.constant 16 : index
        %swap3A_106 = tpu.vector_load %arg14[%swap3A_104, %swap3A_105] {strides = array<i32>} : memref<128x128xf32, #tpu.memory_space<vmem>>, vector<16xf32>,
        tpu.vector_store %arg14[%swap3A_104, %swap3A_105], %add3A_103 {strides = array<i32>} : memref<128x128xf32, #tpu.memory_space<vmem>>, vector<16xf32>,
        %get3A_107 = arith.index_cast %scan3A_87 : i32 to index
        %get3A_108 = arith.constant 32 : index
        %get3A_109 = tpu.vector_load %arg14[%get3A_107, %get3A_108] {strides = array<i32>} : memref<128x128xf32, #tpu.memory_space<vmem>>, vector<16xf32>,
        %get3A_110 = arith.index_cast %scan3A_87 : i32 to index
        %get3A_111 = arith.constant 32 : index
        %get3A_112 = tpu.vector_load %arg16[%get3A_110, %get3A_111] {strides = array<i32>} : memref<128x128xf32, #tpu.memory_space<vmem>>, vector<16xf32>,
        %add3A_113 = arith.addf %get3A_109, %get3A_112 : vector<16xf32>
        %swap3A_114 = arith.index_cast %scan3A_87 : i32 to index
        %swap3A_115 = arith.constant 32 : index
        %swap3A_116 = tpu.vector_load %arg14[%swap3A_114, %swap3A_115] {strides = array<i32>} : memref<128x128xf32, #tpu.memory_space<vmem>>, vector<16xf32>,
        tpu.vector_store %arg14[%swap3A_114, %swap3A_115], %add3A_113 {strides = array<i32>} : memref<128x128xf32, #tpu.memory_space<vmem>>, vector<16xf32>,
        %get3A_117 = arith.index_cast %scan3A_87 : i32 to index
        %get3A_118 = arith.constant 48 : index
        %get3A_119 = tpu.vector_load %arg14[%get3A_117, %get3A_118] {strides = array<i32>} : memref<128x128xf32, #tpu.memory_space<vmem>>, vector<16xf32>,
        %get3A_120 = arith.index_cast %scan3A_87 : i32 to index
        %get3A_121 = arith.constant 48 : index
        %get3A_122 = tpu.vector_load %arg16[%get3A_120, %get3A_121] {strides = array<i32>} : memref<128x128xf32, #tpu.memory_space<vmem>>, vector<16xf32>,
        %add3A_123 = arith.addf %get3A_119, %get3A_122 : vector<16xf32>
        %swap3A_124 = arith.index_cast %scan3A_87 : i32 to index
        %swap3A_125 = arith.constant 48 : index
        %swap3A_126 = tpu.vector_load %arg14[%swap3A_124, %swap3A_125] {strides = array<i32>} : memref<128x128xf32, #tpu.memory_space<vmem>>, vector<16xf32>,
        tpu.vector_store %arg14[%swap3A_124, %swap3A_125], %add3A_123 {strides = array<i32>} : memref<128x128xf32, #tpu.memory_space<vmem>>, vector<16xf32>,
        %get3A_127 = arith.index_cast %scan3A_87 : i32 to index
        %get3A_128 = arith.constant 64 : index
        %get3A_129 = tpu.vector_load %arg14[%get3A_127, %get3A_128] {strides = array<i32>} : memref<128x128xf32, #tpu.memory_space<vmem>>, vector<16xf32>,
        %get3A_130 = arith.index_cast %scan3A_87 : i32 to index
        %get3A_131 = arith.constant 64 : index
        %get3A_132 = tpu.vector_load %arg16[%get3A_130, %get3A_131] {strides = array<i32>} : memref<128x128xf32, #tpu.memory_space<vmem>>, vector<16xf32>,
        %add3A_133 = arith.addf %get3A_129, %get3A_132 : vector<16xf32>
        %swap3A_134 = arith.index_cast %scan3A_87 : i32 to index
        %swap3A_135 = arith.constant 64 : index
        %swap3A_136 = tpu.vector_load %arg14[%swap3A_134, %swap3A_135] {strides = array<i32>} : memref<128x128xf32, #tpu.memory_space<vmem>>, vector<16xf32>,
        tpu.vector_store %arg14[%swap3A_134, %swap3A_135], %add3A_133 {strides = array<i32>} : memref<128x128xf32, #tpu.memory_space<vmem>>, vector<16xf32>,
        %get3A_137 = arith.index_cast %scan3A_87 : i32 to index
        %get3A_138 = arith.constant 80 : index
        %get3A_139 = tpu.vector_load %arg14[%get3A_137, %get3A_138] {strides = array<i32>} : memref<128x128xf32, #tpu.memory_space<vmem>>, vector<16xf32>,
        %get3A_140 = arith.index_cast %scan3A_87 : i32 to index
        %get3A_141 = arith.constant 80 : index
        %get3A_142 = tpu.vector_load %arg16[%get3A_140, %get3A_141] {strides = array<i32>} : memref<128x128xf32, #tpu.memory_space<vmem>>, vector<16xf32>,
        %add3A_143 = arith.addf %get3A_139, %get3A_142 : vector<16xf32>
        %swap3A_144 = arith.index_cast %scan3A_87 : i32 to index
        %swap3A_145 = arith.constant 80 : index
        %swap3A_146 = tpu.vector_load %arg14[%swap3A_144, %swap3A_145] {strides = array<i32>} : memref<128x128xf32, #tpu.memory_space<vmem>>, vector<16xf32>,
        tpu.vector_store %arg14[%swap3A_144, %swap3A_145], %add3A_143 {strides = array<i32>} : memref<128x128xf32, #tpu.memory_space<vmem>>, vector<16xf32>,
        %get3A_147 = arith.index_cast %scan3A_87 : i32 to index
        %get3A_148 = arith.constant 96 : index
        %get3A_149 = tpu.vector_load %arg14[%get3A_147, %get3A_148] {strides = array<i32>} : memref<128x128xf32, #tpu.memory_space<vmem>>, vector<16xf32>,
        %get3A_150 = arith.index_cast %scan3A_87 : i32 to index
        %get3A_151 = arith.constant 96 : index
        %get3A_152 = tpu.vector_load %arg16[%get3A_150, %get3A_151] {strides = array<i32>} : memref<128x128xf32, #tpu.memory_space<vmem>>, vector<16xf32>,
        %add3A_153 = arith.addf %get3A_149, %get3A_152 : vector<16xf32>
        %swap3A_154 = arith.index_cast %scan3A_87 : i32 to index
        %swap3A_155 = arith.constant 96 : index
        %swap3A_156 = tpu.vector_load %arg14[%swap3A_154, %swap3A_155] {strides = array<i32>} : memref<128x128xf32, #tpu.memory_space<vmem>>, vector<16xf32>,
        tpu.vector_store %arg14[%swap3A_154, %swap3A_155], %add3A_153 {strides = array<i32>} : memref<128x128xf32, #tpu.memory_space<vmem>>, vector<16xf32>,
        %get3A_157 = arith.index_cast %scan3A_87 : i32 to index
        %get3A_158 = arith.constant 112 : index
        %get3A_159 = tpu.vector_load %arg14[%get3A_157, %get3A_158] {strides = array<i32>} : memref<128x128xf32, #tpu.memory_space<vmem>>, vector<16xf32>,
        %get3A_160 = arith.index_cast %scan3A_87 : i32 to index
        %get3A_161 = arith.constant 112 : index
        %get3A_162 = tpu.vector_load %arg16[%get3A_160, %get3A_161] {strides = array<i32>} : memref<128x128xf32, #tpu.memory_space<vmem>>, vector<16xf32>,
        %add3A_163 = arith.addf %get3A_159, %get3A_162 : vector<16xf32>
        %swap3A_164 = arith.index_cast %scan3A_87 : i32 to index
        %swap3A_165 = arith.constant 112 : index
        %swap3A_166 = tpu.vector_load %arg14[%swap3A_164, %swap3A_165] {strides = array<i32>} : memref<128x128xf32, #tpu.memory_space<vmem>>, vector<16xf32>,
        tpu.vector_store %arg14[%swap3A_164, %swap3A_165], %add3A_163 {strides = array<i32>} : memref<128x128xf32, #tpu.memory_space<vmem>>, vector<16xf32>,
        %scan3A_167 = arith.constant 0 : i32
        scf.yield %scan3A_167 : i32
      }
      %scan3A_72 = arith.constant 128 : i32
      %add3A_73 = arith.addi %mul3A_2, %add3A_23 : i32
      %dma_start3A_74 = arith.constant 0 : i32
      %dma_start3A_75 = tpu.memref_slice %arg9[%add3A_73, %dma_start3A_74] : memref<81920x128xf32, #tpu.memory_space<hbm>> -> memref<128x128xf32, #tpu.memory_space<hbm>>
      %dma_start3A_76 = arith.constant 0 : i32
      %dma_start3A_77 = tpu.memref_slice %arg9[%add3A_73, %dma_start3A_76] : memref<81920x128xf32, #tpu.memory_space<hbm>> -> memref<128x128xf32, #tpu.memory_space<hbm>>
      tpu.enqueue_dma source(%arg14 : memref<128x128xf32, #tpu.memory_space<vmem>>) target(%dma_start3A_77 : memref<128x128xf32, #tpu.memory_space<hbm>>) target_semaphore(%arg25 : memref<!tpu.dma_semaphore, #tpu.memory_space<semaphore_mem>>)
      %dma_wait3A_78 = arith.constant 0 : i32
      %dma_wait3A_79 = tpu.memref_slice %arg9[%add3A_53, %dma_wait3A_78] : memref<81920x128xf32, #tpu.memory_space<hbm>> -> memref<128x128xf32, #tpu.memory_space<hbm>>
      %dma_wait3A_80 = arith.constant 0 : i32
      %dma_wait3A_81 = tpu.memref_slice %arg9[%add3A_53, %dma_wait3A_80] : memref<81920x128xf32, #tpu.memory_space<hbm>> -> memref<128x128xf32, #tpu.memory_space<hbm>>
      tpu.wait_dma2 semaphore(%arg25 : memref<!tpu.dma_semaphore, #tpu.memory_space<semaphore_mem>>) src(%arg13 : memref<128x128xf32, #tpu.memory_space<vmem>>) dst(%dma_wait3A_81 : memref<128x128xf32, #tpu.memory_space<hbm>>)
      %dma_wait3A_82 = arith.constant 0 : i32
      %dma_wait3A_83 = tpu.memref_slice %arg9[%add3A_73, %dma_wait3A_82] : memref<81920x128xf32, #tpu.memory_space<hbm>> -> memref<128x128xf32, #tpu.memory_space<hbm>>
      %dma_wait3A_84 = arith.constant 0 : i32
      %dma_wait3A_85 = tpu.memref_slice %arg9[%add3A_73, %dma_wait3A_84] : memref<81920x128xf32, #tpu.memory_space<hbm>> -> memref<128x128xf32, #tpu.memory_space<hbm>>
      tpu.wait_dma2 semaphore(%arg25 : memref<!tpu.dma_semaphore, #tpu.memory_space<semaphore_mem>>) src(%arg14 : memref<128x128xf32, #tpu.memory_space<vmem>>) dst(%dma_wait3A_85 : memref<128x128xf32, #tpu.memory_space<hbm>>)
      %scan3A_86 = arith.constant 0 : i32
      scf.yield %scan3A_86 : i32
    }
    %scan3A_15 = arith.constant 10 : i32
    return
  }
}

#map = affine_map<(d0, d1) -> (0, 0)>
#map1 = affine_map<(d0, d1) -> (0)>
module attributes {stable_mosaic.version = 14 : i64} {
  func.func @_gather_body(%arg0: i32, %arg1: i32, %arg2: memref<10000x128xf32, #tpu.memory_space<hbm>>, %arg3: memref<10000x128xf32, #tpu.memory_space<hbm>>, %arg4: memref<81920xi32, #tpu.memory_space<hbm>>, %arg5: memref<81920xi32, #tpu.memory_space<hbm>>, %arg6: memref<10000xf32, #tpu.memory_space<hbm>>, %arg7: memref<10000xf32, #tpu.memory_space<hbm>>, %arg8: memref<10000xf32, #tpu.memory_space<hbm>>, %arg9: memref<81920x128xf32, #tpu.memory_space<hbm>>, %arg10: memref<81920xf32, #tpu.memory_space<hbm>>, %arg11: memref<2560xi32, #tpu.memory_space<vmem>>, %arg12: memref<2560xi32, #tpu.memory_space<vmem>>, %arg13: memref<128x128xf32, #tpu.memory_space<vmem>>, %arg14: memref<128x128xf32, #tpu.memory_space<vmem>>, %arg15: memref<128x128xf32, #tpu.memory_space<vmem>>, %arg16: memref<128x128xf32, #tpu.memory_space<vmem>>, %arg17: memref<10000xf32, #tpu.memory_space<vmem>>, %arg18: memref<10000xf32, #tpu.memory_space<vmem>>, %arg19: memref<10000xf32, #tpu.memory_space<vmem>>, %arg20: memref<2560xf32, #tpu.memory_space<vmem>>, %arg21: memref<!tpu.dma_semaphore, #tpu.memory_space<semaphore_mem>>, %arg22: memref<!tpu.dma_semaphore, #tpu.memory_space<semaphore_mem>>, %arg23: memref<!tpu.dma_semaphore, #tpu.memory_space<semaphore_mem>>, %arg24: memref<!tpu.dma_semaphore, #tpu.memory_space<semaphore_mem>>, %arg25: memref<!tpu.dma_semaphore, #tpu.memory_space<semaphore_mem>>) attributes {dimension_semantics = [#tpu.dimension_semantics<core_parallel>, #tpu.dimension_semantics<subcore_parallel>], iteration_bounds = array<i64: 2, 16>, scalar_prefetch = 0 : i64, scratch_operands = 15 : i64, tpu.core_type = #tpu.core_type<sc_vector_subcore>, window_params = [{transform_indices = #map}, {transform_indices = #map}, {transform_indices = #map1}, {transform_indices = #map1}, {transform_indices = #map1}, {transform_indices = #map1}, {transform_indices = #map1}, {transform_indices = #map}, {transform_indices = #map1}]} {
    %mul3A = arith.constant 2 : i32
    %mul3A_0 = arith.muli %arg1, %mul3A : i32
    %add3A = arith.addi %mul3A_0, %arg0 : i32
    %mul3A_1 = arith.constant 2560 : i32
    %mul3A_2 = arith.muli %add3A, %mul3A_1 : i32
    "tpu.region"() ({
      %run_scoped3A = tpu.sem_alloc : memref<!tpu.dma_semaphore, #tpu.memory_space<semaphore_mem>>
      tpu.enqueue_dma source(%arg6 : memref<10000xf32, #tpu.memory_space<hbm>>) target(%arg17 : memref<10000xf32, #tpu.memory_space<vmem>>) target_semaphore(%run_scoped3A : memref<!tpu.dma_semaphore, #tpu.memory_space<semaphore_mem>>)
      tpu.wait_dma2 semaphore(%run_scoped3A : memref<!tpu.dma_semaphore, #tpu.memory_space<semaphore_mem>>) src(%arg6 : memref<10000xf32, #tpu.memory_space<hbm>>) dst(%arg17 : memref<10000xf32, #tpu.memory_space<vmem>>)
      tpu.yield
    }) : () -> ()
    "tpu.region"() ({
      %run_scoped3A = tpu.sem_alloc : memref<!tpu.dma_semaphore, #tpu.memory_space<semaphore_mem>>
      tpu.enqueue_dma source(%arg7 : memref<10000xf32, #tpu.memory_space<hbm>>) target(%arg18 : memref<10000xf32, #tpu.memory_space<vmem>>) target_semaphore(%run_scoped3A : memref<!tpu.dma_semaphore, #tpu.memory_space<semaphore_mem>>)
      tpu.wait_dma2 semaphore(%run_scoped3A : memref<!tpu.dma_semaphore, #tpu.memory_space<semaphore_mem>>) src(%arg7 : memref<10000xf32, #tpu.memory_space<hbm>>) dst(%arg18 : memref<10000xf32, #tpu.memory_space<vmem>>)
      tpu.yield
    }) : () -> ()
    "tpu.region"() ({
      %run_scoped3A = tpu.sem_alloc : memref<!tpu.dma_semaphore, #tpu.memory_space<semaphore_mem>>
      tpu.enqueue_dma source(%arg8 : memref<10000xf32, #tpu.memory_space<hbm>>) target(%arg19 : memref<10000xf32, #tpu.memory_space<vmem>>) target_semaphore(%run_scoped3A : memref<!tpu.dma_semaphore, #tpu.memory_space<semaphore_mem>>)
      tpu.wait_dma2 semaphore(%run_scoped3A : memref<!tpu.dma_semaphore, #tpu.memory_space<semaphore_mem>>) src(%arg8 : memref<10000xf32, #tpu.memory_space<hbm>>) dst(%arg19 : memref<10000xf32, #tpu.memory_space<vmem>>)
      tpu.yield
    }) : () -> ()
    "tpu.region"() ({
      %run_scoped3A = tpu.sem_alloc : memref<!tpu.dma_semaphore, #tpu.memory_space<semaphore_mem>>
      %dma_start3A = tpu.memref_slice %arg4[%mul3A_2] : memref<81920xi32, #tpu.memory_space<hbm>> -> memref<2560xi32, #tpu.memory_space<hbm>>
      %dma_start3A_16 = tpu.memref_slice %arg4[%mul3A_2] : memref<81920xi32, #tpu.memory_space<hbm>> -> memref<2560xi32, #tpu.memory_space<hbm>>
      tpu.enqueue_dma source(%dma_start3A_16 : memref<2560xi32, #tpu.memory_space<hbm>>) target(%arg11 : memref<2560xi32, #tpu.memory_space<vmem>>) target_semaphore(%run_scoped3A : memref<!tpu.dma_semaphore, #tpu.memory_space<semaphore_mem>>)
      %dma_wait3A = tpu.memref_slice %arg4[%mul3A_2] : memref<81920xi32, #tpu.memory_space<hbm>> -> memref<2560xi32, #tpu.memory_space<hbm>>
      %dma_wait3A_17 = tpu.memref_slice %arg4[%mul3A_2] : memref<81920xi32, #tpu.memory_space<hbm>> -> memref<2560xi32, #tpu.memory_space<hbm>>
      tpu.wait_dma2 semaphore(%run_scoped3A : memref<!tpu.dma_semaphore, #tpu.memory_space<semaphore_mem>>) src(%dma_wait3A_17 : memref<2560xi32, #tpu.memory_space<hbm>>) dst(%arg11 : memref<2560xi32, #tpu.memory_space<vmem>>)
      tpu.yield
    }) : () -> ()
    "tpu.region"() ({
      %run_scoped3A = tpu.sem_alloc : memref<!tpu.dma_semaphore, #tpu.memory_space<semaphore_mem>>
      %dma_start3A = tpu.memref_slice %arg5[%mul3A_2] : memref<81920xi32, #tpu.memory_space<hbm>> -> memref<2560xi32, #tpu.memory_space<hbm>>
      %dma_start3A_16 = tpu.memref_slice %arg5[%mul3A_2] : memref<81920xi32, #tpu.memory_space<hbm>> -> memref<2560xi32, #tpu.memory_space<hbm>>
      tpu.enqueue_dma source(%dma_start3A_16 : memref<2560xi32, #tpu.memory_space<hbm>>) target(%arg12 : memref<2560xi32, #tpu.memory_space<vmem>>) target_semaphore(%run_scoped3A : memref<!tpu.dma_semaphore, #tpu.memory_space<semaphore_mem>>)
      %dma_wait3A = tpu.memref_slice %arg5[%mul3A_2] : memref<81920xi32, #tpu.memory_space<hbm>> -> memref<2560xi32, #tpu.memory_space<hbm>>
      %dma_wait3A_17 = tpu.memref_slice %arg5[%mul3A_2] : memref<81920xi32, #tpu.memory_space<hbm>> -> memref<2560xi32, #tpu.memory_space<hbm>>
      tpu.wait_dma2 semaphore(%run_scoped3A : memref<!tpu.dma_semaphore, #tpu.memory_space<semaphore_mem>>) src(%dma_wait3A_17 : memref<2560xi32, #tpu.memory_space<hbm>>) dst(%arg12 : memref<2560xi32, #tpu.memory_space<vmem>>)
      tpu.yield
    }) : () -> ()
    %scan3A = arith.constant 0 : i32
    %scan3A_3 = arith.constant 0 : i32
    %scan3A_4 = arith.constant 160 : i32
    %scan3A_5 = arith.addi %scan3A_3, %scan3A_4 : i32
    %scan3A_6 = arith.constant 1 : i32
    %scan3A_7 = scf.for %scan3A_16 = %scan3A_3 to %scan3A_5 step %scan3A_6 iter_args(%scan3A_17 = %scan3A) -> (i32)  : i32 {
      %mul3A_18 = arith.constant 16 : i32
      %mul3A_19 = arith.muli %scan3A_16, %mul3A_18 : i32
      %get3A = arith.index_cast %mul3A_19 : i32 to index
      %get3A_20 = tpu.vector_load %arg11[%get3A] {strides = array<i32>} : memref<2560xi32, #tpu.memory_space<vmem>>, vector<16xi32>,
      %get3A_21 = arith.index_cast %mul3A_19 : i32 to index
      %get3A_22 = tpu.vector_load %arg12[%get3A_21] {strides = array<i32>} : memref<2560xi32, #tpu.memory_space<vmem>>, vector<16xi32>,
      %gather3A = tpu.vector_load_idx %arg17[%get3A_20] : memref<10000xf32, #tpu.memory_space<vmem>>[vector<16xi32>], vector<16xf32>,
      %gather3A_23 = tpu.vector_load_idx %arg17[%get3A_22] : memref<10000xf32, #tpu.memory_space<vmem>>[vector<16xi32>], vector<16xf32>,
      %sub3A = arith.subf %gather3A, %gather3A_23 : vector<16xf32>
      %gather3A_24 = tpu.vector_load_idx %arg18[%get3A_20] : memref<10000xf32, #tpu.memory_space<vmem>>[vector<16xi32>], vector<16xf32>,
      %gather3A_25 = tpu.vector_load_idx %arg18[%get3A_22] : memref<10000xf32, #tpu.memory_space<vmem>>[vector<16xi32>], vector<16xf32>,
      %sub3A_26 = arith.subf %gather3A_24, %gather3A_25 : vector<16xf32>
      %gather3A_27 = tpu.vector_load_idx %arg19[%get3A_20] : memref<10000xf32, #tpu.memory_space<vmem>>[vector<16xi32>], vector<16xf32>,
      %gather3A_28 = tpu.vector_load_idx %arg19[%get3A_22] : memref<10000xf32, #tpu.memory_space<vmem>>[vector<16xi32>], vector<16xf32>,
      %sub3A_29 = arith.subf %gather3A_27, %gather3A_28 : vector<16xf32>
      %mul3A_30 = arith.mulf %sub3A, %sub3A : vector<16xf32>
      %mul3A_31 = arith.mulf %sub3A_26, %sub3A_26 : vector<16xf32>
      %add3A_32 = arith.addf %mul3A_30, %mul3A_31 : vector<16xf32>
      %mul3A_33 = arith.mulf %sub3A_29, %sub3A_29 : vector<16xf32>
      %add3A_34 = arith.addf %add3A_32, %mul3A_33 : vector<16xf32>
      %swap3A = arith.index_cast %mul3A_19 : i32 to index
      %swap3A_35 = tpu.vector_load %arg20[%swap3A] {strides = array<i32>} : memref<2560xf32, #tpu.memory_space<vmem>>, vector<16xf32>,
      tpu.vector_store %arg20[%swap3A], %add3A_34 {strides = array<i32>} : memref<2560xf32, #tpu.memory_space<vmem>>, vector<16xf32>,
      %scan3A_36 = arith.constant 0 : i32
      scf.yield %scan3A_36 : i32
    }
    %scan3A_8 = arith.constant 160 : i32
    "tpu.region"() ({
      %run_scoped3A = tpu.sem_alloc : memref<!tpu.dma_semaphore, #tpu.memory_space<semaphore_mem>>
      %dma_start3A = tpu.memref_slice %arg10[%mul3A_2] : memref<81920xf32, #tpu.memory_space<hbm>> -> memref<2560xf32, #tpu.memory_space<hbm>>
      %dma_start3A_16 = tpu.memref_slice %arg10[%mul3A_2] : memref<81920xf32, #tpu.memory_space<hbm>> -> memref<2560xf32, #tpu.memory_space<hbm>>
      tpu.enqueue_dma source(%arg20 : memref<2560xf32, #tpu.memory_space<vmem>>) target(%dma_start3A_16 : memref<2560xf32, #tpu.memory_space<hbm>>) target_semaphore(%run_scoped3A : memref<!tpu.dma_semaphore, #tpu.memory_space<semaphore_mem>>)
      %dma_wait3A = tpu.memref_slice %arg10[%mul3A_2] : memref<81920xf32, #tpu.memory_space<hbm>> -> memref<2560xf32, #tpu.memory_space<hbm>>
      %dma_wait3A_17 = tpu.memref_slice %arg10[%mul3A_2] : memref<81920xf32, #tpu.memory_space<hbm>> -> memref<2560xf32, #tpu.memory_space<hbm>>
      tpu.wait_dma2 semaphore(%run_scoped3A : memref<!tpu.dma_semaphore, #tpu.memory_space<semaphore_mem>>) src(%arg20 : memref<2560xf32, #tpu.memory_space<vmem>>) dst(%dma_wait3A_17 : memref<2560xf32, #tpu.memory_space<hbm>>)
      tpu.yield
    }) : () -> ()
    %scan3A_9 = arith.constant 0 : i32
    %scan3A_10 = arith.constant 0 : i32
    %scan3A_11 = arith.constant 10 : i32
    %scan3A_12 = arith.addi %scan3A_10, %scan3A_11 : i32
    %scan3A_13 = arith.constant 1 : i32
    %scan3A_14 = scf.for %scan3A_16 = %scan3A_10 to %scan3A_12 step %scan3A_13 iter_args(%scan3A_17 = %scan3A_9) -> (i32)  : i32 {
      %mul3A_18 = arith.constant 2 : i32
      %mul3A_19 = arith.muli %scan3A_16, %mul3A_18 : i32
      %mul3A_20 = arith.constant 128 : i32
      %mul3A_21 = arith.muli %mul3A_19, %mul3A_20 : i32
      %add3A_22 = arith.constant 128 : i32
      %add3A_23 = arith.addi %mul3A_21, %add3A_22 : i32
      %dma_start3A = tpu.memref_slice %arg11[%mul3A_21] : memref<2560xi32, #tpu.memory_space<vmem>> -> memref<128xi32, #tpu.memory_space<vmem>>
      %dma_start3A_24 = arith.constant 0 : i32
      %dma_start3A_25 = arith.constant 0 : i32
      %dma_start3A_26 = tpu.memref_slice %arg2[%dma_start3A_24, %dma_start3A_25] : memref<10000x128xf32, #tpu.memory_space<hbm>> -> memref<10000x128xf32, #tpu.memory_space<hbm>>
      tpu.enqueue_indirect_dma source(%dma_start3A_26 : memref<10000x128xf32, #tpu.memory_space<hbm>>) target(%arg13 : memref<128x128xf32, #tpu.memory_space<vmem>>) offsets(%dma_start3A : memref<128xi32, #tpu.memory_space<vmem>>) semaphore(%arg21 : memref<!tpu.dma_semaphore, #tpu.memory_space<semaphore_mem>>)
      %dma_start3A_27 = tpu.memref_slice %arg12[%mul3A_21] : memref<2560xi32, #tpu.memory_space<vmem>> -> memref<128xi32, #tpu.memory_space<vmem>>
      %dma_start3A_28 = arith.constant 0 : i32
      %dma_start3A_29 = arith.constant 0 : i32
      %dma_start3A_30 = tpu.memref_slice %arg3[%dma_start3A_28, %dma_start3A_29] : memref<10000x128xf32, #tpu.memory_space<hbm>> -> memref<10000x128xf32, #tpu.memory_space<hbm>>
      tpu.enqueue_indirect_dma source(%dma_start3A_30 : memref<10000x128xf32, #tpu.memory_space<hbm>>) target(%arg15 : memref<128x128xf32, #tpu.memory_space<vmem>>) offsets(%dma_start3A_27 : memref<128xi32, #tpu.memory_space<vmem>>) semaphore(%arg22 : memref<!tpu.dma_semaphore, #tpu.memory_space<semaphore_mem>>)
      %dma_start3A_31 = tpu.memref_slice %arg11[%add3A_23] : memref<2560xi32, #tpu.memory_space<vmem>> -> memref<128xi32, #tpu.memory_space<vmem>>
      %dma_start3A_32 = arith.constant 0 : i32
      %dma_start3A_33 = arith.constant 0 : i32
      %dma_start3A_34 = tpu.memref_slice %arg2[%dma_start3A_32, %dma_start3A_33] : memref<10000x128xf32, #tpu.memory_space<hbm>> -> memref<10000x128xf32, #tpu.memory_space<hbm>>
      tpu.enqueue_indirect_dma source(%dma_start3A_34 : memref<10000x128xf32, #tpu.memory_space<hbm>>) target(%arg14 : memref<128x128xf32, #tpu.memory_space<vmem>>) offsets(%dma_start3A_31 : memref<128xi32, #tpu.memory_space<vmem>>) semaphore(%arg23 : memref<!tpu.dma_semaphore, #tpu.memory_space<semaphore_mem>>)
      %dma_start3A_35 = tpu.memref_slice %arg12[%add3A_23] : memref<2560xi32, #tpu.memory_space<vmem>> -> memref<128xi32, #tpu.memory_space<vmem>>
      %dma_start3A_36 = arith.constant 0 : i32
      %dma_start3A_37 = arith.constant 0 : i32
      %dma_start3A_38 = tpu.memref_slice %arg3[%dma_start3A_36, %dma_start3A_37] : memref<10000x128xf32, #tpu.memory_space<hbm>> -> memref<10000x128xf32, #tpu.memory_space<hbm>>
      tpu.enqueue_indirect_dma source(%dma_start3A_38 : memref<10000x128xf32, #tpu.memory_space<hbm>>) target(%arg16 : memref<128x128xf32, #tpu.memory_space<vmem>>) offsets(%dma_start3A_35 : memref<128xi32, #tpu.memory_space<vmem>>) semaphore(%arg24 : memref<!tpu.dma_semaphore, #tpu.memory_space<semaphore_mem>>)
      %dma_wait3A = tpu.memref_slice %arg11[%mul3A_21] : memref<2560xi32, #tpu.memory_space<vmem>> -> memref<128xi32, #tpu.memory_space<vmem>>
      %dma_wait3A_39 = arith.constant 0 : i32
      %dma_wait3A_40 = arith.constant 0 : i32
      %dma_wait3A_41 = tpu.memref_slice %arg2[%dma_wait3A_39, %dma_wait3A_40] : memref<10000x128xf32, #tpu.memory_space<hbm>> -> memref<10000x128xf32, #tpu.memory_space<hbm>>
      tpu.wait_indirect_dma semaphore(%arg21 : memref<!tpu.dma_semaphore, #tpu.memory_space<semaphore_mem>>) src(%dma_wait3A_41 : memref<10000x128xf32, #tpu.memory_space<hbm>>) dst(%arg13 : memref<128x128xf32, #tpu.memory_space<vmem>>)
      %dma_wait3A_42 = tpu.memref_slice %arg12[%mul3A_21] : memref<2560xi32, #tpu.memory_space<vmem>> -> memref<128xi32, #tpu.memory_space<vmem>>
      %dma_wait3A_43 = arith.constant 0 : i32
      %dma_wait3A_44 = arith.constant 0 : i32
      %dma_wait3A_45 = tpu.memref_slice %arg3[%dma_wait3A_43, %dma_wait3A_44] : memref<10000x128xf32, #tpu.memory_space<hbm>> -> memref<10000x128xf32, #tpu.memory_space<hbm>>
      tpu.wait_indirect_dma semaphore(%arg22 : memref<!tpu.dma_semaphore, #tpu.memory_space<semaphore_mem>>) src(%dma_wait3A_45 : memref<10000x128xf32, #tpu.memory_space<hbm>>) dst(%arg15 : memref<128x128xf32, #tpu.memory_space<vmem>>)
      %scan3A_46 = arith.constant 0 : i32
      %scan3A_47 = arith.constant 0 : i32
      %scan3A_48 = arith.constant 128 : i32
      %scan3A_49 = arith.addi %scan3A_47, %scan3A_48 : i32
      %scan3A_50 = arith.constant 1 : i32
      %scan3A_51 = scf.for %scan3A_87 = %scan3A_47 to %scan3A_49 step %scan3A_50 iter_args(%scan3A_88 = %scan3A_46) -> (i32)  : i32 {
        %get3A = arith.index_cast %scan3A_87 : i32 to index
        %get3A_89 = arith.constant 0 : index
        %get3A_90 = tpu.vector_load %arg13[%get3A, %get3A_89] {strides = array<i32>} : memref<128x128xf32, #tpu.memory_space<vmem>>, vector<16xf32>,
        %get3A_91 = arith.index_cast %scan3A_87 : i32 to index
        %get3A_92 = arith.constant 0 : index
        %get3A_93 = tpu.vector_load %arg15[%get3A_91, %get3A_92] {strides = array<i32>} : memref<128x128xf32, #tpu.memory_space<vmem>>, vector<16xf32>,
        %add3A_94 = arith.addf %get3A_90, %get3A_93 : vector<16xf32>
        %swap3A = arith.index_cast %scan3A_87 : i32 to index
        %swap3A_95 = arith.constant 0 : index
        %swap3A_96 = tpu.vector_load %arg13[%swap3A, %swap3A_95] {strides = array<i32>} : memref<128x128xf32, #tpu.memory_space<vmem>>, vector<16xf32>,
        tpu.vector_store %arg13[%swap3A, %swap3A_95], %add3A_94 {strides = array<i32>} : memref<128x128xf32, #tpu.memory_space<vmem>>, vector<16xf32>,
        %get3A_97 = arith.index_cast %scan3A_87 : i32 to index
        %get3A_98 = arith.constant 16 : index
        %get3A_99 = tpu.vector_load %arg13[%get3A_97, %get3A_98] {strides = array<i32>} : memref<128x128xf32, #tpu.memory_space<vmem>>, vector<16xf32>,
        %get3A_100 = arith.index_cast %scan3A_87 : i32 to index
        %get3A_101 = arith.constant 16 : index
        %get3A_102 = tpu.vector_load %arg15[%get3A_100, %get3A_101] {strides = array<i32>} : memref<128x128xf32, #tpu.memory_space<vmem>>, vector<16xf32>,
        %add3A_103 = arith.addf %get3A_99, %get3A_102 : vector<16xf32>
        %swap3A_104 = arith.index_cast %scan3A_87 : i32 to index
        %swap3A_105 = arith.constant 16 : index
        %swap3A_106 = tpu.vector_load %arg13[%swap3A_104, %swap3A_105] {strides = array<i32>} : memref<128x128xf32, #tpu.memory_space<vmem>>, vector<16xf32>,
        tpu.vector_store %arg13[%swap3A_104, %swap3A_105], %add3A_103 {strides = array<i32>} : memref<128x128xf32, #tpu.memory_space<vmem>>, vector<16xf32>,
        %get3A_107 = arith.index_cast %scan3A_87 : i32 to index
        %get3A_108 = arith.constant 32 : index
        %get3A_109 = tpu.vector_load %arg13[%get3A_107, %get3A_108] {strides = array<i32>} : memref<128x128xf32, #tpu.memory_space<vmem>>, vector<16xf32>,
        %get3A_110 = arith.index_cast %scan3A_87 : i32 to index
        %get3A_111 = arith.constant 32 : index
        %get3A_112 = tpu.vector_load %arg15[%get3A_110, %get3A_111] {strides = array<i32>} : memref<128x128xf32, #tpu.memory_space<vmem>>, vector<16xf32>,
        %add3A_113 = arith.addf %get3A_109, %get3A_112 : vector<16xf32>
        %swap3A_114 = arith.index_cast %scan3A_87 : i32 to index
        %swap3A_115 = arith.constant 32 : index
        %swap3A_116 = tpu.vector_load %arg13[%swap3A_114, %swap3A_115] {strides = array<i32>} : memref<128x128xf32, #tpu.memory_space<vmem>>, vector<16xf32>,
        tpu.vector_store %arg13[%swap3A_114, %swap3A_115], %add3A_113 {strides = array<i32>} : memref<128x128xf32, #tpu.memory_space<vmem>>, vector<16xf32>,
        %get3A_117 = arith.index_cast %scan3A_87 : i32 to index
        %get3A_118 = arith.constant 48 : index
        %get3A_119 = tpu.vector_load %arg13[%get3A_117, %get3A_118] {strides = array<i32>} : memref<128x128xf32, #tpu.memory_space<vmem>>, vector<16xf32>,
        %get3A_120 = arith.index_cast %scan3A_87 : i32 to index
        %get3A_121 = arith.constant 48 : index
        %get3A_122 = tpu.vector_load %arg15[%get3A_120, %get3A_121] {strides = array<i32>} : memref<128x128xf32, #tpu.memory_space<vmem>>, vector<16xf32>,
        %add3A_123 = arith.addf %get3A_119, %get3A_122 : vector<16xf32>
        %swap3A_124 = arith.index_cast %scan3A_87 : i32 to index
        %swap3A_125 = arith.constant 48 : index
        %swap3A_126 = tpu.vector_load %arg13[%swap3A_124, %swap3A_125] {strides = array<i32>} : memref<128x128xf32, #tpu.memory_space<vmem>>, vector<16xf32>,
        tpu.vector_store %arg13[%swap3A_124, %swap3A_125], %add3A_123 {strides = array<i32>} : memref<128x128xf32, #tpu.memory_space<vmem>>, vector<16xf32>,
        %get3A_127 = arith.index_cast %scan3A_87 : i32 to index
        %get3A_128 = arith.constant 64 : index
        %get3A_129 = tpu.vector_load %arg13[%get3A_127, %get3A_128] {strides = array<i32>} : memref<128x128xf32, #tpu.memory_space<vmem>>, vector<16xf32>,
        %get3A_130 = arith.index_cast %scan3A_87 : i32 to index
        %get3A_131 = arith.constant 64 : index
        %get3A_132 = tpu.vector_load %arg15[%get3A_130, %get3A_131] {strides = array<i32>} : memref<128x128xf32, #tpu.memory_space<vmem>>, vector<16xf32>,
        %add3A_133 = arith.addf %get3A_129, %get3A_132 : vector<16xf32>
        %swap3A_134 = arith.index_cast %scan3A_87 : i32 to index
        %swap3A_135 = arith.constant 64 : index
        %swap3A_136 = tpu.vector_load %arg13[%swap3A_134, %swap3A_135] {strides = array<i32>} : memref<128x128xf32, #tpu.memory_space<vmem>>, vector<16xf32>,
        tpu.vector_store %arg13[%swap3A_134, %swap3A_135], %add3A_133 {strides = array<i32>} : memref<128x128xf32, #tpu.memory_space<vmem>>, vector<16xf32>,
        %get3A_137 = arith.index_cast %scan3A_87 : i32 to index
        %get3A_138 = arith.constant 80 : index
        %get3A_139 = tpu.vector_load %arg13[%get3A_137, %get3A_138] {strides = array<i32>} : memref<128x128xf32, #tpu.memory_space<vmem>>, vector<16xf32>,
        %get3A_140 = arith.index_cast %scan3A_87 : i32 to index
        %get3A_141 = arith.constant 80 : index
        %get3A_142 = tpu.vector_load %arg15[%get3A_140, %get3A_141] {strides = array<i32>} : memref<128x128xf32, #tpu.memory_space<vmem>>, vector<16xf32>,
        %add3A_143 = arith.addf %get3A_139, %get3A_142 : vector<16xf32>
        %swap3A_144 = arith.index_cast %scan3A_87 : i32 to index
        %swap3A_145 = arith.constant 80 : index
        %swap3A_146 = tpu.vector_load %arg13[%swap3A_144, %swap3A_145] {strides = array<i32>} : memref<128x128xf32, #tpu.memory_space<vmem>>, vector<16xf32>,
        tpu.vector_store %arg13[%swap3A_144, %swap3A_145], %add3A_143 {strides = array<i32>} : memref<128x128xf32, #tpu.memory_space<vmem>>, vector<16xf32>,
        %get3A_147 = arith.index_cast %scan3A_87 : i32 to index
        %get3A_148 = arith.constant 96 : index
        %get3A_149 = tpu.vector_load %arg13[%get3A_147, %get3A_148] {strides = array<i32>} : memref<128x128xf32, #tpu.memory_space<vmem>>, vector<16xf32>,
        %get3A_150 = arith.index_cast %scan3A_87 : i32 to index
        %get3A_151 = arith.constant 96 : index
        %get3A_152 = tpu.vector_load %arg15[%get3A_150, %get3A_151] {strides = array<i32>} : memref<128x128xf32, #tpu.memory_space<vmem>>, vector<16xf32>,
        %add3A_153 = arith.addf %get3A_149, %get3A_152 : vector<16xf32>
        %swap3A_154 = arith.index_cast %scan3A_87 : i32 to index
        %swap3A_155 = arith.constant 96 : index
        %swap3A_156 = tpu.vector_load %arg13[%swap3A_154, %swap3A_155] {strides = array<i32>} : memref<128x128xf32, #tpu.memory_space<vmem>>, vector<16xf32>,
        tpu.vector_store %arg13[%swap3A_154, %swap3A_155], %add3A_153 {strides = array<i32>} : memref<128x128xf32, #tpu.memory_space<vmem>>, vector<16xf32>,
        %get3A_157 = arith.index_cast %scan3A_87 : i32 to index
        %get3A_158 = arith.constant 112 : index
        %get3A_159 = tpu.vector_load %arg13[%get3A_157, %get3A_158] {strides = array<i32>} : memref<128x128xf32, #tpu.memory_space<vmem>>, vector<16xf32>,
        %get3A_160 = arith.index_cast %scan3A_87 : i32 to index
        %get3A_161 = arith.constant 112 : index
        %get3A_162 = tpu.vector_load %arg15[%get3A_160, %get3A_161] {strides = array<i32>} : memref<128x128xf32, #tpu.memory_space<vmem>>, vector<16xf32>,
        %add3A_163 = arith.addf %get3A_159, %get3A_162 : vector<16xf32>
        %swap3A_164 = arith.index_cast %scan3A_87 : i32 to index
        %swap3A_165 = arith.constant 112 : index
        %swap3A_166 = tpu.vector_load %arg13[%swap3A_164, %swap3A_165] {strides = array<i32>} : memref<128x128xf32, #tpu.memory_space<vmem>>, vector<16xf32>,
        tpu.vector_store %arg13[%swap3A_164, %swap3A_165], %add3A_163 {strides = array<i32>} : memref<128x128xf32, #tpu.memory_space<vmem>>, vector<16xf32>,
        %scan3A_167 = arith.constant 0 : i32
        scf.yield %scan3A_167 : i32
      }
      %scan3A_52 = arith.constant 128 : i32
      %add3A_53 = arith.addi %mul3A_2, %mul3A_21 : i32
      %dma_start3A_54 = arith.constant 0 : i32
      %dma_start3A_55 = tpu.memref_slice %arg9[%add3A_53, %dma_start3A_54] : memref<81920x128xf32, #tpu.memory_space<hbm>> -> memref<128x128xf32, #tpu.memory_space<hbm>>
      %dma_start3A_56 = arith.constant 0 : i32
      %dma_start3A_57 = tpu.memref_slice %arg9[%add3A_53, %dma_start3A_56] : memref<81920x128xf32, #tpu.memory_space<hbm>> -> memref<128x128xf32, #tpu.memory_space<hbm>>
      tpu.enqueue_dma source(%arg13 : memref<128x128xf32, #tpu.memory_space<vmem>>) target(%dma_start3A_57 : memref<128x128xf32, #tpu.memory_space<hbm>>) target_semaphore(%arg25 : memref<!tpu.dma_semaphore, #tpu.memory_space<semaphore_mem>>)
      %dma_wait3A_58 = tpu.memref_slice %arg11[%add3A_23] : memref<2560xi32, #tpu.memory_space<vmem>> -> memref<128xi32, #tpu.memory_space<vmem>>
      %dma_wait3A_59 = arith.constant 0 : i32
      %dma_wait3A_60 = arith.constant 0 : i32
      %dma_wait3A_61 = tpu.memref_slice %arg2[%dma_wait3A_59, %dma_wait3A_60] : memref<10000x128xf32, #tpu.memory_space<hbm>> -> memref<10000x128xf32, #tpu.memory_space<hbm>>
      tpu.wait_indirect_dma semaphore(%arg23 : memref<!tpu.dma_semaphore, #tpu.memory_space<semaphore_mem>>) src(%dma_wait3A_61 : memref<10000x128xf32, #tpu.memory_space<hbm>>) dst(%arg14 : memref<128x128xf32, #tpu.memory_space<vmem>>)
      %dma_wait3A_62 = tpu.memref_slice %arg12[%add3A_23] : memref<2560xi32, #tpu.memory_space<vmem>> -> memref<128xi32, #tpu.memory_space<vmem>>
      %dma_wait3A_63 = arith.constant 0 : i32
      %dma_wait3A_64 = arith.constant 0 : i32
      %dma_wait3A_65 = tpu.memref_slice %arg3[%dma_wait3A_63, %dma_wait3A_64] : memref<10000x128xf32, #tpu.memory_space<hbm>> -> memref<10000x128xf32, #tpu.memory_space<hbm>>
      tpu.wait_indirect_dma semaphore(%arg24 : memref<!tpu.dma_semaphore, #tpu.memory_space<semaphore_mem>>) src(%dma_wait3A_65 : memref<10000x128xf32, #tpu.memory_space<hbm>>) dst(%arg16 : memref<128x128xf32, #tpu.memory_space<vmem>>)
      %scan3A_66 = arith.constant 0 : i32
      %scan3A_67 = arith.constant 0 : i32
      %scan3A_68 = arith.constant 128 : i32
      %scan3A_69 = arith.addi %scan3A_67, %scan3A_68 : i32
      %scan3A_70 = arith.constant 1 : i32
      %scan3A_71 = scf.for %scan3A_87 = %scan3A_67 to %scan3A_69 step %scan3A_70 iter_args(%scan3A_88 = %scan3A_66) -> (i32)  : i32 {
        %get3A = arith.index_cast %scan3A_87 : i32 to index
        %get3A_89 = arith.constant 0 : index
        %get3A_90 = tpu.vector_load %arg14[%get3A, %get3A_89] {strides = array<i32>} : memref<128x128xf32, #tpu.memory_space<vmem>>, vector<16xf32>,
        %get3A_91 = arith.index_cast %scan3A_87 : i32 to index
        %get3A_92 = arith.constant 0 : index
        %get3A_93 = tpu.vector_load %arg16[%get3A_91, %get3A_92] {strides = array<i32>} : memref<128x128xf32, #tpu.memory_space<vmem>>, vector<16xf32>,
        %add3A_94 = arith.addf %get3A_90, %get3A_93 : vector<16xf32>
        %swap3A = arith.index_cast %scan3A_87 : i32 to index
        %swap3A_95 = arith.constant 0 : index
        %swap3A_96 = tpu.vector_load %arg14[%swap3A, %swap3A_95] {strides = array<i32>} : memref<128x128xf32, #tpu.memory_space<vmem>>, vector<16xf32>,
        tpu.vector_store %arg14[%swap3A, %swap3A_95], %add3A_94 {strides = array<i32>} : memref<128x128xf32, #tpu.memory_space<vmem>>, vector<16xf32>,
        %get3A_97 = arith.index_cast %scan3A_87 : i32 to index
        %get3A_98 = arith.constant 16 : index
        %get3A_99 = tpu.vector_load %arg14[%get3A_97, %get3A_98] {strides = array<i32>} : memref<128x128xf32, #tpu.memory_space<vmem>>, vector<16xf32>,
        %get3A_100 = arith.index_cast %scan3A_87 : i32 to index
        %get3A_101 = arith.constant 16 : index
        %get3A_102 = tpu.vector_load %arg16[%get3A_100, %get3A_101] {strides = array<i32>} : memref<128x128xf32, #tpu.memory_space<vmem>>, vector<16xf32>,
        %add3A_103 = arith.addf %get3A_99, %get3A_102 : vector<16xf32>
        %swap3A_104 = arith.index_cast %scan3A_87 : i32 to index
        %swap3A_105 = arith.constant 16 : index
        %swap3A_106 = tpu.vector_load %arg14[%swap3A_104, %swap3A_105] {strides = array<i32>} : memref<128x128xf32, #tpu.memory_space<vmem>>, vector<16xf32>,
        tpu.vector_store %arg14[%swap3A_104, %swap3A_105], %add3A_103 {strides = array<i32>} : memref<128x128xf32, #tpu.memory_space<vmem>>, vector<16xf32>,
        %get3A_107 = arith.index_cast %scan3A_87 : i32 to index
        %get3A_108 = arith.constant 32 : index
        %get3A_109 = tpu.vector_load %arg14[%get3A_107, %get3A_108] {strides = array<i32>} : memref<128x128xf32, #tpu.memory_space<vmem>>, vector<16xf32>,
        %get3A_110 = arith.index_cast %scan3A_87 : i32 to index
        %get3A_111 = arith.constant 32 : index
        %get3A_112 = tpu.vector_load %arg16[%get3A_110, %get3A_111] {strides = array<i32>} : memref<128x128xf32, #tpu.memory_space<vmem>>, vector<16xf32>,
        %add3A_113 = arith.addf %get3A_109, %get3A_112 : vector<16xf32>
        %swap3A_114 = arith.index_cast %scan3A_87 : i32 to index
        %swap3A_115 = arith.constant 32 : index
        %swap3A_116 = tpu.vector_load %arg14[%swap3A_114, %swap3A_115] {strides = array<i32>} : memref<128x128xf32, #tpu.memory_space<vmem>>, vector<16xf32>,
        tpu.vector_store %arg14[%swap3A_114, %swap3A_115], %add3A_113 {strides = array<i32>} : memref<128x128xf32, #tpu.memory_space<vmem>>, vector<16xf32>,
        %get3A_117 = arith.index_cast %scan3A_87 : i32 to index
        %get3A_118 = arith.constant 48 : index
        %get3A_119 = tpu.vector_load %arg14[%get3A_117, %get3A_118] {strides = array<i32>} : memref<128x128xf32, #tpu.memory_space<vmem>>, vector<16xf32>,
        %get3A_120 = arith.index_cast %scan3A_87 : i32 to index
        %get3A_121 = arith.constant 48 : index
        %get3A_122 = tpu.vector_load %arg16[%get3A_120, %get3A_121] {strides = array<i32>} : memref<128x128xf32, #tpu.memory_space<vmem>>, vector<16xf32>,
        %add3A_123 = arith.addf %get3A_119, %get3A_122 : vector<16xf32>
        %swap3A_124 = arith.index_cast %scan3A_87 : i32 to index
        %swap3A_125 = arith.constant 48 : index
        %swap3A_126 = tpu.vector_load %arg14[%swap3A_124, %swap3A_125] {strides = array<i32>} : memref<128x128xf32, #tpu.memory_space<vmem>>, vector<16xf32>,
        tpu.vector_store %arg14[%swap3A_124, %swap3A_125], %add3A_123 {strides = array<i32>} : memref<128x128xf32, #tpu.memory_space<vmem>>, vector<16xf32>,
        %get3A_127 = arith.index_cast %scan3A_87 : i32 to index
        %get3A_128 = arith.constant 64 : index
        %get3A_129 = tpu.vector_load %arg14[%get3A_127, %get3A_128] {strides = array<i32>} : memref<128x128xf32, #tpu.memory_space<vmem>>, vector<16xf32>,
        %get3A_130 = arith.index_cast %scan3A_87 : i32 to index
        %get3A_131 = arith.constant 64 : index
        %get3A_132 = tpu.vector_load %arg16[%get3A_130, %get3A_131] {strides = array<i32>} : memref<128x128xf32, #tpu.memory_space<vmem>>, vector<16xf32>,
        %add3A_133 = arith.addf %get3A_129, %get3A_132 : vector<16xf32>
        %swap3A_134 = arith.index_cast %scan3A_87 : i32 to index
        %swap3A_135 = arith.constant 64 : index
        %swap3A_136 = tpu.vector_load %arg14[%swap3A_134, %swap3A_135] {strides = array<i32>} : memref<128x128xf32, #tpu.memory_space<vmem>>, vector<16xf32>,
        tpu.vector_store %arg14[%swap3A_134, %swap3A_135], %add3A_133 {strides = array<i32>} : memref<128x128xf32, #tpu.memory_space<vmem>>, vector<16xf32>,
        %get3A_137 = arith.index_cast %scan3A_87 : i32 to index
        %get3A_138 = arith.constant 80 : index
        %get3A_139 = tpu.vector_load %arg14[%get3A_137, %get3A_138] {strides = array<i32>} : memref<128x128xf32, #tpu.memory_space<vmem>>, vector<16xf32>,
        %get3A_140 = arith.index_cast %scan3A_87 : i32 to index
        %get3A_141 = arith.constant 80 : index
        %get3A_142 = tpu.vector_load %arg16[%get3A_140, %get3A_141] {strides = array<i32>} : memref<128x128xf32, #tpu.memory_space<vmem>>, vector<16xf32>,
        %add3A_143 = arith.addf %get3A_139, %get3A_142 : vector<16xf32>
        %swap3A_144 = arith.index_cast %scan3A_87 : i32 to index
        %swap3A_145 = arith.constant 80 : index
        %swap3A_146 = tpu.vector_load %arg14[%swap3A_144, %swap3A_145] {strides = array<i32>} : memref<128x128xf32, #tpu.memory_space<vmem>>, vector<16xf32>,
        tpu.vector_store %arg14[%swap3A_144, %swap3A_145], %add3A_143 {strides = array<i32>} : memref<128x128xf32, #tpu.memory_space<vmem>>, vector<16xf32>,
        %get3A_147 = arith.index_cast %scan3A_87 : i32 to index
        %get3A_148 = arith.constant 96 : index
        %get3A_149 = tpu.vector_load %arg14[%get3A_147, %get3A_148] {strides = array<i32>} : memref<128x128xf32, #tpu.memory_space<vmem>>, vector<16xf32>,
        %get3A_150 = arith.index_cast %scan3A_87 : i32 to index
        %get3A_151 = arith.constant 96 : index
        %get3A_152 = tpu.vector_load %arg16[%get3A_150, %get3A_151] {strides = array<i32>} : memref<128x128xf32, #tpu.memory_space<vmem>>, vector<16xf32>,
        %add3A_153 = arith.addf %get3A_149, %get3A_152 : vector<16xf32>
        %swap3A_154 = arith.index_cast %scan3A_87 : i32 to index
        %swap3A_155 = arith.constant 96 : index
        %swap3A_156 = tpu.vector_load %arg14[%swap3A_154, %swap3A_155] {strides = array<i32>} : memref<128x128xf32, #tpu.memory_space<vmem>>, vector<16xf32>,
        tpu.vector_store %arg14[%swap3A_154, %swap3A_155], %add3A_153 {strides = array<i32>} : memref<128x128xf32, #tpu.memory_space<vmem>>, vector<16xf32>,
        %get3A_157 = arith.index_cast %scan3A_87 : i32 to index
        %get3A_158 = arith.constant 112 : index
        %get3A_159 = tpu.vector_load %arg14[%get3A_157, %get3A_158] {strides = array<i32>} : memref<128x128xf32, #tpu.memory_space<vmem>>, vector<16xf32>,
        %get3A_160 = arith.index_cast %scan3A_87 : i32 to index
        %get3A_161 = arith.constant 112 : index
        %get3A_162 = tpu.vector_load %arg16[%get3A_160, %get3A_161] {strides = array<i32>} : memref<128x128xf32, #tpu.memory_space<vmem>>, vector<16xf32>,
        %add3A_163 = arith.addf %get3A_159, %get3A_162 : vector<16xf32>
        %swap3A_164 = arith.index_cast %scan3A_87 : i32 to index
        %swap3A_165 = arith.constant 112 : index
        %swap3A_166 = tpu.vector_load %arg14[%swap3A_164, %swap3A_165] {strides = array<i32>} : memref<128x128xf32, #tpu.memory_space<vmem>>, vector<16xf32>,
        tpu.vector_store %arg14[%swap3A_164, %swap3A_165], %add3A_163 {strides = array<i32>} : memref<128x128xf32, #tpu.memory_space<vmem>>, vector<16xf32>,
        %scan3A_167 = arith.constant 0 : i32
        scf.yield %scan3A_167 : i32
      }
      %scan3A_72 = arith.constant 128 : i32
      %add3A_73 = arith.addi %mul3A_2, %add3A_23 : i32
      %dma_start3A_74 = arith.constant 0 : i32
      %dma_start3A_75 = tpu.memref_slice %arg9[%add3A_73, %dma_start3A_74] : memref<81920x128xf32, #tpu.memory_space<hbm>> -> memref<128x128xf32, #tpu.memory_space<hbm>>
      %dma_start3A_76 = arith.constant 0 : i32
      %dma_start3A_77 = tpu.memref_slice %arg9[%add3A_73, %dma_start3A_76] : memref<81920x128xf32, #tpu.memory_space<hbm>> -> memref<128x128xf32, #tpu.memory_space<hbm>>
      tpu.enqueue_dma source(%arg14 : memref<128x128xf32, #tpu.memory_space<vmem>>) target(%dma_start3A_77 : memref<128x128xf32, #tpu.memory_space<hbm>>) target_semaphore(%arg25 : memref<!tpu.dma_semaphore, #tpu.memory_space<semaphore_mem>>)
      %dma_wait3A_78 = arith.constant 0 : i32
      %dma_wait3A_79 = tpu.memref_slice %arg9[%add3A_53, %dma_wait3A_78] : memref<81920x128xf32, #tpu.memory_space<hbm>> -> memref<128x128xf32, #tpu.memory_space<hbm>>
      %dma_wait3A_80 = arith.constant 0 : i32
      %dma_wait3A_81 = tpu.memref_slice %arg9[%add3A_53, %dma_wait3A_80] : memref<81920x128xf32, #tpu.memory_space<hbm>> -> memref<128x128xf32, #tpu.memory_space<hbm>>
      tpu.wait_dma2 semaphore(%arg25 : memref<!tpu.dma_semaphore, #tpu.memory_space<semaphore_mem>>) src(%arg13 : memref<128x128xf32, #tpu.memory_space<vmem>>) dst(%dma_wait3A_81 : memref<128x128xf32, #tpu.memory_space<hbm>>)
      %dma_wait3A_82 = arith.constant 0 : i32
      %dma_wait3A_83 = tpu.memref_slice %arg9[%add3A_73, %dma_wait3A_82] : memref<81920x128xf32, #tpu.memory_space<hbm>> -> memref<128x128xf32, #tpu.memory_space<hbm>>
      %dma_wait3A_84 = arith.constant 0 : i32
      %dma_wait3A_85 = tpu.memref_slice %arg9[%add3A_73, %dma_wait3A_84] : memref<81920x128xf32, #tpu.memory_space<hbm>> -> memref<128x128xf32, #tpu.memory_space<hbm>>
      tpu.wait_dma2 semaphore(%arg25 : memref<!tpu.dma_semaphore, #tpu.memory_space<semaphore_mem>>) src(%arg14 : memref<128x128xf32, #tpu.memory_space<vmem>>) dst(%dma_wait3A_85 : memref<128x128xf32, #tpu.memory_space<hbm>>)
      %scan3A_86 = arith.constant 0 : i32
      scf.yield %scan3A_86 : i32
    }
    %scan3A_15 = arith.constant 10 : i32
    return
  }
}

#map = affine_map<(d0, d1) -> (0)>
module attributes {stable_mosaic.version = 14 : i64} {
  func.func @_scatter_body(%arg0: i32, %arg1: i32, %arg2: memref<327680xi32, #tpu.memory_space<hbm>>, %arg3: memref<327680xi32, #tpu.memory_space<hbm>>, %arg4: memref<327680xf32, #tpu.memory_space<hbm>>, %arg5: memref<10000xf32, #tpu.memory_space<hbm>>, %arg6: memref<10000xf32, #tpu.memory_space<hbm>>, %arg7: memref<10000xf32, #tpu.memory_space<hbm>>, %arg8: memref<960000xf32, #tpu.memory_space<hbm>>, %arg9: memref<10240xi32, #tpu.memory_space<vmem>>, %arg10: memref<10240xi32, #tpu.memory_space<vmem>>, %arg11: memref<10240xf32, #tpu.memory_space<vmem>>, %arg12: memref<10000xf32, #tpu.memory_space<vmem>>, %arg13: memref<10000xf32, #tpu.memory_space<vmem>>, %arg14: memref<10000xf32, #tpu.memory_space<vmem>>, %arg15: memref<10000xf32, #tpu.memory_space<vmem>>, %arg16: memref<10000xf32, #tpu.memory_space<vmem>>, %arg17: memref<10000xf32, #tpu.memory_space<vmem>>) attributes {dimension_semantics = [#tpu.dimension_semantics<core_parallel>, #tpu.dimension_semantics<subcore_parallel>], iteration_bounds = array<i64: 2, 16>, scalar_prefetch = 0 : i64, scratch_operands = 9 : i64, tpu.core_type = #tpu.core_type<sc_vector_subcore>, window_params = [{transform_indices = #map}, {transform_indices = #map}, {transform_indices = #map}, {transform_indices = #map}, {transform_indices = #map}, {transform_indices = #map}, {transform_indices = #map}]} {
    %mul3A = arith.constant 2 : i32
    %mul3A_0 = arith.muli %arg1, %mul3A : i32
    %add3A = arith.addi %mul3A_0, %arg0 : i32
    %mul3A_1 = arith.constant 10240 : i32
    %mul3A_2 = arith.muli %add3A, %mul3A_1 : i32
    "tpu.region"() ({
      %run_scoped3A = tpu.sem_alloc : memref<!tpu.dma_semaphore, #tpu.memory_space<semaphore_mem>>
      tpu.enqueue_dma source(%arg5 : memref<10000xf32, #tpu.memory_space<hbm>>) target(%arg12 : memref<10000xf32, #tpu.memory_space<vmem>>) target_semaphore(%run_scoped3A : memref<!tpu.dma_semaphore, #tpu.memory_space<semaphore_mem>>)
      tpu.wait_dma2 semaphore(%run_scoped3A : memref<!tpu.dma_semaphore, #tpu.memory_space<semaphore_mem>>) src(%arg5 : memref<10000xf32, #tpu.memory_space<hbm>>) dst(%arg12 : memref<10000xf32, #tpu.memory_space<vmem>>)
      tpu.yield
    }) : () -> ()
    "tpu.region"() ({
      %run_scoped3A = tpu.sem_alloc : memref<!tpu.dma_semaphore, #tpu.memory_space<semaphore_mem>>
      tpu.enqueue_dma source(%arg6 : memref<10000xf32, #tpu.memory_space<hbm>>) target(%arg13 : memref<10000xf32, #tpu.memory_space<vmem>>) target_semaphore(%run_scoped3A : memref<!tpu.dma_semaphore, #tpu.memory_space<semaphore_mem>>)
      tpu.wait_dma2 semaphore(%run_scoped3A : memref<!tpu.dma_semaphore, #tpu.memory_space<semaphore_mem>>) src(%arg6 : memref<10000xf32, #tpu.memory_space<hbm>>) dst(%arg13 : memref<10000xf32, #tpu.memory_space<vmem>>)
      tpu.yield
    }) : () -> ()
    "tpu.region"() ({
      %run_scoped3A = tpu.sem_alloc : memref<!tpu.dma_semaphore, #tpu.memory_space<semaphore_mem>>
      tpu.enqueue_dma source(%arg7 : memref<10000xf32, #tpu.memory_space<hbm>>) target(%arg14 : memref<10000xf32, #tpu.memory_space<vmem>>) target_semaphore(%run_scoped3A : memref<!tpu.dma_semaphore, #tpu.memory_space<semaphore_mem>>)
      tpu.wait_dma2 semaphore(%run_scoped3A : memref<!tpu.dma_semaphore, #tpu.memory_space<semaphore_mem>>) src(%arg7 : memref<10000xf32, #tpu.memory_space<hbm>>) dst(%arg14 : memref<10000xf32, #tpu.memory_space<vmem>>)
      tpu.yield
    }) : () -> ()
    %scan3A = arith.constant 0 : i32
    %scan3A_3 = arith.constant 0 : i32
    %scan3A_4 = arith.constant 625 : i32
    %scan3A_5 = arith.addi %scan3A_3, %scan3A_4 : i32
    %scan3A_6 = arith.constant 1 : i32
    %scan3A_7 = scf.for %scan3A_22 = %scan3A_3 to %scan3A_5 step %scan3A_6 iter_args(%scan3A_23 = %scan3A) -> (i32)  : i32 {
      %mul3A_24 = arith.constant 16 : i32
      %mul3A_25 = arith.muli %scan3A_22, %mul3A_24 : i32
      %broadcast_in_dim3A = arith.constant 0.000000e+00 : f32
      %broadcast_in_dim3A_26 = vector.broadcast %broadcast_in_dim3A : f32 to vector<16xf32>
      %swap3A = arith.index_cast %mul3A_25 : i32 to index
      %swap3A_27 = tpu.vector_load %arg15[%swap3A] {strides = array<i32>} : memref<10000xf32, #tpu.memory_space<vmem>>, vector<16xf32>,
      tpu.vector_store %arg15[%swap3A], %broadcast_in_dim3A_26 {strides = array<i32>} : memref<10000xf32, #tpu.memory_space<vmem>>, vector<16xf32>,
      %swap3A_28 = arith.index_cast %mul3A_25 : i32 to index
      %swap3A_29 = tpu.vector_load %arg16[%swap3A_28] {strides = array<i32>} : memref<10000xf32, #tpu.memory_space<vmem>>, vector<16xf32>,
      tpu.vector_store %arg16[%swap3A_28], %broadcast_in_dim3A_26 {strides = array<i32>} : memref<10000xf32, #tpu.memory_space<vmem>>, vector<16xf32>,
      %swap3A_30 = arith.index_cast %mul3A_25 : i32 to index
      %swap3A_31 = tpu.vector_load %arg17[%swap3A_30] {strides = array<i32>} : memref<10000xf32, #tpu.memory_space<vmem>>, vector<16xf32>,
      tpu.vector_store %arg17[%swap3A_30], %broadcast_in_dim3A_26 {strides = array<i32>} : memref<10000xf32, #tpu.memory_space<vmem>>, vector<16xf32>,
      %scan3A_32 = arith.constant 0 : i32
      scf.yield %scan3A_32 : i32
    }
    %scan3A_8 = arith.constant 625 : i32
    "tpu.region"() ({
      %run_scoped3A = tpu.sem_alloc : memref<!tpu.dma_semaphore, #tpu.memory_space<semaphore_mem>>
      %dma_start3A = tpu.memref_slice %arg2[%mul3A_2] : memref<327680xi32, #tpu.memory_space<hbm>> -> memref<10240xi32, #tpu.memory_space<hbm>>
      %dma_start3A_22 = tpu.memref_slice %arg2[%mul3A_2] : memref<327680xi32, #tpu.memory_space<hbm>> -> memref<10240xi32, #tpu.memory_space<hbm>>
      tpu.enqueue_dma source(%dma_start3A_22 : memref<10240xi32, #tpu.memory_space<hbm>>) target(%arg9 : memref<10240xi32, #tpu.memory_space<vmem>>) target_semaphore(%run_scoped3A : memref<!tpu.dma_semaphore, #tpu.memory_space<semaphore_mem>>)
      %dma_wait3A = tpu.memref_slice %arg2[%mul3A_2] : memref<327680xi32, #tpu.memory_space<hbm>> -> memref<10240xi32, #tpu.memory_space<hbm>>
      %dma_wait3A_23 = tpu.memref_slice %arg2[%mul3A_2] : memref<327680xi32, #tpu.memory_space<hbm>> -> memref<10240xi32, #tpu.memory_space<hbm>>
      tpu.wait_dma2 semaphore(%run_scoped3A : memref<!tpu.dma_semaphore, #tpu.memory_space<semaphore_mem>>) src(%dma_wait3A_23 : memref<10240xi32, #tpu.memory_space<hbm>>) dst(%arg9 : memref<10240xi32, #tpu.memory_space<vmem>>)
      tpu.yield
    }) : () -> ()
    "tpu.region"() ({
      %run_scoped3A = tpu.sem_alloc : memref<!tpu.dma_semaphore, #tpu.memory_space<semaphore_mem>>
      %dma_start3A = tpu.memref_slice %arg3[%mul3A_2] : memref<327680xi32, #tpu.memory_space<hbm>> -> memref<10240xi32, #tpu.memory_space<hbm>>
      %dma_start3A_22 = tpu.memref_slice %arg3[%mul3A_2] : memref<327680xi32, #tpu.memory_space<hbm>> -> memref<10240xi32, #tpu.memory_space<hbm>>
      tpu.enqueue_dma source(%dma_start3A_22 : memref<10240xi32, #tpu.memory_space<hbm>>) target(%arg10 : memref<10240xi32, #tpu.memory_space<vmem>>) target_semaphore(%run_scoped3A : memref<!tpu.dma_semaphore, #tpu.memory_space<semaphore_mem>>)
      %dma_wait3A = tpu.memref_slice %arg3[%mul3A_2] : memref<327680xi32, #tpu.memory_space<hbm>> -> memref<10240xi32, #tpu.memory_space<hbm>>
      %dma_wait3A_23 = tpu.memref_slice %arg3[%mul3A_2] : memref<327680xi32, #tpu.memory_space<hbm>> -> memref<10240xi32, #tpu.memory_space<hbm>>
      tpu.wait_dma2 semaphore(%run_scoped3A : memref<!tpu.dma_semaphore, #tpu.memory_space<semaphore_mem>>) src(%dma_wait3A_23 : memref<10240xi32, #tpu.memory_space<hbm>>) dst(%arg10 : memref<10240xi32, #tpu.memory_space<vmem>>)
      tpu.yield
    }) : () -> ()
    "tpu.region"() ({
      %run_scoped3A = tpu.sem_alloc : memref<!tpu.dma_semaphore, #tpu.memory_space<semaphore_mem>>
      %dma_start3A = tpu.memref_slice %arg4[%mul3A_2] : memref<327680xf32, #tpu.memory_space<hbm>> -> memref<10240xf32, #tpu.memory_space<hbm>>
      %dma_start3A_22 = tpu.memref_slice %arg4[%mul3A_2] : memref<327680xf32, #tpu.memory_space<hbm>> -> memref<10240xf32, #tpu.memory_space<hbm>>
      tpu.enqueue_dma source(%dma_start3A_22 : memref<10240xf32, #tpu.memory_space<hbm>>) target(%arg11 : memref<10240xf32, #tpu.memory_space<vmem>>) target_semaphore(%run_scoped3A : memref<!tpu.dma_semaphore, #tpu.memory_space<semaphore_mem>>)
      %dma_wait3A = tpu.memref_slice %arg4[%mul3A_2] : memref<327680xf32, #tpu.memory_space<hbm>> -> memref<10240xf32, #tpu.memory_space<hbm>>
      %dma_wait3A_23 = tpu.memref_slice %arg4[%mul3A_2] : memref<327680xf32, #tpu.memory_space<hbm>> -> memref<10240xf32, #tpu.memory_space<hbm>>
      tpu.wait_dma2 semaphore(%run_scoped3A : memref<!tpu.dma_semaphore, #tpu.memory_space<semaphore_mem>>) src(%dma_wait3A_23 : memref<10240xf32, #tpu.memory_space<hbm>>) dst(%arg11 : memref<10240xf32, #tpu.memory_space<vmem>>)
      tpu.yield
    }) : () -> ()
    %scan3A_9 = arith.constant 0 : i32
    %scan3A_10 = arith.constant 0 : i32
    %scan3A_11 = arith.constant 640 : i32
    %scan3A_12 = arith.addi %scan3A_10, %scan3A_11 : i32
    %scan3A_13 = arith.constant 1 : i32
    %scan3A_14 = scf.for %scan3A_22 = %scan3A_10 to %scan3A_12 step %scan3A_13 iter_args(%scan3A_23 = %scan3A_9) -> (i32)  : i32 {
      %mul3A_24 = arith.constant 16 : i32
      %mul3A_25 = arith.muli %scan3A_22, %mul3A_24 : i32
      %get3A = arith.index_cast %mul3A_25 : i32 to index
      %get3A_26 = tpu.vector_load %arg9[%get3A] {strides = array<i32>} : memref<10240xi32, #tpu.memory_space<vmem>>, vector<16xi32>,
      %get3A_27 = arith.index_cast %mul3A_25 : i32 to index
      %get3A_28 = tpu.vector_load %arg10[%get3A_27] {strides = array<i32>} : memref<10240xi32, #tpu.memory_space<vmem>>, vector<16xi32>,
      %get3A_29 = arith.index_cast %mul3A_25 : i32 to index
      %get3A_30 = tpu.vector_load %arg11[%get3A_29] {strides = array<i32>} : memref<10240xf32, #tpu.memory_space<vmem>>, vector<16xf32>,
      %gather3A = tpu.vector_load_idx %arg12[%get3A_26] : memref<10000xf32, #tpu.memory_space<vmem>>[vector<16xi32>], vector<16xf32>,
      %gather3A_31 = tpu.vector_load_idx %arg12[%get3A_28] : memref<10000xf32, #tpu.memory_space<vmem>>[vector<16xi32>], vector<16xf32>,
      %sub3A = arith.subf %gather3A, %gather3A_31 : vector<16xf32>
      %gather3A_32 = tpu.vector_load_idx %arg13[%get3A_26] : memref<10000xf32, #tpu.memory_space<vmem>>[vector<16xi32>], vector<16xf32>,
      %gather3A_33 = tpu.vector_load_idx %arg13[%get3A_28] : memref<10000xf32, #tpu.memory_space<vmem>>[vector<16xi32>], vector<16xf32>,
      %sub3A_34 = arith.subf %gather3A_32, %gather3A_33 : vector<16xf32>
      %gather3A_35 = tpu.vector_load_idx %arg14[%get3A_26] : memref<10000xf32, #tpu.memory_space<vmem>>[vector<16xi32>], vector<16xf32>,
      %gather3A_36 = tpu.vector_load_idx %arg14[%get3A_28] : memref<10000xf32, #tpu.memory_space<vmem>>[vector<16xi32>], vector<16xf32>,
      %sub3A_37 = arith.subf %gather3A_35, %gather3A_36 : vector<16xf32>
      %mul3A_38 = arith.mulf %sub3A, %get3A_30 : vector<16xf32>
      tpu.vector_store_idx %arg15[%get3A_26], %mul3A_38 {add = true} : memref<10000xf32, #tpu.memory_space<vmem>>[vector<16xi32>], vector<16xf32>,
      %mul3A_39 = arith.mulf %sub3A_34, %get3A_30 : vector<16xf32>
      tpu.vector_store_idx %arg16[%get3A_26], %mul3A_39 {add = true} : memref<10000xf32, #tpu.memory_space<vmem>>[vector<16xi32>], vector<16xf32>,
      %mul3A_40 = arith.mulf %sub3A_37, %get3A_30 : vector<16xf32>
      tpu.vector_store_idx %arg17[%get3A_26], %mul3A_40 {add = true} : memref<10000xf32, #tpu.memory_space<vmem>>[vector<16xi32>], vector<16xf32>,
      %scan3A_41 = arith.constant 0 : i32
      scf.yield %scan3A_41 : i32
    }
    %scan3A_15 = arith.constant 640 : i32
    %mul3A_16 = arith.constant 30000 : i32
    %mul3A_17 = arith.muli %add3A, %mul3A_16 : i32
    "tpu.region"() ({
      %run_scoped3A = tpu.sem_alloc : memref<!tpu.dma_semaphore, #tpu.memory_space<semaphore_mem>>
      %dma_start3A = tpu.memref_slice %arg8[%mul3A_17] : memref<960000xf32, #tpu.memory_space<hbm>> -> memref<10000xf32, #tpu.memory_space<hbm>>
      %dma_start3A_22 = tpu.memref_slice %arg8[%mul3A_17] : memref<960000xf32, #tpu.memory_space<hbm>> -> memref<10000xf32, #tpu.memory_space<hbm>>
      tpu.enqueue_dma source(%arg15 : memref<10000xf32, #tpu.memory_space<vmem>>) target(%dma_start3A_22 : memref<10000xf32, #tpu.memory_space<hbm>>) target_semaphore(%run_scoped3A : memref<!tpu.dma_semaphore, #tpu.memory_space<semaphore_mem>>)
      %dma_wait3A = tpu.memref_slice %arg8[%mul3A_17] : memref<960000xf32, #tpu.memory_space<hbm>> -> memref<10000xf32, #tpu.memory_space<hbm>>
      %dma_wait3A_23 = tpu.memref_slice %arg8[%mul3A_17] : memref<960000xf32, #tpu.memory_space<hbm>> -> memref<10000xf32, #tpu.memory_space<hbm>>
      tpu.wait_dma2 semaphore(%run_scoped3A : memref<!tpu.dma_semaphore, #tpu.memory_space<semaphore_mem>>) src(%arg15 : memref<10000xf32, #tpu.memory_space<vmem>>) dst(%dma_wait3A_23 : memref<10000xf32, #tpu.memory_space<hbm>>)
      tpu.yield
    }) : () -> ()
    %add3A_18 = arith.constant 10000 : i32
    %add3A_19 = arith.addi %mul3A_17, %add3A_18 : i32
    "tpu.region"() ({
      %run_scoped3A = tpu.sem_alloc : memref<!tpu.dma_semaphore, #tpu.memory_space<semaphore_mem>>
      %dma_start3A = tpu.memref_slice %arg8[%add3A_19] : memref<960000xf32, #tpu.memory_space<hbm>> -> memref<10000xf32, #tpu.memory_space<hbm>>
      %dma_start3A_22 = tpu.memref_slice %arg8[%add3A_19] : memref<960000xf32, #tpu.memory_space<hbm>> -> memref<10000xf32, #tpu.memory_space<hbm>>
      tpu.enqueue_dma source(%arg16 : memref<10000xf32, #tpu.memory_space<vmem>>) target(%dma_start3A_22 : memref<10000xf32, #tpu.memory_space<hbm>>) target_semaphore(%run_scoped3A : memref<!tpu.dma_semaphore, #tpu.memory_space<semaphore_mem>>)
      %dma_wait3A = tpu.memref_slice %arg8[%add3A_19] : memref<960000xf32, #tpu.memory_space<hbm>> -> memref<10000xf32, #tpu.memory_space<hbm>>
      %dma_wait3A_23 = tpu.memref_slice %arg8[%add3A_19] : memref<960000xf32, #tpu.memory_space<hbm>> -> memref<10000xf32, #tpu.memory_space<hbm>>
      tpu.wait_dma2 semaphore(%run_scoped3A : memref<!tpu.dma_semaphore, #tpu.memory_space<semaphore_mem>>) src(%arg16 : memref<10000xf32, #tpu.memory_space<vmem>>) dst(%dma_wait3A_23 : memref<10000xf32, #tpu.memory_space<hbm>>)
      tpu.yield
    }) : () -> ()
    %add3A_20 = arith.constant 20000 : i32
    %add3A_21 = arith.addi %mul3A_17, %add3A_20 : i32
    "tpu.region"() ({
      %run_scoped3A = tpu.sem_alloc : memref<!tpu.dma_semaphore, #tpu.memory_space<semaphore_mem>>
      %dma_start3A = tpu.memref_slice %arg8[%add3A_21] : memref<960000xf32, #tpu.memory_space<hbm>> -> memref<10000xf32, #tpu.memory_space<hbm>>
      %dma_start3A_22 = tpu.memref_slice %arg8[%add3A_21] : memref<960000xf32, #tpu.memory_space<hbm>> -> memref<10000xf32, #tpu.memory_space<hbm>>
      tpu.enqueue_dma source(%arg17 : memref<10000xf32, #tpu.memory_space<vmem>>) target(%dma_start3A_22 : memref<10000xf32, #tpu.memory_space<hbm>>) target_semaphore(%run_scoped3A : memref<!tpu.dma_semaphore, #tpu.memory_space<semaphore_mem>>)
      %dma_wait3A = tpu.memref_slice %arg8[%add3A_21] : memref<960000xf32, #tpu.memory_space<hbm>> -> memref<10000xf32, #tpu.memory_space<hbm>>
      %dma_wait3A_23 = tpu.memref_slice %arg8[%add3A_21] : memref<960000xf32, #tpu.memory_space<hbm>> -> memref<10000xf32, #tpu.memory_space<hbm>>
      tpu.wait_dma2 semaphore(%run_scoped3A : memref<!tpu.dma_semaphore, #tpu.memory_space<semaphore_mem>>) src(%arg17 : memref<10000xf32, #tpu.memory_space<vmem>>) dst(%dma_wait3A_23 : memref<10000xf32, #tpu.memory_space<hbm>>)
      tpu.yield
    }) : () -> ()
    return
  }
}

module attributes {stable_mosaic.version = 14 : i64} {
  func.func @_precompute_body(%arg0: memref<10000x128xf32, #tpu.memory_space<vmem>>, %arg1: memref<128x128xf32, #tpu.memory_space<vmem>>, %arg2: memref<128x128xf32, #tpu.memory_space<vmem>>, %arg3: memref<1x128xf32, #tpu.memory_space<vmem>>, %arg4: memref<10000x128xf32, #tpu.memory_space<vmem>>, %arg5: memref<10000x128xf32, #tpu.memory_space<vmem>>) attributes {dimension_semantics = [], scalar_prefetch = 0 : i64, scratch_operands = 0 : i64, tpu.core_type = #tpu.core_type<tc>} {
    %get3A = arith.constant 0 : index
    %get3A_0 = arith.constant 0 : index
    %get3A_1 = vector.load %arg0[%get3A, %get3A_0] : memref<10000x128xf32, #tpu.memory_space<vmem>>, vector<10000x128xf32>
    %get3A_2 = arith.constant 0 : index
    %get3A_3 = arith.constant 0 : index
    %get3A_4 = vector.load %arg1[%get3A_2, %get3A_3] : memref<128x128xf32, #tpu.memory_space<vmem>>, vector<128x128xf32>
    %dot_general3A = arith.constant dense<0.000000e+00> : vector<10000x128xf32>
    %dot_general3A_5 = tpu.matmul %get3A_1, %get3A_4, %dot_general3A {dimension_numbers = #tpu.dot_dimension_numbers<[1], [0], [0], [1], [0, 0, 1, 1], [], []>, transpose_lhs_hint = false} : vector<10000x128xf32>, vector<128x128xf32>, vector<10000x128xf32> -> vector<10000x128xf32>
    %swap3A = arith.constant 0 : index
    %swap3A_6 = arith.constant 0 : index
    %swap3A_7 = vector.load %arg4[%swap3A, %swap3A_6] : memref<10000x128xf32, #tpu.memory_space<vmem>>, vector<10000x128xf32>
    tpu.vector_store %arg4[%swap3A, %swap3A_6], %dot_general3A_5 {strides = array<i32>} : memref<10000x128xf32, #tpu.memory_space<vmem>>, vector<10000x128xf32>,
    %get3A_8 = arith.constant 0 : index
    %get3A_9 = arith.constant 0 : index
    %get3A_10 = vector.load %arg0[%get3A_8, %get3A_9] : memref<10000x128xf32, #tpu.memory_space<vmem>>, vector<10000x128xf32>
    %get3A_11 = arith.constant 0 : index
    %get3A_12 = arith.constant 0 : index
    %get3A_13 = vector.load %arg2[%get3A_11, %get3A_12] : memref<128x128xf32, #tpu.memory_space<vmem>>, vector<128x128xf32>
    %dot_general3A_14 = arith.constant dense<0.000000e+00> : vector<10000x128xf32>
    %dot_general3A_15 = tpu.matmul %get3A_10, %get3A_13, %dot_general3A_14 {dimension_numbers = #tpu.dot_dimension_numbers<[1], [0], [0], [1], [0, 0, 1, 1], [], []>, transpose_lhs_hint = false} : vector<10000x128xf32>, vector<128x128xf32>, vector<10000x128xf32> -> vector<10000x128xf32>
    %get3A_16 = arith.constant 0 : index
    %get3A_17 = arith.constant 0 : index
    %get3A_18 = vector.load %arg3[%get3A_16, %get3A_17] : memref<1x128xf32, #tpu.memory_space<vmem>>, vector<1x128xf32>
    %add3A = vector.broadcast %get3A_18 : vector<1x128xf32> to vector<10000x128xf32>
    %add3A_19 = arith.addf %dot_general3A_15, %add3A : vector<10000x128xf32>
    %swap3A_20 = arith.constant 0 : index
    %swap3A_21 = arith.constant 0 : index
    %swap3A_22 = vector.load %arg5[%swap3A_20, %swap3A_21] : memref<10000x128xf32, #tpu.memory_space<vmem>>, vector<10000x128xf32>
    tpu.vector_store %arg5[%swap3A_20, %swap3A_21], %add3A_19 {strides = array<i32>} : memref<10000x128xf32, #tpu.memory_space<vmem>>, vector<10000x128xf32>,
    return
  }
}

module attributes {stable_mosaic.version = 14 : i64} {
  func.func @_mlp_body(%arg0: i32, %arg1: memref<2048x128xf32, #tpu.memory_space<vmem>>, %arg2: memref<8x2048xf32, #tpu.memory_space<vmem>>, %arg3: memref<2048xf32, #tpu.memory_space<vmem>>, %arg4: memref<8x128xf32, #tpu.memory_space<vmem>>, %arg5: memref<128x128xf32, #tpu.memory_space<vmem>>, %arg6: memref<1x128xf32, #tpu.memory_space<vmem>>, %arg7: memref<1x128xf32, #tpu.memory_space<vmem>>, %arg8: memref<2048xf32, #tpu.memory_space<vmem>>) attributes {dimension_semantics = [#tpu.dimension_semantics<arbitrary>], iteration_bounds = array<i64: 40>, scalar_prefetch = 0 : i64, scratch_operands = 0 : i64, tpu.core_type = #tpu.core_type<tc>, window_params = [{transform_indices = @transform_0, window_bounds = array<i64: 2048, 128>}, {transform_indices = @transform_1, window_bounds = array<i64: 8, 2048>}, {transform_indices = @transform_2, window_bounds = array<i64: 2048>}, {pipeline_mode = #tpu.pipeline_mode<synchronous>, transform_indices = @transform_3, window_bounds = array<i64: 8, 128>}, {pipeline_mode = #tpu.pipeline_mode<synchronous>, transform_indices = @transform_4, window_bounds = array<i64: 128, 128>}, {pipeline_mode = #tpu.pipeline_mode<synchronous>, transform_indices = @transform_5, window_bounds = array<i64: 1, 128>}, {pipeline_mode = #tpu.pipeline_mode<synchronous>, transform_indices = @transform_6, window_bounds = array<i64: 1, 128>}, {transform_indices = @transform_7, window_bounds = array<i64: 2048>}]} {
    %get3A = arith.constant 0 : index
    %get3A_0 = vector.load %arg3[%get3A] : memref<2048xf32, #tpu.memory_space<vmem>>, vector<2048xf32>
    %reshape3A = vector.shape_cast %get3A_0 : vector<2048xf32> to vector<2048x1xf32>
    %get3A_1 = arith.constant 0 : index
    %get3A_2 = arith.constant 0 : index
    %get3A_3 = vector.load %arg2[%get3A_1, %get3A_2] : memref<8x2048xf32, #tpu.memory_space<vmem>>, vector<8x2048xf32>
    %get3A_4 = arith.constant 0 : index
    %get3A_5 = arith.constant 0 : index
    %get3A_6 = vector.load %arg4[%get3A_4, %get3A_5] : memref<8x128xf32, #tpu.memory_space<vmem>>, vector<8x128xf32>
    %dot_general3A = arith.constant dense<0.000000e+00> : vector<2048x128xf32>
    %dot_general3A_7 = tpu.matmul %get3A_3, %get3A_6, %dot_general3A {dimension_numbers = #tpu.dot_dimension_numbers<[0], [0], [1], [1], [0, 1, 1, 1], [], []>, transpose_lhs_hint = false} : vector<8x2048xf32>, vector<8x128xf32>, vector<2048x128xf32> -> vector<2048x128xf32>
    %get3A_8 = arith.constant 0 : index
    %get3A_9 = arith.constant 0 : index
    %get3A_10 = vector.load %arg1[%get3A_8, %get3A_9] : memref<2048x128xf32, #tpu.memory_space<vmem>>, vector<2048x128xf32>
    %add3A = arith.addf %get3A_10, %dot_general3A_7 : vector<2048x128xf32>
    %get3A_11 = arith.constant 7 : index
    %get3A_12 = arith.constant 0 : index
    %get3A_13 = vector.load %arg4[%get3A_11, %get3A_12] : memref<8x128xf32, #tpu.memory_space<vmem>>, vector<1x128xf32>
    %mul3A = vector.broadcast %reshape3A : vector<2048x1xf32> to vector<2048x128xf32>
    %mul3A_14 = vector.broadcast %get3A_13 : vector<1x128xf32> to vector<2048x128xf32>
    %mul3A_15 = arith.mulf %mul3A, %mul3A_14 : vector<2048x128xf32>
    %add3A_16 = arith.addf %add3A, %mul3A_15 : vector<2048x128xf32>
    %logistic3A = arith.negf %add3A_16 : vector<2048x128xf32>
    %logistic3A_17 = math.exp %logistic3A : vector<2048x128xf32>
    %logistic3A_18 = arith.constant 1.000000e+00 : f32
    %logistic3A_19 = vector.broadcast %logistic3A_18 : f32 to vector<2048x128xf32>
    %logistic3A_20 = arith.addf %logistic3A_19, %logistic3A_17 : vector<2048x128xf32>
    %logistic3A_21 = arith.divf %logistic3A_19, %logistic3A_20 : vector<2048x128xf32>
    %mul3A_22 = arith.mulf %add3A_16, %logistic3A_21 : vector<2048x128xf32>
    %get3A_23 = arith.constant 0 : index
    %get3A_24 = arith.constant 0 : index
    %get3A_25 = vector.load %arg5[%get3A_23, %get3A_24] : memref<128x128xf32, #tpu.memory_space<vmem>>, vector<128x128xf32>
    %dot_general3A_26 = arith.constant dense<0.000000e+00> : vector<2048x128xf32>
    %dot_general3A_27 = tpu.matmul %mul3A_22, %get3A_25, %dot_general3A_26 {dimension_numbers = #tpu.dot_dimension_numbers<[1], [0], [0], [1], [0, 0, 1, 1], [], []>, transpose_lhs_hint = false} : vector<2048x128xf32>, vector<128x128xf32>, vector<2048x128xf32> -> vector<2048x128xf32>
    %get3A_28 = arith.constant 0 : index
    %get3A_29 = arith.constant 0 : index
    %get3A_30 = vector.load %arg6[%get3A_28, %get3A_29] : memref<1x128xf32, #tpu.memory_space<vmem>>, vector<1x128xf32>
    %add3A_31 = vector.broadcast %get3A_30 : vector<1x128xf32> to vector<2048x128xf32>
    %add3A_32 = arith.addf %dot_general3A_27, %add3A_31 : vector<2048x128xf32>
    %logistic3A_33 = arith.negf %add3A_32 : vector<2048x128xf32>
    %logistic3A_34 = math.exp %logistic3A_33 : vector<2048x128xf32>
    %logistic3A_35 = arith.constant 1.000000e+00 : f32
    %logistic3A_36 = vector.broadcast %logistic3A_35 : f32 to vector<2048x128xf32>
    %logistic3A_37 = arith.addf %logistic3A_36, %logistic3A_34 : vector<2048x128xf32>
    %logistic3A_38 = arith.divf %logistic3A_36, %logistic3A_37 : vector<2048x128xf32>
    %mul3A_39 = arith.mulf %add3A_32, %logistic3A_38 : vector<2048x128xf32>
    %get3A_40 = arith.constant 0 : index
    %get3A_41 = arith.constant 0 : index
    %get3A_42 = vector.load %arg7[%get3A_40, %get3A_41] : memref<1x128xf32, #tpu.memory_space<vmem>>, vector<1x128xf32>
    %dot_general3A_43 = arith.constant dense<0.000000e+00> : vector<1x2048xf32>
    %dot_general3A_44 = tpu.matmul %get3A_42, %mul3A_39, %dot_general3A_43 {dimension_numbers = #tpu.dot_dimension_numbers<[1], [1], [0], [0], [0, 0, 1, 0], [], []>, transpose_lhs_hint = false} : vector<1x128xf32>, vector<2048x128xf32>, vector<1x2048xf32> -> vector<1x2048xf32>
    %reshape3A_45 = vector.shape_cast %dot_general3A_44 : vector<1x2048xf32> to vector<2048xf32>
    %add3A_46 = arith.constant 9.99999993E-9 : f32
    %add3A_47 = vector.broadcast %add3A_46 : f32 to vector<2048xf32>
    %add3A_48 = arith.addf %get3A_0, %add3A_47 : vector<2048xf32>
    %sqrt3A = math.sqrt %add3A_48 : vector<2048xf32>
    %add3A_49 = arith.constant 1.000000e+00 : f32
    %add3A_50 = vector.broadcast %add3A_49 : f32 to vector<2048xf32>
    %add3A_51 = arith.addf %sqrt3A, %add3A_50 : vector<2048xf32>
    %div3A = arith.divf %reshape3A_45, %add3A_51 : vector<2048xf32>
    %swap3A = arith.constant 0 : index
    %swap3A_52 = vector.load %arg8[%swap3A] : memref<2048xf32, #tpu.memory_space<vmem>>, vector<2048xf32>
    tpu.vector_store %arg8[%swap3A], %div3A {strides = array<i32>} : memref<2048xf32, #tpu.memory_space<vmem>>, vector<2048xf32>,
    return
  }
  func.func @transform_0(%arg0: i32) -> (i32, i32) {
    %c0_i32 = arith.constant 0 : i32
    %c0_i32_0 = arith.constant 0 : i32
    return %arg0, %c0_i32 : i32, i32
  }
  func.func @transform_1(%arg0: i32) -> (i32, i32) {
    %c0_i32 = arith.constant 0 : i32
    %c0_i32_0 = arith.constant 0 : i32
    return %c0_i32, %arg0 : i32, i32
  }
  func.func @transform_2(%arg0: i32) -> i32 {
    %c0_i32 = arith.constant 0 : i32
    return %arg0 : i32
  }
  func.func @transform_3(%arg0: i32) -> (i32, i32) {
    %c0_i32 = arith.constant 0 : i32
    %c0_i32_0 = arith.constant 0 : i32
    %c0_i32_1 = arith.constant 0 : i32
    return %c0_i32, %c0_i32_0 : i32, i32
  }
  func.func @transform_4(%arg0: i32) -> (i32, i32) {
    %c0_i32 = arith.constant 0 : i32
    %c0_i32_0 = arith.constant 0 : i32
    %c0_i32_1 = arith.constant 0 : i32
    return %c0_i32, %c0_i32_0 : i32, i32
  }
  func.func @transform_5(%arg0: i32) -> (i32, i32) {
    %c0_i32 = arith.constant 0 : i32
    %c0_i32_0 = arith.constant 0 : i32
    %c0_i32_1 = arith.constant 0 : i32
    return %c0_i32, %c0_i32_0 : i32, i32
  }
  func.func @transform_6(%arg0: i32) -> (i32, i32) {
    %c0_i32 = arith.constant 0 : i32
    %c0_i32_0 = arith.constant 0 : i32
    %c0_i32_1 = arith.constant 0 : i32
    return %c0_i32, %c0_i32_0 : i32, i32
  }
  func.func @transform_7(%arg0: i32) -> i32 {
    %c0_i32 = arith.constant 0 : i32
    return %arg0 : i32
  }
}

module attributes {stable_mosaic.version = 14 : i64} {
  func.func @_combine_body(%arg0: memref<32x3x10000xf32, #tpu.memory_space<vmem>>, %arg1: memref<3x10000xf32, #tpu.memory_space<vmem>>, %arg2: memref<3x10000xf32, #tpu.memory_space<vmem>>) attributes {dimension_semantics = [], scalar_prefetch = 0 : i64, scratch_operands = 0 : i64, tpu.core_type = #tpu.core_type<tc>} {
    %get3A = arith.constant 0 : index
    %get3A_0 = arith.constant 0 : index
    %get3A_1 = arith.constant 0 : index
    %get3A_2 = vector.load %arg0[%get3A, %get3A_0, %get3A_1] : memref<32x3x10000xf32, #tpu.memory_space<vmem>>, vector<32x3x10000xf32>
    %reduce_sum3A = arith.constant dense<0.000000e+00> : vector<3x10000xf32>
    %reduce_sum3A_3 = vector.multi_reduction <add>, %get3A_2, %reduce_sum3A [0] : vector<32x3x10000xf32> to vector<3x10000xf32>
    %get3A_4 = arith.constant 0 : index
    %get3A_5 = arith.constant 0 : index
    %get3A_6 = vector.load %arg1[%get3A_4, %get3A_5] : memref<3x10000xf32, #tpu.memory_space<vmem>>, vector<3x10000xf32>
    %mul3A = arith.constant 0.00999999977 : f32
    %mul3A_7 = vector.broadcast %mul3A : f32 to vector<3x10000xf32>
    %mul3A_8 = arith.mulf %reduce_sum3A_3, %mul3A_7 : vector<3x10000xf32>
    %add3A = arith.addf %get3A_6, %mul3A_8 : vector<3x10000xf32>
    %swap3A = arith.constant 0 : index
    %swap3A_9 = arith.constant 0 : index
    %swap3A_10 = vector.load %arg2[%swap3A, %swap3A_9] : memref<3x10000xf32, #tpu.memory_space<vmem>>, vector<3x10000xf32>
    tpu.vector_store %arg2[%swap3A, %swap3A_9], %add3A {strides = array<i32>} : memref<3x10000xf32, #tpu.memory_space<vmem>>, vector<3x10000xf32>,
    return
  }
}

</mosaic_0001>

<sc_bundles>
// kernel: kernel.13.cloned.1.call-start
scs
__scs_entry_jumppad:
0x0: {  	(pc) =	sbr.rel $0x88, $3  }
0x1: {  	(tag) =	ssettag $0x0;
	lr =	simm.s32 $0x1  }
0x2: {  	[smem:$0x3F98] =	sst lr;
	_ =	strace $0xD0000000  }
0x3: {  	_ = 	snop  }
0x4: {  	_ = 	snop  }
0x5: {  	_ = 	snop  }
0x6: {  	_ = 	snop  }
0x7: {  	_ = 	snop  }
__scs_overlays_trampoline_lowered:
0x8: {  	[smem:$0x3FA7] =	sst s0  }
0x9: {  	[smem:$0x3FA8] =	sst s1  }
0xa: {  	[smem:$0x3FA9] =	sst s2  }
0xb: {  	[smem:$0x3FAA] =	sst s3  }
0xc: {  	[smem:$0x3FAB] =	sst s4  }
0xd: {  	[smem:$0x3FAC] =	sst s5  }
0xe: {  	[smem:$0x3FAD] =	sst s6  }
0xf: {  	[smem:$0x3FAE] =	sst s7  }
0x10: {  	[smem:$0x3FAF] =	sst s8  }
0x11: {  	[smem:$0x3FB0] =	sst s9;
	s0 =	simm.s32 @!p0 $0x0  }
0x12: {  	s1 =	sld [smem:$0x3F96];
	s0 =	simm.s32 @p0 $0x1  }
0x13: {  	[smem:$0x3FB1] =	sst s0;
	s0 =	simm.s32 @!p1 $0x0  }
0x14: {  	s2 =	sld [smem:$0x3F95];
	s0 =	simm.s32 @p1 $0x1  }
0x15: {  	[smem:$0x3FB2] =	sst s0;
	s0 =	simm.s32 @!p2 $0x0  }
0x16: {  	s3 =	sld [smem:$0x3FDB];
	s0 =	simm.s32 @p2 $0x1  }
0x17: {  	s4 =	simm.s32 $0x1BF5;
	[smem:$0x3FB4] =	sst s0  }
0x18: {  	s0 =	sld [smem:$0x3F97];
	_ =	swait.ge [sflag:s4], $0x0  }
0x19: {  	s7 =	sld [smem:$0x3F98]  }
0x1a: {  	s8 =	sadd.s32 $0xFFFFE003, lr  }
0x1b: {  	s9 =	sadd.s32 $0xFFFFFEF7, lr;
	s5 =	simm.s32 $0xFFFFFFFF;
	p2 =	slt.u32 s8, $0xFFFFF086  }
0x1c: {  	p1 =	slt.u32 s9, $0xF7A;
	s5 =	simm.s32 @!p2 $0x0  }
0x1d: {  	s5 =	simm.s32 @p1 $0x1;
	p0 =	seq.s32 s7, s2  }
0x1e: {  	s7 =	smul.u32 @!p0 $0xF7A, s2;
	p2 =	seq.s32 @!p0 s5, $0x0  }
0x1f: {  	s9 =	smul.u32 $0xF7A, s1;
	s8 =	simm.s32 @!p0 $0x1BF5;
	p2 =	por !p2, p0  }
0x20: {  	[sflag:s8] =	ssyncset.s32 @!p0 $0xFFFFF086;
	s6 =	sadd.s32 @!p0 s3, s7;
	s7 =	simm.s32 @!p0 $0x108  }
0x21: {  	s3 =	sadd.s32 s3, s9;
	s6 =	sadd.s32 @!p0 $0x88, s6;
	s7 =	simm.s32 @p2 $0x1082  }
0x22: {  	[simem:s7], [sflag:s8] =	dma.local @!p0 [hbm:s6], $0xF7A  }
0x23: {  	s9 =	sor.u32 $0xD0000000, s2;
	s6 =	simm.s32 $0x108;
	_ =	swait.ge @!p0 [sflag:s8], $0x0  }
0x24: {  	s3 =	sadd.s32 $0x88, s3;
	s6 =	simm.s32 @!p1 $0x1082;
	[sflag:s4] =	ssyncset.s32 $0xFFFFF086  }
0x25: {  	[simem:s6], [sflag:s4] =	dma.local [hbm:s3], $0xF7A  }
0x26: {  	[smem:$0x3F98] =	sst s1;
	(tag) =	ssettag s2;
	_ =	strace s9  }
0x27: {  	s1 =	sld [smem:$0x3FA8]  }
0x28: {  	s2 =	sld [smem:$0x3FA9]  }
0x29: {  	s4 =	sld [smem:$0x3FAB]  }
0x2a: {  	p0 =	seq.s32 s5, $0x0;
	s5 =	sld [smem:$0x3FAC]  }
0x2b: {  	s6 =	sld [smem:$0x3FAD]  }
0x2c: {  	s7 =	sld [smem:$0x3FAE]  }
0x2d: {  	s3 =	simm.s32 $0x108;
	s8 =	sld [smem:$0x3FAF]  }
0x2e: {  	s3 =	simm.s32 @!p0 $0x1082;
	s9 =	sld [smem:$0x3FB0]  }
0x2f: {  	lr =	sadd.s32 s0, s3;
	s0 =	sld [smem:$0x3FA7]  }
0x30: {  	s3 =	sld [smem:$0x3FAA]  }
0x31: {  	[smem:$0x3FB3] =	sst s10  }
0x32: {  	s10 =	sld [smem:$0x3FB1];
	_ =	sdelay $0x3  }
0x33: {  	p0 =	seq.s32 s10, $0x1;
	s10 =	sld [smem:$0x3FB3];
	_ =	sdelay $0x3  }
0x34: {  	[smem:$0x3FB3] =	sst s10  }
0x35: {  	s10 =	sld [smem:$0x3FB2];
	_ =	sdelay $0x3  }
0x36: {  	p1 =	seq.s32 s10, $0x1;
	s10 =	sld [smem:$0x3FB3];
	_ =	sdelay $0x3  }
0x37: {  	[smem:$0x3FB3] =	sst s10  }
0x38: {  	s10 =	sld [smem:$0x3FB4]  }
0x39: {  	_ = 	snop;
	(pc) =	sbr.ind lr, $3  }
0x3a: {  	_ = 	snop  }
0x3b: {  	_ = 	snop  }
0x3c: {  	p2 =	seq.s32 s10, $0x1;
	s10 =	sld [smem:$0x3FB3]  }
0x3d: {  	_ =	shalt  }
0x3e: {  	_ =	shalt  }
0x3f: {  	_ =	shalt  }
0x40: {  	_ =	shalt  }
0x41: {  	_ =	shalt  }
0x42: {  	_ =	shalt  }
0x43: {  	_ =	shalt  }
0x44: {  	_ =	shalt  }
0x45: {  	_ =	shalt  }
0x46: {  	_ =	shalt  }
0x47: {  	_ =	shalt  }
0x48: {  	_ =	shalt  }
0x49: {  	_ =	shalt  }
0x4a: {  	_ =	shalt  }
0x4b: {  	_ =	shalt  }
0x4c: {  	_ =	shalt  }
0x4d: {  	_ =	shalt  }
0x4e: {  	_ =	shalt  }
0x4f: {  	_ =	shalt  }
0x50: {  	_ =	shalt  }
0x51: {  	_ =	shalt  }
0x52: {  	_ =	shalt  }
0x53: {  	_ =	shalt  }
0x54: {  	_ =	shalt  }
0x55: {  	_ =	shalt  }
0x56: {  	_ =	shalt  }
0x57: {  	_ =	shalt  }
0x58: {  	_ =	shalt  }
0x59: {  	_ =	shalt  }
0x5a: {  	_ =	shalt  }
0x5b: {  	_ =	shalt  }
0x5c: {  	_ =	shalt  }
0x5d: {  	_ =	shalt  }
0x5e: {  	_ =	shalt  }
0x5f: {  	_ =	shalt  }
0x60: {  	_ =	shalt  }
0x61: {  	_ =	shalt  }
0x62: {  	_ =	shalt  }
0x63: {  	_ =	shalt  }
0x64: {  	_ =	shalt  }
0x65: {  	_ =	shalt  }
0x66: {  	_ =	shalt  }
0x67: {  	_ =	shalt  }
0x68: {  	_ =	shalt  }
0x69: {  	_ =	shalt  }
0x6a: {  	_ =	shalt  }
0x6b: {  	_ =	shalt  }
0x6c: {  	_ =	shalt  }
0x6d: {  	_ =	shalt  }
0x6e: {  	_ =	shalt  }
0x6f: {  	_ =	shalt  }
0x70: {  	_ =	shalt  }
0x71: {  	_ =	shalt  }
0x72: {  	_ =	shalt  }
0x73: {  	_ =	shalt  }
0x74: {  	_ =	shalt  }
0x75: {  	_ =	shalt  }
0x76: {  	_ =	shalt  }
0x77: {  	_ =	shalt  }
0x78: {  	_ =	shalt  }
0x79: {  	_ =	shalt  }
0x7a: {  	_ =	shalt  }
0x7b: {  	_ =	shalt  }
0x7c: {  	_ =	shalt  }
0x7d: {  	_ =	shalt  }
0x7e: {  	_ =	shalt  }
0x7f: {  	_ =	shalt  }
0x80: {  	_ =	shalt  }
0x81: {  	_ =	shalt  }
0x82: {  	_ =	shalt  }
0x83: {  	_ =	shalt  }
0x84: {  	_ =	shalt  }
0x85: {  	_ =	shalt  }
0x86: {  	_ =	shalt  }
0x87: {  	_ =	shalt  }
.Lfunc_end0:
.L_simem_size_0:
called_computation_lowered:
.L_overlay_start_0:
0x88: {  	s2 =	sld [smem:$0x3FD9]  }
0x89: {  	s3 =	sld [smem:$0x3FFE];
	_ =	sdelay $0x1  }
0x8a: {  	s1 =	srdreg.scid  }
0x8b: {  	s0 =	sand.u32 $0x1, s1  }
0x8c: {  	s14 =	sshll.u32 s0, $0xA;
	s2 =	sadd.s32 s3, s2  }
0x8d: {  	s2 =	sadd.s32 s2, s14  }
0x8e: {  	[smem:$0x3FBF] =	sst s2  }
0x8f: {  	_ = 	snop  }
0x90: {  	s2 =	sld [smem:$0x3FD0];
	_ =	sdelay $0x2  }
0x91: {  	s15 =	simm.s32 $0xD;
	s4 =	simm.s32 $0x10  }
0x92: {  	[smem:s4], [sflag:s15] =	dma.local [hbm:s2], $0x1  }
0x93: {  	_ =	swait.eq [sflag:s15], $0x1  }
0x94: {  	[sflag:s15] =	ssyncset.done $0x0  }
0x95: {  	s16 =	sld [smem:$0x10];
	[sflag:s15] =	ssyncadd.s32 $0xFFFFFFFF  }
0x96: {  	s17 =	sld [smem:$0x11];
	(tm) =	ssettm $0x1  }
0x97: {  	s18 =	sld [smem:$0x3FFB];
	_ =	sdelay $0x3  }
0x98: {  	_ =	strace s18  }
0x99: {  	s4 =	sld [smem:$0x3FFC];
	_ =	sdelay $0x3  }
0x9a: {  	_ =	strace s4  }
0x9b: {  	s4 =	sld [smem:$0x3FFD];
	_ =	sdelay $0x3  }
0x9c: {  	_ =	strace s4  }
0x9d: {  	_ =	strace $0x8FFFFFFF  }
0x9e: {  	s19 =	sld [smem:$0x3FDB];
	_ =	sdelay $0x1  }
0x9f: {  	s5 =	simm.s32 $_scs_section_size  }
0xa0: {  	s6 =	simm.s32 $_size__tile_overlayer_lowered;
	s7 =	simm.s32 $_tile_overlayer_lowered  }
0xa1: {  	s22 =	simm.s32 $0x1BFF;
	s21 =	sshll.u32 s7, $0x1;
	s4 =	sadd.s32 s5, s19  }
0xa2: {  	s8 =	simm.s32 $0x0;
	s20 =	sshll.u32 s6, $0x1;
	s6 =	sadd.s32 s21, s4  }
0xa3: {  	[timem:s8], [sflag:s22] =	dma.local [hbm:s6], s20  }
0xa4: {  	_ =	swait.ge [sflag:s22], s20  }
0xa5: {  	s5 =	ssub.s32 $0x0, s20;
	[sflag:s22] =	ssyncset.done $0x0  }
0xa6: {  	[sflag:s22] =	ssyncadd.s32 s5;
	_ =	sdelay $0x1  }
0xa7: {  	s23 =	simm.s32 $0x1B8B  }
0xa8: {  	_ =	swait.ge [sflag:s23], $0x1  }
0xa9: {  	[sflag:s23] =	ssyncset.done $0x0  }
0xaa: {  	s25 =	simm.s32 $0x1B8E;
	s24 =	sld [smem:$0x3FFE];
	[sflag:s23] =	ssyncadd.s32 $0xFFFFFFFF  }
0xab: {  	s26 =	simm.s32 $execute0_lowered;
	[smem:$0x3FD2] =	sst s25  }
0xac: {  	s6 =	sshll.u32 s26, $0x1;
	_ =	strace $0x80000046;
	[dreg:$0x1] =	wrdreg $0xFFFFFFFF  }
0xad: {  	s28 =	simm.s32 $_size_execute0_lowered;
	s4 =	sadd.s32 s4, s6;
	[dreg:$0x0] =	wrdreg $0x0  }
0xae: {  	s6 =	sshll.u32 s28, $0x1;
	[dreg:$0x2] =	wrdreg s4  }
0xaf: {  	[dreg:$0x3] =	wrdreg s6  }
0xb0: {  	[dreg:$0x4] =	wrdreg $0xC0  }
0xb1: {  	_ =	task [dreg:s8], $0x5FFFF  }
0xb2: {  	[dreg:$0x1] =	wrdreg $0xFFFFFFFF  }
0xb3: {  	[dreg:$0x0] =	wrdreg $0x60  }
0xb4: {  	[dreg:$0x2] =	wrdreg s16  }
0xb5: {  	[dreg:$0x3] =	wrdreg s24  }
0xb6: {  	[dreg:$0x4] =	wrdreg s17  }
0xb7: {  	[dreg:$0x5] =	wrdreg $0x9  }
0xb8: {  	_ =	task.clear_ibuf [dreg:s8], $0x6FFFF;
	_ =	strace $0x90000046  }
0xb9: {  	s29 =	simm.s32 $0x9;
	_ =	strace $0x80000048  }
0xba: {  	_ =	swait.ge [sflag:s29], $0x1  }
0xbb: {  	[sflag:s29] =	ssyncadd.s32 $0xFFFFFFFF  }
0xbc: {  	_ =	strace $0x90000048  }
0xbd: {  	_ =	sfence  }
0xbe: {  	s30 =	sld [smem:$0x0];
	_ =	sdelay $0x2  }
0xbf: {  	s31 =	sshll.u32 s1, $0xD;
	s1 =	sshrl.u32 s1, $0x2  }
0xc0: {  	s3 =	sand.u32 $0x4000, s31;
	s1 =	sadd.s32 s1, s30  }
0xc1: {  	s0 =	sor.u32 s3, s0;
	s1 =	sshll.u32 s1, $0x11  }
0xc2: {  	s0 =	sor.u32 s1, s0  }
0xc3: {  	s0 =	sadd.s32 $0x8F2B, s0  }
0xc4: {  	[sflag:s0] =	ssyncadd.remote.s32 $0x1  }
0xc5: {  	_ =	sfence.sel $0xFFFF  }
0xc6: {  	[dreg:$0x0] =	wrdreg $0xFFFFFFFF;
	(pc) =	sbr.abs _section_cstart, $3  }
0xc7: {  	[dreg:$0x1] =	wrdreg $0xFFFFFFFF  }
0xc8: {  	_ =	task.clear_ibuf [dreg:s8], $0x2FFFF;
	_ =	strace $0x9FFFFFFF  }
0xc9: {  	(tm) =	ssettm $0x7FFFFFFF  }
tec
execute0_lowered:
.L_overlay_start_1:
0x0: {  	(tag) =	ssettag $0x1  }
0x1: {  	s1 =	rddreg [dreg:$0x0]  }
0x2: {  	s0 =	rddreg [dreg:$0x1]  }
0x3: {  	s2 =	srdreg.scid;
	s3 =	stileid.u32  }
0x4: {  	s4 =	simm.s32 $0x0;
	s14 =	simm.s32 $0x11400;
	s15 =	simm.s32 $0x6  }
0x5: {  	s16 =	simm.s32 $0x13B80;
	s17 =	simm.s32 $0x16300;
	s20 =	simm.s32 $0x80  }
0x6: {  	s21 =	simm.s32 $0x1400;
	s22 =	simm.s32 $0x9400;
	s23 =	simm.s32 $0x5400  }
0x7: {  	s24 =	simm.s32 $0xD400;
	s28 =	simm.s32 $0x3;
	s29 =	simm.s32 $0x4  }
0x8: {  	s30 =	simm.s32 $0x5;
	s31 =	simm.s32 $0x0;
	s2 =	sand.u32 $0x1, s2  }
0x9: {  	s3 =	sshll.u32 s3, $0x1;
	[smem:$0x7FF] =	sst s4;
	s6 =	sadd.s32 $0x9A00, s0  }
0xa: {  	s25 =	sadd.s32 $0x4400, s0;
	s8 =	sadd.s32 $0x3E00, s0;
	s3 =	sor.u32 s2, s3  }
0xb: {  	s9 =	sadd.s32 $0x33400, s0;
	s2 =	ssub.s32 $0x2, s2;
	s5 =	smul.u32 $0xA00, s3  }
0xc: {  	_ =	strace $0x80000047;
	[dreg:$0x4] =	wrdreg s25;
	s10 =	sshrl.u32 s2, $0x1  }
0xd: {  	s25 =	simm.s32 $0x1;
	s2 =	ssub.s32 s2, s10;
	s26 =	sshrl.u32 s5, $0x3  }
0xe: {  	s13 =	smax.u32 s2, $0x1;
	s0 =	sadd.s32 s26, s0;
	s26 =	simm.s32 $0x2  }
0xf: {  	s10 =	sadd.s32 $0x7200, s0;
	s11 =	sadd.s32 $0x4A00, s0;
	s12 =	sadd.s32 $0x30C00, s0  }
.LBB2_1:
0x10: {  	s0 =	rddreg [dreg:$0x4]  }
0x11: {  	[tilespmem:s14], [sflag:$0x6] =	stream.linear.gather [hbm4b:s0+s4], $0x2780, $0x38;
	[tilespmem:$0x19480] =	vst v63  }
0x12: {  	_ =	swait.ge [sflag:s15], $0x2780  }
0x13: {  	[sflag:s15] =	ssyncset.done $0x0  }
0x14: {  	[sflag:s15] =	ssyncadd.s32 $0xFFFFD880  }
0x15: {  	[tilespmem:s16], [sflag:$0x6] =	stream.linear.gather [hbm4b:s8+s4], $0x2780, $0x38;
	[tilespmem:$0x19480] =	vst v63  }
0x16: {  	_ =	swait.ge [sflag:s15], $0x2780  }
0x17: {  	[sflag:s15] =	ssyncset.done $0x0  }
0x18: {  	[sflag:s15] =	ssyncadd.s32 $0xFFFFD880  }
0x19: {  	s18 =	rddreg [dreg:$0x2]  }
0x1a: {  	[tilespmem:s17], [sflag:$0x6] =	stream.linear.gather [hbm4b:s18+s4], $0x2780, $0x38;
	[tilespmem:$0x19480] =	vst v63  }
0x1b: {  	_ =	swait.ge [sflag:s15], $0x2780  }
0x1c: {  	[sflag:s15] =	ssyncset.done $0x0  }
0x1d: {  	[sflag:s15] =	ssyncadd.s32 $0xFFFFD880  }
0x1e: {  	[tilespmem:s4], [sflag:$0x6] =	stream.linear.gather [hbm4b:s10+s4], $0xA00, $0x38;
	[tilespmem:$0x19480] =	vst v63  }
0x1f: {  	_ =	swait.ge [sflag:s15], $0xA00  }
0x20: {  	[sflag:s15] =	ssyncset.done $0x0  }
0x21: {  	s19 =	simm.s32 $0xA00;
	[sflag:s15] =	ssyncadd.s32 $0xFFFFF600  }
0x22: {  	[tilespmem:s19], [sflag:$0x6] =	stream.linear.gather [hbm4b:s11+s4], $0xA00, $0x38;
	[tilespmem:$0x19480] =	vst v63  }
0x23: {  	_ =	swait.ge [sflag:s15], $0xA00  }
0x24: {  	[sflag:s15] =	ssyncset.done $0x0  }
0x25: {  	s0 =	simm.s32 $0x0;
	[sflag:s15] =	ssyncadd.s32 $0xFFFFF600  }
0x26: {  	v0 =	vld [tilespmem:s0+$0xA00]  }
0x27: {  	v1 =	vld [tilespmem:s0+$0x0];
	_ =	sdelay $0x6  }
0x28: {  	v2 =	vld.idx.msk [tilespmem:v0+s14+$0x0], $0xffff  }
0x29: {  	v3 =	vld.idx.msk [tilespmem:v1+s14+$0x0], $0xffff  }
0x2a: {  	v4 =	vld.idx.msk [tilespmem:v1+s16+$0x0], $0xffff  }
0x2b: {  	v5 =	vld.idx.msk [tilespmem:v0+s16+$0x0], $0xffff  }
0x2c: {  	v6 =	vld.idx.msk [tilespmem:v1+s17+$0x0], $0xffff  }
0x2d: {  	v7 =	vld.idx.msk [tilespmem:v0+s17+$0x0], $0xffff;
	_ =	sdelay $0x2  }
0x2e: {  	s2 =	simm.s32 $0x10;
	v3 =	vsub.f32 v3, v2;
	v4 =	vsub.f32 v4, v5  }
0x2f: {  	v0 =	vld [tilespmem:s2+$0xA00]  }
0x30: {  	v1 =	vld [tilespmem:s2+$0x0];
	v2 =	vsub.f32 v6, v7;
	v3 =	vmul.f32 v3, v3;
	v4 =	vmul.f32 v4, v4  }
0x31: {  	s3 =	simm.s32 $0x80  }
.LBB2_2:
0x32: {  	p0 =	sne.s32 s3, $0x27C0;
	v3 =	vadd.f32 v4, v3;
	v2 =	vmul.f32 v2, v2;
	_ =	sdelay $0x1  }
0x33: {  	v2 =	vadd.f32 v2, v3;
	_ =	sdelay $0x1  }
0x34: {  	[tilespmem:s0+$0x18A80] =	vst v2;
	s0 =	smov.u32 s2  }
0x35: {  	v2 =	vld.idx.msk [tilespmem:v0+s14+$0x0], $0xffff  }
0x36: {  	v3 =	vld.idx.msk [tilespmem:v1+s14+$0x0], $0xffff  }
0x37: {  	v4 =	vld.idx.msk [tilespmem:v1+s16+$0x0], $0xffff  }
0x38: {  	v5 =	vld.idx.msk [tilespmem:v0+s16+$0x0], $0xffff  }
0x39: {  	v6 =	vld.idx.msk [tilespmem:v1+s17+$0x0], $0xffff  }
0x3a: {  	v7 =	vld.idx.msk [tilespmem:v0+s17+$0x0], $0xffff;
	_ =	sdelay $0x2  }
.Ltmp0:
0x3b: {  	(pc) =	sbr.rel @p0 .LBB2_2-.Ltmp0, $4  }
0x3c: {  	s2 =	sshra.s32 s3, $0x2;
	v3 =	vsub.f32 v3, v2;
	v4 =	vsub.f32 v4, v5  }
0x3d: {  	v0 =	vld [tilespmem:s2+$0xA00]  }
0x3e: {  	v3 =	vmul.f32 v3, v3;
	v2 =	vsub.f32 v6, v7;
	v4 =	vmul.f32 v4, v4;
	v1 =	vld [tilespmem:s2+$0x0]  }
0x3f: {  	s3 =	sadd.s32 $0x40, s3  }
0x40: {  	_ = 	snop  }
0x41: {  	v3 =	vadd.f32 v4, v3;
	v2 =	vmul.f32 v2, v2;
	_ =	sdelay $0x1  }
0x42: {  	v2 =	vadd.f32 v2, v3;
	_ =	sdelay $0x1  }
0x43: {  	[tilespmem:s0+$0x18A80] =	vst v2  }
0x44: {  	v2 =	vld.idx.msk [tilespmem:v0+s14+$0x0], $0xffff  }
0x45: {  	v57 =	vld.idx.msk [tilespmem:v1+s14+$0x0], $0xffff  }
0x46: {  	v58 =	vld.idx.msk [tilespmem:v1+s16+$0x0], $0xffff  }
0x47: {  	v5 =	vld.idx.msk [tilespmem:v0+s16+$0x0], $0xffff  }
0x48: {  	v59 =	vld.idx.msk [tilespmem:v1+s17+$0x0], $0xffff  }
0x49: {  	v60 =	vld.idx.msk [tilespmem:v0+s17+$0x0], $0xffff;
	_ =	sdelay $0x2  }
0x4a: {  	v2 =	vsub.f32 v57, v2;
	v61 =	vsub.f32 v58, v5;
	_ =	sdelay $0x1  }
0x4b: {  	v0 =	vsub.f32 v59, v60;
	v62 =	vmul.f32 v2, v2;
	v63 =	vmul.f32 v61, v61;
	_ =	sdelay $0x1  }
0x4c: {  	v0 =	vmul.f32 v0, v0;
	v1 =	vadd.f32 v63, v62;
	_ =	sdelay $0x1  }
0x4d: {  	v0 =	vadd.f32 v0, v1;
	_ =	sdelay $0x1  }
0x4e: {  	s19 =	simm.s32 $0x18A80;
	s0 =	simm.s32 $0x0;
	[tilespmem:s2+$0x18A80] =	vst v0  }
0x4f: {  	[hbm4b:s12+s0] =	stream.linear.scatter [tilespmem:s19], [sflag:$0x6], $0xA00, $0x38;
	[tilespmem:$0x19480] =	vst v63  }
0x50: {  	_ =	swait.ge [sflag:s15], $0xA00  }
0x51: {  	[sflag:s15] =	ssyncset.done $0x0  }
0x52: {  	[sflag:s15] =	ssyncadd.s32 $0xFFFFF600  }
.LBB2_4:
0x53: {  	s3 =	sshll.u32 s0, $0x8  }
0x54: {  	[tilespmem:s21], [sflag:$0x1] =	stream.indirect.gather [hbm4b:s1+s20], $0x80, s3, s20, $0xb8;
	[tilespmem:$0x19480] =	vst v63  }
0x55: {  	s2 =	sadd.s32 $0xA00, s3  }
0x56: {  	[tilespmem:s22], [sflag:$0x2] =	stream.indirect.gather [hbm4b:s6+s20], $0x80, s2, s20, $0xb8;
	[tilespmem:$0x19480] =	vst v63  }
0x57: {  	s2 =	sor.u32 $0x80, s3  }
0x58: {  	[tilespmem:s23], [sflag:$0x3] =	stream.indirect.gather [hbm4b:s1+s20], $0x80, s2, s20, $0xb8;
	[tilespmem:$0x19480] =	vst v63  }
0x59: {  	s18 =	sadd.s32 $0xA80, s3  }
0x5a: {  	[tilespmem:s24], [sflag:$0x4] =	stream.indirect.gather [hbm4b:s6+s20], $0x80, s18, s20, $0xb8;
	[tilespmem:$0x19480] =	vst v63  }
0x5b: {  	_ =	swait.ge [sflag:s25], $0x4000  }
0x5c: {  	[sflag:s25] =	ssyncset.done $0x0  }
0x5d: {  	[sflag:s25] =	ssyncadd.s32 $0xFFFFC000  }
0x5e: {  	_ =	swait.ge [sflag:s26], $0x4000  }
0x5f: {  	[sflag:s26] =	ssyncset.done $0x0  }
0x60: {  	s18 =	simm.s32 $0x0;
	[sflag:s26] =	ssyncadd.s32 $0xFFFFC000  }
0x61: {  	v7 =	vld [tilespmem:s18+$0x9400]  }
0x62: {  	v11 =	vld [tilespmem:s18+$0x9410]  }
0x63: {  	v5 =	vld [tilespmem:s18+$0x9420]  }
0x64: {  	v4 =	vld [tilespmem:s18+$0x9430]  }
0x65: {  	v3 =	vld [tilespmem:s18+$0x9440]  }
0x66: {  	v2 =	vld [tilespmem:s18+$0x9450]  }
0x67: {  	v1 =	vld [tilespmem:s18+$0x9460]  }
0x68: {  	v0 =	vld [tilespmem:s18+$0x9470]  }
0x69: {  	v12 =	vld [tilespmem:s18+$0x1400]  }
0x6a: {  	v13 =	vld [tilespmem:s18+$0x1410]  }
0x6b: {  	v10 =	vld [tilespmem:s18+$0x1420]  }
0x6c: {  	v9 =	vld [tilespmem:s18+$0x1430]  }
0x6d: {  	v8 =	vld [tilespmem:s18+$0x1440]  }
0x6e: {  	v6 =	vld [tilespmem:s18+$0x1450];
	v12 =	vadd.f32 v7, v12  }
0x6f: {  	s19 =	simm.s32 $0x200;
	v11 =	vadd.f32 v11, v13;
	v7 =	vld [tilespmem:s18+$0x1460]  }
.LBB2_5:
0x70: {  	s7 =	sshra.s32 s19, $0x2;
	p0 =	sne.s32 s19, $0xFE00;
	[tilespmem:s18+$0x1400] =	vst v12;
	v5 =	vadd.f32 v5, v10;
	v10 =	vld [tilespmem:s18+$0x1470]  }
0x71: {  	v12 =	vld [tilespmem:s7+$0x9400];
	[tilespmem:s18+$0x1410] =	vst v11;
	v4 =	vadd.f32 v4, v9  }
0x72: {  	v11 =	vld [tilespmem:s7+$0x9410];
	[tilespmem:s18+$0x1420] =	vst v5;
	v3 =	vadd.f32 v3, v8  }
0x73: {  	v5 =	vld [tilespmem:s7+$0x9420];
	[tilespmem:s18+$0x1430] =	vst v4;
	v2 =	vadd.f32 v2, v6  }
0x74: {  	v4 =	vld [tilespmem:s7+$0x9430];
	[tilespmem:s18+$0x1440] =	vst v3;
	v1 =	vadd.f32 v1, v7  }
0x75: {  	v3 =	vld [tilespmem:s7+$0x9440];
	[tilespmem:s18+$0x1450] =	vst v2;
	v0 =	vadd.f32 v0, v10  }
0x76: {  	v2 =	vld [tilespmem:s7+$0x9450];
	[tilespmem:s18+$0x1460] =	vst v1  }
0x77: {  	v1 =	vld [tilespmem:s7+$0x9460];
	[tilespmem:s18+$0x1470] =	vst v0;
	s18 =	smov.u32 s7  }
0x78: {  	v0 =	vld [tilespmem:s18+$0x9470]  }
0x79: {  	v6 =	vld [tilespmem:s18+$0x1400]  }
0x7a: {  	v7 =	vld [tilespmem:s18+$0x1410]  }
.Ltmp1:
0x7b: {  	v10 =	vld [tilespmem:s18+$0x1420];
	(pc) =	sbr.rel @p0 .LBB2_5-.Ltmp1, $4  }
0x7c: {  	v9 =	vld [tilespmem:s18+$0x1430]  }
0x7d: {  	v8 =	vld [tilespmem:s18+$0x1440]  }
0x7e: {  	v12 =	vadd.f32 v12, v6;
	v6 =	vld [tilespmem:s18+$0x1450]  }
0x7f: {  	s19 =	sadd.s32 $0x200, s19;
	v11 =	vadd.f32 v11, v7;
	v7 =	vld [tilespmem:s18+$0x1460]  }
0x80: {  	[tilespmem:s18+$0x1400] =	vst v12;
	v5 =	vadd.f32 v5, v10;
	v10 =	vld [tilespmem:s18+$0x1470]  }
0x81: {  	[tilespmem:s18+$0x1410] =	vst v11;
	v4 =	vadd.f32 v4, v9  }
0x82: {  	[tilespmem:s18+$0x1420] =	vst v5;
	v3 =	vadd.f32 v3, v8  }
0x83: {  	[tilespmem:s18+$0x1430] =	vst v4;
	v2 =	vadd.f32 v2, v6  }
0x84: {  	[tilespmem:s18+$0x1440] =	vst v3;
	v1 =	vadd.f32 v1, v7  }
0x85: {  	s3 =	sadd.s32 s5, s3;
	[tilespmem:s18+$0x1450] =	vst v2;
	v0 =	vadd.f32 v0, v10  }
0x86: {  	s3 =	sshll.u32 s3, $0x4;
	[tilespmem:s18+$0x1460] =	vst v1  }
0x87: {  	s7 =	simm.s32 $0x0;
	s3 =	sadd.s32 s9, s3;
	[tilespmem:s18+$0x1470] =	vst v0  }
0x88: {  	[hbm4b:s3+s7] =	stream.linear.scatter [tilespmem:s21], [sflag:$0x5], $0x4000, $0x38;
	[tilespmem:$0x19480] =	vst v63  }
0x89: {  	_ =	swait.ge [sflag:s28], $0x4000  }
0x8a: {  	[sflag:s28] =	ssyncset.done $0x0  }
0x8b: {  	[sflag:s28] =	ssyncadd.s32 $0xFFFFC000  }
0x8c: {  	_ =	swait.ge [sflag:s29], $0x4000  }
0x8d: {  	[sflag:s29] =	ssyncset.done $0x0  }
0x8e: {  	s3 =	simm.s32 $0x0;
	[sflag:s29] =	ssyncadd.s32 $0xFFFFC000  }
0x8f: {  	v7 =	vld [tilespmem:s3+$0xD400]  }
0x90: {  	v11 =	vld [tilespmem:s3+$0xD410]  }
0x91: {  	v5 =	vld [tilespmem:s3+$0xD420]  }
0x92: {  	v4 =	vld [tilespmem:s3+$0xD430]  }
0x93: {  	v3 =	vld [tilespmem:s3+$0xD440]  }
0x94: {  	v2 =	vld [tilespmem:s3+$0xD450]  }
0x95: {  	v1 =	vld [tilespmem:s3+$0xD460]  }
0x96: {  	v0 =	vld [tilespmem:s3+$0xD470]  }
0x97: {  	v12 =	vld [tilespmem:s3+$0x5400]  }
0x98: {  	v13 =	vld [tilespmem:s3+$0x5410]  }
0x99: {  	v10 =	vld [tilespmem:s3+$0x5420]  }
0x9a: {  	v9 =	vld [tilespmem:s3+$0x5430]  }
0x9b: {  	v8 =	vld [tilespmem:s3+$0x5440]  }
0x9c: {  	v6 =	vld [tilespmem:s3+$0x5450];
	v12 =	vadd.f32 v7, v12  }
0x9d: {  	s18 =	simm.s32 $0x200;
	v11 =	vadd.f32 v11, v13;
	v7 =	vld [tilespmem:s3+$0x5460]  }
.LBB2_7:
0x9e: {  	s7 =	sshra.s32 s18, $0x2;
	p0 =	sne.s32 s18, $0xFE00;
	[tilespmem:s3+$0x5400] =	vst v12;
	v5 =	vadd.f32 v5, v10;
	v10 =	vld [tilespmem:s3+$0x5470]  }
0x9f: {  	v12 =	vld [tilespmem:s7+$0xD400];
	[tilespmem:s3+$0x5410] =	vst v11;
	v4 =	vadd.f32 v4, v9  }
0xa0: {  	v11 =	vld [tilespmem:s7+$0xD410];
	[tilespmem:s3+$0x5420] =	vst v5;
	v3 =	vadd.f32 v3, v8  }
0xa1: {  	v5 =	vld [tilespmem:s7+$0xD420];
	[tilespmem:s3+$0x5430] =	vst v4;
	v2 =	vadd.f32 v2, v6  }
0xa2: {  	v4 =	vld [tilespmem:s7+$0xD430];
	[tilespmem:s3+$0x5440] =	vst v3;
	v1 =	vadd.f32 v1, v7  }
0xa3: {  	v3 =	vld [tilespmem:s7+$0xD440];
	[tilespmem:s3+$0x5450] =	vst v2;
	v0 =	vadd.f32 v0, v10  }
0xa4: {  	v2 =	vld [tilespmem:s7+$0xD450];
	[tilespmem:s3+$0x5460] =	vst v1  }
0xa5: {  	v1 =	vld [tilespmem:s7+$0xD460];
	[tilespmem:s3+$0x5470] =	vst v0;
	s3 =	smov.u32 s7  }
0xa6: {  	v0 =	vld [tilespmem:s3+$0xD470]  }
0xa7: {  	v6 =	vld [tilespmem:s3+$0x5400]  }
0xa8: {  	v7 =	vld [tilespmem:s3+$0x5410]  }
.Ltmp2:
0xa9: {  	v10 =	vld [tilespmem:s3+$0x5420];
	(pc) =	sbr.rel @p0 .LBB2_7-.Ltmp2, $4  }
0xaa: {  	v9 =	vld [tilespmem:s3+$0x5430]  }
0xab: {  	v8 =	vld [tilespmem:s3+$0x5440]  }
0xac: {  	v12 =	vadd.f32 v12, v6;
	v6 =	vld [tilespmem:s3+$0x5450]  }
0xad: {  	s18 =	sadd.s32 $0x200, s18;
	v11 =	vadd.f32 v11, v7;
	v7 =	vld [tilespmem:s3+$0x5460]  }
0xae: {  	[tilespmem:s3+$0x5400] =	vst v12;
	v5 =	vadd.f32 v5, v10;
	v63 =	vld [tilespmem:s3+$0x5470]  }
0xaf: {  	[tilespmem:s3+$0x5410] =	vst v11;
	v4 =	vadd.f32 v4, v9  }
0xb0: {  	[tilespmem:s3+$0x5420] =	vst v5;
	v3 =	vadd.f32 v3, v8  }
0xb1: {  	[tilespmem:s3+$0x5430] =	vst v4;
	v2 =	vadd.f32 v2, v6  }
0xb2: {  	[tilespmem:s3+$0x5440] =	vst v3;
	v1 =	vadd.f32 v1, v7  }
0xb3: {  	s2 =	sadd.s32 s5, s2;
	[tilespmem:s3+$0x5450] =	vst v2;
	v0 =	vadd.f32 v0, v63  }
0xb4: {  	s2 =	sshll.u32 s2, $0x4;
	[tilespmem:s3+$0x5460] =	vst v1  }
0xb5: {  	s0 =	sadd.s32 $0x1, s0;
	s2 =	sadd.s32 s9, s2;
	[tilespmem:s3+$0x5470] =	vst v0  }
0xb6: {  	[hbm4b:s2+s4] =	stream.linear.scatter [tilespmem:s23], [sflag:$0x5], $0x4000, $0x38;
	[tilespmem:$0x19480] =	vst v63  }
0xb7: {  	p0 =	sne.s32 s0, $0xA;
	_ =	swait.ge [sflag:s30], $0x4000  }
.Ltmp3:
0xb8: {  	[sflag:s30] =	ssyncset.done $0x0;
	(pc) =	sbr.rel @p0 .LBB2_4-.Ltmp3, $4  }
0xb9: {  	[sflag:s30] =	ssyncadd.s32 $0xFFFFC000  }
0xba: {  	_ =	swait.ge [sflag:s30], $0x4000  }
0xbb: {  	[sflag:s30] =	ssyncset.done $0x0  }
0xbc: {  	[sflag:s30] =	ssyncadd.s32 $0xFFFFC000  }
0xbd: {  	s31 =	sadd.s32 $0x1, s31  }
0xbe: {  	p0 =	sne.s32 s31, s13  }
.Ltmp4:
0xbf: {  	_ = 	snop;
	(pc) =	sbr.rel @p0 .LBB2_1-.Ltmp4, $1  }
0xc0: {  	_ =	sdelay $0x3  }
0xc1: {  	_ =	sfence.sel $0x180000  }
0xc2: {  	[bflag:$0x0] =	sbarrier.arrive $0xFFFF  }
0xc3: {  	_ =	strace $0x90000047  }
0xc4: {  	s0 =	stileid.u32;
	[bflag:$0x2] =	sbarrier.arrive $0xFFFF  }
0xc5: {  	p0 =	sne.s32 s0, $0x0;
	s0 =	rddreg [dreg:$0x3]  }
0xc6: {  	s0 =	sadd.s32 @!p0 $0x100000, s0  }
0xc7: {  	[sflag:s0] =	ssyncadd.tile.s32 @!p0 $0x1;
	_ =	shalt  }
.Lfunc_end2:
_tile_overlayer_lowered:
.L_overlay_start_2:
0xc8: {  	(tag) =	ssettag $0x2  }
0xc9: {  	s0 =	rddreg [dreg:$0x0];
	s2 =	stileid.u32  }
0xca: {  	s1 =	rddreg [dreg:$0x1];
	p0 =	sne.s32 s2, $0x0  }
0xcb: {  	s3 =	rddreg [dreg:$0x2];
	[bflag:$0x3] =	sbarrier.arrive $0xFFFF;
	s2 =	simm.s32 @!p0 $0x1C06  }
0xcc: {  	[timem:s3], [sflag:s2] =	dma.local @!p0 [hbm:s0], s1  }
0xcd: {  	s0 =	simm.s32 @!p0 $0x6  }
0xce: {  	_ =	swait.ge @!p0 [sflag:s0], s1  }
0xcf: {  	s1 =	ssub.s32 @!p0 $0x0, s1;
	[sflag:s0] =	ssyncset.done @!p0 $0x0  }
0xd0: {  	[sflag:s0] =	ssyncadd.s32 @!p0 s1  }
0xd1: {  	[bflag:$0x3] =	sbarrier.arrive $0xFFFF  }
0xd2: {  	_ =	shalt  }

// kernel: kernel.16.cloned.1.call-start
scs
__scs_entry_jumppad:
0x0: {  	(pc) =	sbr.rel $0x88, $3  }
0x1: {  	(tag) =	ssettag $0x0;
	lr =	simm.s32 $0x1  }
0x2: {  	[smem:$0x3F98] =	sst lr;
	_ =	strace $0xD0000000  }
0x3: {  	_ = 	snop  }
0x4: {  	_ = 	snop  }
0x5: {  	_ = 	snop  }
0x6: {  	_ = 	snop  }
0x7: {  	_ = 	snop  }
__scs_overlays_trampoline_lowered:
0x8: {  	[smem:$0x3FA7] =	sst s0  }
0x9: {  	[smem:$0x3FA8] =	sst s1  }
0xa: {  	[smem:$0x3FA9] =	sst s2  }
0xb: {  	[smem:$0x3FAA] =	sst s3  }
0xc: {  	[smem:$0x3FAB] =	sst s4  }
0xd: {  	[smem:$0x3FAC] =	sst s5  }
0xe: {  	[smem:$0x3FAD] =	sst s6  }
0xf: {  	[smem:$0x3FAE] =	sst s7  }
0x10: {  	[smem:$0x3FAF] =	sst s8  }
0x11: {  	[smem:$0x3FB0] =	sst s9;
	s0 =	simm.s32 @!p0 $0x0  }
0x12: {  	s1 =	sld [smem:$0x3F96];
	s0 =	simm.s32 @p0 $0x1  }
0x13: {  	[smem:$0x3FB1] =	sst s0;
	s0 =	simm.s32 @!p1 $0x0  }
0x14: {  	s2 =	sld [smem:$0x3F95];
	s0 =	simm.s32 @p1 $0x1  }
0x15: {  	[smem:$0x3FB2] =	sst s0;
	s0 =	simm.s32 @!p2 $0x0  }
0x16: {  	s3 =	sld [smem:$0x3FDB];
	s0 =	simm.s32 @p2 $0x1  }
0x17: {  	s4 =	simm.s32 $0x1BF5;
	[smem:$0x3FB4] =	sst s0  }
0x18: {  	s0 =	sld [smem:$0x3F97];
	_ =	swait.ge [sflag:s4], $0x0  }
0x19: {  	s7 =	sld [smem:$0x3F98]  }
0x1a: {  	s8 =	sadd.s32 $0xFFFFE003, lr  }
0x1b: {  	s9 =	sadd.s32 $0xFFFFFEF7, lr;
	s5 =	simm.s32 $0xFFFFFFFF;
	p2 =	slt.u32 s8, $0xFFFFF086  }
0x1c: {  	p1 =	slt.u32 s9, $0xF7A;
	s5 =	simm.s32 @!p2 $0x0  }
0x1d: {  	s5 =	simm.s32 @p1 $0x1;
	p0 =	seq.s32 s7, s2  }
0x1e: {  	s7 =	smul.u32 @!p0 $0xF7A, s2;
	p2 =	seq.s32 @!p0 s5, $0x0  }
0x1f: {  	s9 =	smul.u32 $0xF7A, s1;
	s8 =	simm.s32 @!p0 $0x1BF5;
	p2 =	por !p2, p0  }
0x20: {  	[sflag:s8] =	ssyncset.s32 @!p0 $0xFFFFF086;
	s6 =	sadd.s32 @!p0 s3, s7;
	s7 =	simm.s32 @!p0 $0x108  }
0x21: {  	s3 =	sadd.s32 s3, s9;
	s6 =	sadd.s32 @!p0 $0x88, s6;
	s7 =	simm.s32 @p2 $0x1082  }
0x22: {  	[simem:s7], [sflag:s8] =	dma.local @!p0 [hbm:s6], $0xF7A  }
0x23: {  	s9 =	sor.u32 $0xD0000000, s2;
	s6 =	simm.s32 $0x108;
	_ =	swait.ge @!p0 [sflag:s8], $0x0  }
0x24: {  	s3 =	sadd.s32 $0x88, s3;
	s6 =	simm.s32 @!p1 $0x1082;
	[sflag:s4] =	ssyncset.s32 $0xFFFFF086  }
0x25: {  	[simem:s6], [sflag:s4] =	dma.local [hbm:s3], $0xF7A  }
0x26: {  	[smem:$0x3F98] =	sst s1;
	(tag) =	ssettag s2;
	_ =	strace s9  }
0x27: {  	s1 =	sld [smem:$0x3FA8]  }
0x28: {  	s2 =	sld [smem:$0x3FA9]  }
0x29: {  	s4 =	sld [smem:$0x3FAB]  }
0x2a: {  	p0 =	seq.s32 s5, $0x0;
	s5 =	sld [smem:$0x3FAC]  }
0x2b: {  	s6 =	sld [smem:$0x3FAD]  }
0x2c: {  	s7 =	sld [smem:$0x3FAE]  }
0x2d: {  	s3 =	simm.s32 $0x108;
	s8 =	sld [smem:$0x3FAF]  }
0x2e: {  	s3 =	simm.s32 @!p0 $0x1082;
	s9 =	sld [smem:$0x3FB0]  }
0x2f: {  	lr =	sadd.s32 s0, s3;
	s0 =	sld [smem:$0x3FA7]  }
0x30: {  	s3 =	sld [smem:$0x3FAA]  }
0x31: {  	[smem:$0x3FB3] =	sst s10  }
0x32: {  	s10 =	sld [smem:$0x3FB1];
	_ =	sdelay $0x3  }
0x33: {  	p0 =	seq.s32 s10, $0x1;
	s10 =	sld [smem:$0x3FB3];
	_ =	sdelay $0x3  }
0x34: {  	[smem:$0x3FB3] =	sst s10  }
0x35: {  	s10 =	sld [smem:$0x3FB2];
	_ =	sdelay $0x3  }
0x36: {  	p1 =	seq.s32 s10, $0x1;
	s10 =	sld [smem:$0x3FB3];
	_ =	sdelay $0x3  }
0x37: {  	[smem:$0x3FB3] =	sst s10  }
0x38: {  	s10 =	sld [smem:$0x3FB4]  }
0x39: {  	_ = 	snop;
	(pc) =	sbr.ind lr, $3  }
0x3a: {  	_ = 	snop  }
0x3b: {  	_ = 	snop  }
0x3c: {  	p2 =	seq.s32 s10, $0x1;
	s10 =	sld [smem:$0x3FB3]  }
0x3d: {  	_ =	shalt  }
0x3e: {  	_ =	shalt  }
0x3f: {  	_ =	shalt  }
0x40: {  	_ =	shalt  }
0x41: {  	_ =	shalt  }
0x42: {  	_ =	shalt  }
0x43: {  	_ =	shalt  }
0x44: {  	_ =	shalt  }
0x45: {  	_ =	shalt  }
0x46: {  	_ =	shalt  }
0x47: {  	_ =	shalt  }
0x48: {  	_ =	shalt  }
0x49: {  	_ =	shalt  }
0x4a: {  	_ =	shalt  }
0x4b: {  	_ =	shalt  }
0x4c: {  	_ =	shalt  }
0x4d: {  	_ =	shalt  }
0x4e: {  	_ =	shalt  }
0x4f: {  	_ =	shalt  }
0x50: {  	_ =	shalt  }
0x51: {  	_ =	shalt  }
0x52: {  	_ =	shalt  }
0x53: {  	_ =	shalt  }
0x54: {  	_ =	shalt  }
0x55: {  	_ =	shalt  }
0x56: {  	_ =	shalt  }
0x57: {  	_ =	shalt  }
0x58: {  	_ =	shalt  }
0x59: {  	_ =	shalt  }
0x5a: {  	_ =	shalt  }
0x5b: {  	_ =	shalt  }
0x5c: {  	_ =	shalt  }
0x5d: {  	_ =	shalt  }
0x5e: {  	_ =	shalt  }
0x5f: {  	_ =	shalt  }
0x60: {  	_ =	shalt  }
0x61: {  	_ =	shalt  }
0x62: {  	_ =	shalt  }
0x63: {  	_ =	shalt  }
0x64: {  	_ =	shalt  }
0x65: {  	_ =	shalt  }
0x66: {  	_ =	shalt  }
0x67: {  	_ =	shalt  }
0x68: {  	_ =	shalt  }
0x69: {  	_ =	shalt  }
0x6a: {  	_ =	shalt  }
0x6b: {  	_ =	shalt  }
0x6c: {  	_ =	shalt  }
0x6d: {  	_ =	shalt  }
0x6e: {  	_ =	shalt  }
0x6f: {  	_ =	shalt  }
0x70: {  	_ =	shalt  }
0x71: {  	_ =	shalt  }
0x72: {  	_ =	shalt  }
0x73: {  	_ =	shalt  }
0x74: {  	_ =	shalt  }
0x75: {  	_ =	shalt  }
0x76: {  	_ =	shalt  }
0x77: {  	_ =	shalt  }
0x78: {  	_ =	shalt  }
0x79: {  	_ =	shalt  }
0x7a: {  	_ =	shalt  }
0x7b: {  	_ =	shalt  }
0x7c: {  	_ =	shalt  }
0x7d: {  	_ =	shalt  }
0x7e: {  	_ =	shalt  }
0x7f: {  	_ =	shalt  }
0x80: {  	_ =	shalt  }
0x81: {  	_ =	shalt  }
0x82: {  	_ =	shalt  }
0x83: {  	_ =	shalt  }
0x84: {  	_ =	shalt  }
0x85: {  	_ =	shalt  }
0x86: {  	_ =	shalt  }
0x87: {  	_ =	shalt  }
.Lfunc_end0:
.L_simem_size_0:
called_computation.1_lowered:
.L_overlay_start_0:
0x88: {  	s2 =	sld [smem:$0x3FD9]  }
0x89: {  	s3 =	sld [smem:$0x3FFE];
	_ =	sdelay $0x1  }
0x8a: {  	s1 =	srdreg.scid  }
0x8b: {  	s0 =	sand.u32 $0x1, s1  }
0x8c: {  	s15 =	sshll.u32 s0, $0xA;
	s2 =	sadd.s32 s3, s2  }
0x8d: {  	s2 =	sadd.s32 s2, s15  }
0x8e: {  	[smem:$0x3FBF] =	sst s2  }
0x8f: {  	_ = 	snop  }
0x90: {  	s2 =	sld [smem:$0x3FD0];
	_ =	sdelay $0x2  }
0x91: {  	s4 =	simm.s32 $0xD;
	s16 =	simm.s32 $0x10  }
0x92: {  	[smem:s16], [sflag:s4] =	dma.local [hbm:s2], $0x1  }
0x93: {  	_ =	swait.eq [sflag:s4], $0x1  }
0x94: {  	[sflag:s4] =	ssyncset.done $0x0  }
0x95: {  	s17 =	sld [smem:$0x10];
	[sflag:s4] =	ssyncadd.s32 $0xFFFFFFFF  }
0x96: {  	s18 =	sld [smem:$0x11];
	(tm) =	ssettm $0x1  }
0x97: {  	s19 =	sld [smem:$0x3FFB];
	_ =	sdelay $0x3  }
0x98: {  	_ =	strace s19  }
0x99: {  	s2 =	sld [smem:$0x3FFC];
	_ =	sdelay $0x3  }
0x9a: {  	_ =	strace s2  }
0x9b: {  	s2 =	sld [smem:$0x3FFD];
	_ =	sdelay $0x3  }
0x9c: {  	_ =	strace s2  }
0x9d: {  	_ =	strace $0x8FFFFFFF  }
0x9e: {  	s20 =	sld [smem:$0x3FDB];
	_ =	sdelay $0x1  }
0x9f: {  	s5 =	simm.s32 $_scs_section_size  }
0xa0: {  	s6 =	simm.s32 $_size__tile_overlayer_lowered;
	s7 =	simm.s32 $_tile_overlayer_lowered  }
0xa1: {  	s8 =	simm.s32 $0x1BFF;
	s21 =	sshll.u32 s7, $0x1;
	s5 =	sadd.s32 s5, s20  }
0xa2: {  	s22 =	simm.s32 $0x0;
	s6 =	sshll.u32 s6, $0x1;
	s7 =	sadd.s32 s21, s5  }
0xa3: {  	[timem:s22], [sflag:s8] =	dma.local [hbm:s7], s6  }
0xa4: {  	_ =	swait.ge [sflag:s8], s6  }
0xa5: {  	s6 =	ssub.s32 $0x0, s6;
	[sflag:s8] =	ssyncset.done $0x0  }
0xa6: {  	[sflag:s8] =	ssyncadd.s32 s6;
	_ =	sdelay $0x1  }
0xa7: {  	s23 =	simm.s32 $0x1B8B  }
0xa8: {  	_ =	swait.ge [sflag:s23], $0x1  }
0xa9: {  	[sflag:s23] =	ssyncset.done $0x0  }
0xaa: {  	[sflag:s23] =	ssyncadd.s32 $0xFFFFFFFF  }
0xab: {  	s6 =	sld [smem:$0x0]  }
0xac: {  	s7 =	sand.u32 $0xFFFFFFFE, s1  }
0xad: {  	p0 =	sne.s32 s1, s7  }
0xae: {  	s7 =	sshll.u32 @p0 s7, $0xE  }
0xaf: {  	s7 =	sadd.s32 @p0 $0x11B8D, s7;
	s8 =	sshll.u32 @p0 s6, $0x11  }
0xb0: {  	s7 =	sor.u32 @p0 s8, s7  }
0xb1: {  	[sflag:s7] =	ssyncadd.remote.s32 @p0 $0x1;
	_ =	sdelay $0x1  }
0xb2: {  	s7 =	simm.s32 @p0 $0x1B8D  }
0xb3: {  	_ =	swait.eq @p0 [sflag:s7], $0x1  }
0xb4: {  	[sflag:s7] =	ssyncadd.s32 @p0 $0xFFFFFFFF  }
0xb5: {  	s8 =	sshll.u32 @!p0 s1, $0xE  }
0xb6: {  	s8 =	sor.u32 @!p0 $0x4000, s8;
	s7 =	simm.s32 @!p0 $0x1B8D  }
0xb7: {  	s6 =	sshll.u32 @!p0 s6, $0x11;
	s8 =	sadd.s32 @!p0 $0x11B8D, s8;
	_ =	swait.eq @!p0 [sflag:s7], $0x1  }
0xb8: {  	s6 =	sor.u32 @!p0 s6, s8;
	[sflag:s7] =	ssyncadd.s32 @!p0 $0xFFFFFFFF  }
0xb9: {  	s25 =	simm.s32 $0x1B8E;
	s24 =	sld [smem:$0x3FFE];
	[sflag:s6] =	ssyncadd.remote.s32 @!p0 $0x1  }
0xba: {  	s26 =	simm.s32 $execute0_lowered;
	[smem:$0x3FD2] =	sst s25  }
0xbb: {  	s7 =	sshll.u32 s26, $0x1;
	_ =	strace $0x80000049;
	[dreg:$0x1] =	wrdreg $0xFFFFFFFF  }
0xbc: {  	s28 =	simm.s32 $_size_execute0_lowered;
	s5 =	sadd.s32 s5, s7;
	[dreg:$0x0] =	wrdreg $0x0  }
0xbd: {  	s7 =	sshll.u32 s28, $0x1;
	[dreg:$0x2] =	wrdreg s5  }
0xbe: {  	[dreg:$0x3] =	wrdreg s7  }
0xbf: {  	[dreg:$0x4] =	wrdreg $0xC0  }
0xc0: {  	_ =	task [dreg:s22], $0x5FFFF  }
0xc1: {  	[dreg:$0x1] =	wrdreg $0xFFFFFFFF  }
0xc2: {  	[dreg:$0x0] =	wrdreg $0x60  }
0xc3: {  	[dreg:$0x2] =	wrdreg s17  }
0xc4: {  	[dreg:$0x3] =	wrdreg s24  }
0xc5: {  	[dreg:$0x4] =	wrdreg s18  }
0xc6: {  	[dreg:$0x5] =	wrdreg $0xA  }
0xc7: {  	_ =	task.clear_ibuf [dreg:s22], $0x6FFFF;
	_ =	strace $0x90000049  }
0xc8: {  	s29 =	simm.s32 $0xA;
	_ =	strace $0x8000004B  }
0xc9: {  	_ =	swait.ge [sflag:s29], $0x1  }
0xca: {  	[sflag:s29] =	ssyncadd.s32 $0xFFFFFFFF  }
0xcb: {  	_ =	strace $0x9000004B  }
0xcc: {  	_ =	sfence  }
0xcd: {  	s30 =	sld [smem:$0x0];
	_ =	sdelay $0x2  }
0xce: {  	s31 =	sshll.u32 s1, $0xD;
	s1 =	sshrl.u32 s1, $0x2  }
0xcf: {  	s4 =	sand.u32 $0x4000, s31;
	s1 =	sadd.s32 s1, s30  }
0xd0: {  	s0 =	sor.u32 s4, s0;
	s1 =	sshll.u32 s1, $0x11  }
0xd1: {  	s0 =	sor.u32 s1, s0  }
0xd2: {  	s0 =	sadd.s32 $0x8F2B, s0  }
0xd3: {  	[sflag:s0] =	ssyncadd.remote.s32 $0x1  }
0xd4: {  	_ =	sfence.sel $0xFFFF  }
0xd5: {  	[dreg:$0x0] =	wrdreg $0xFFFFFFFF;
	(pc) =	sbr.abs _section_cstart, $3  }
0xd6: {  	[dreg:$0x1] =	wrdreg $0xFFFFFFFF  }
0xd7: {  	_ =	task.clear_ibuf [dreg:s22], $0x2FFFF;
	_ =	strace $0x9FFFFFFF  }
0xd8: {  	(tm) =	ssettm $0x7FFFFFFF  }
0xd9: {  	_ =	shalt  }
tec
execute0_lowered:
.L_overlay_start_1:
0x0: {  	(tag) =	ssettag $0x1  }
0x1: {  	s1 =	rddreg [dreg:$0x0]  }
0x2: {  	s0 =	rddreg [dreg:$0x1]  }
0x3: {  	s2 =	srdreg.scid;
	s3 =	stileid.u32  }
0x4: {  	s4 =	simm.s32 $0x0;
	s14 =	simm.s32 $0x11400;
	s15 =	simm.s32 $0x6  }
0x5: {  	s16 =	simm.s32 $0x13B80;
	s17 =	simm.s32 $0x16300;
	s20 =	simm.s32 $0x80  }
0x6: {  	s21 =	simm.s32 $0x1400;
	s22 =	simm.s32 $0x9400;
	s23 =	simm.s32 $0x5400  }
0x7: {  	s28 =	simm.s32 $0x3;
	s29 =	simm.s32 $0x4;
	s30 =	simm.s32 $0x5  }
0x8: {  	s31 =	simm.s32 $0x0;
	s2 =	sand.u32 $0x1, s2;
	s3 =	sshll.u32 s3, $0x1  }
0x9: {  	[smem:$0x7FF] =	sst s4;
	s6 =	sadd.s32 $0x9A00, s0;
	s3 =	sor.u32 s2, s3  }
0xa: {  	s24 =	sadd.s32 $0x4400, s0;
	s8 =	sadd.s32 $0x3E00, s0;
	s5 =	smul.u32 $0xA00, s3  }
0xb: {  	s9 =	sadd.s32 $0x184C00, s0;
	_ =	strace $0x8000004A;
	s2 =	ssub.s32 $0x2, s2  }
0xc: {  	[dreg:$0x4] =	wrdreg s24;
	s26 =	sshrl.u32 s2, $0x1;
	s25 =	sshrl.u32 s5, $0x3  }
0xd: {  	s24 =	simm.s32 $0xD400;
	s3 =	sadd.s32 s25, s0;
	s0 =	ssub.s32 s2, s26  }
0xe: {  	s25 =	simm.s32 $0x1;
	s26 =	simm.s32 $0x2;
	s10 =	sadd.s32 $0x175C00, s3  }
0xf: {  	s11 =	sadd.s32 $0x173400, s3;
	s12 =	sadd.s32 $0x182400, s3;
	s13 =	smax.u32 s0, $0x1  }
.LBB2_1:
0x10: {  	s0 =	rddreg [dreg:$0x4]  }
0x11: {  	[tilespmem:s14], [sflag:$0x6] =	stream.linear.gather [hbm4b:s0+s4], $0x2780, $0x38;
	[tilespmem:$0x19480] =	vst v63  }
0x12: {  	_ =	swait.ge [sflag:s15], $0x2780  }
0x13: {  	[sflag:s15] =	ssyncset.done $0x0  }
0x14: {  	[sflag:s15] =	ssyncadd.s32 $0xFFFFD880  }
0x15: {  	[tilespmem:s16], [sflag:$0x6] =	stream.linear.gather [hbm4b:s8+s4], $0x2780, $0x38;
	[tilespmem:$0x19480] =	vst v63  }
0x16: {  	_ =	swait.ge [sflag:s15], $0x2780  }
0x17: {  	[sflag:s15] =	ssyncset.done $0x0  }
0x18: {  	[sflag:s15] =	ssyncadd.s32 $0xFFFFD880  }
0x19: {  	s18 =	rddreg [dreg:$0x2]  }
0x1a: {  	[tilespmem:s17], [sflag:$0x6] =	stream.linear.gather [hbm4b:s18+s4], $0x2780, $0x38;
	[tilespmem:$0x19480] =	vst v63  }
0x1b: {  	_ =	swait.ge [sflag:s15], $0x2780  }
0x1c: {  	[sflag:s15] =	ssyncset.done $0x0  }
0x1d: {  	[sflag:s15] =	ssyncadd.s32 $0xFFFFD880  }
0x1e: {  	[tilespmem:s4], [sflag:$0x6] =	stream.linear.gather [hbm4b:s10+s4], $0xA00, $0x38;
	[tilespmem:$0x19480] =	vst v63  }
0x1f: {  	_ =	swait.ge [sflag:s15], $0xA00  }
0x20: {  	[sflag:s15] =	ssyncset.done $0x0  }
0x21: {  	s19 =	simm.s32 $0xA00;
	[sflag:s15] =	ssyncadd.s32 $0xFFFFF600  }
0x22: {  	[tilespmem:s19], [sflag:$0x6] =	stream.linear.gather [hbm4b:s11+s4], $0xA00, $0x38;
	[tilespmem:$0x19480] =	vst v63  }
0x23: {  	_ =	swait.ge [sflag:s15], $0xA00  }
0x24: {  	[sflag:s15] =	ssyncset.done $0x0  }
0x25: {  	s0 =	simm.s32 $0x0;
	[sflag:s15] =	ssyncadd.s32 $0xFFFFF600  }
0x26: {  	v0 =	vld [tilespmem:s0+$0xA00]  }
0x27: {  	v1 =	vld [tilespmem:s0+$0x0];
	_ =	sdelay $0x6  }
0x28: {  	v2 =	vld.idx.msk [tilespmem:v0+s14+$0x0], $0xffff  }
0x29: {  	v3 =	vld.idx.msk [tilespmem:v1+s14+$0x0], $0xffff  }
0x2a: {  	v4 =	vld.idx.msk [tilespmem:v1+s16+$0x0], $0xffff  }
0x2b: {  	v5 =	vld.idx.msk [tilespmem:v0+s16+$0x0], $0xffff  }
0x2c: {  	v6 =	vld.idx.msk [tilespmem:v1+s17+$0x0], $0xffff  }
0x2d: {  	v7 =	vld.idx.msk [tilespmem:v0+s17+$0x0], $0xffff;
	_ =	sdelay $0x2  }
0x2e: {  	s2 =	simm.s32 $0x10;
	v3 =	vsub.f32 v3, v2;
	v4 =	vsub.f32 v4, v5  }
0x2f: {  	v0 =	vld [tilespmem:s2+$0xA00]  }
0x30: {  	v1 =	vld [tilespmem:s2+$0x0];
	v2 =	vsub.f32 v6, v7;
	v3 =	vmul.f32 v3, v3;
	v4 =	vmul.f32 v4, v4  }
0x31: {  	s3 =	simm.s32 $0x80  }
.LBB2_2:
0x32: {  	p0 =	sne.s32 s3, $0x27C0;
	v3 =	vadd.f32 v4, v3;
	v2 =	vmul.f32 v2, v2;
	_ =	sdelay $0x1  }
0x33: {  	v2 =	vadd.f32 v2, v3;
	_ =	sdelay $0x1  }
0x34: {  	[tilespmem:s0+$0x18A80] =	vst v2;
	s0 =	smov.u32 s2  }
0x35: {  	v2 =	vld.idx.msk [tilespmem:v0+s14+$0x0], $0xffff  }
0x36: {  	v3 =	vld.idx.msk [tilespmem:v1+s14+$0x0], $0xffff  }
0x37: {  	v4 =	vld.idx.msk [tilespmem:v1+s16+$0x0], $0xffff  }
0x38: {  	v5 =	vld.idx.msk [tilespmem:v0+s16+$0x0], $0xffff  }
0x39: {  	v6 =	vld.idx.msk [tilespmem:v1+s17+$0x0], $0xffff  }
0x3a: {  	v7 =	vld.idx.msk [tilespmem:v0+s17+$0x0], $0xffff;
	_ =	sdelay $0x2  }
.Ltmp0:
0x3b: {  	(pc) =	sbr.rel @p0 .LBB2_2-.Ltmp0, $4  }
0x3c: {  	s2 =	sshra.s32 s3, $0x2;
	v3 =	vsub.f32 v3, v2;
	v4 =	vsub.f32 v4, v5  }
0x3d: {  	v0 =	vld [tilespmem:s2+$0xA00]  }
0x3e: {  	v3 =	vmul.f32 v3, v3;
	v2 =	vsub.f32 v6, v7;
	v4 =	vmul.f32 v4, v4;
	v1 =	vld [tilespmem:s2+$0x0]  }
0x3f: {  	s3 =	sadd.s32 $0x40, s3  }
0x40: {  	_ = 	snop  }
0x41: {  	v3 =	vadd.f32 v4, v3;
	v2 =	vmul.f32 v2, v2;
	_ =	sdelay $0x1  }
0x42: {  	v2 =	vadd.f32 v2, v3;
	_ =	sdelay $0x1  }
0x43: {  	[tilespmem:s0+$0x18A80] =	vst v2  }
0x44: {  	v2 =	vld.idx.msk [tilespmem:v0+s14+$0x0], $0xffff  }
0x45: {  	v57 =	vld.idx.msk [tilespmem:v1+s14+$0x0], $0xffff  }
0x46: {  	v58 =	vld.idx.msk [tilespmem:v1+s16+$0x0], $0xffff  }
0x47: {  	v5 =	vld.idx.msk [tilespmem:v0+s16+$0x0], $0xffff  }
0x48: {  	v59 =	vld.idx.msk [tilespmem:v1+s17+$0x0], $0xffff  }
0x49: {  	v60 =	vld.idx.msk [tilespmem:v0+s17+$0x0], $0xffff;
	_ =	sdelay $0x2  }
0x4a: {  	v2 =	vsub.f32 v57, v2;
	v61 =	vsub.f32 v58, v5;
	_ =	sdelay $0x1  }
0x4b: {  	v0 =	vsub.f32 v59, v60;
	v62 =	vmul.f32 v2, v2;
	v63 =	vmul.f32 v61, v61;
	_ =	sdelay $0x1  }
0x4c: {  	v0 =	vmul.f32 v0, v0;
	v1 =	vadd.f32 v63, v62;
	_ =	sdelay $0x1  }
0x4d: {  	v0 =	vadd.f32 v0, v1;
	_ =	sdelay $0x1  }
0x4e: {  	s19 =	simm.s32 $0x18A80;
	[tilespmem:s2+$0x18A80] =	vst v0;
	s2 =	simm.s32 $0x0  }
0x4f: {  	[hbm4b:s12+s2] =	stream.linear.scatter [tilespmem:s19], [sflag:$0x6], $0xA00, $0x38;
	[tilespmem:$0x19480] =	vst v63  }
0x50: {  	_ =	swait.ge [sflag:s15], $0xA00  }
0x51: {  	[sflag:s15] =	ssyncset.done $0x0  }
0x52: {  	[sflag:s15] =	ssyncadd.s32 $0xFFFFF600  }
.LBB2_4:
0x53: {  	s3 =	sshll.u32 s2, $0x8  }
0x54: {  	[tilespmem:s21], [sflag:$0x1] =	stream.indirect.gather [hbm4b:s1+s20], $0x80, s3, s20, $0xb8;
	[tilespmem:$0x19480] =	vst v63  }
0x55: {  	s0 =	sadd.s32 $0xA00, s3  }
0x56: {  	[tilespmem:s22], [sflag:$0x2] =	stream.indirect.gather [hbm4b:s6+s20], $0x80, s0, s20, $0xb8;
	[tilespmem:$0x19480] =	vst v63  }
0x57: {  	s0 =	sor.u32 $0x80, s3  }
0x58: {  	[tilespmem:s23], [sflag:$0x3] =	stream.indirect.gather [hbm4b:s1+s20], $0x80, s0, s20, $0xb8;
	[tilespmem:$0x19480] =	vst v63  }
0x59: {  	s18 =	sadd.s32 $0xA80, s3  }
0x5a: {  	[tilespmem:s24], [sflag:$0x4] =	stream.indirect.gather [hbm4b:s6+s20], $0x80, s18, s20, $0xb8;
	[tilespmem:$0x19480] =	vst v63  }
0x5b: {  	_ =	swait.ge [sflag:s25], $0x4000  }
0x5c: {  	[sflag:s25] =	ssyncset.done $0x0  }
0x5d: {  	[sflag:s25] =	ssyncadd.s32 $0xFFFFC000  }
0x5e: {  	_ =	swait.ge [sflag:s26], $0x4000  }
0x5f: {  	[sflag:s26] =	ssyncset.done $0x0  }
0x60: {  	s18 =	simm.s32 $0x0;
	[sflag:s26] =	ssyncadd.s32 $0xFFFFC000  }
0x61: {  	v7 =	vld [tilespmem:s18+$0x9400]  }
0x62: {  	v11 =	vld [tilespmem:s18+$0x9410]  }
0x63: {  	v5 =	vld [tilespmem:s18+$0x9420]  }
0x64: {  	v4 =	vld [tilespmem:s18+$0x9430]  }
0x65: {  	v3 =	vld [tilespmem:s18+$0x9440]  }
0x66: {  	v2 =	vld [tilespmem:s18+$0x9450]  }
0x67: {  	v1 =	vld [tilespmem:s18+$0x9460]  }
0x68: {  	v0 =	vld [tilespmem:s18+$0x9470]  }
0x69: {  	v12 =	vld [tilespmem:s18+$0x1400]  }
0x6a: {  	v13 =	vld [tilespmem:s18+$0x1410]  }
0x6b: {  	v10 =	vld [tilespmem:s18+$0x1420]  }
0x6c: {  	v9 =	vld [tilespmem:s18+$0x1430]  }
0x6d: {  	v8 =	vld [tilespmem:s18+$0x1440]  }
0x6e: {  	v6 =	vld [tilespmem:s18+$0x1450];
	v12 =	vadd.f32 v7, v12  }
0x6f: {  	s19 =	simm.s32 $0x200;
	v11 =	vadd.f32 v11, v13;
	v7 =	vld [tilespmem:s18+$0x1460]  }
.LBB2_5:
0x70: {  	s7 =	sshra.s32 s19, $0x2;
	p0 =	sne.s32 s19, $0xFE00;
	[tilespmem:s18+$0x1400] =	vst v12;
	v5 =	vadd.f32 v5, v10;
	v10 =	vld [tilespmem:s18+$0x1470]  }
0x71: {  	v12 =	vld [tilespmem:s7+$0x9400];
	[tilespmem:s18+$0x1410] =	vst v11;
	v4 =	vadd.f32 v4, v9  }
0x72: {  	v11 =	vld [tilespmem:s7+$0x9410];
	[tilespmem:s18+$0x1420] =	vst v5;
	v3 =	vadd.f32 v3, v8  }
0x73: {  	v5 =	vld [tilespmem:s7+$0x9420];
	[tilespmem:s18+$0x1430] =	vst v4;
	v2 =	vadd.f32 v2, v6  }
0x74: {  	v4 =	vld [tilespmem:s7+$0x9430];
	[tilespmem:s18+$0x1440] =	vst v3;
	v1 =	vadd.f32 v1, v7  }
0x75: {  	v3 =	vld [tilespmem:s7+$0x9440];
	[tilespmem:s18+$0x1450] =	vst v2;
	v0 =	vadd.f32 v0, v10  }
0x76: {  	v2 =	vld [tilespmem:s7+$0x9450];
	[tilespmem:s18+$0x1460] =	vst v1  }
0x77: {  	v1 =	vld [tilespmem:s7+$0x9460];
	[tilespmem:s18+$0x1470] =	vst v0;
	s18 =	smov.u32 s7  }
0x78: {  	v0 =	vld [tilespmem:s18+$0x9470]  }
0x79: {  	v6 =	vld [tilespmem:s18+$0x1400]  }
0x7a: {  	v7 =	vld [tilespmem:s18+$0x1410]  }
.Ltmp1:
0x7b: {  	v10 =	vld [tilespmem:s18+$0x1420];
	(pc) =	sbr.rel @p0 .LBB2_5-.Ltmp1, $4  }
0x7c: {  	v9 =	vld [tilespmem:s18+$0x1430]  }
0x7d: {  	v8 =	vld [tilespmem:s18+$0x1440]  }
0x7e: {  	v12 =	vadd.f32 v12, v6;
	v6 =	vld [tilespmem:s18+$0x1450]  }
0x7f: {  	s19 =	sadd.s32 $0x200, s19;
	v11 =	vadd.f32 v11, v7;
	v7 =	vld [tilespmem:s18+$0x1460]  }
0x80: {  	[tilespmem:s18+$0x1400] =	vst v12;
	v5 =	vadd.f32 v5, v10;
	v10 =	vld [tilespmem:s18+$0x1470]  }
0x81: {  	[tilespmem:s18+$0x1410] =	vst v11;
	v4 =	vadd.f32 v4, v9  }
0x82: {  	[tilespmem:s18+$0x1420] =	vst v5;
	v3 =	vadd.f32 v3, v8  }
0x83: {  	[tilespmem:s18+$0x1430] =	vst v4;
	v2 =	vadd.f32 v2, v6  }
0x84: {  	[tilespmem:s18+$0x1440] =	vst v3;
	v1 =	vadd.f32 v1, v7  }
0x85: {  	s3 =	sadd.s32 s5, s3;
	[tilespmem:s18+$0x1450] =	vst v2;
	v0 =	vadd.f32 v0, v10  }
0x86: {  	s3 =	sshll.u32 s3, $0x4;
	[tilespmem:s18+$0x1460] =	vst v1  }
0x87: {  	s7 =	simm.s32 $0x0;
	s3 =	sadd.s32 s9, s3;
	[tilespmem:s18+$0x1470] =	vst v0  }
0x88: {  	[hbm4b:s3+s7] =	stream.linear.scatter [tilespmem:s21], [sflag:$0x5], $0x4000, $0x38;
	[tilespmem:$0x19480] =	vst v63  }
0x89: {  	_ =	swait.ge [sflag:s28], $0x4000  }
0x8a: {  	[sflag:s28] =	ssyncset.done $0x0  }
0x8b: {  	[sflag:s28] =	ssyncadd.s32 $0xFFFFC000  }
0x8c: {  	_ =	swait.ge [sflag:s29], $0x4000  }
0x8d: {  	[sflag:s29] =	ssyncset.done $0x0  }
0x8e: {  	s3 =	simm.s32 $0x0;
	[sflag:s29] =	ssyncadd.s32 $0xFFFFC000  }
0x8f: {  	v7 =	vld [tilespmem:s3+$0xD400]  }
0x90: {  	v11 =	vld [tilespmem:s3+$0xD410]  }
0x91: {  	v5 =	vld [tilespmem:s3+$0xD420]  }
0x92: {  	v4 =	vld [tilespmem:s3+$0xD430]  }
0x93: {  	v3 =	vld [tilespmem:s3+$0xD440]  }
0x94: {  	v2 =	vld [tilespmem:s3+$0xD450]  }
0x95: {  	v1 =	vld [tilespmem:s3+$0xD460]  }
0x96: {  	v0 =	vld [tilespmem:s3+$0xD470]  }
0x97: {  	v12 =	vld [tilespmem:s3+$0x5400]  }
0x98: {  	v13 =	vld [tilespmem:s3+$0x5410]  }
0x99: {  	v10 =	vld [tilespmem:s3+$0x5420]  }
0x9a: {  	v9 =	vld [tilespmem:s3+$0x5430]  }
0x9b: {  	v8 =	vld [tilespmem:s3+$0x5440]  }
0x9c: {  	v6 =	vld [tilespmem:s3+$0x5450];
	v12 =	vadd.f32 v7, v12  }
0x9d: {  	s18 =	simm.s32 $0x200;
	v11 =	vadd.f32 v11, v13;
	v7 =	vld [tilespmem:s3+$0x5460]  }
.LBB2_7:
0x9e: {  	s7 =	sshra.s32 s18, $0x2;
	p0 =	sne.s32 s18, $0xFE00;
	[tilespmem:s3+$0x5400] =	vst v12;
	v5 =	vadd.f32 v5, v10;
	v10 =	vld [tilespmem:s3+$0x5470]  }
0x9f: {  	v12 =	vld [tilespmem:s7+$0xD400];
	[tilespmem:s3+$0x5410] =	vst v11;
	v4 =	vadd.f32 v4, v9  }
0xa0: {  	v11 =	vld [tilespmem:s7+$0xD410];
	[tilespmem:s3+$0x5420] =	vst v5;
	v3 =	vadd.f32 v3, v8  }
0xa1: {  	v5 =	vld [tilespmem:s7+$0xD420];
	[tilespmem:s3+$0x5430] =	vst v4;
	v2 =	vadd.f32 v2, v6  }
0xa2: {  	v4 =	vld [tilespmem:s7+$0xD430];
	[tilespmem:s3+$0x5440] =	vst v3;
	v1 =	vadd.f32 v1, v7  }
0xa3: {  	v3 =	vld [tilespmem:s7+$0xD440];
	[tilespmem:s3+$0x5450] =	vst v2;
	v0 =	vadd.f32 v0, v10  }
0xa4: {  	v2 =	vld [tilespmem:s7+$0xD450];
	[tilespmem:s3+$0x5460] =	vst v1  }
0xa5: {  	v1 =	vld [tilespmem:s7+$0xD460];
	[tilespmem:s3+$0x5470] =	vst v0;
	s3 =	smov.u32 s7  }
0xa6: {  	v0 =	vld [tilespmem:s3+$0xD470]  }
0xa7: {  	v6 =	vld [tilespmem:s3+$0x5400]  }
0xa8: {  	v7 =	vld [tilespmem:s3+$0x5410]  }
.Ltmp2:
0xa9: {  	v10 =	vld [tilespmem:s3+$0x5420];
	(pc) =	sbr.rel @p0 .LBB2_7-.Ltmp2, $4  }
0xaa: {  	v9 =	vld [tilespmem:s3+$0x5430]  }
0xab: {  	v8 =	vld [tilespmem:s3+$0x5440]  }
0xac: {  	v12 =	vadd.f32 v12, v6;
	v6 =	vld [tilespmem:s3+$0x5450]  }
0xad: {  	s18 =	sadd.s32 $0x200, s18;
	v11 =	vadd.f32 v11, v7;
	v7 =	vld [tilespmem:s3+$0x5460]  }
0xae: {  	[tilespmem:s3+$0x5400] =	vst v12;
	v5 =	vadd.f32 v5, v10;
	v63 =	vld [tilespmem:s3+$0x5470]  }
0xaf: {  	[tilespmem:s3+$0x5410] =	vst v11;
	v4 =	vadd.f32 v4, v9  }
0xb0: {  	[tilespmem:s3+$0x5420] =	vst v5;
	v3 =	vadd.f32 v3, v8  }
0xb1: {  	[tilespmem:s3+$0x5430] =	vst v4;
	v2 =	vadd.f32 v2, v6  }
0xb2: {  	[tilespmem:s3+$0x5440] =	vst v3;
	v1 =	vadd.f32 v1, v7  }
0xb3: {  	s0 =	sadd.s32 s5, s0;
	[tilespmem:s3+$0x5450] =	vst v2;
	v0 =	vadd.f32 v0, v63  }
0xb4: {  	s0 =	sshll.u32 s0, $0x4;
	[tilespmem:s3+$0x5460] =	vst v1  }
0xb5: {  	s2 =	sadd.s32 $0x1, s2;
	s0 =	sadd.s32 s9, s0;
	[tilespmem:s3+$0x5470] =	vst v0  }
0xb6: {  	[hbm4b:s0+s4] =	stream.linear.scatter [tilespmem:s23], [sflag:$0x5], $0x4000, $0x38;
	[tilespmem:$0x19480] =	vst v63  }
0xb7: {  	p0 =	sne.s32 s2, $0xA;
	_ =	swait.ge [sflag:s30], $0x4000  }
.Ltmp3:
0xb8: {  	[sflag:s30] =	ssyncset.done $0x0;
	(pc) =	sbr.rel @p0 .LBB2_4-.Ltmp3, $4  }
0xb9: {  	[sflag:s30] =	ssyncadd.s32 $0xFFFFC000  }
0xba: {  	_ =	swait.ge [sflag:s30], $0x4000  }
0xbb: {  	[sflag:s30] =	ssyncset.done $0x0  }
0xbc: {  	[sflag:s30] =	ssyncadd.s32 $0xFFFFC000  }
0xbd: {  	s31 =	sadd.s32 $0x1, s31  }
0xbe: {  	p0 =	sne.s32 s31, s13  }
.Ltmp4:
0xbf: {  	_ = 	snop;
	(pc) =	sbr.rel @p0 .LBB2_1-.Ltmp4, $1  }
0xc0: {  	_ =	sdelay $0x3  }
0xc1: {  	_ =	sfence.sel $0x180000  }
0xc2: {  	[bflag:$0x0] =	sbarrier.arrive $0xFFFF  }
0xc3: {  	_ =	strace $0x9000004A  }
0xc4: {  	s0 =	stileid.u32;
	[bflag:$0x2] =	sbarrier.arrive $0xFFFF  }
0xc5: {  	p0 =	sne.s32 s0, $0x0;
	s0 =	rddreg [dreg:$0x3]  }
0xc6: {  	s0 =	sadd.s32 @!p0 $0x100000, s0  }
0xc7: {  	[sflag:s0] =	ssyncadd.tile.s32 @!p0 $0x1;
	_ =	shalt  }
.Lfunc_end2:
_tile_overlayer_lowered:
.L_overlay_start_2:
0xc8: {  	(tag) =	ssettag $0x2  }
0xc9: {  	s0 =	rddreg [dreg:$0x0];
	s2 =	stileid.u32  }
0xca: {  	s1 =	rddreg [dreg:$0x1];
	p0 =	sne.s32 s2, $0x0  }
0xcb: {  	s3 =	rddreg [dreg:$0x2];
	[bflag:$0x3] =	sbarrier.arrive $0xFFFF;
	s2 =	simm.s32 @!p0 $0x1C06  }
0xcc: {  	[timem:s3], [sflag:s2] =	dma.local @!p0 [hbm:s0], s1  }
0xcd: {  	s0 =	simm.s32 @!p0 $0x6  }
0xce: {  	_ =	swait.ge @!p0 [sflag:s0], s1  }
0xcf: {  	s1 =	ssub.s32 @!p0 $0x0, s1;
	[sflag:s0] =	ssyncset.done @!p0 $0x0  }
0xd0: {  	[sflag:s0] =	ssyncadd.s32 @!p0 s1  }
0xd1: {  	[bflag:$0x3] =	sbarrier.arrive $0xFFFF  }
0xd2: {  	_ =	shalt  }

// kernel: kernel.19.cloned.1.call-start
scs
__scs_entry_jumppad:
0x0: {  	(pc) =	sbr.rel $0x88, $3  }
0x1: {  	(tag) =	ssettag $0x0;
	lr =	simm.s32 $0x1  }
0x2: {  	[smem:$0x3F98] =	sst lr;
	_ =	strace $0xD0000000  }
0x3: {  	_ = 	snop  }
0x4: {  	_ = 	snop  }
0x5: {  	_ = 	snop  }
0x6: {  	_ = 	snop  }
0x7: {  	_ = 	snop  }
__scs_overlays_trampoline_lowered:
0x8: {  	[smem:$0x3FA7] =	sst s0  }
0x9: {  	[smem:$0x3FA8] =	sst s1  }
0xa: {  	[smem:$0x3FA9] =	sst s2  }
0xb: {  	[smem:$0x3FAA] =	sst s3  }
0xc: {  	[smem:$0x3FAB] =	sst s4  }
0xd: {  	[smem:$0x3FAC] =	sst s5  }
0xe: {  	[smem:$0x3FAD] =	sst s6  }
0xf: {  	[smem:$0x3FAE] =	sst s7  }
0x10: {  	[smem:$0x3FAF] =	sst s8  }
0x11: {  	[smem:$0x3FB0] =	sst s9;
	s0 =	simm.s32 @!p0 $0x0  }
0x12: {  	s1 =	sld [smem:$0x3F96];
	s0 =	simm.s32 @p0 $0x1  }
0x13: {  	[smem:$0x3FB1] =	sst s0;
	s0 =	simm.s32 @!p1 $0x0  }
0x14: {  	s2 =	sld [smem:$0x3F95];
	s0 =	simm.s32 @p1 $0x1  }
0x15: {  	[smem:$0x3FB2] =	sst s0;
	s0 =	simm.s32 @!p2 $0x0  }
0x16: {  	s3 =	sld [smem:$0x3FDB];
	s0 =	simm.s32 @p2 $0x1  }
0x17: {  	s4 =	simm.s32 $0x1BF5;
	[smem:$0x3FB4] =	sst s0  }
0x18: {  	s0 =	sld [smem:$0x3F97];
	_ =	swait.ge [sflag:s4], $0x0  }
0x19: {  	s7 =	sld [smem:$0x3F98]  }
0x1a: {  	s8 =	sadd.s32 $0xFFFFE003, lr  }
0x1b: {  	s9 =	sadd.s32 $0xFFFFFEF7, lr;
	s5 =	simm.s32 $0xFFFFFFFF;
	p2 =	slt.u32 s8, $0xFFFFF086  }
0x1c: {  	p1 =	slt.u32 s9, $0xF7A;
	s5 =	simm.s32 @!p2 $0x0  }
0x1d: {  	s5 =	simm.s32 @p1 $0x1;
	p0 =	seq.s32 s7, s2  }
0x1e: {  	s7 =	smul.u32 @!p0 $0xF7A, s2;
	p2 =	seq.s32 @!p0 s5, $0x0  }
0x1f: {  	s9 =	smul.u32 $0xF7A, s1;
	s8 =	simm.s32 @!p0 $0x1BF5;
	p2 =	por !p2, p0  }
0x20: {  	[sflag:s8] =	ssyncset.s32 @!p0 $0xFFFFF086;
	s6 =	sadd.s32 @!p0 s3, s7;
	s7 =	simm.s32 @!p0 $0x108  }
0x21: {  	s3 =	sadd.s32 s3, s9;
	s6 =	sadd.s32 @!p0 $0x88, s6;
	s7 =	simm.s32 @p2 $0x1082  }
0x22: {  	[simem:s7], [sflag:s8] =	dma.local @!p0 [hbm:s6], $0xF7A  }
0x23: {  	s9 =	sor.u32 $0xD0000000, s2;
	s6 =	simm.s32 $0x108;
	_ =	swait.ge @!p0 [sflag:s8], $0x0  }
0x24: {  	s3 =	sadd.s32 $0x88, s3;
	s6 =	simm.s32 @!p1 $0x1082;
	[sflag:s4] =	ssyncset.s32 $0xFFFFF086  }
0x25: {  	[simem:s6], [sflag:s4] =	dma.local [hbm:s3], $0xF7A  }
0x26: {  	[smem:$0x3F98] =	sst s1;
	(tag) =	ssettag s2;
	_ =	strace s9  }
0x27: {  	s1 =	sld [smem:$0x3FA8]  }
0x28: {  	s2 =	sld [smem:$0x3FA9]  }
0x29: {  	s4 =	sld [smem:$0x3FAB]  }
0x2a: {  	p0 =	seq.s32 s5, $0x0;
	s5 =	sld [smem:$0x3FAC]  }
0x2b: {  	s6 =	sld [smem:$0x3FAD]  }
0x2c: {  	s7 =	sld [smem:$0x3FAE]  }
0x2d: {  	s3 =	simm.s32 $0x108;
	s8 =	sld [smem:$0x3FAF]  }
0x2e: {  	s3 =	simm.s32 @!p0 $0x1082;
	s9 =	sld [smem:$0x3FB0]  }
0x2f: {  	lr =	sadd.s32 s0, s3;
	s0 =	sld [smem:$0x3FA7]  }
0x30: {  	s3 =	sld [smem:$0x3FAA]  }
0x31: {  	[smem:$0x3FB3] =	sst s10  }
0x32: {  	s10 =	sld [smem:$0x3FB1];
	_ =	sdelay $0x3  }
0x33: {  	p0 =	seq.s32 s10, $0x1;
	s10 =	sld [smem:$0x3FB3];
	_ =	sdelay $0x3  }
0x34: {  	[smem:$0x3FB3] =	sst s10  }
0x35: {  	s10 =	sld [smem:$0x3FB2];
	_ =	sdelay $0x3  }
0x36: {  	p1 =	seq.s32 s10, $0x1;
	s10 =	sld [smem:$0x3FB3];
	_ =	sdelay $0x3  }
0x37: {  	[smem:$0x3FB3] =	sst s10  }
0x38: {  	s10 =	sld [smem:$0x3FB4]  }
0x39: {  	_ = 	snop;
	(pc) =	sbr.ind lr, $3  }
0x3a: {  	_ = 	snop  }
0x3b: {  	_ = 	snop  }
0x3c: {  	p2 =	seq.s32 s10, $0x1;
	s10 =	sld [smem:$0x3FB3]  }
0x3d: {  	_ =	shalt  }
0x3e: {  	_ =	shalt  }
0x3f: {  	_ =	shalt  }
0x40: {  	_ =	shalt  }
0x41: {  	_ =	shalt  }
0x42: {  	_ =	shalt  }
0x43: {  	_ =	shalt  }
0x44: {  	_ =	shalt  }
0x45: {  	_ =	shalt  }
0x46: {  	_ =	shalt  }
0x47: {  	_ =	shalt  }
0x48: {  	_ =	shalt  }
0x49: {  	_ =	shalt  }
0x4a: {  	_ =	shalt  }
0x4b: {  	_ =	shalt  }
0x4c: {  	_ =	shalt  }
0x4d: {  	_ =	shalt  }
0x4e: {  	_ =	shalt  }
0x4f: {  	_ =	shalt  }
0x50: {  	_ =	shalt  }
0x51: {  	_ =	shalt  }
0x52: {  	_ =	shalt  }
0x53: {  	_ =	shalt  }
0x54: {  	_ =	shalt  }
0x55: {  	_ =	shalt  }
0x56: {  	_ =	shalt  }
0x57: {  	_ =	shalt  }
0x58: {  	_ =	shalt  }
0x59: {  	_ =	shalt  }
0x5a: {  	_ =	shalt  }
0x5b: {  	_ =	shalt  }
0x5c: {  	_ =	shalt  }
0x5d: {  	_ =	shalt  }
0x5e: {  	_ =	shalt  }
0x5f: {  	_ =	shalt  }
0x60: {  	_ =	shalt  }
0x61: {  	_ =	shalt  }
0x62: {  	_ =	shalt  }
0x63: {  	_ =	shalt  }
0x64: {  	_ =	shalt  }
0x65: {  	_ =	shalt  }
0x66: {  	_ =	shalt  }
0x67: {  	_ =	shalt  }
0x68: {  	_ =	shalt  }
0x69: {  	_ =	shalt  }
0x6a: {  	_ =	shalt  }
0x6b: {  	_ =	shalt  }
0x6c: {  	_ =	shalt  }
0x6d: {  	_ =	shalt  }
0x6e: {  	_ =	shalt  }
0x6f: {  	_ =	shalt  }
0x70: {  	_ =	shalt  }
0x71: {  	_ =	shalt  }
0x72: {  	_ =	shalt  }
0x73: {  	_ =	shalt  }
0x74: {  	_ =	shalt  }
0x75: {  	_ =	shalt  }
0x76: {  	_ =	shalt  }
0x77: {  	_ =	shalt  }
0x78: {  	_ =	shalt  }
0x79: {  	_ =	shalt  }
0x7a: {  	_ =	shalt  }
0x7b: {  	_ =	shalt  }
0x7c: {  	_ =	shalt  }
0x7d: {  	_ =	shalt  }
0x7e: {  	_ =	shalt  }
0x7f: {  	_ =	shalt  }
0x80: {  	_ =	shalt  }
0x81: {  	_ =	shalt  }
0x82: {  	_ =	shalt  }
0x83: {  	_ =	shalt  }
0x84: {  	_ =	shalt  }
0x85: {  	_ =	shalt  }
0x86: {  	_ =	shalt  }
0x87: {  	_ =	shalt  }
.Lfunc_end0:
.L_simem_size_0:
called_computation.2_lowered:
.L_overlay_start_0:
0x88: {  	s2 =	sld [smem:$0x3FD9]  }
0x89: {  	s3 =	sld [smem:$0x3FFE];
	_ =	sdelay $0x1  }
0x8a: {  	s1 =	srdreg.scid  }
0x8b: {  	s0 =	sand.u32 $0x1, s1  }
0x8c: {  	s15 =	sshll.u32 s0, $0xA;
	s2 =	sadd.s32 s3, s2  }
0x8d: {  	s2 =	sadd.s32 s2, s15  }
0x8e: {  	[smem:$0x3FBF] =	sst s2  }
0x8f: {  	_ = 	snop  }
0x90: {  	s2 =	sld [smem:$0x3FD0];
	_ =	sdelay $0x2  }
0x91: {  	s4 =	simm.s32 $0xD;
	s16 =	simm.s32 $0x10  }
0x92: {  	[smem:s16], [sflag:s4] =	dma.local [hbm:s2], $0x1  }
0x93: {  	_ =	swait.eq [sflag:s4], $0x1  }
0x94: {  	[sflag:s4] =	ssyncset.done $0x0  }
0x95: {  	s17 =	sld [smem:$0x10];
	[sflag:s4] =	ssyncadd.s32 $0xFFFFFFFF  }
0x96: {  	s18 =	sld [smem:$0x11];
	(tm) =	ssettm $0x1  }
0x97: {  	s19 =	sld [smem:$0x3FFB];
	_ =	sdelay $0x3  }
0x98: {  	_ =	strace s19  }
0x99: {  	s2 =	sld [smem:$0x3FFC];
	_ =	sdelay $0x3  }
0x9a: {  	_ =	strace s2  }
0x9b: {  	s2 =	sld [smem:$0x3FFD];
	_ =	sdelay $0x3  }
0x9c: {  	_ =	strace s2  }
0x9d: {  	_ =	strace $0x8FFFFFFF  }
0x9e: {  	s20 =	sld [smem:$0x3FDB];
	_ =	sdelay $0x1  }
0x9f: {  	s5 =	simm.s32 $_scs_section_size  }
0xa0: {  	s6 =	simm.s32 $_size__tile_overlayer_lowered;
	s7 =	simm.s32 $_tile_overlayer_lowered  }
0xa1: {  	s8 =	simm.s32 $0x1BFF;
	s21 =	sshll.u32 s7, $0x1;
	s5 =	sadd.s32 s5, s20  }
0xa2: {  	s22 =	simm.s32 $0x0;
	s6 =	sshll.u32 s6, $0x1;
	s7 =	sadd.s32 s21, s5  }
0xa3: {  	[timem:s22], [sflag:s8] =	dma.local [hbm:s7], s6  }
0xa4: {  	_ =	swait.ge [sflag:s8], s6  }
0xa5: {  	s6 =	ssub.s32 $0x0, s6;
	[sflag:s8] =	ssyncset.done $0x0  }
0xa6: {  	[sflag:s8] =	ssyncadd.s32 s6;
	_ =	sdelay $0x1  }
0xa7: {  	s23 =	simm.s32 $0x1B8B  }
0xa8: {  	_ =	swait.ge [sflag:s23], $0x1  }
0xa9: {  	[sflag:s23] =	ssyncset.done $0x0  }
0xaa: {  	[sflag:s23] =	ssyncadd.s32 $0xFFFFFFFF  }
0xab: {  	s6 =	sld [smem:$0x0]  }
0xac: {  	s7 =	sand.u32 $0xFFFFFFFE, s1  }
0xad: {  	p0 =	sne.s32 s1, s7  }
0xae: {  	s7 =	sshll.u32 @p0 s7, $0xE  }
0xaf: {  	s7 =	sadd.s32 @p0 $0x11B8D, s7;
	s8 =	sshll.u32 @p0 s6, $0x11  }
0xb0: {  	s7 =	sor.u32 @p0 s8, s7  }
0xb1: {  	[sflag:s7] =	ssyncadd.remote.s32 @p0 $0x1;
	_ =	sdelay $0x1  }
0xb2: {  	s7 =	simm.s32 @p0 $0x1B8D  }
0xb3: {  	_ =	swait.eq @p0 [sflag:s7], $0x1  }
0xb4: {  	[sflag:s7] =	ssyncadd.s32 @p0 $0xFFFFFFFF  }
0xb5: {  	s8 =	sshll.u32 @!p0 s1, $0xE  }
0xb6: {  	s8 =	sor.u32 @!p0 $0x4000, s8;
	s7 =	simm.s32 @!p0 $0x1B8D  }
0xb7: {  	s6 =	sshll.u32 @!p0 s6, $0x11;
	s8 =	sadd.s32 @!p0 $0x11B8D, s8;
	_ =	swait.eq @!p0 [sflag:s7], $0x1  }
0xb8: {  	s6 =	sor.u32 @!p0 s6, s8;
	[sflag:s7] =	ssyncadd.s32 @!p0 $0xFFFFFFFF  }
0xb9: {  	s25 =	simm.s32 $0x1B8E;
	s24 =	sld [smem:$0x3FFE];
	[sflag:s6] =	ssyncadd.remote.s32 @!p0 $0x1  }
0xba: {  	s26 =	simm.s32 $execute0_lowered;
	[smem:$0x3FD2] =	sst s25  }
0xbb: {  	s7 =	sshll.u32 s26, $0x1;
	_ =	strace $0x8000004C;
	[dreg:$0x1] =	wrdreg $0xFFFFFFFF  }
0xbc: {  	s28 =	simm.s32 $_size_execute0_lowered;
	s5 =	sadd.s32 s5, s7;
	[dreg:$0x0] =	wrdreg $0x0  }
0xbd: {  	s7 =	sshll.u32 s28, $0x1;
	[dreg:$0x2] =	wrdreg s5  }
0xbe: {  	[dreg:$0x3] =	wrdreg s7  }
0xbf: {  	[dreg:$0x4] =	wrdreg $0xC0  }
0xc0: {  	_ =	task [dreg:s22], $0x5FFFF  }
0xc1: {  	[dreg:$0x1] =	wrdreg $0xFFFFFFFF  }
0xc2: {  	[dreg:$0x0] =	wrdreg $0x60  }
0xc3: {  	[dreg:$0x2] =	wrdreg s17  }
0xc4: {  	[dreg:$0x3] =	wrdreg s24  }
0xc5: {  	[dreg:$0x4] =	wrdreg s18  }
0xc6: {  	[dreg:$0x5] =	wrdreg $0xB  }
0xc7: {  	_ =	task.clear_ibuf [dreg:s22], $0x6FFFF;
	_ =	strace $0x9000004C  }
0xc8: {  	s29 =	simm.s32 $0xB;
	_ =	strace $0x8000004E  }
0xc9: {  	_ =	swait.ge [sflag:s29], $0x1  }
0xca: {  	[sflag:s29] =	ssyncadd.s32 $0xFFFFFFFF  }
0xcb: {  	_ =	strace $0x9000004E  }
0xcc: {  	_ =	sfence  }
0xcd: {  	s30 =	sld [smem:$0x0];
	_ =	sdelay $0x2  }
0xce: {  	s31 =	sshll.u32 s1, $0xD;
	s1 =	sshrl.u32 s1, $0x2  }
0xcf: {  	s4 =	sand.u32 $0x4000, s31;
	s1 =	sadd.s32 s1, s30  }
0xd0: {  	s0 =	sor.u32 s4, s0;
	s1 =	sshll.u32 s1, $0x11  }
0xd1: {  	s0 =	sor.u32 s1, s0  }
0xd2: {  	s0 =	sadd.s32 $0x8F2B, s0  }
0xd3: {  	[sflag:s0] =	ssyncadd.remote.s32 $0x1  }
0xd4: {  	_ =	sfence.sel $0xFFFF  }
0xd5: {  	[dreg:$0x0] =	wrdreg $0xFFFFFFFF;
	(pc) =	sbr.abs _section_cstart, $3  }
0xd6: {  	[dreg:$0x1] =	wrdreg $0xFFFFFFFF  }
0xd7: {  	_ =	task.clear_ibuf [dreg:s22], $0x2FFFF;
	_ =	strace $0x9FFFFFFF  }
0xd8: {  	(tm) =	ssettm $0x7FFFFFFF  }
0xd9: {  	_ =	shalt  }
tec
execute0_lowered:
.L_overlay_start_1:
0x0: {  	(tag) =	ssettag $0x1  }
0x1: {  	s1 =	rddreg [dreg:$0x0]  }
0x2: {  	s0 =	rddreg [dreg:$0x1]  }
0x3: {  	s2 =	srdreg.scid;
	s3 =	stileid.u32  }
0x4: {  	s4 =	simm.s32 $0x0;
	s14 =	simm.s32 $0x11400;
	s15 =	simm.s32 $0x6  }
0x5: {  	s16 =	simm.s32 $0x13B80;
	s17 =	simm.s32 $0x16300;
	s20 =	simm.s32 $0x80  }
0x6: {  	s21 =	simm.s32 $0x1400;
	s22 =	simm.s32 $0x9400;
	s23 =	simm.s32 $0x5400  }
0x7: {  	s28 =	simm.s32 $0x3;
	s29 =	simm.s32 $0x4;
	s30 =	simm.s32 $0x5  }
0x8: {  	s31 =	simm.s32 $0x0;
	s2 =	sand.u32 $0x1, s2;
	s3 =	sshll.u32 s3, $0x1  }
0x9: {  	[smem:$0x7FF] =	sst s4;
	s6 =	sadd.s32 $0x9A00, s0;
	s3 =	sor.u32 s2, s3  }
0xa: {  	s24 =	sadd.s32 $0x4400, s0;
	s8 =	sadd.s32 $0x3E00, s0;
	s5 =	smul.u32 $0xA00, s3  }
0xb: {  	s9 =	sadd.s32 $0x2C7400, s0;
	_ =	strace $0x8000004D;
	s2 =	ssub.s32 $0x2, s2  }
0xc: {  	[dreg:$0x4] =	wrdreg s24;
	s26 =	sshrl.u32 s2, $0x1;
	s25 =	sshrl.u32 s5, $0x3  }
0xd: {  	s24 =	simm.s32 $0xD400;
	s3 =	sadd.s32 s25, s0;
	s0 =	ssub.s32 s2, s26  }
0xe: {  	s25 =	simm.s32 $0x1;
	s26 =	simm.s32 $0x2;
	s10 =	sadd.s32 $0x17AC00, s3  }
0xf: {  	s11 =	sadd.s32 $0x178400, s3;
	s12 =	sadd.s32 $0x2C4C00, s3;
	s13 =	smax.u32 s0, $0x1  }
.LBB2_1:
0x10: {  	s0 =	rddreg [dreg:$0x4]  }
0x11: {  	[tilespmem:s14], [sflag:$0x6] =	stream.linear.gather [hbm4b:s0+s4], $0x2780, $0x38;
	[tilespmem:$0x19480] =	vst v63  }
0x12: {  	_ =	swait.ge [sflag:s15], $0x2780  }
0x13: {  	[sflag:s15] =	ssyncset.done $0x0  }
0x14: {  	[sflag:s15] =	ssyncadd.s32 $0xFFFFD880  }
0x15: {  	[tilespmem:s16], [sflag:$0x6] =	stream.linear.gather [hbm4b:s8+s4], $0x2780, $0x38;
	[tilespmem:$0x19480] =	vst v63  }
0x16: {  	_ =	swait.ge [sflag:s15], $0x2780  }
0x17: {  	[sflag:s15] =	ssyncset.done $0x0  }
0x18: {  	[sflag:s15] =	ssyncadd.s32 $0xFFFFD880  }
0x19: {  	s18 =	rddreg [dreg:$0x2]  }
0x1a: {  	[tilespmem:s17], [sflag:$0x6] =	stream.linear.gather [hbm4b:s18+s4], $0x2780, $0x38;
	[tilespmem:$0x19480] =	vst v63  }
0x1b: {  	_ =	swait.ge [sflag:s15], $0x2780  }
0x1c: {  	[sflag:s15] =	ssyncset.done $0x0  }
0x1d: {  	[sflag:s15] =	ssyncadd.s32 $0xFFFFD880  }
0x1e: {  	[tilespmem:s4], [sflag:$0x6] =	stream.linear.gather [hbm4b:s10+s4], $0xA00, $0x38;
	[tilespmem:$0x19480] =	vst v63  }
0x1f: {  	_ =	swait.ge [sflag:s15], $0xA00  }
0x20: {  	[sflag:s15] =	ssyncset.done $0x0  }
0x21: {  	s19 =	simm.s32 $0xA00;
	[sflag:s15] =	ssyncadd.s32 $0xFFFFF600  }
0x22: {  	[tilespmem:s19], [sflag:$0x6] =	stream.linear.gather [hbm4b:s11+s4], $0xA00, $0x38;
	[tilespmem:$0x19480] =	vst v63  }
0x23: {  	_ =	swait.ge [sflag:s15], $0xA00  }
0x24: {  	[sflag:s15] =	ssyncset.done $0x0  }
0x25: {  	s0 =	simm.s32 $0x0;
	[sflag:s15] =	ssyncadd.s32 $0xFFFFF600  }
0x26: {  	v0 =	vld [tilespmem:s0+$0xA00]  }
0x27: {  	v1 =	vld [tilespmem:s0+$0x0];
	_ =	sdelay $0x6  }
0x28: {  	v2 =	vld.idx.msk [tilespmem:v0+s14+$0x0], $0xffff  }
0x29: {  	v3 =	vld.idx.msk [tilespmem:v1+s14+$0x0], $0xffff  }
0x2a: {  	v4 =	vld.idx.msk [tilespmem:v1+s16+$0x0], $0xffff  }
0x2b: {  	v5 =	vld.idx.msk [tilespmem:v0+s16+$0x0], $0xffff  }
0x2c: {  	v6 =	vld.idx.msk [tilespmem:v1+s17+$0x0], $0xffff  }
0x2d: {  	v7 =	vld.idx.msk [tilespmem:v0+s17+$0x0], $0xffff;
	_ =	sdelay $0x2  }
0x2e: {  	s2 =	simm.s32 $0x10;
	v3 =	vsub.f32 v3, v2;
	v4 =	vsub.f32 v4, v5  }
0x2f: {  	v0 =	vld [tilespmem:s2+$0xA00]  }
0x30: {  	v1 =	vld [tilespmem:s2+$0x0];
	v2 =	vsub.f32 v6, v7;
	v3 =	vmul.f32 v3, v3;
	v4 =	vmul.f32 v4, v4  }
0x31: {  	s3 =	simm.s32 $0x80  }
.LBB2_2:
0x32: {  	p0 =	sne.s32 s3, $0x27C0;
	v3 =	vadd.f32 v4, v3;
	v2 =	vmul.f32 v2, v2;
	_ =	sdelay $0x1  }
0x33: {  	v2 =	vadd.f32 v2, v3;
	_ =	sdelay $0x1  }
0x34: {  	[tilespmem:s0+$0x18A80] =	vst v2;
	s0 =	smov.u32 s2  }
0x35: {  	v2 =	vld.idx.msk [tilespmem:v0+s14+$0x0], $0xffff  }
0x36: {  	v3 =	vld.idx.msk [tilespmem:v1+s14+$0x0], $0xffff  }
0x37: {  	v4 =	vld.idx.msk [tilespmem:v1+s16+$0x0], $0xffff  }
0x38: {  	v5 =	vld.idx.msk [tilespmem:v0+s16+$0x0], $0xffff  }
0x39: {  	v6 =	vld.idx.msk [tilespmem:v1+s17+$0x0], $0xffff  }
0x3a: {  	v7 =	vld.idx.msk [tilespmem:v0+s17+$0x0], $0xffff;
	_ =	sdelay $0x2  }
.Ltmp0:
0x3b: {  	(pc) =	sbr.rel @p0 .LBB2_2-.Ltmp0, $4  }
0x3c: {  	s2 =	sshra.s32 s3, $0x2;
	v3 =	vsub.f32 v3, v2;
	v4 =	vsub.f32 v4, v5  }
0x3d: {  	v0 =	vld [tilespmem:s2+$0xA00]  }
0x3e: {  	v3 =	vmul.f32 v3, v3;
	v2 =	vsub.f32 v6, v7;
	v4 =	vmul.f32 v4, v4;
	v1 =	vld [tilespmem:s2+$0x0]  }
0x3f: {  	s3 =	sadd.s32 $0x40, s3  }
0x40: {  	_ = 	snop  }
0x41: {  	v3 =	vadd.f32 v4, v3;
	v2 =	vmul.f32 v2, v2;
	_ =	sdelay $0x1  }
0x42: {  	v2 =	vadd.f32 v2, v3;
	_ =	sdelay $0x1  }
0x43: {  	[tilespmem:s0+$0x18A80] =	vst v2  }
0x44: {  	v2 =	vld.idx.msk [tilespmem:v0+s14+$0x0], $0xffff  }
0x45: {  	v57 =	vld.idx.msk [tilespmem:v1+s14+$0x0], $0xffff  }
0x46: {  	v58 =	vld.idx.msk [tilespmem:v1+s16+$0x0], $0xffff  }
0x47: {  	v5 =	vld.idx.msk [tilespmem:v0+s16+$0x0], $0xffff  }
0x48: {  	v59 =	vld.idx.msk [tilespmem:v1+s17+$0x0], $0xffff  }
0x49: {  	v60 =	vld.idx.msk [tilespmem:v0+s17+$0x0], $0xffff;
	_ =	sdelay $0x2  }
0x4a: {  	v2 =	vsub.f32 v57, v2;
	v61 =	vsub.f32 v58, v5;
	_ =	sdelay $0x1  }
0x4b: {  	v0 =	vsub.f32 v59, v60;
	v62 =	vmul.f32 v2, v2;
	v63 =	vmul.f32 v61, v61;
	_ =	sdelay $0x1  }
0x4c: {  	v0 =	vmul.f32 v0, v0;
	v1 =	vadd.f32 v63, v62;
	_ =	sdelay $0x1  }
0x4d: {  	v0 =	vadd.f32 v0, v1;
	_ =	sdelay $0x1  }
0x4e: {  	s19 =	simm.s32 $0x18A80;
	[tilespmem:s2+$0x18A80] =	vst v0;
	s2 =	simm.s32 $0x0  }
0x4f: {  	[hbm4b:s12+s2] =	stream.linear.scatter [tilespmem:s19], [sflag:$0x6], $0xA00, $0x38;
	[tilespmem:$0x19480] =	vst v63  }
0x50: {  	_ =	swait.ge [sflag:s15], $0xA00  }
0x51: {  	[sflag:s15] =	ssyncset.done $0x0  }
0x52: {  	[sflag:s15] =	ssyncadd.s32 $0xFFFFF600  }
.LBB2_4:
0x53: {  	s3 =	sshll.u32 s2, $0x8  }
0x54: {  	[tilespmem:s21], [sflag:$0x1] =	stream.indirect.gather [hbm4b:s1+s20], $0x80, s3, s20, $0xb8;
	[tilespmem:$0x19480] =	vst v63  }
0x55: {  	s0 =	sadd.s32 $0xA00, s3  }
0x56: {  	[tilespmem:s22], [sflag:$0x2] =	stream.indirect.gather [hbm4b:s6+s20], $0x80, s0, s20, $0xb8;
	[tilespmem:$0x19480] =	vst v63  }
0x57: {  	s0 =	sor.u32 $0x80, s3  }
0x58: {  	[tilespmem:s23], [sflag:$0x3] =	stream.indirect.gather [hbm4b:s1+s20], $0x80, s0, s20, $0xb8;
	[tilespmem:$0x19480] =	vst v63  }
0x59: {  	s18 =	sadd.s32 $0xA80, s3  }
0x5a: {  	[tilespmem:s24], [sflag:$0x4] =	stream.indirect.gather [hbm4b:s6+s20], $0x80, s18, s20, $0xb8;
	[tilespmem:$0x19480] =	vst v63  }
0x5b: {  	_ =	swait.ge [sflag:s25], $0x4000  }
0x5c: {  	[sflag:s25] =	ssyncset.done $0x0  }
0x5d: {  	[sflag:s25] =	ssyncadd.s32 $0xFFFFC000  }
0x5e: {  	_ =	swait.ge [sflag:s26], $0x4000  }
0x5f: {  	[sflag:s26] =	ssyncset.done $0x0  }
0x60: {  	s18 =	simm.s32 $0x0;
	[sflag:s26] =	ssyncadd.s32 $0xFFFFC000  }
0x61: {  	v7 =	vld [tilespmem:s18+$0x9400]  }
0x62: {  	v11 =	vld [tilespmem:s18+$0x9410]  }
0x63: {  	v5 =	vld [tilespmem:s18+$0x9420]  }
0x64: {  	v4 =	vld [tilespmem:s18+$0x9430]  }
0x65: {  	v3 =	vld [tilespmem:s18+$0x9440]  }
0x66: {  	v2 =	vld [tilespmem:s18+$0x9450]  }
0x67: {  	v1 =	vld [tilespmem:s18+$0x9460]  }
0x68: {  	v0 =	vld [tilespmem:s18+$0x9470]  }
0x69: {  	v12 =	vld [tilespmem:s18+$0x1400]  }
0x6a: {  	v13 =	vld [tilespmem:s18+$0x1410]  }
0x6b: {  	v10 =	vld [tilespmem:s18+$0x1420]  }
0x6c: {  	v9 =	vld [tilespmem:s18+$0x1430]  }
0x6d: {  	v8 =	vld [tilespmem:s18+$0x1440]  }
0x6e: {  	v6 =	vld [tilespmem:s18+$0x1450];
	v12 =	vadd.f32 v7, v12  }
0x6f: {  	s19 =	simm.s32 $0x200;
	v11 =	vadd.f32 v11, v13;
	v7 =	vld [tilespmem:s18+$0x1460]  }
.LBB2_5:
0x70: {  	s7 =	sshra.s32 s19, $0x2;
	p0 =	sne.s32 s19, $0xFE00;
	[tilespmem:s18+$0x1400] =	vst v12;
	v5 =	vadd.f32 v5, v10;
	v10 =	vld [tilespmem:s18+$0x1470]  }
0x71: {  	v12 =	vld [tilespmem:s7+$0x9400];
	[tilespmem:s18+$0x1410] =	vst v11;
	v4 =	vadd.f32 v4, v9  }
0x72: {  	v11 =	vld [tilespmem:s7+$0x9410];
	[tilespmem:s18+$0x1420] =	vst v5;
	v3 =	vadd.f32 v3, v8  }
0x73: {  	v5 =	vld [tilespmem:s7+$0x9420];
	[tilespmem:s18+$0x1430] =	vst v4;
	v2 =	vadd.f32 v2, v6  }
0x74: {  	v4 =	vld [tilespmem:s7+$0x9430];
	[tilespmem:s18+$0x1440] =	vst v3;
	v1 =	vadd.f32 v1, v7  }
0x75: {  	v3 =	vld [tilespmem:s7+$0x9440];
	[tilespmem:s18+$0x1450] =	vst v2;
	v0 =	vadd.f32 v0, v10  }
0x76: {  	v2 =	vld [tilespmem:s7+$0x9450];
	[tilespmem:s18+$0x1460] =	vst v1  }
0x77: {  	v1 =	vld [tilespmem:s7+$0x9460];
	[tilespmem:s18+$0x1470] =	vst v0;
	s18 =	smov.u32 s7  }
0x78: {  	v0 =	vld [tilespmem:s18+$0x9470]  }
0x79: {  	v6 =	vld [tilespmem:s18+$0x1400]  }
0x7a: {  	v7 =	vld [tilespmem:s18+$0x1410]  }
.Ltmp1:
0x7b: {  	v10 =	vld [tilespmem:s18+$0x1420];
	(pc) =	sbr.rel @p0 .LBB2_5-.Ltmp1, $4  }
0x7c: {  	v9 =	vld [tilespmem:s18+$0x1430]  }
0x7d: {  	v8 =	vld [tilespmem:s18+$0x1440]  }
0x7e: {  	v12 =	vadd.f32 v12, v6;
	v6 =	vld [tilespmem:s18+$0x1450]  }
0x7f: {  	s19 =	sadd.s32 $0x200, s19;
	v11 =	vadd.f32 v11, v7;
	v7 =	vld [tilespmem:s18+$0x1460]  }
0x80: {  	[tilespmem:s18+$0x1400] =	vst v12;
	v5 =	vadd.f32 v5, v10;
	v10 =	vld [tilespmem:s18+$0x1470]  }
0x81: {  	[tilespmem:s18+$0x1410] =	vst v11;
	v4 =	vadd.f32 v4, v9  }
0x82: {  	[tilespmem:s18+$0x1420] =	vst v5;
	v3 =	vadd.f32 v3, v8  }
0x83: {  	[tilespmem:s18+$0x1430] =	vst v4;
	v2 =	vadd.f32 v2, v6  }
0x84: {  	[tilespmem:s18+$0x1440] =	vst v3;
	v1 =	vadd.f32 v1, v7  }
0x85: {  	s3 =	sadd.s32 s5, s3;
	[tilespmem:s18+$0x1450] =	vst v2;
	v0 =	vadd.f32 v0, v10  }
0x86: {  	s3 =	sshll.u32 s3, $0x4;
	[tilespmem:s18+$0x1460] =	vst v1  }
0x87: {  	s7 =	simm.s32 $0x0;
	s3 =	sadd.s32 s9, s3;
	[tilespmem:s18+$0x1470] =	vst v0  }
0x88: {  	[hbm4b:s3+s7] =	stream.linear.scatter [tilespmem:s21], [sflag:$0x5], $0x4000, $0x38;
	[tilespmem:$0x19480] =	vst v63  }
0x89: {  	_ =	swait.ge [sflag:s28], $0x4000  }
0x8a: {  	[sflag:s28] =	ssyncset.done $0x0  }
0x8b: {  	[sflag:s28] =	ssyncadd.s32 $0xFFFFC000  }
0x8c: {  	_ =	swait.ge [sflag:s29], $0x4000  }
0x8d: {  	[sflag:s29] =	ssyncset.done $0x0  }
0x8e: {  	s3 =	simm.s32 $0x0;
	[sflag:s29] =	ssyncadd.s32 $0xFFFFC000  }
0x8f: {  	v7 =	vld [tilespmem:s3+$0xD400]  }
0x90: {  	v11 =	vld [tilespmem:s3+$0xD410]  }
0x91: {  	v5 =	vld [tilespmem:s3+$0xD420]  }
0x92: {  	v4 =	vld [tilespmem:s3+$0xD430]  }
0x93: {  	v3 =	vld [tilespmem:s3+$0xD440]  }
0x94: {  	v2 =	vld [tilespmem:s3+$0xD450]  }
0x95: {  	v1 =	vld [tilespmem:s3+$0xD460]  }
0x96: {  	v0 =	vld [tilespmem:s3+$0xD470]  }
0x97: {  	v12 =	vld [tilespmem:s3+$0x5400]  }
0x98: {  	v13 =	vld [tilespmem:s3+$0x5410]  }
0x99: {  	v10 =	vld [tilespmem:s3+$0x5420]  }
0x9a: {  	v9 =	vld [tilespmem:s3+$0x5430]  }
0x9b: {  	v8 =	vld [tilespmem:s3+$0x5440]  }
0x9c: {  	v6 =	vld [tilespmem:s3+$0x5450];
	v12 =	vadd.f32 v7, v12  }
0x9d: {  	s18 =	simm.s32 $0x200;
	v11 =	vadd.f32 v11, v13;
	v7 =	vld [tilespmem:s3+$0x5460]  }
.LBB2_7:
0x9e: {  	s7 =	sshra.s32 s18, $0x2;
	p0 =	sne.s32 s18, $0xFE00;
	[tilespmem:s3+$0x5400] =	vst v12;
	v5 =	vadd.f32 v5, v10;
	v10 =	vld [tilespmem:s3+$0x5470]  }
0x9f: {  	v12 =	vld [tilespmem:s7+$0xD400];
	[tilespmem:s3+$0x5410] =	vst v11;
	v4 =	vadd.f32 v4, v9  }
0xa0: {  	v11 =	vld [tilespmem:s7+$0xD410];
	[tilespmem:s3+$0x5420] =	vst v5;
	v3 =	vadd.f32 v3, v8  }
0xa1: {  	v5 =	vld [tilespmem:s7+$0xD420];
	[tilespmem:s3+$0x5430] =	vst v4;
	v2 =	vadd.f32 v2, v6  }
0xa2: {  	v4 =	vld [tilespmem:s7+$0xD430];
	[tilespmem:s3+$0x5440] =	vst v3;
	v1 =	vadd.f32 v1, v7  }
0xa3: {  	v3 =	vld [tilespmem:s7+$0xD440];
	[tilespmem:s3+$0x5450] =	vst v2;
	v0 =	vadd.f32 v0, v10  }
0xa4: {  	v2 =	vld [tilespmem:s7+$0xD450];
	[tilespmem:s3+$0x5460] =	vst v1  }
0xa5: {  	v1 =	vld [tilespmem:s7+$0xD460];
	[tilespmem:s3+$0x5470] =	vst v0;
	s3 =	smov.u32 s7  }
0xa6: {  	v0 =	vld [tilespmem:s3+$0xD470]  }
0xa7: {  	v6 =	vld [tilespmem:s3+$0x5400]  }
0xa8: {  	v7 =	vld [tilespmem:s3+$0x5410]  }
.Ltmp2:
0xa9: {  	v10 =	vld [tilespmem:s3+$0x5420];
	(pc) =	sbr.rel @p0 .LBB2_7-.Ltmp2, $4  }
0xaa: {  	v9 =	vld [tilespmem:s3+$0x5430]  }
0xab: {  	v8 =	vld [tilespmem:s3+$0x5440]  }
0xac: {  	v12 =	vadd.f32 v12, v6;
	v6 =	vld [tilespmem:s3+$0x5450]  }
0xad: {  	s18 =	sadd.s32 $0x200, s18;
	v11 =	vadd.f32 v11, v7;
	v7 =	vld [tilespmem:s3+$0x5460]  }
0xae: {  	[tilespmem:s3+$0x5400] =	vst v12;
	v5 =	vadd.f32 v5, v10;
	v63 =	vld [tilespmem:s3+$0x5470]  }
0xaf: {  	[tilespmem:s3+$0x5410] =	vst v11;
	v4 =	vadd.f32 v4, v9  }
0xb0: {  	[tilespmem:s3+$0x5420] =	vst v5;
	v3 =	vadd.f32 v3, v8  }
0xb1: {  	[tilespmem:s3+$0x5430] =	vst v4;
	v2 =	vadd.f32 v2, v6  }
0xb2: {  	[tilespmem:s3+$0x5440] =	vst v3;
	v1 =	vadd.f32 v1, v7  }
0xb3: {  	s0 =	sadd.s32 s5, s0;
	[tilespmem:s3+$0x5450] =	vst v2;
	v0 =	vadd.f32 v0, v63  }
0xb4: {  	s0 =	sshll.u32 s0, $0x4;
	[tilespmem:s3+$0x5460] =	vst v1  }
0xb5: {  	s2 =	sadd.s32 $0x1, s2;
	s0 =	sadd.s32 s9, s0;
	[tilespmem:s3+$0x5470] =	vst v0  }
0xb6: {  	[hbm4b:s0+s4] =	stream.linear.scatter [tilespmem:s23], [sflag:$0x5], $0x4000, $0x38;
	[tilespmem:$0x19480] =	vst v63  }
0xb7: {  	p0 =	sne.s32 s2, $0xA;
	_ =	swait.ge [sflag:s30], $0x4000  }
.Ltmp3:
0xb8: {  	[sflag:s30] =	ssyncset.done $0x0;
	(pc) =	sbr.rel @p0 .LBB2_4-.Ltmp3, $4  }
0xb9: {  	[sflag:s30] =	ssyncadd.s32 $0xFFFFC000  }
0xba: {  	_ =	swait.ge [sflag:s30], $0x4000  }
0xbb: {  	[sflag:s30] =	ssyncset.done $0x0  }
0xbc: {  	[sflag:s30] =	ssyncadd.s32 $0xFFFFC000  }
0xbd: {  	s31 =	sadd.s32 $0x1, s31  }
0xbe: {  	p0 =	sne.s32 s31, s13  }
.Ltmp4:
0xbf: {  	_ = 	snop;
	(pc) =	sbr.rel @p0 .LBB2_1-.Ltmp4, $1  }
0xc0: {  	_ =	sdelay $0x3  }
0xc1: {  	_ =	sfence.sel $0x180000  }
0xc2: {  	[bflag:$0x0] =	sbarrier.arrive $0xFFFF  }
0xc3: {  	_ =	strace $0x9000004D  }
0xc4: {  	s0 =	stileid.u32;
	[bflag:$0x2] =	sbarrier.arrive $0xFFFF  }
0xc5: {  	p0 =	sne.s32 s0, $0x0;
	s0 =	rddreg [dreg:$0x3]  }
0xc6: {  	s0 =	sadd.s32 @!p0 $0x100000, s0  }
0xc7: {  	[sflag:s0] =	ssyncadd.tile.s32 @!p0 $0x1;
	_ =	shalt  }
.Lfunc_end2:
_tile_overlayer_lowered:
.L_overlay_start_2:
0xc8: {  	(tag) =	ssettag $0x2  }
0xc9: {  	s0 =	rddreg [dreg:$0x0];
	s2 =	stileid.u32  }
0xca: {  	s1 =	rddreg [dreg:$0x1];
	p0 =	sne.s32 s2, $0x0  }
0xcb: {  	s3 =	rddreg [dreg:$0x2];
	[bflag:$0x3] =	sbarrier.arrive $0xFFFF;
	s2 =	simm.s32 @!p0 $0x1C06  }
0xcc: {  	[timem:s3], [sflag:s2] =	dma.local @!p0 [hbm:s0], s1  }
0xcd: {  	s0 =	simm.s32 @!p0 $0x6  }
0xce: {  	_ =	swait.ge @!p0 [sflag:s0], s1  }
0xcf: {  	s1 =	ssub.s32 @!p0 $0x0, s1;
	[sflag:s0] =	ssyncset.done @!p0 $0x0  }
0xd0: {  	[sflag:s0] =	ssyncadd.s32 @!p0 s1  }
0xd1: {  	[bflag:$0x3] =	sbarrier.arrive $0xFFFF  }
0xd2: {  	_ =	shalt  }

// kernel: kernel.22.cloned.1.call-start
scs
__scs_entry_jumppad:
0x0: {  	(pc) =	sbr.rel $0x88, $3  }
0x1: {  	(tag) =	ssettag $0x0;
	lr =	simm.s32 $0x1  }
0x2: {  	[smem:$0x3F98] =	sst lr;
	_ =	strace $0xD0000000  }
0x3: {  	_ = 	snop  }
0x4: {  	_ = 	snop  }
0x5: {  	_ = 	snop  }
0x6: {  	_ = 	snop  }
0x7: {  	_ = 	snop  }
__scs_overlays_trampoline_lowered:
0x8: {  	[smem:$0x3FA7] =	sst s0  }
0x9: {  	[smem:$0x3FA8] =	sst s1  }
0xa: {  	[smem:$0x3FA9] =	sst s2  }
0xb: {  	[smem:$0x3FAA] =	sst s3  }
0xc: {  	[smem:$0x3FAB] =	sst s4  }
0xd: {  	[smem:$0x3FAC] =	sst s5  }
0xe: {  	[smem:$0x3FAD] =	sst s6  }
0xf: {  	[smem:$0x3FAE] =	sst s7  }
0x10: {  	[smem:$0x3FAF] =	sst s8  }
0x11: {  	[smem:$0x3FB0] =	sst s9;
	s0 =	simm.s32 @!p0 $0x0  }
0x12: {  	s1 =	sld [smem:$0x3F96];
	s0 =	simm.s32 @p0 $0x1  }
0x13: {  	[smem:$0x3FB1] =	sst s0;
	s0 =	simm.s32 @!p1 $0x0  }
0x14: {  	s2 =	sld [smem:$0x3F95];
	s0 =	simm.s32 @p1 $0x1  }
0x15: {  	[smem:$0x3FB2] =	sst s0;
	s0 =	simm.s32 @!p2 $0x0  }
0x16: {  	s3 =	sld [smem:$0x3FDB];
	s0 =	simm.s32 @p2 $0x1  }
0x17: {  	s4 =	simm.s32 $0x1BF5;
	[smem:$0x3FB4] =	sst s0  }
0x18: {  	s0 =	sld [smem:$0x3F97];
	_ =	swait.ge [sflag:s4], $0x0  }
0x19: {  	s7 =	sld [smem:$0x3F98]  }
0x1a: {  	s8 =	sadd.s32 $0xFFFFE003, lr  }
0x1b: {  	s9 =	sadd.s32 $0xFFFFFEF7, lr;
	s5 =	simm.s32 $0xFFFFFFFF;
	p2 =	slt.u32 s8, $0xFFFFF086  }
0x1c: {  	p1 =	slt.u32 s9, $0xF7A;
	s5 =	simm.s32 @!p2 $0x0  }
0x1d: {  	s5 =	simm.s32 @p1 $0x1;
	p0 =	seq.s32 s7, s2  }
0x1e: {  	s7 =	smul.u32 @!p0 $0xF7A, s2;
	p2 =	seq.s32 @!p0 s5, $0x0  }
0x1f: {  	s9 =	smul.u32 $0xF7A, s1;
	s8 =	simm.s32 @!p0 $0x1BF5;
	p2 =	por !p2, p0  }
0x20: {  	[sflag:s8] =	ssyncset.s32 @!p0 $0xFFFFF086;
	s6 =	sadd.s32 @!p0 s3, s7;
	s7 =	simm.s32 @!p0 $0x108  }
0x21: {  	s3 =	sadd.s32 s3, s9;
	s6 =	sadd.s32 @!p0 $0x88, s6;
	s7 =	simm.s32 @p2 $0x1082  }
0x22: {  	[simem:s7], [sflag:s8] =	dma.local @!p0 [hbm:s6], $0xF7A  }
0x23: {  	s9 =	sor.u32 $0xD0000000, s2;
	s6 =	simm.s32 $0x108;
	_ =	swait.ge @!p0 [sflag:s8], $0x0  }
0x24: {  	s3 =	sadd.s32 $0x88, s3;
	s6 =	simm.s32 @!p1 $0x1082;
	[sflag:s4] =	ssyncset.s32 $0xFFFFF086  }
0x25: {  	[simem:s6], [sflag:s4] =	dma.local [hbm:s3], $0xF7A  }
0x26: {  	[smem:$0x3F98] =	sst s1;
	(tag) =	ssettag s2;
	_ =	strace s9  }
0x27: {  	s1 =	sld [smem:$0x3FA8]  }
0x28: {  	s2 =	sld [smem:$0x3FA9]  }
0x29: {  	s4 =	sld [smem:$0x3FAB]  }
0x2a: {  	p0 =	seq.s32 s5, $0x0;
	s5 =	sld [smem:$0x3FAC]  }
0x2b: {  	s6 =	sld [smem:$0x3FAD]  }
0x2c: {  	s7 =	sld [smem:$0x3FAE]  }
0x2d: {  	s3 =	simm.s32 $0x108;
	s8 =	sld [smem:$0x3FAF]  }
0x2e: {  	s3 =	simm.s32 @!p0 $0x1082;
	s9 =	sld [smem:$0x3FB0]  }
0x2f: {  	lr =	sadd.s32 s0, s3;
	s0 =	sld [smem:$0x3FA7]  }
0x30: {  	s3 =	sld [smem:$0x3FAA]  }
0x31: {  	[smem:$0x3FB3] =	sst s10  }
0x32: {  	s10 =	sld [smem:$0x3FB1];
	_ =	sdelay $0x3  }
0x33: {  	p0 =	seq.s32 s10, $0x1;
	s10 =	sld [smem:$0x3FB3];
	_ =	sdelay $0x3  }
0x34: {  	[smem:$0x3FB3] =	sst s10  }
0x35: {  	s10 =	sld [smem:$0x3FB2];
	_ =	sdelay $0x3  }
0x36: {  	p1 =	seq.s32 s10, $0x1;
	s10 =	sld [smem:$0x3FB3];
	_ =	sdelay $0x3  }
0x37: {  	[smem:$0x3FB3] =	sst s10  }
0x38: {  	s10 =	sld [smem:$0x3FB4]  }
0x39: {  	_ = 	snop;
	(pc) =	sbr.ind lr, $3  }
0x3a: {  	_ = 	snop  }
0x3b: {  	_ = 	snop  }
0x3c: {  	p2 =	seq.s32 s10, $0x1;
	s10 =	sld [smem:$0x3FB3]  }
0x3d: {  	_ =	shalt  }
0x3e: {  	_ =	shalt  }
0x3f: {  	_ =	shalt  }
0x40: {  	_ =	shalt  }
0x41: {  	_ =	shalt  }
0x42: {  	_ =	shalt  }
0x43: {  	_ =	shalt  }
0x44: {  	_ =	shalt  }
0x45: {  	_ =	shalt  }
0x46: {  	_ =	shalt  }
0x47: {  	_ =	shalt  }
0x48: {  	_ =	shalt  }
0x49: {  	_ =	shalt  }
0x4a: {  	_ =	shalt  }
0x4b: {  	_ =	shalt  }
0x4c: {  	_ =	shalt  }
0x4d: {  	_ =	shalt  }
0x4e: {  	_ =	shalt  }
0x4f: {  	_ =	shalt  }
0x50: {  	_ =	shalt  }
0x51: {  	_ =	shalt  }
0x52: {  	_ =	shalt  }
0x53: {  	_ =	shalt  }
0x54: {  	_ =	shalt  }
0x55: {  	_ =	shalt  }
0x56: {  	_ =	shalt  }
0x57: {  	_ =	shalt  }
0x58: {  	_ =	shalt  }
0x59: {  	_ =	shalt  }
0x5a: {  	_ =	shalt  }
0x5b: {  	_ =	shalt  }
0x5c: {  	_ =	shalt  }
0x5d: {  	_ =	shalt  }
0x5e: {  	_ =	shalt  }
0x5f: {  	_ =	shalt  }
0x60: {  	_ =	shalt  }
0x61: {  	_ =	shalt  }
0x62: {  	_ =	shalt  }
0x63: {  	_ =	shalt  }
0x64: {  	_ =	shalt  }
0x65: {  	_ =	shalt  }
0x66: {  	_ =	shalt  }
0x67: {  	_ =	shalt  }
0x68: {  	_ =	shalt  }
0x69: {  	_ =	shalt  }
0x6a: {  	_ =	shalt  }
0x6b: {  	_ =	shalt  }
0x6c: {  	_ =	shalt  }
0x6d: {  	_ =	shalt  }
0x6e: {  	_ =	shalt  }
0x6f: {  	_ =	shalt  }
0x70: {  	_ =	shalt  }
0x71: {  	_ =	shalt  }
0x72: {  	_ =	shalt  }
0x73: {  	_ =	shalt  }
0x74: {  	_ =	shalt  }
0x75: {  	_ =	shalt  }
0x76: {  	_ =	shalt  }
0x77: {  	_ =	shalt  }
0x78: {  	_ =	shalt  }
0x79: {  	_ =	shalt  }
0x7a: {  	_ =	shalt  }
0x7b: {  	_ =	shalt  }
0x7c: {  	_ =	shalt  }
0x7d: {  	_ =	shalt  }
0x7e: {  	_ =	shalt  }
0x7f: {  	_ =	shalt  }
0x80: {  	_ =	shalt  }
0x81: {  	_ =	shalt  }
0x82: {  	_ =	shalt  }
0x83: {  	_ =	shalt  }
0x84: {  	_ =	shalt  }
0x85: {  	_ =	shalt  }
0x86: {  	_ =	shalt  }
0x87: {  	_ =	shalt  }
.Lfunc_end0:
.L_simem_size_0:
called_computation.3_lowered:
.L_overlay_start_0:
0x88: {  	s2 =	sld [smem:$0x3FD9]  }
0x89: {  	s3 =	sld [smem:$0x3FFE];
	_ =	sdelay $0x1  }
0x8a: {  	s1 =	srdreg.scid  }
0x8b: {  	s0 =	sand.u32 $0x1, s1  }
0x8c: {  	s15 =	sshll.u32 s0, $0xA;
	s2 =	sadd.s32 s3, s2  }
0x8d: {  	s2 =	sadd.s32 s2, s15  }
0x8e: {  	[smem:$0x3FBF] =	sst s2  }
0x8f: {  	_ = 	snop  }
0x90: {  	s2 =	sld [smem:$0x3FD0];
	_ =	sdelay $0x2  }
0x91: {  	s4 =	simm.s32 $0xD;
	s16 =	simm.s32 $0x10  }
0x92: {  	[smem:s16], [sflag:s4] =	dma.local [hbm:s2], $0x1  }
0x93: {  	_ =	swait.eq [sflag:s4], $0x1  }
0x94: {  	[sflag:s4] =	ssyncset.done $0x0  }
0x95: {  	s17 =	sld [smem:$0x10];
	[sflag:s4] =	ssyncadd.s32 $0xFFFFFFFF  }
0x96: {  	s18 =	sld [smem:$0x11];
	(tm) =	ssettm $0x1  }
0x97: {  	s19 =	sld [smem:$0x3FFB];
	_ =	sdelay $0x3  }
0x98: {  	_ =	strace s19  }
0x99: {  	s2 =	sld [smem:$0x3FFC];
	_ =	sdelay $0x3  }
0x9a: {  	_ =	strace s2  }
0x9b: {  	s2 =	sld [smem:$0x3FFD];
	_ =	sdelay $0x3  }
0x9c: {  	_ =	strace s2  }
0x9d: {  	_ =	strace $0x8FFFFFFF  }
0x9e: {  	s20 =	sld [smem:$0x3FDB];
	_ =	sdelay $0x1  }
0x9f: {  	s5 =	simm.s32 $_scs_section_size  }
0xa0: {  	s6 =	simm.s32 $_size__tile_overlayer_lowered;
	s7 =	simm.s32 $_tile_overlayer_lowered  }
0xa1: {  	s8 =	simm.s32 $0x1BFF;
	s21 =	sshll.u32 s7, $0x1;
	s5 =	sadd.s32 s5, s20  }
0xa2: {  	s22 =	simm.s32 $0x0;
	s6 =	sshll.u32 s6, $0x1;
	s7 =	sadd.s32 s21, s5  }
0xa3: {  	[timem:s22], [sflag:s8] =	dma.local [hbm:s7], s6  }
0xa4: {  	_ =	swait.ge [sflag:s8], s6  }
0xa5: {  	s6 =	ssub.s32 $0x0, s6;
	[sflag:s8] =	ssyncset.done $0x0  }
0xa6: {  	[sflag:s8] =	ssyncadd.s32 s6;
	_ =	sdelay $0x1  }
0xa7: {  	s23 =	simm.s32 $0x1B8B  }
0xa8: {  	_ =	swait.ge [sflag:s23], $0x1  }
0xa9: {  	[sflag:s23] =	ssyncset.done $0x0  }
0xaa: {  	[sflag:s23] =	ssyncadd.s32 $0xFFFFFFFF  }
0xab: {  	s6 =	sld [smem:$0x0]  }
0xac: {  	s7 =	sand.u32 $0xFFFFFFFE, s1  }
0xad: {  	p0 =	sne.s32 s1, s7  }
0xae: {  	s7 =	sshll.u32 @p0 s7, $0xE  }
0xaf: {  	s7 =	sadd.s32 @p0 $0x11B8D, s7;
	s8 =	sshll.u32 @p0 s6, $0x11  }
0xb0: {  	s7 =	sor.u32 @p0 s8, s7  }
0xb1: {  	[sflag:s7] =	ssyncadd.remote.s32 @p0 $0x1;
	_ =	sdelay $0x1  }
0xb2: {  	s7 =	simm.s32 @p0 $0x1B8D  }
0xb3: {  	_ =	swait.eq @p0 [sflag:s7], $0x1  }
0xb4: {  	[sflag:s7] =	ssyncadd.s32 @p0 $0xFFFFFFFF  }
0xb5: {  	s8 =	sshll.u32 @!p0 s1, $0xE  }
0xb6: {  	s8 =	sor.u32 @!p0 $0x4000, s8;
	s7 =	simm.s32 @!p0 $0x1B8D  }
0xb7: {  	s6 =	sshll.u32 @!p0 s6, $0x11;
	s8 =	sadd.s32 @!p0 $0x11B8D, s8;
	_ =	swait.eq @!p0 [sflag:s7], $0x1  }
0xb8: {  	s6 =	sor.u32 @!p0 s6, s8;
	[sflag:s7] =	ssyncadd.s32 @!p0 $0xFFFFFFFF  }
0xb9: {  	s25 =	simm.s32 $0x1B8E;
	s24 =	sld [smem:$0x3FFE];
	[sflag:s6] =	ssyncadd.remote.s32 @!p0 $0x1  }
0xba: {  	s26 =	simm.s32 $execute0_lowered;
	[smem:$0x3FD2] =	sst s25  }
0xbb: {  	s7 =	sshll.u32 s26, $0x1;
	_ =	strace $0x8000004F;
	[dreg:$0x1] =	wrdreg $0xFFFFFFFF  }
0xbc: {  	s28 =	simm.s32 $_size_execute0_lowered;
	s5 =	sadd.s32 s5, s7;
	[dreg:$0x0] =	wrdreg $0x0  }
0xbd: {  	s7 =	sshll.u32 s28, $0x1;
	[dreg:$0x2] =	wrdreg s5  }
0xbe: {  	[dreg:$0x3] =	wrdreg s7  }
0xbf: {  	[dreg:$0x4] =	wrdreg $0xC0  }
0xc0: {  	_ =	task [dreg:s22], $0x5FFFF  }
0xc1: {  	[dreg:$0x1] =	wrdreg $0xFFFFFFFF  }
0xc2: {  	[dreg:$0x0] =	wrdreg $0x60  }
0xc3: {  	[dreg:$0x2] =	wrdreg s17  }
0xc4: {  	[dreg:$0x3] =	wrdreg s24  }
0xc5: {  	[dreg:$0x4] =	wrdreg s18  }
0xc6: {  	[dreg:$0x5] =	wrdreg $0xC  }
0xc7: {  	_ =	task.clear_ibuf [dreg:s22], $0x6FFFF;
	_ =	strace $0x9000004F  }
0xc8: {  	s29 =	simm.s32 $0xC;
	_ =	strace $0x80000051  }
0xc9: {  	_ =	swait.ge [sflag:s29], $0x1  }
0xca: {  	[sflag:s29] =	ssyncadd.s32 $0xFFFFFFFF  }
0xcb: {  	_ =	strace $0x90000051  }
0xcc: {  	_ =	sfence  }
0xcd: {  	s30 =	sld [smem:$0x0];
	_ =	sdelay $0x2  }
0xce: {  	s31 =	sshll.u32 s1, $0xD;
	s1 =	sshrl.u32 s1, $0x2  }
0xcf: {  	s4 =	sand.u32 $0x4000, s31;
	s1 =	sadd.s32 s1, s30  }
0xd0: {  	s0 =	sor.u32 s4, s0;
	s1 =	sshll.u32 s1, $0x11  }
0xd1: {  	s0 =	sor.u32 s1, s0  }
0xd2: {  	s0 =	sadd.s32 $0x8F2B, s0  }
0xd3: {  	[sflag:s0] =	ssyncadd.remote.s32 $0x1  }
0xd4: {  	_ =	sfence.sel $0xFFFF  }
0xd5: {  	[dreg:$0x0] =	wrdreg $0xFFFFFFFF;
	(pc) =	sbr.abs _section_cstart, $3  }
0xd6: {  	[dreg:$0x1] =	wrdreg $0xFFFFFFFF  }
0xd7: {  	_ =	task.clear_ibuf [dreg:s22], $0x2FFFF;
	_ =	strace $0x9FFFFFFF  }
0xd8: {  	(tm) =	ssettm $0x7FFFFFFF  }
0xd9: {  	_ =	shalt  }
tec
execute0_lowered:
.L_overlay_start_1:
0x0: {  	(tag) =	ssettag $0x1  }
0x1: {  	s1 =	rddreg [dreg:$0x0]  }
0x2: {  	s0 =	rddreg [dreg:$0x1]  }
0x3: {  	s2 =	srdreg.scid;
	s3 =	stileid.u32  }
0x4: {  	s4 =	simm.s32 $0x0;
	s14 =	simm.s32 $0x11400;
	s15 =	simm.s32 $0x6  }
0x5: {  	s16 =	simm.s32 $0x13B80;
	s17 =	simm.s32 $0x16300;
	s20 =	simm.s32 $0x80  }
0x6: {  	s21 =	simm.s32 $0x1400;
	s22 =	simm.s32 $0x9400;
	s23 =	simm.s32 $0x5400  }
0x7: {  	s28 =	simm.s32 $0x3;
	s29 =	simm.s32 $0x4;
	s30 =	simm.s32 $0x5  }
0x8: {  	s31 =	simm.s32 $0x0;
	s2 =	sand.u32 $0x1, s2;
	s3 =	sshll.u32 s3, $0x1  }
0x9: {  	[smem:$0x7FF] =	sst s4;
	s6 =	sadd.s32 $0x9A00, s0;
	s3 =	sor.u32 s2, s3  }
0xa: {  	s24 =	sadd.s32 $0x4400, s0;
	s8 =	sadd.s32 $0x3E00, s0;
	s5 =	smul.u32 $0xA00, s3  }
0xb: {  	s9 =	sadd.s32 $0x409C00, s0;
	_ =	strace $0x80000050;
	s2 =	ssub.s32 $0x2, s2  }
0xc: {  	[dreg:$0x4] =	wrdreg s24;
	s26 =	sshrl.u32 s2, $0x1;
	s25 =	sshrl.u32 s5, $0x3  }
0xd: {  	s24 =	simm.s32 $0xD400;
	s3 =	sadd.s32 s25, s0;
	s0 =	ssub.s32 s2, s26  }
0xe: {  	s25 =	simm.s32 $0x1;
	s26 =	simm.s32 $0x2;
	s10 =	sadd.s32 $0x17FC00, s3  }
0xf: {  	s11 =	sadd.s32 $0x17D400, s3;
	s12 =	sadd.s32 $0x407400, s3;
	s13 =	smax.u32 s0, $0x1  }
.LBB2_1:
0x10: {  	s0 =	rddreg [dreg:$0x4]  }
0x11: {  	[tilespmem:s14], [sflag:$0x6] =	stream.linear.gather [hbm4b:s0+s4], $0x2780, $0x38;
	[tilespmem:$0x19480] =	vst v63  }
0x12: {  	_ =	swait.ge [sflag:s15], $0x2780  }
0x13: {  	[sflag:s15] =	ssyncset.done $0x0  }
0x14: {  	[sflag:s15] =	ssyncadd.s32 $0xFFFFD880  }
0x15: {  	[tilespmem:s16], [sflag:$0x6] =	stream.linear.gather [hbm4b:s8+s4], $0x2780, $0x38;
	[tilespmem:$0x19480] =	vst v63  }
0x16: {  	_ =	swait.ge [sflag:s15], $0x2780  }
0x17: {  	[sflag:s15] =	ssyncset.done $0x0  }
0x18: {  	[sflag:s15] =	ssyncadd.s32 $0xFFFFD880  }
0x19: {  	s18 =	rddreg [dreg:$0x2]  }
0x1a: {  	[tilespmem:s17], [sflag:$0x6] =	stream.linear.gather [hbm4b:s18+s4], $0x2780, $0x38;
	[tilespmem:$0x19480] =	vst v63  }
0x1b: {  	_ =	swait.ge [sflag:s15], $0x2780  }
0x1c: {  	[sflag:s15] =	ssyncset.done $0x0  }
0x1d: {  	[sflag:s15] =	ssyncadd.s32 $0xFFFFD880  }
0x1e: {  	[tilespmem:s4], [sflag:$0x6] =	stream.linear.gather [hbm4b:s10+s4], $0xA00, $0x38;
	[tilespmem:$0x19480] =	vst v63  }
0x1f: {  	_ =	swait.ge [sflag:s15], $0xA00  }
0x20: {  	[sflag:s15] =	ssyncset.done $0x0  }
0x21: {  	s19 =	simm.s32 $0xA00;
	[sflag:s15] =	ssyncadd.s32 $0xFFFFF600  }
0x22: {  	[tilespmem:s19], [sflag:$0x6] =	stream.linear.gather [hbm4b:s11+s4], $0xA00, $0x38;
	[tilespmem:$0x19480] =	vst v63  }
0x23: {  	_ =	swait.ge [sflag:s15], $0xA00  }
0x24: {  	[sflag:s15] =	ssyncset.done $0x0  }
0x25: {  	s0 =	simm.s32 $0x0;
	[sflag:s15] =	ssyncadd.s32 $0xFFFFF600  }
0x26: {  	v0 =	vld [tilespmem:s0+$0xA00]  }
0x27: {  	v1 =	vld [tilespmem:s0+$0x0];
	_ =	sdelay $0x6  }
0x28: {  	v2 =	vld.idx.msk [tilespmem:v0+s14+$0x0], $0xffff  }
0x29: {  	v3 =	vld.idx.msk [tilespmem:v1+s14+$0x0], $0xffff  }
0x2a: {  	v4 =	vld.idx.msk [tilespmem:v1+s16+$0x0], $0xffff  }
0x2b: {  	v5 =	vld.idx.msk [tilespmem:v0+s16+$0x0], $0xffff  }
0x2c: {  	v6 =	vld.idx.msk [tilespmem:v1+s17+$0x0], $0xffff  }
0x2d: {  	v7 =	vld.idx.msk [tilespmem:v0+s17+$0x0], $0xffff;
	_ =	sdelay $0x2  }
0x2e: {  	s2 =	simm.s32 $0x10;
	v3 =	vsub.f32 v3, v2;
	v4 =	vsub.f32 v4, v5  }
0x2f: {  	v0 =	vld [tilespmem:s2+$0xA00]  }
0x30: {  	v1 =	vld [tilespmem:s2+$0x0];
	v2 =	vsub.f32 v6, v7;
	v3 =	vmul.f32 v3, v3;
	v4 =	vmul.f32 v4, v4  }
0x31: {  	s3 =	simm.s32 $0x80  }
.LBB2_2:
0x32: {  	p0 =	sne.s32 s3, $0x27C0;
	v3 =	vadd.f32 v4, v3;
	v2 =	vmul.f32 v2, v2;
	_ =	sdelay $0x1  }
0x33: {  	v2 =	vadd.f32 v2, v3;
	_ =	sdelay $0x1  }
0x34: {  	[tilespmem:s0+$0x18A80] =	vst v2;
	s0 =	smov.u32 s2  }
0x35: {  	v2 =	vld.idx.msk [tilespmem:v0+s14+$0x0], $0xffff  }
0x36: {  	v3 =	vld.idx.msk [tilespmem:v1+s14+$0x0], $0xffff  }
0x37: {  	v4 =	vld.idx.msk [tilespmem:v1+s16+$0x0], $0xffff  }
0x38: {  	v5 =	vld.idx.msk [tilespmem:v0+s16+$0x0], $0xffff  }
0x39: {  	v6 =	vld.idx.msk [tilespmem:v1+s17+$0x0], $0xffff  }
0x3a: {  	v7 =	vld.idx.msk [tilespmem:v0+s17+$0x0], $0xffff;
	_ =	sdelay $0x2  }
.Ltmp0:
0x3b: {  	(pc) =	sbr.rel @p0 .LBB2_2-.Ltmp0, $4  }
0x3c: {  	s2 =	sshra.s32 s3, $0x2;
	v3 =	vsub.f32 v3, v2;
	v4 =	vsub.f32 v4, v5  }
0x3d: {  	v0 =	vld [tilespmem:s2+$0xA00]  }
0x3e: {  	v3 =	vmul.f32 v3, v3;
	v2 =	vsub.f32 v6, v7;
	v4 =	vmul.f32 v4, v4;
	v1 =	vld [tilespmem:s2+$0x0]  }
0x3f: {  	s3 =	sadd.s32 $0x40, s3  }
0x40: {  	_ = 	snop  }
0x41: {  	v3 =	vadd.f32 v4, v3;
	v2 =	vmul.f32 v2, v2;
	_ =	sdelay $0x1  }
0x42: {  	v2 =	vadd.f32 v2, v3;
	_ =	sdelay $0x1  }
0x43: {  	[tilespmem:s0+$0x18A80] =	vst v2  }
0x44: {  	v2 =	vld.idx.msk [tilespmem:v0+s14+$0x0], $0xffff  }
0x45: {  	v57 =	vld.idx.msk [tilespmem:v1+s14+$0x0], $0xffff  }
0x46: {  	v58 =	vld.idx.msk [tilespmem:v1+s16+$0x0], $0xffff  }
0x47: {  	v5 =	vld.idx.msk [tilespmem:v0+s16+$0x0], $0xffff  }
0x48: {  	v59 =	vld.idx.msk [tilespmem:v1+s17+$0x0], $0xffff  }
0x49: {  	v60 =	vld.idx.msk [tilespmem:v0+s17+$0x0], $0xffff;
	_ =	sdelay $0x2  }
0x4a: {  	v2 =	vsub.f32 v57, v2;
	v61 =	vsub.f32 v58, v5;
	_ =	sdelay $0x1  }
0x4b: {  	v0 =	vsub.f32 v59, v60;
	v62 =	vmul.f32 v2, v2;
	v63 =	vmul.f32 v61, v61;
	_ =	sdelay $0x1  }
0x4c: {  	v0 =	vmul.f32 v0, v0;
	v1 =	vadd.f32 v63, v62;
	_ =	sdelay $0x1  }
0x4d: {  	v0 =	vadd.f32 v0, v1;
	_ =	sdelay $0x1  }
0x4e: {  	s19 =	simm.s32 $0x18A80;
	[tilespmem:s2+$0x18A80] =	vst v0;
	s2 =	simm.s32 $0x0  }
0x4f: {  	[hbm4b:s12+s2] =	stream.linear.scatter [tilespmem:s19], [sflag:$0x6], $0xA00, $0x38;
	[tilespmem:$0x19480] =	vst v63  }
0x50: {  	_ =	swait.ge [sflag:s15], $0xA00  }
0x51: {  	[sflag:s15] =	ssyncset.done $0x0  }
0x52: {  	[sflag:s15] =	ssyncadd.s32 $0xFFFFF600  }
.LBB2_4:
0x53: {  	s3 =	sshll.u32 s2, $0x8  }
0x54: {  	[tilespmem:s21], [sflag:$0x1] =	stream.indirect.gather [hbm4b:s1+s20], $0x80, s3, s20, $0xb8;
	[tilespmem:$0x19480] =	vst v63  }
0x55: {  	s0 =	sadd.s32 $0xA00, s3  }
0x56: {  	[tilespmem:s22], [sflag:$0x2] =	stream.indirect.gather [hbm4b:s6+s20], $0x80, s0, s20, $0xb8;
	[tilespmem:$0x19480] =	vst v63  }
0x57: {  	s0 =	sor.u32 $0x80, s3  }
0x58: {  	[tilespmem:s23], [sflag:$0x3] =	stream.indirect.gather [hbm4b:s1+s20], $0x80, s0, s20, $0xb8;
	[tilespmem:$0x19480] =	vst v63  }
0x59: {  	s18 =	sadd.s32 $0xA80, s3  }
0x5a: {  	[tilespmem:s24], [sflag:$0x4] =	stream.indirect.gather [hbm4b:s6+s20], $0x80, s18, s20, $0xb8;
	[tilespmem:$0x19480] =	vst v63  }
0x5b: {  	_ =	swait.ge [sflag:s25], $0x4000  }
0x5c: {  	[sflag:s25] =	ssyncset.done $0x0  }
0x5d: {  	[sflag:s25] =	ssyncadd.s32 $0xFFFFC000  }
0x5e: {  	_ =	swait.ge [sflag:s26], $0x4000  }
0x5f: {  	[sflag:s26] =	ssyncset.done $0x0  }
0x60: {  	s18 =	simm.s32 $0x0;
	[sflag:s26] =	ssyncadd.s32 $0xFFFFC000  }
0x61: {  	v7 =	vld [tilespmem:s18+$0x9400]  }
0x62: {  	v11 =	vld [tilespmem:s18+$0x9410]  }
0x63: {  	v5 =	vld [tilespmem:s18+$0x9420]  }
0x64: {  	v4 =	vld [tilespmem:s18+$0x9430]  }
0x65: {  	v3 =	vld [tilespmem:s18+$0x9440]  }
0x66: {  	v2 =	vld [tilespmem:s18+$0x9450]  }
0x67: {  	v1 =	vld [tilespmem:s18+$0x9460]  }
0x68: {  	v0 =	vld [tilespmem:s18+$0x9470]  }
0x69: {  	v12 =	vld [tilespmem:s18+$0x1400]  }
0x6a: {  	v13 =	vld [tilespmem:s18+$0x1410]  }
0x6b: {  	v10 =	vld [tilespmem:s18+$0x1420]  }
0x6c: {  	v9 =	vld [tilespmem:s18+$0x1430]  }
0x6d: {  	v8 =	vld [tilespmem:s18+$0x1440]  }
0x6e: {  	v6 =	vld [tilespmem:s18+$0x1450];
	v12 =	vadd.f32 v7, v12  }
0x6f: {  	s19 =	simm.s32 $0x200;
	v11 =	vadd.f32 v11, v13;
	v7 =	vld [tilespmem:s18+$0x1460]  }
.LBB2_5:
0x70: {  	s7 =	sshra.s32 s19, $0x2;
	p0 =	sne.s32 s19, $0xFE00;
	[tilespmem:s18+$0x1400] =	vst v12;
	v5 =	vadd.f32 v5, v10;
	v10 =	vld [tilespmem:s18+$0x1470]  }
0x71: {  	v12 =	vld [tilespmem:s7+$0x9400];
	[tilespmem:s18+$0x1410] =	vst v11;
	v4 =	vadd.f32 v4, v9  }
0x72: {  	v11 =	vld [tilespmem:s7+$0x9410];
	[tilespmem:s18+$0x1420] =	vst v5;
	v3 =	vadd.f32 v3, v8  }
0x73: {  	v5 =	vld [tilespmem:s7+$0x9420];
	[tilespmem:s18+$0x1430] =	vst v4;
	v2 =	vadd.f32 v2, v6  }
0x74: {  	v4 =	vld [tilespmem:s7+$0x9430];
	[tilespmem:s18+$0x1440] =	vst v3;
	v1 =	vadd.f32 v1, v7  }
0x75: {  	v3 =	vld [tilespmem:s7+$0x9440];
	[tilespmem:s18+$0x1450] =	vst v2;
	v0 =	vadd.f32 v0, v10  }
0x76: {  	v2 =	vld [tilespmem:s7+$0x9450];
	[tilespmem:s18+$0x1460] =	vst v1  }
0x77: {  	v1 =	vld [tilespmem:s7+$0x9460];
	[tilespmem:s18+$0x1470] =	vst v0;
	s18 =	smov.u32 s7  }
0x78: {  	v0 =	vld [tilespmem:s18+$0x9470]  }
0x79: {  	v6 =	vld [tilespmem:s18+$0x1400]  }
0x7a: {  	v7 =	vld [tilespmem:s18+$0x1410]  }
.Ltmp1:
0x7b: {  	v10 =	vld [tilespmem:s18+$0x1420];
	(pc) =	sbr.rel @p0 .LBB2_5-.Ltmp1, $4  }
0x7c: {  	v9 =	vld [tilespmem:s18+$0x1430]  }
0x7d: {  	v8 =	vld [tilespmem:s18+$0x1440]  }
0x7e: {  	v12 =	vadd.f32 v12, v6;
	v6 =	vld [tilespmem:s18+$0x1450]  }
0x7f: {  	s19 =	sadd.s32 $0x200, s19;
	v11 =	vadd.f32 v11, v7;
	v7 =	vld [tilespmem:s18+$0x1460]  }
0x80: {  	[tilespmem:s18+$0x1400] =	vst v12;
	v5 =	vadd.f32 v5, v10;
	v10 =	vld [tilespmem:s18+$0x1470]  }
0x81: {  	[tilespmem:s18+$0x1410] =	vst v11;
	v4 =	vadd.f32 v4, v9  }
0x82: {  	[tilespmem:s18+$0x1420] =	vst v5;
	v3 =	vadd.f32 v3, v8  }
0x83: {  	[tilespmem:s18+$0x1430] =	vst v4;
	v2 =	vadd.f32 v2, v6  }
0x84: {  	[tilespmem:s18+$0x1440] =	vst v3;
	v1 =	vadd.f32 v1, v7  }
0x85: {  	s3 =	sadd.s32 s5, s3;
	[tilespmem:s18+$0x1450] =	vst v2;
	v0 =	vadd.f32 v0, v10  }
0x86: {  	s3 =	sshll.u32 s3, $0x4;
	[tilespmem:s18+$0x1460] =	vst v1  }
0x87: {  	s7 =	simm.s32 $0x0;
	s3 =	sadd.s32 s9, s3;
	[tilespmem:s18+$0x1470] =	vst v0  }
0x88: {  	[hbm4b:s3+s7] =	stream.linear.scatter [tilespmem:s21], [sflag:$0x5], $0x4000, $0x38;
	[tilespmem:$0x19480] =	vst v63  }
0x89: {  	_ =	swait.ge [sflag:s28], $0x4000  }
0x8a: {  	[sflag:s28] =	ssyncset.done $0x0  }
0x8b: {  	[sflag:s28] =	ssyncadd.s32 $0xFFFFC000  }
0x8c: {  	_ =	swait.ge [sflag:s29], $0x4000  }
0x8d: {  	[sflag:s29] =	ssyncset.done $0x0  }
0x8e: {  	s3 =	simm.s32 $0x0;
	[sflag:s29] =	ssyncadd.s32 $0xFFFFC000  }
0x8f: {  	v7 =	vld [tilespmem:s3+$0xD400]  }
0x90: {  	v11 =	vld [tilespmem:s3+$0xD410]  }
0x91: {  	v5 =	vld [tilespmem:s3+$0xD420]  }
0x92: {  	v4 =	vld [tilespmem:s3+$0xD430]  }
0x93: {  	v3 =	vld [tilespmem:s3+$0xD440]  }
0x94: {  	v2 =	vld [tilespmem:s3+$0xD450]  }
0x95: {  	v1 =	vld [tilespmem:s3+$0xD460]  }
0x96: {  	v0 =	vld [tilespmem:s3+$0xD470]  }
0x97: {  	v12 =	vld [tilespmem:s3+$0x5400]  }
0x98: {  	v13 =	vld [tilespmem:s3+$0x5410]  }
0x99: {  	v10 =	vld [tilespmem:s3+$0x5420]  }
0x9a: {  	v9 =	vld [tilespmem:s3+$0x5430]  }
0x9b: {  	v8 =	vld [tilespmem:s3+$0x5440]  }
0x9c: {  	v6 =	vld [tilespmem:s3+$0x5450];
	v12 =	vadd.f32 v7, v12  }
0x9d: {  	s18 =	simm.s32 $0x200;
	v11 =	vadd.f32 v11, v13;
	v7 =	vld [tilespmem:s3+$0x5460]  }
.LBB2_7:
0x9e: {  	s7 =	sshra.s32 s18, $0x2;
	p0 =	sne.s32 s18, $0xFE00;
	[tilespmem:s3+$0x5400] =	vst v12;
	v5 =	vadd.f32 v5, v10;
	v10 =	vld [tilespmem:s3+$0x5470]  }
0x9f: {  	v12 =	vld [tilespmem:s7+$0xD400];
	[tilespmem:s3+$0x5410] =	vst v11;
	v4 =	vadd.f32 v4, v9  }
0xa0: {  	v11 =	vld [tilespmem:s7+$0xD410];
	[tilespmem:s3+$0x5420] =	vst v5;
	v3 =	vadd.f32 v3, v8  }
0xa1: {  	v5 =	vld [tilespmem:s7+$0xD420];
	[tilespmem:s3+$0x5430] =	vst v4;
	v2 =	vadd.f32 v2, v6  }
0xa2: {  	v4 =	vld [tilespmem:s7+$0xD430];
	[tilespmem:s3+$0x5440] =	vst v3;
	v1 =	vadd.f32 v1, v7  }
0xa3: {  	v3 =	vld [tilespmem:s7+$0xD440];
	[tilespmem:s3+$0x5450] =	vst v2;
	v0 =	vadd.f32 v0, v10  }
0xa4: {  	v2 =	vld [tilespmem:s7+$0xD450];
	[tilespmem:s3+$0x5460] =	vst v1  }
0xa5: {  	v1 =	vld [tilespmem:s7+$0xD460];
	[tilespmem:s3+$0x5470] =	vst v0;
	s3 =	smov.u32 s7  }
0xa6: {  	v0 =	vld [tilespmem:s3+$0xD470]  }
0xa7: {  	v6 =	vld [tilespmem:s3+$0x5400]  }
0xa8: {  	v7 =	vld [tilespmem:s3+$0x5410]  }
.Ltmp2:
0xa9: {  	v10 =	vld [tilespmem:s3+$0x5420];
	(pc) =	sbr.rel @p0 .LBB2_7-.Ltmp2, $4  }
0xaa: {  	v9 =	vld [tilespmem:s3+$0x5430]  }
0xab: {  	v8 =	vld [tilespmem:s3+$0x5440]  }
0xac: {  	v12 =	vadd.f32 v12, v6;
	v6 =	vld [tilespmem:s3+$0x5450]  }
0xad: {  	s18 =	sadd.s32 $0x200, s18;
	v11 =	vadd.f32 v11, v7;
	v7 =	vld [tilespmem:s3+$0x5460]  }
0xae: {  	[tilespmem:s3+$0x5400] =	vst v12;
	v5 =	vadd.f32 v5, v10;
	v63 =	vld [tilespmem:s3+$0x5470]  }
0xaf: {  	[tilespmem:s3+$0x5410] =	vst v11;
	v4 =	vadd.f32 v4, v9  }
0xb0: {  	[tilespmem:s3+$0x5420] =	vst v5;
	v3 =	vadd.f32 v3, v8  }
0xb1: {  	[tilespmem:s3+$0x5430] =	vst v4;
	v2 =	vadd.f32 v2, v6  }
0xb2: {  	[tilespmem:s3+$0x5440] =	vst v3;
	v1 =	vadd.f32 v1, v7  }
0xb3: {  	s0 =	sadd.s32 s5, s0;
	[tilespmem:s3+$0x5450] =	vst v2;
	v0 =	vadd.f32 v0, v63  }
0xb4: {  	s0 =	sshll.u32 s0, $0x4;
	[tilespmem:s3+$0x5460] =	vst v1  }
0xb5: {  	s2 =	sadd.s32 $0x1, s2;
	s0 =	sadd.s32 s9, s0;
	[tilespmem:s3+$0x5470] =	vst v0  }
0xb6: {  	[hbm4b:s0+s4] =	stream.linear.scatter [tilespmem:s23], [sflag:$0x5], $0x4000, $0x38;
	[tilespmem:$0x19480] =	vst v63  }
0xb7: {  	p0 =	sne.s32 s2, $0xA;
	_ =	swait.ge [sflag:s30], $0x4000  }
.Ltmp3:
0xb8: {  	[sflag:s30] =	ssyncset.done $0x0;
	(pc) =	sbr.rel @p0 .LBB2_4-.Ltmp3, $4  }
0xb9: {  	[sflag:s30] =	ssyncadd.s32 $0xFFFFC000  }
0xba: {  	_ =	swait.ge [sflag:s30], $0x4000  }
0xbb: {  	[sflag:s30] =	ssyncset.done $0x0  }
0xbc: {  	[sflag:s30] =	ssyncadd.s32 $0xFFFFC000  }
0xbd: {  	s31 =	sadd.s32 $0x1, s31  }
0xbe: {  	p0 =	sne.s32 s31, s13  }
.Ltmp4:
0xbf: {  	_ = 	snop;
	(pc) =	sbr.rel @p0 .LBB2_1-.Ltmp4, $1  }
0xc0: {  	_ =	sdelay $0x3  }
0xc1: {  	_ =	sfence.sel $0x180000  }
0xc2: {  	[bflag:$0x0] =	sbarrier.arrive $0xFFFF  }
0xc3: {  	_ =	strace $0x90000050  }
0xc4: {  	s0 =	stileid.u32;
	[bflag:$0x2] =	sbarrier.arrive $0xFFFF  }
0xc5: {  	p0 =	sne.s32 s0, $0x0;
	s0 =	rddreg [dreg:$0x3]  }
0xc6: {  	s0 =	sadd.s32 @!p0 $0x100000, s0  }
0xc7: {  	[sflag:s0] =	ssyncadd.tile.s32 @!p0 $0x1;
	_ =	shalt  }
.Lfunc_end2:
_tile_overlayer_lowered:
.L_overlay_start_2:
0xc8: {  	(tag) =	ssettag $0x2  }
0xc9: {  	s0 =	rddreg [dreg:$0x0];
	s2 =	stileid.u32  }
0xca: {  	s1 =	rddreg [dreg:$0x1];
	p0 =	sne.s32 s2, $0x0  }
0xcb: {  	s3 =	rddreg [dreg:$0x2];
	[bflag:$0x3] =	sbarrier.arrive $0xFFFF;
	s2 =	simm.s32 @!p0 $0x1C06  }
0xcc: {  	[timem:s3], [sflag:s2] =	dma.local @!p0 [hbm:s0], s1  }
0xcd: {  	s0 =	simm.s32 @!p0 $0x6  }
0xce: {  	_ =	swait.ge @!p0 [sflag:s0], s1  }
0xcf: {  	s1 =	ssub.s32 @!p0 $0x0, s1;
	[sflag:s0] =	ssyncset.done @!p0 $0x0  }
0xd0: {  	[sflag:s0] =	ssyncadd.s32 @!p0 s1  }
0xd1: {  	[bflag:$0x3] =	sbarrier.arrive $0xFFFF  }
0xd2: {  	_ =	shalt  }

// kernel: kernel.25.cloned.1.call-start
scs
__scs_entry_jumppad:
0x0: {  	(pc) =	sbr.rel $0x88, $3  }
0x1: {  	(tag) =	ssettag $0x0;
	lr =	simm.s32 $0x1  }
0x2: {  	[smem:$0x3F98] =	sst lr;
	_ =	strace $0xD0000000  }
0x3: {  	_ = 	snop  }
0x4: {  	_ = 	snop  }
0x5: {  	_ = 	snop  }
0x6: {  	_ = 	snop  }
0x7: {  	_ = 	snop  }
__scs_overlays_trampoline_lowered:
0x8: {  	[smem:$0x3FA7] =	sst s0  }
0x9: {  	[smem:$0x3FA8] =	sst s1  }
0xa: {  	[smem:$0x3FA9] =	sst s2  }
0xb: {  	[smem:$0x3FAA] =	sst s3  }
0xc: {  	[smem:$0x3FAB] =	sst s4  }
0xd: {  	[smem:$0x3FAC] =	sst s5  }
0xe: {  	[smem:$0x3FAD] =	sst s6  }
0xf: {  	[smem:$0x3FAE] =	sst s7  }
0x10: {  	[smem:$0x3FAF] =	sst s8  }
0x11: {  	[smem:$0x3FB0] =	sst s9;
	s0 =	simm.s32 @!p0 $0x0  }
0x12: {  	s1 =	sld [smem:$0x3F96];
	s0 =	simm.s32 @p0 $0x1  }
0x13: {  	[smem:$0x3FB1] =	sst s0;
	s0 =	simm.s32 @!p1 $0x0  }
0x14: {  	s2 =	sld [smem:$0x3F95];
	s0 =	simm.s32 @p1 $0x1  }
0x15: {  	[smem:$0x3FB2] =	sst s0;
	s0 =	simm.s32 @!p2 $0x0  }
0x16: {  	s3 =	sld [smem:$0x3FDB];
	s0 =	simm.s32 @p2 $0x1  }
0x17: {  	s4 =	simm.s32 $0x1BF5;
	[smem:$0x3FB4] =	sst s0  }
0x18: {  	s0 =	sld [smem:$0x3F97];
	_ =	swait.ge [sflag:s4], $0x0  }
0x19: {  	s7 =	sld [smem:$0x3F98]  }
0x1a: {  	s8 =	sadd.s32 $0xFFFFE003, lr  }
0x1b: {  	s9 =	sadd.s32 $0xFFFFFEF7, lr;
	s5 =	simm.s32 $0xFFFFFFFF;
	p2 =	slt.u32 s8, $0xFFFFF086  }
0x1c: {  	p1 =	slt.u32 s9, $0xF7A;
	s5 =	simm.s32 @!p2 $0x0  }
0x1d: {  	s5 =	simm.s32 @p1 $0x1;
	p0 =	seq.s32 s7, s2  }
0x1e: {  	s7 =	smul.u32 @!p0 $0xF7A, s2;
	p2 =	seq.s32 @!p0 s5, $0x0  }
0x1f: {  	s9 =	smul.u32 $0xF7A, s1;
	s8 =	simm.s32 @!p0 $0x1BF5;
	p2 =	por !p2, p0  }
0x20: {  	[sflag:s8] =	ssyncset.s32 @!p0 $0xFFFFF086;
	s6 =	sadd.s32 @!p0 s3, s7;
	s7 =	simm.s32 @!p0 $0x108  }
0x21: {  	s3 =	sadd.s32 s3, s9;
	s6 =	sadd.s32 @!p0 $0x88, s6;
	s7 =	simm.s32 @p2 $0x1082  }
0x22: {  	[simem:s7], [sflag:s8] =	dma.local @!p0 [hbm:s6], $0xF7A  }
0x23: {  	s9 =	sor.u32 $0xD0000000, s2;
	s6 =	simm.s32 $0x108;
	_ =	swait.ge @!p0 [sflag:s8], $0x0  }
0x24: {  	s3 =	sadd.s32 $0x88, s3;
	s6 =	simm.s32 @!p1 $0x1082;
	[sflag:s4] =	ssyncset.s32 $0xFFFFF086  }
0x25: {  	[simem:s6], [sflag:s4] =	dma.local [hbm:s3], $0xF7A  }
0x26: {  	[smem:$0x3F98] =	sst s1;
	(tag) =	ssettag s2;
	_ =	strace s9  }
0x27: {  	s1 =	sld [smem:$0x3FA8]  }
0x28: {  	s2 =	sld [smem:$0x3FA9]  }
0x29: {  	s4 =	sld [smem:$0x3FAB]  }
0x2a: {  	p0 =	seq.s32 s5, $0x0;
	s5 =	sld [smem:$0x3FAC]  }
0x2b: {  	s6 =	sld [smem:$0x3FAD]  }
0x2c: {  	s7 =	sld [smem:$0x3FAE]  }
0x2d: {  	s3 =	simm.s32 $0x108;
	s8 =	sld [smem:$0x3FAF]  }
0x2e: {  	s3 =	simm.s32 @!p0 $0x1082;
	s9 =	sld [smem:$0x3FB0]  }
0x2f: {  	lr =	sadd.s32 s0, s3;
	s0 =	sld [smem:$0x3FA7]  }
0x30: {  	s3 =	sld [smem:$0x3FAA]  }
0x31: {  	[smem:$0x3FB3] =	sst s10  }
0x32: {  	s10 =	sld [smem:$0x3FB1];
	_ =	sdelay $0x3  }
0x33: {  	p0 =	seq.s32 s10, $0x1;
	s10 =	sld [smem:$0x3FB3];
	_ =	sdelay $0x3  }
0x34: {  	[smem:$0x3FB3] =	sst s10  }
0x35: {  	s10 =	sld [smem:$0x3FB2];
	_ =	sdelay $0x3  }
0x36: {  	p1 =	seq.s32 s10, $0x1;
	s10 =	sld [smem:$0x3FB3];
	_ =	sdelay $0x3  }
0x37: {  	[smem:$0x3FB3] =	sst s10  }
0x38: {  	s10 =	sld [smem:$0x3FB4]  }
0x39: {  	_ = 	snop;
	(pc) =	sbr.ind lr, $3  }
0x3a: {  	_ = 	snop  }
0x3b: {  	_ = 	snop  }
0x3c: {  	p2 =	seq.s32 s10, $0x1;
	s10 =	sld [smem:$0x3FB3]  }
0x3d: {  	_ =	shalt  }
0x3e: {  	_ =	shalt  }
0x3f: {  	_ =	shalt  }
0x40: {  	_ =	shalt  }
0x41: {  	_ =	shalt  }
0x42: {  	_ =	shalt  }
0x43: {  	_ =	shalt  }
0x44: {  	_ =	shalt  }
0x45: {  	_ =	shalt  }
0x46: {  	_ =	shalt  }
0x47: {  	_ =	shalt  }
0x48: {  	_ =	shalt  }
0x49: {  	_ =	shalt  }
0x4a: {  	_ =	shalt  }
0x4b: {  	_ =	shalt  }
0x4c: {  	_ =	shalt  }
0x4d: {  	_ =	shalt  }
0x4e: {  	_ =	shalt  }
0x4f: {  	_ =	shalt  }
0x50: {  	_ =	shalt  }
0x51: {  	_ =	shalt  }
0x52: {  	_ =	shalt  }
0x53: {  	_ =	shalt  }
0x54: {  	_ =	shalt  }
0x55: {  	_ =	shalt  }
0x56: {  	_ =	shalt  }
0x57: {  	_ =	shalt  }
0x58: {  	_ =	shalt  }
0x59: {  	_ =	shalt  }
0x5a: {  	_ =	shalt  }
0x5b: {  	_ =	shalt  }
0x5c: {  	_ =	shalt  }
0x5d: {  	_ =	shalt  }
0x5e: {  	_ =	shalt  }
0x5f: {  	_ =	shalt  }
0x60: {  	_ =	shalt  }
0x61: {  	_ =	shalt  }
0x62: {  	_ =	shalt  }
0x63: {  	_ =	shalt  }
0x64: {  	_ =	shalt  }
0x65: {  	_ =	shalt  }
0x66: {  	_ =	shalt  }
0x67: {  	_ =	shalt  }
0x68: {  	_ =	shalt  }
0x69: {  	_ =	shalt  }
0x6a: {  	_ =	shalt  }
0x6b: {  	_ =	shalt  }
0x6c: {  	_ =	shalt  }
0x6d: {  	_ =	shalt  }
0x6e: {  	_ =	shalt  }
0x6f: {  	_ =	shalt  }
0x70: {  	_ =	shalt  }
0x71: {  	_ =	shalt  }
0x72: {  	_ =	shalt  }
0x73: {  	_ =	shalt  }
0x74: {  	_ =	shalt  }
0x75: {  	_ =	shalt  }
0x76: {  	_ =	shalt  }
0x77: {  	_ =	shalt  }
0x78: {  	_ =	shalt  }
0x79: {  	_ =	shalt  }
0x7a: {  	_ =	shalt  }
0x7b: {  	_ =	shalt  }
0x7c: {  	_ =	shalt  }
0x7d: {  	_ =	shalt  }
0x7e: {  	_ =	shalt  }
0x7f: {  	_ =	shalt  }
0x80: {  	_ =	shalt  }
0x81: {  	_ =	shalt  }
0x82: {  	_ =	shalt  }
0x83: {  	_ =	shalt  }
0x84: {  	_ =	shalt  }
0x85: {  	_ =	shalt  }
0x86: {  	_ =	shalt  }
0x87: {  	_ =	shalt  }
.Lfunc_end0:
.L_simem_size_0:
called_computation.4_lowered:
.L_overlay_start_0:
0x88: {  	s2 =	sld [smem:$0x3FD9]  }
0x89: {  	s3 =	sld [smem:$0x3FFE];
	_ =	sdelay $0x1  }
0x8a: {  	s1 =	srdreg.scid  }
0x8b: {  	s0 =	sand.u32 $0x1, s1  }
0x8c: {  	s14 =	sshll.u32 s0, $0xA;
	s2 =	sadd.s32 s3, s2  }
0x8d: {  	s2 =	sadd.s32 s2, s14  }
0x8e: {  	[smem:$0x3FBF] =	sst s2  }
0x8f: {  	_ = 	snop  }
0x90: {  	s2 =	sld [smem:$0x3FD0];
	_ =	sdelay $0x2  }
0x91: {  	s15 =	simm.s32 $0xD;
	s4 =	simm.s32 $0x10  }
0x92: {  	[smem:s4], [sflag:s15] =	dma.local [hbm:s2], $0x1  }
0x93: {  	_ =	swait.eq [sflag:s15], $0x1  }
0x94: {  	[sflag:s15] =	ssyncset.done $0x0  }
0x95: {  	s16 =	sld [smem:$0x10];
	[sflag:s15] =	ssyncadd.s32 $0xFFFFFFFF  }
0x96: {  	s17 =	sld [smem:$0x11];
	(tm) =	ssettm $0x1  }
0x97: {  	s18 =	sld [smem:$0x3FFB];
	_ =	sdelay $0x3  }
0x98: {  	_ =	strace s18  }
0x99: {  	s4 =	sld [smem:$0x3FFC];
	_ =	sdelay $0x3  }
0x9a: {  	_ =	strace s4  }
0x9b: {  	s4 =	sld [smem:$0x3FFD];
	_ =	sdelay $0x3  }
0x9c: {  	_ =	strace s4  }
0x9d: {  	_ =	strace $0x8FFFFFFF  }
0x9e: {  	s19 =	sld [smem:$0x3FDB];
	_ =	sdelay $0x1  }
0x9f: {  	s5 =	simm.s32 $_scs_section_size  }
0xa0: {  	s6 =	simm.s32 $_size__tile_overlayer_lowered;
	s7 =	simm.s32 $_tile_overlayer_lowered  }
0xa1: {  	s22 =	simm.s32 $0x1BFF;
	s21 =	sshll.u32 s7, $0x1;
	s4 =	sadd.s32 s5, s19  }
0xa2: {  	s8 =	simm.s32 $0x0;
	s20 =	sshll.u32 s6, $0x1;
	s6 =	sadd.s32 s21, s4  }
0xa3: {  	[timem:s8], [sflag:s22] =	dma.local [hbm:s6], s20  }
0xa4: {  	_ =	swait.ge [sflag:s22], s20  }
0xa5: {  	s5 =	ssub.s32 $0x0, s20;
	[sflag:s22] =	ssyncset.done $0x0  }
0xa6: {  	[sflag:s22] =	ssyncadd.s32 s5;
	_ =	sdelay $0x1  }
0xa7: {  	s23 =	simm.s32 $0x1B8B  }
0xa8: {  	_ =	swait.ge [sflag:s23], $0x1  }
0xa9: {  	[sflag:s23] =	ssyncset.done $0x0  }
0xaa: {  	s25 =	simm.s32 $0x1B8E;
	s24 =	sld [smem:$0x3FFE];
	[sflag:s23] =	ssyncadd.s32 $0xFFFFFFFF  }
0xab: {  	s26 =	simm.s32 $execute0_lowered;
	[smem:$0x3FD2] =	sst s25  }
0xac: {  	s6 =	sshll.u32 s26, $0x1;
	_ =	strace $0x80000052;
	[dreg:$0x1] =	wrdreg $0xFFFFFFFF  }
0xad: {  	s28 =	simm.s32 $_size_execute0_lowered;
	s4 =	sadd.s32 s4, s6;
	[dreg:$0x0] =	wrdreg $0x0  }
0xae: {  	s6 =	sshll.u32 s28, $0x1;
	[dreg:$0x2] =	wrdreg s4  }
0xaf: {  	[dreg:$0x3] =	wrdreg s6  }
0xb0: {  	[dreg:$0x4] =	wrdreg $0xC0  }
0xb1: {  	_ =	task [dreg:s8], $0x5FFFF  }
0xb2: {  	[dreg:$0x1] =	wrdreg $0xFFFFFFFF  }
0xb3: {  	[dreg:$0x0] =	wrdreg $0x60  }
0xb4: {  	[dreg:$0x2] =	wrdreg s24  }
0xb5: {  	[dreg:$0x3] =	wrdreg s17  }
0xb6: {  	[dreg:$0x4] =	wrdreg s16  }
0xb7: {  	[dreg:$0x5] =	wrdreg $0x9  }
0xb8: {  	_ =	task.clear_ibuf [dreg:s8], $0x6FFFF;
	_ =	strace $0x90000052  }
0xb9: {  	s29 =	simm.s32 $0x9;
	_ =	strace $0x80000054  }
0xba: {  	_ =	swait.ge [sflag:s29], $0x1  }
0xbb: {  	[sflag:s29] =	ssyncadd.s32 $0xFFFFFFFF  }
0xbc: {  	_ =	strace $0x90000054  }
0xbd: {  	_ =	sfence  }
0xbe: {  	s30 =	sld [smem:$0x0];
	_ =	sdelay $0x2  }
0xbf: {  	s31 =	sshll.u32 s1, $0xD;
	s1 =	sshrl.u32 s1, $0x2  }
0xc0: {  	s3 =	sand.u32 $0x4000, s31;
	s1 =	sadd.s32 s1, s30  }
0xc1: {  	s0 =	sor.u32 s3, s0;
	s1 =	sshll.u32 s1, $0x11  }
0xc2: {  	s0 =	sor.u32 s1, s0  }
0xc3: {  	s0 =	sadd.s32 $0x8F2B, s0  }
0xc4: {  	[sflag:s0] =	ssyncadd.remote.s32 $0x1  }
0xc5: {  	_ =	sfence.sel $0xFFFF  }
0xc6: {  	[dreg:$0x0] =	wrdreg $0xFFFFFFFF;
	(pc) =	sbr.abs _section_cstart, $3  }
0xc7: {  	[dreg:$0x1] =	wrdreg $0xFFFFFFFF  }
0xc8: {  	_ =	task.clear_ibuf [dreg:s8], $0x2FFFF;
	_ =	strace $0x9FFFFFFF  }
0xc9: {  	(tm) =	ssettm $0x7FFFFFFF  }
tec
execute0_lowered:
.L_overlay_start_1:
0x0: {  	(tag) =	ssettag $0x1  }
0x1: {  	s5 =	rddreg [dreg:$0x0]  }
0x2: {  	s2 =	rddreg [dreg:$0x1];
	s1 =	srdreg.scid  }
0x3: {  	s0 =	stileid.u32;
	s7 =	rddreg [dreg:$0x2]  }
0x4: {  	s3 =	simm.s32 $0x0;
	s13 =	simm.s32 $0x7800;
	s14 =	simm.s32 $0x1  }
0x5: {  	s15 =	simm.s32 $0x9F80;
	s16 =	simm.s32 $0xC700;
	s17 =	simm.s32 $0x2800  }
0x6: {  	s18 =	simm.s32 $0x5000;
	s19 =	simm.s32 $0xEE80;
	s20 =	simm.s32 $0x11600  }
0x7: {  	s21 =	simm.s32 $0x13D80;
	s6 =	sand.u32 $0x1, s1;
	s4 =	sshll.u32 s0, $0x1  }
0x8: {  	s22 =	simm.s32 $0x0;
	s1 =	rddreg [dreg:$0x3];
	s4 =	sor.u32 s6, s4  }
0x9: {  	[smem:$0x7FF] =	sst s3;
	s6 =	ssub.s32 $0x2, s6;
	s8 =	smul.u32 $0x500, s4  }
0xa: {  	_ =	strace $0x80000053;
	s9 =	smul.u32 $0x7530, s4;
	s31 =	sshrl.u32 s6, $0x1  }
0xb: {  	s4 =	sadd.s32 $0x4400, s5;
	s12 =	ssub.s32 s6, s31;
	s10 =	sadd.s32 s8, s5  }
0xc: {  	s5 =	sadd.s32 $0x3E00, s5;
	s9 =	sshrl.u32 s9, $0x3;
	s12 =	smax.u32 s12, $0x1  }
0xd: {  	s6 =	sadd.s32 $0x553C00, s10;
	s7 =	sadd.s32 s7, s9;
	s8 =	sadd.s32 $0x549C00, s10  }
0xe: {  	v0 =	vimm.f32 $0.0e+00;
	s9 =	sadd.s32 $0x4A00, s10;
	s10 =	sadd.s32 $0x4E2, s7;
	s11 =	sadd.s32 $0x9C4, s7  }
.LBB2_1:
0xf: {  	[tilespmem:s13], [sflag:$0x1] =	stream.linear.gather [hbm4b:s4+s3], $0x2780, $0x38;
	[tilespmem:$0x16500] =	vst v63  }
0x10: {  	_ =	swait.ge [sflag:s14], $0x2780  }
0x11: {  	[sflag:s14] =	ssyncset.done $0x0  }
0x12: {  	[sflag:s14] =	ssyncadd.s32 $0xFFFFD880  }
0x13: {  	[tilespmem:s15], [sflag:$0x1] =	stream.linear.gather [hbm4b:s5+s3], $0x2780, $0x38;
	[tilespmem:$0x16500] =	vst v63  }
0x14: {  	_ =	swait.ge [sflag:s14], $0x2780  }
0x15: {  	[sflag:s14] =	ssyncset.done $0x0  }
0x16: {  	[sflag:s14] =	ssyncadd.s32 $0xFFFFD880  }
0x17: {  	[tilespmem:s16], [sflag:$0x1] =	stream.linear.gather [hbm4b:s2+s3], $0x2780, $0x38;
	[tilespmem:$0x16500] =	vst v63  }
0x18: {  	_ =	swait.ge [sflag:s14], $0x2780  }
0x19: {  	[sflag:s14] =	ssyncset.done $0x0  }
0x1a: {  	s23 =	simm.s32 $0x40;
	s24 =	simm.s32 $0x0;
	[sflag:s14] =	ssyncadd.s32 $0xFFFFD880  }
.LBB2_2:
0x1b: {  	p0 =	sne.s32 s23, $0x9C00;
	[tilespmem:s24+$0x13D80] =	vst v0;
	s25 =	smov.u32 s23;
	s23 =	sadd.s32 $0x40, s23  }
.Ltmp0:
0x1c: {  	[tilespmem:s24+$0xEE80] =	vst v0;
	(pc) =	sbr.rel @p0 .LBB2_2-.Ltmp0, $2  }
0x1d: {  	[tilespmem:s24+$0x11600] =	vst v0;
	_ =	sdelay $0x2  }
0x1e: {  	s24 =	sshra.s32 s25, $0x2  }
0x1f: {  	[tilespmem:s24+$0x13D80] =	vst v0  }
0x20: {  	[tilespmem:s24+$0xEE80] =	vst v0  }
0x21: {  	[tilespmem:s24+$0x11600] =	vst v0;
	s23 =	simm.s32 $0x0  }
0x22: {  	[tilespmem:s23], [sflag:$0x1] =	stream.linear.gather [hbm4b:s6+s23], $0x2800, $0x38;
	[tilespmem:$0x16500] =	vst v63  }
0x23: {  	_ =	swait.ge [sflag:s14], $0x2800  }
0x24: {  	[sflag:s14] =	ssyncset.done $0x0  }
0x25: {  	[sflag:s14] =	ssyncadd.s32 $0xFFFFD800  }
0x26: {  	[tilespmem:s17], [sflag:$0x1] =	stream.linear.gather [hbm4b:s8+s23], $0x2800, $0x38;
	[tilespmem:$0x16500] =	vst v63  }
0x27: {  	_ =	swait.ge [sflag:s14], $0x2800  }
0x28: {  	[sflag:s14] =	ssyncset.done $0x0  }
0x29: {  	[sflag:s14] =	ssyncadd.s32 $0xFFFFD800  }
0x2a: {  	[tilespmem:s18], [sflag:$0x1] =	stream.linear.gather [hbm4b:s9+s23], $0x2800, $0x38;
	[tilespmem:$0x16500] =	vst v63  }
0x2b: {  	_ =	swait.ge [sflag:s14], $0x2800  }
0x2c: {  	[sflag:s14] =	ssyncset.done $0x0  }
0x2d: {  	s31 =	simm.s32 $0x0;
	[sflag:s14] =	ssyncadd.s32 $0xFFFFD800  }
0x2e: {  	v1 =	vld [tilespmem:s31+$0x0];
	_ =	sdelay $0x2  }
0x2f: {  	v2 =	vld [tilespmem:s31+$0x2800];
	_ =	sdelay $0x4  }
0x30: {  	v3 =	vld.idx.msk [tilespmem:v1+s16+$0x0], $0xffff  }
0x31: {  	v4 =	vld.idx.msk [tilespmem:v1+s13+$0x0], $0xffff  }
0x32: {  	v5 =	vld.idx.msk [tilespmem:v1+s15+$0x0], $0xffff  }
0x33: {  	v6 =	vld.idx.msk [tilespmem:v2+s13+$0x0], $0xffff  }
0x34: {  	v7 =	vld.idx.msk [tilespmem:v2+s15+$0x0], $0xffff  }
0x35: {  	v8 =	vld.idx.msk [tilespmem:v2+s16+$0x0], $0xffff  }
0x36: {  	v2 =	vld [tilespmem:s31+$0x5000];
	_ =	sdelay $0x2  }
0x37: {  	v6 =	vsub.f32 v4, v6  }
0x38: {  	v4 =	vsub.f32 v5, v7  }
0x39: {  	s23 =	simm.s32 $0x40;
	v3 =	vsub.f32 v3, v8;
	v5 =	vmul.f32 v6, v2  }
.LBB2_4:
0x3a: {  	p0 =	sne.s32 s23, $0x9FC0;
	v4 =	vmul.f32 v4, v2;
	s24 =	smov.u32 s23;
	s23 =	sadd.s32 $0x40, s23  }
0x3b: {  	[tilespmem:v1+s19+$0x0] =	vst.idx.add.f32.msk $0xffff, v5;
	v2 =	vmul.f32 v3, v2  }
0x3c: {  	[tilespmem:v1+s20+$0x0] =	vst.idx.add.f32.msk $0xffff, v4  }
0x3d: {  	s24 =	sshra.s32 s24, $0x2;
	[tilespmem:v1+s21+$0x0] =	vst.idx.add.f32.msk $0xffff, v2  }
0x3e: {  	v1 =	vld [tilespmem:s24+$0x0]  }
0x3f: {  	v2 =	vld [tilespmem:s24+$0x2800];
	_ =	sdelay $0x6  }
0x40: {  	v3 =	vld.idx.msk [tilespmem:v1+s16+$0x0], $0xffff  }
0x41: {  	v4 =	vld.idx.msk [tilespmem:v1+s13+$0x0], $0xffff  }
0x42: {  	v5 =	vld.idx.msk [tilespmem:v1+s15+$0x0], $0xffff  }
0x43: {  	v6 =	vld.idx.msk [tilespmem:v2+s13+$0x0], $0xffff  }
0x44: {  	v7 =	vld.idx.msk [tilespmem:v2+s15+$0x0], $0xffff  }
0x45: {  	v8 =	vld.idx.msk [tilespmem:v2+s16+$0x0], $0xffff  }
0x46: {  	v2 =	vld [tilespmem:s24+$0x5000]  }
.Ltmp1:
0x47: {  	(pc) =	sbr.rel @p0 .LBB2_4-.Ltmp1, $4  }
0x48: {  	_ = 	snop  }
0x49: {  	v6 =	vsub.f32 v4, v6  }
0x4a: {  	v4 =	vsub.f32 v5, v7  }
0x4b: {  	v3 =	vsub.f32 v3, v8;
	v5 =	vmul.f32 v6, v2  }
0x4c: {  	_ =	sdelay $0x2  }
0x4d: {  	v4 =	vmul.f32 v4, v2  }
0x4e: {  	[tilespmem:v1+s19+$0x0] =	vst.idx.add.f32.msk $0xffff, v5;
	v2 =	vmul.f32 v3, v2  }
0x4f: {  	[tilespmem:v1+s20+$0x0] =	vst.idx.add.f32.msk $0xffff, v4  }
0x50: {  	[tilespmem:v1+s21+$0x0] =	vst.idx.add.f32.msk $0xffff, v2  }
0x51: {  	[hbm4b:s7+s3] =	stream.linear.scatter [tilespmem:s19], [sflag:$0x1], $0x2710, $0x38;
	[tilespmem:$0x16500] =	vst v63  }
0x52: {  	_ =	swait.ge [sflag:s14], $0x2710  }
0x53: {  	[sflag:s14] =	ssyncset.done $0x0  }
0x54: {  	[sflag:s14] =	ssyncadd.s32 $0xFFFFD8F0  }
0x55: {  	[hbm4b:s10+s3] =	stream.linear.scatter [tilespmem:s20], [sflag:$0x1], $0x2710, $0x38;
	[tilespmem:$0x16500] =	vst v63  }
0x56: {  	s22 =	sadd.s32 $0x1, s22;
	_ =	swait.ge [sflag:s14], $0x2710  }
0x57: {  	p0 =	sne.s32 s22, s12;
	[sflag:s14] =	ssyncset.done $0x0  }
.Ltmp2:
0x58: {  	[sflag:s14] =	ssyncadd.s32 $0xFFFFD8F0;
	(pc) =	sbr.rel @p0 .LBB2_1-.Ltmp2, $4  }
0x59: {  	[hbm4b:s11+s3] =	stream.linear.scatter [tilespmem:s21], [sflag:$0x1], $0x2710, $0x38;
	[tilespmem:$0x16500] =	vst v63  }
0x5a: {  	_ =	swait.ge [sflag:s14], $0x2710  }
0x5b: {  	[sflag:s14] =	ssyncset.done $0x0  }
0x5c: {  	[sflag:s14] =	ssyncadd.s32 $0xFFFFD8F0  }
0x5d: {  	_ =	sfence.sel $0x180000  }
0x5e: {  	[bflag:$0x0] =	sbarrier.arrive $0xFFFF  }
0x5f: {  	p0 =	sne.s32 s0, $0x0;
	_ =	strace $0x90000053  }
0x60: {  	s0 =	sadd.s32 @!p0 $0x100000, s1;
	[bflag:$0x2] =	sbarrier.arrive $0xFFFF  }
0x61: {  	[sflag:s0] =	ssyncadd.tile.s32 @!p0 $0x1;
	_ =	shalt  }
.Lfunc_end2:
_tile_overlayer_lowered:
.L_overlay_start_2:
0x62: {  	(tag) =	ssettag $0x2  }
0x63: {  	s0 =	rddreg [dreg:$0x0];
	s2 =	stileid.u32  }
0x64: {  	s1 =	rddreg [dreg:$0x1];
	p0 =	sne.s32 s2, $0x0  }
0x65: {  	s3 =	rddreg [dreg:$0x2];
	[bflag:$0x3] =	sbarrier.arrive $0xFFFF;
	s2 =	simm.s32 @!p0 $0x1C01  }
0x66: {  	[timem:s3], [sflag:s2] =	dma.local @!p0 [hbm:s0], s1  }
0x67: {  	s0 =	simm.s32 @!p0 $0x1  }
0x68: {  	_ =	swait.ge @!p0 [sflag:s0], s1  }
0x69: {  	s1 =	ssub.s32 @!p0 $0x0, s1;
	[sflag:s0] =	ssyncset.done @!p0 $0x0  }
0x6a: {  	[sflag:s0] =	ssyncadd.s32 @!p0 s1  }
0x6b: {  	[bflag:$0x3] =	sbarrier.arrive $0xFFFF  }
0x6c: {  	_ =	shalt  }

</sc_bundles>
